<compile_context>
chip_gen: v7x
topology: tpu7x:2x2x1
jax: 0.10.2.dev20260603
libtpu: 0.0.44.dev20260713+nightly
codegen_flags: <defaults>
</compile_context>

<pallas_src>
import functools

import jax
import jax.numpy as jnp
from jax import lax
from jax.experimental import pallas as pl
from jax.experimental.pallas import tpu as pltpu
from jax.experimental.pallas import tpu_sc as plsc

_N = 10000
_D = 128
_E = 320000
_H = 8
_OUT = 128
_R = 4
_NC = 2
_NS = 16
_NW = _NC * _NS
_BATCH = 128
_EROWS = _E // _BATCH
_WROWS = _EROWS // 8
_TROWS = _EROWS - 8 * _WROWS
_NP = 10240
_RPC = 2
_ZROWS = 128
_PPS = _NP // _NS
_SB = 6
_NSUP = _WROWS // _SB
_BNP = 160
_NBLK = _NP // (8 * _BNP)
_XROWS = _N // 8
_BN = 1000


def _tables_body(x0_ref, x1_ref, w3_ref, t_ref):
    r = pl.program_id(0)
    col = lax.broadcasted_iota(jnp.int32, (_XROWS, 128), 1)
    cnt_col = jnp.where(col % 16 == _H, 1.0, 0.0).astype(jnp.float32)
    zpad = jnp.zeros((_NP // 8 - _XROWS, 128), jnp.float32)

    def emit(x_ref):
        p = jnp.dot(x_ref[...], w3_ref[0],
                    preferred_element_type=jnp.float32) + cnt_col
        t_ref[0] = jnp.concatenate([p, zpad], axis=0)

    @pl.when(r < 2)
    def _():
        emit(x0_ref)

    @pl.when(r >= 2)
    def _():
        emit(x1_ref)


def _edge_body(e00, e01, e10, e11, tab_hbm, out_hbm,
               ebuf, tbuf, rows_v, zero_v, agg_sh, gsem, ssem):
    cid = lax.axis_index("c")
    sid = lax.axis_index("s")
    wid = cid * _NS + sid
    rel = wid // 8
    lrel = rel % 2
    row0 = (wid % 8) * _WROWS

    def zbody(i, c):
        zero_v[i, :] = jnp.zeros((16,), jnp.float32)
        return c
    lax.fori_loop(0, _ZROWS, zbody, 0)
    pbase = sid * _PPS
    for q in range(_RPC):
        for k in range(_PPS // _ZROWS):
            pltpu.sync_copy(zero_v,
                            agg_sh.at[q].at[pl.ds(pbase + k * _ZROWS, _ZROWS)])
    plsc.subcore_barrier()

    for r, e in enumerate((e00, e01, e10, e11)):
        @pl.when(rel == r)
        def _():
            pltpu.sync_copy(e.at[pl.ds(row0, _WROWS)], ebuf)
            @pl.when(wid % 8 == 0)
            def _():
                pltpu.sync_copy(e.at[pl.ds(8 * _WROWS, _TROWS)], tbuf)

    def gather_desc(sp, b, p):
        return pltpu.make_async_copy(
            tab_hbm.at[rel].at[ebuf.at[sp * _SB + b, 0]],
            rows_v.at[p, b], gsem.at[p])

    def scatter_desc(sp, b, p):
        return pltpu.make_async_copy(
            rows_v.at[p, b],
            agg_sh.at[lrel].at[ebuf.at[sp * _SB + b, 1]], ssem.at[p])

    def run_super(sp, p, fire_next):
        for b in range(_SB):
            gather_desc(sp, b, p).wait()
        for b in range(_SB):
            scatter_desc(sp, b, p).start(add=True)
        for b in range(_SB):
            scatter_desc(sp, b, p).wait()
        if fire_next:
            for b in range(_SB):
                gather_desc(sp + 2, b, p).start()

    for p in range(2):
        for b in range(_SB):
            gather_desc(p, b, p).start()

    def body(g, c):
        run_super(2 * g, 0, True)
        run_super(2 * g + 1, 1, True)
        return c
    lax.fori_loop(0, _NSUP // 2 - 1, body, 0)
    run_super(_NSUP - 2, 0, False)
    run_super(_NSUP - 1, 1, False)

    @pl.when(wid % 8 == 0)
    def _():
        for b in range(_TROWS):
            pltpu.async_copy(tab_hbm.at[rel].at[tbuf.at[b, 0]],
                             rows_v.at[0, 0], gsem.at[0]).wait()
            pltpu.sync_copy(rows_v.at[0, 0],
                            agg_sh.at[lrel].at[tbuf.at[b, 1]], add=True)

    plsc.subcore_barrier()
    for q in range(_RPC):
        pltpu.sync_copy(agg_sh.at[q].at[pl.ds(pbase, _PPS)],
                        out_hbm.at[cid].at[q].at[pl.ds(pbase, _PPS)])


@functools.cache
def _edge_kernel():
    return pl.kernel(
        _edge_body,
        out_type=jax.ShapeDtypeStruct((_NC, _RPC, _NP, 16), jnp.float32),
        mesh=plsc.VectorSubcoreMesh(core_axis_name="c", subcore_axis_name="s",
                                    num_cores=_NC, num_subcores=_NS),
        scratch_types=[
            pltpu.VMEM((_WROWS, 2, _BATCH), jnp.int32),
            pltpu.VMEM((_TROWS, 2, _BATCH), jnp.int32),
            pltpu.VMEM((2, _SB, _BATCH, 16), jnp.float32),
            pltpu.VMEM((_ZROWS, 16), jnp.float32),
            pltpu.VMEM_SHARED((_RPC, _NP, 16), jnp.float32),
            pltpu.SemaphoreType.DMA((2,)),
            pltpu.SemaphoreType.DMA((2,)),
        ],
        compiler_params=pltpu.CompilerParams(use_tc_tiling_on_sc=False),
    )


def _combine_body(agg0_ref, agg1_ref, x0_ref, x1_ref, wr_ref, wlin_ref,
                  w2_ref, bl_ref, blin_ref, o0_ref, o1_ref):
    lcol = lax.broadcasted_iota(jnp.int32, (128, 128), 0)
    jcol = lax.broadcasted_iota(jnp.int32, (128, 128), 1)
    sel = jnp.where(lcol == (jcol // 16) * 16 + _H, 1.0, 0.0)
    sel = sel.astype(jnp.float32)
    for t in range(2):
        agg_ref = agg0_ref if t == 0 else agg1_ref
        xv = x0_ref[...] if t == 0 else x1_ref[...]
        o_ref = o0_ref if t == 0 else o1_ref
        wlin = wlin_ref[t]
        acc = None
        for jp in range(2):
            p = agg_ref[jp, 0]
            cntb = jnp.dot(p, sel, preferred_element_type=jnp.float32)
            m = p / jnp.maximum(cntb, 1.0)
            term = jnp.dot(m, w2_ref[t, jp],
                           preferred_element_type=jnp.float32)
            acc = term if acc is None else acc + term
        rm = (jnp.dot(wr_ref[t], wlin[:_H], preferred_element_type=jnp.float32)
              + jnp.dot(wr_ref[2 + t], wlin[_H:],
                        preferred_element_type=jnp.float32))
        xr = jnp.concatenate(
            [jnp.dot(xv[:, 128 * u:128 * (u + 1)], rm,
                     preferred_element_type=jnp.float32) for u in range(8)],
            axis=1)
        cvec = (jnp.dot(bl_ref[pl.ds(t, 1), :], wlin[:_H],
                        preferred_element_type=jnp.float32)
                + jnp.dot(bl_ref[pl.ds(2 + t, 1), :], wlin[_H:],
                          preferred_element_type=jnp.float32)
                + blin_ref[pl.ds(t, 1), :])
        cpack = jnp.concatenate([cvec] * 8, axis=1)
        o_ref[...] = acc + xr + cpack


def kernel(x_0, x_1, edge_index_00, edge_index_01, edge_index_10,
           edge_index_11, W_l_00, b_l_00, W_r_00, W_l_01, b_l_01, W_r_01,
           W_l_10, b_l_10, W_r_10, W_l_11, b_l_11, W_r_11,
           W_lin_0, b_lin_0, W_lin_1, b_lin_1):
    eye8 = jnp.eye(8, dtype=jnp.float32)
    wl = jnp.stack([W_l_00, W_l_01, W_l_10, W_l_11])
    wlx = jnp.concatenate([wl, jnp.zeros((_R, _D, 16 - _H), jnp.float32)], 2)
    w3 = jnp.einsum('ab,rkc->rakbc', eye8, wlx).reshape(_R, 1024, 128)
    wlin = jnp.stack([W_lin_0, W_lin_1])
    w2 = jnp.stack([
        jnp.stack([
            jnp.einsum('ab,co->acbo', eye8,
                       jnp.pad(wlin[t, 8 * jp:8 * jp + 8],
                               ((0, 8), (0, 0)))).reshape(128, 1024)
            for jp in range(2)])
        for t in range(2)])

    x0v = x_0.reshape(_XROWS, 8 * _D)
    x1v = x_1.reshape(_XROWS, 8 * _D)
    tabp = pl.pallas_call(
        _tables_body,
        grid=(_R,),
        in_specs=[
            pl.BlockSpec((_XROWS, 8 * _D), lambda r: (0, 0)),
            pl.BlockSpec((_XROWS, 8 * _D), lambda r: (0, 0)),
            pl.BlockSpec((1, 1024, 128), lambda r: (r, 0, 0)),
        ],
        out_specs=pl.BlockSpec((1, _NP // 8, 128), lambda r: (r, 0, 0)),
        out_shape=jax.ShapeDtypeStruct((_R, _NP // 8, 128), jnp.float32),
    )(x0v, x1v, w3)
    tab = tabp.reshape(_R, _NP, 16)

    eis = [e.reshape(2, _EROWS, _BATCH).transpose(1, 0, 2) for e in
           (edge_index_00, edge_index_01, edge_index_10, edge_index_11)]
    agg = _edge_kernel()(*eis, tab)

    aggp = agg.reshape(_NC, _RPC, _NP // 8, 128)

    wr = jnp.stack([W_r_00, W_r_01, W_r_10, W_r_11])
    bl = jnp.stack([b_l_00, b_l_01, b_l_10, b_l_11])
    blin = jnp.stack([b_lin_0, b_lin_1])
    out0p, out1p = pl.pallas_call(
        _combine_body,
        grid=(_NBLK,),
        in_specs=[
            pl.BlockSpec((_NC, 1, _BNP, 128), lambda i: (0, 0, i, 0)),
            pl.BlockSpec((_NC, 1, _BNP, 128), lambda i: (0, 1, i, 0)),
            pl.BlockSpec((_BNP, 8 * _D), lambda i: (i, 0)),
            pl.BlockSpec((_BNP, 8 * _D), lambda i: (i, 0)),
            pl.BlockSpec((_R, _D, _H), lambda i: (0, 0, 0)),
            pl.BlockSpec((2, 16, _OUT), lambda i: (0, 0, 0)),
            pl.BlockSpec((2, 2, 128, 1024), lambda i: (0, 0, 0, 0)),
            pl.BlockSpec((_R, _H), lambda i: (0, 0)),
            pl.BlockSpec((2, _OUT), lambda i: (0, 0)),
        ],
        out_specs=(pl.BlockSpec((_BNP, 8 * _OUT), lambda i: (i, 0)),
                   pl.BlockSpec((_BNP, 8 * _OUT), lambda i: (i, 0))),
        out_shape=(jax.ShapeDtypeStruct((_N // 8, 8 * _OUT), jnp.float32),
                   jax.ShapeDtypeStruct((_N // 8, 8 * _OUT), jnp.float32)),
    )(aggp, aggp, x0v, x1v, wr, wlin, w2, bl, blin)
    return out0p.reshape(_N, _OUT), out1p.reshape(_N, _OUT)

# --- scband reference (transcript-rebuilt; emitter-appended) ---
"""Pipeline reference for scband-heterogeneous-graph-34522947125476 (READ-ONLY COPY).

The authoritative reference and input builder live on the scoring server;
editing this copy changes nothing except your own understanding.
"""

import jax, jax.numpy as jnp
import numpy as np

N = 10000
D = 128
E = 320000
H = 8
OUT = 128
C = 2


def _sage(x_src, x_dst, ei, W_l, b_l, W_r):
    # Bipartite SAGEConv with mean aggregation:
    # out = mean_{src->dst}(x_src) @ W_l + b_l + x_dst @ W_r
    src = ei[0]
    dst = ei[1]
    msg = jnp.take(x_src, src, axis=0)
    agg = jax.ops.segment_sum(msg, dst, num_segments=x_dst.shape[0])
    cnt = jax.ops.segment_sum(jnp.ones((ei.shape[1],), x_src.dtype), dst, num_segments=x_dst.shape[0])
    mean = agg / jnp.clip(cnt, 1.0)[:, None]
    return mean @ W_l + b_l + x_dst @ W_r


def setup_inputs(seed: int = 0):
    key = jax.random.key(seed)
    k = [0]
    def nk():
        k[0] += 1
        return jax.random.fold_in(key, k[0])
    inp = {}
    inp['x_0'] = jax.random.normal(nk(), (N, D), jnp.float32)
    inp['x_1'] = jax.random.normal(nk(), (N, D), jnp.float32)
    for i in range(C):
        for j in range(C):
            inp['edge_index_%d%d' % (i, j)] = jax.random.randint(nk(), (2, E), 0, N, dtype=jnp.int32)
    s = 1.0 / np.sqrt(D)
    for i in range(C):
        for j in range(C):
            inp['W_l_%d%d' % (i, j)] = jax.random.normal(nk(), (D, H), jnp.float32) * s
            inp['b_l_%d%d' % (i, j)] = jnp.zeros((H,), jnp.float32)
            inp['W_r_%d%d' % (i, j)] = jax.random.normal(nk(), (D, H), jnp.float32) * s
    s2 = 1.0 / np.sqrt(C * H)
    for i in range(C):
        inp['W_lin_%d' % i] = jax.random.normal(nk(), (C * H, OUT), jnp.float32) * s2
        inp['b_lin_%d' % i] = jnp.zeros((OUT,), jnp.float32)
    return inp


def reference(x_0, x_1, edge_index_00, edge_index_01, edge_index_10, edge_index_11,
              W_l_00, b_l_00, W_r_00, W_l_01, b_l_01, W_r_01,
              W_l_10, b_l_10, W_r_10, W_l_11, b_l_11, W_r_11,
              W_lin_0, b_lin_0, W_lin_1, b_lin_1):
    xs = [x_0, x_1]
    ei = [[edge_index_00, edge_index_01], [edge_index_10, edge_index_11]]
    Wl = [[W_l_00, W_l_01], [W_l_10, W_l_11]]
    bl = [[b_l_00, b_l_01], [b_l_10, b_l_11]]
    Wr = [[W_r_00, W_r_01], [W_r_10, W_r_11]]
    Wlin = [W_lin_0, W_lin_1]
    blin = [b_lin_0, b_lin_1]
    # o[i][j]: messages from node-type i into node-type j -> shape [N_j, H]
    o = [[_sage(xs[i], xs[j], ei[i][j], Wl[i][j], bl[i][j], Wr[i][j]) for j in range(C)] for i in range(C)]
    outs = []
    for i in range(C):
        cat = jnp.concatenate([o[j][i] for j in range(C)], axis=-1)
        outs.append(cat @ Wlin[i] + blin[i])
    return tuple(outs)

if __name__ == "__main__":
    import jax
    _d = setup_inputs()
    print(jax.jit(kernel)(*tuple(_d.values())))

</pallas_src>

<mosaic_0001>
#map = affine_map<(d0, d1) -> (0, 0, 0)>
#map1 = affine_map<(d0, d1) -> (0, 0, 0, 0)>
module attributes {stable_mosaic.version = 14 : i64} {
  func.func @_edge_body(%arg0: i32, %arg1: i32, %arg2: memref<2500x2x128xi32, #tpu.memory_space<hbm>>, %arg3: memref<2500x2x128xi32, #tpu.memory_space<hbm>>, %arg4: memref<2500x2x128xi32, #tpu.memory_space<hbm>>, %arg5: memref<2500x2x128xi32, #tpu.memory_space<hbm>>, %arg6: memref<4x10240x16xf32, #tpu.memory_space<hbm>>, %arg7: memref<2x2x10240x16xf32, #tpu.memory_space<hbm>>, %arg8: memref<312x2x128xi32, #tpu.memory_space<vmem>>, %arg9: memref<4x2x128xi32, #tpu.memory_space<vmem>>, %arg10: memref<2x6x128x16xf32, #tpu.memory_space<vmem>>, %arg11: memref<128x16xf32, #tpu.memory_space<vmem>>, %arg12: memref<2x10240x16xf32, #tpu.memory_space<vmem_shared>>, %arg13: memref<2x!tpu.dma_semaphore, #tpu.memory_space<semaphore_mem>>, %arg14: memref<2x!tpu.dma_semaphore, #tpu.memory_space<semaphore_mem>>) attributes {dimension_semantics = [#tpu.dimension_semantics<core_parallel>, #tpu.dimension_semantics<subcore_parallel>], iteration_bounds = array<i64: 2, 16>, scalar_prefetch = 0 : i64, scratch_operands = 7 : i64, tpu.core_type = #tpu.core_type<sc_vector_subcore>, window_params = [{transform_indices = #map}, {transform_indices = #map}, {transform_indices = #map}, {transform_indices = #map}, {transform_indices = #map}, {transform_indices = #map1}]} {
    %mul3A = arith.constant 16 : i32
    %mul3A_0 = arith.muli %arg0, %mul3A : i32
    %add3A = arith.addi %mul3A_0, %arg1 : i32
    %jit3A = arith.constant 8 : i32
    %div3A = arith.divsi %add3A, %jit3A : i32
    %sign3A = arith.constant 0 : i32
    %sign3A_1 = arith.cmpi sgt, %add3A, %sign3A : i32
    %sign3A_2 = arith.extui %sign3A_1 : i1 to i32
    %sign3A_3 = arith.constant 0 : i32
    %sign3A_4 = arith.cmpi slt, %add3A, %sign3A_3 : i32
    %sign3A_5 = arith.extui %sign3A_4 : i1 to i32
    %sign3A_6 = arith.subi %sign3A_2, %sign3A_5 : i32
    %sign3A_7 = arith.constant 0 : i32
    %sign3A_8 = arith.cmpi sgt, %jit3A, %sign3A_7 : i32
    %sign3A_9 = arith.extui %sign3A_8 : i1 to i32
    %sign3A_10 = arith.constant 0 : i32
    %sign3A_11 = arith.cmpi slt, %jit3A, %sign3A_10 : i32
    %sign3A_12 = arith.extui %sign3A_11 : i1 to i32
    %sign3A_13 = arith.subi %sign3A_9, %sign3A_12 : i32
    %ne3A = arith.cmpi ne, %sign3A_6, %sign3A_13 : i32
    %rem3A = arith.remsi %add3A, %jit3A : i32
    %ne3A_14 = arith.constant 0 : i32
    %ne3A_15 = arith.cmpi ne, %rem3A, %ne3A_14 : i32
    %and3A = arith.andi %ne3A, %ne3A_15 : i1
    %sub3A = arith.constant 1 : i32
    %sub3A_16 = arith.subi %div3A, %sub3A : i32
    %select_n3A = arith.select %and3A, %sub3A_16, %div3A : i32
    %jit3A_17 = arith.constant 2 : i32
    %eq3A = arith.constant 0 : i32
    %eq3A_18 = arith.cmpi eq, %jit3A_17, %eq3A : i32
    %jit3A_19 = arith.constant 1 : i32
    %select_n3A_20 = arith.select %eq3A_18, %jit3A_19, %jit3A_17 : i32
    %rem3A_21 = arith.remsi %select_n3A, %select_n3A_20 : i32
    %ne3A_22 = arith.constant 0 : i32
    %ne3A_23 = arith.cmpi ne, %rem3A_21, %ne3A_22 : i32
    %lt3A = arith.constant 0 : i32
    %lt3A_24 = arith.cmpi slt, %rem3A_21, %lt3A : i32
    %lt3A_25 = arith.constant 0 : i32
    %lt3A_26 = arith.cmpi slt, %select_n3A_20, %lt3A_25 : i32
    %ne3A_27 = arith.xori %lt3A_24, %lt3A_26 : i1
    %and3A_28 = arith.andi %ne3A_27, %ne3A_23 : i1
    %add3A_29 = arith.addi %rem3A_21, %select_n3A_20 : i32
    %select_n3A_30 = arith.select %and3A_28, %add3A_29, %rem3A_21 : i32
    %jit3A_31 = arith.constant 8 : i32
    %eq3A_32 = arith.constant 0 : i32
    %eq3A_33 = arith.cmpi eq, %jit3A_31, %eq3A_32 : i32
    %jit3A_34 = arith.constant 1 : i32
    %select_n3A_35 = arith.select %eq3A_33, %jit3A_34, %jit3A_31 : i32
    %rem3A_36 = arith.remsi %add3A, %select_n3A_35 : i32
    %ne3A_37 = arith.constant 0 : i32
    %ne3A_38 = arith.cmpi ne, %rem3A_36, %ne3A_37 : i32
    %lt3A_39 = arith.constant 0 : i32
    %lt3A_40 = arith.cmpi slt, %rem3A_36, %lt3A_39 : i32
    %lt3A_41 = arith.constant 0 : i32
    %lt3A_42 = arith.cmpi slt, %select_n3A_35, %lt3A_41 : i32
    %ne3A_43 = arith.xori %lt3A_40, %lt3A_42 : i1
    %and3A_44 = arith.andi %ne3A_43, %ne3A_38 : i1
    %add3A_45 = arith.addi %rem3A_36, %select_n3A_35 : i32
    %select_n3A_46 = arith.select %and3A_44, %add3A_45, %rem3A_36 : i32
    %mul3A_47 = arith.constant 312 : i32
    %mul3A_48 = arith.muli %select_n3A_46, %mul3A_47 : i32
    %scan3A = arith.constant 0 : i32
    %scan3A_49 = arith.constant 0 : i32
    %scan3A_50 = arith.constant 128 : i32
    %scan3A_51 = arith.addi %scan3A_49, %scan3A_50 : i32
    %scan3A_52 = arith.constant 1 : i32
    scf.for %scan3A_1141 = %scan3A_49 to %scan3A_51 step %scan3A_52  : i32 {
      %broadcast_in_dim3A = arith.constant 0.000000e+00 : f32
      %broadcast_in_dim3A_1142 = vector.broadcast %broadcast_in_dim3A : f32 to vector<16xf32>
      %swap3A = arith.index_cast %scan3A_1141 : i32 to index
      %swap3A_1143 = arith.constant 0 : index
      %swap3A_1144 = tpu.vector_load %arg11[%swap3A, %swap3A_1143] {strides = array<i32>} : memref<128x16xf32, #tpu.memory_space<vmem>>, vector<1x16xf32>,
      %swap3A_1145 = vector.shape_cast %swap3A_1144 : vector<1x16xf32> to vector<16xf32>
      %swap3A_1146 = vector.shape_cast %broadcast_in_dim3A_1142 : vector<16xf32> to vector<1x16xf32>
      tpu.vector_store %arg11[%swap3A, %swap3A_1143], %swap3A_1146 {strides = array<i32>} : memref<128x16xf32, #tpu.memory_space<vmem>>, vector<1x16xf32>,
    }
    %scan3A_53 = arith.constant 128 : i32
    %mul3A_54 = arith.constant 640 : i32
    %mul3A_55 = arith.muli %arg1, %mul3A_54 : i32
    %add3A_56 = arith.constant 0 : i32
    %add3A_57 = arith.addi %mul3A_55, %add3A_56 : i32
    %run_scoped3A = arith.constant 0 : i32
    "tpu.region"() ({
      %run_scoped3A_1141 = tpu.sem_alloc : memref<!tpu.dma_semaphore, #tpu.memory_space<semaphore_mem>>
      %dma_start3A_1142 = arith.constant 0 : i32
      %dma_start3A_1143 = arith.constant 0 : i32
      %dma_start3A_1144 = tpu.memref_slice %arg12[%run_scoped3A, %dma_start3A_1142, %dma_start3A_1143] : memref<2x10240x16xf32, #tpu.memory_space<vmem_shared>> -> memref<1x10240x16xf32, #tpu.memory_space<vmem_shared>>
      %dma_start3A_1145 = tpu.memref_squeeze %dma_start3A_1144 : memref<1x10240x16xf32, #tpu.memory_space<vmem_shared>> -> memref<10240x16xf32, #tpu.memory_space<vmem_shared>>
      %dma_start3A_1146 = arith.constant 0 : i32
      %dma_start3A_1147 = tpu.memref_slice %dma_start3A_1145[%add3A_57, %dma_start3A_1146] : memref<10240x16xf32, #tpu.memory_space<vmem_shared>> -> memref<128x16xf32, #tpu.memory_space<vmem_shared>>
      %dma_start3A_1148 = arith.constant 0 : i32
      %dma_start3A_1149 = arith.constant 0 : i32
      %dma_start3A_1150 = tpu.memref_slice %arg12[%run_scoped3A, %dma_start3A_1148, %dma_start3A_1149] : memref<2x10240x16xf32, #tpu.memory_space<vmem_shared>> -> memref<1x10240x16xf32, #tpu.memory_space<vmem_shared>>
      %dma_start3A_1151 = tpu.memref_squeeze %dma_start3A_1150 : memref<1x10240x16xf32, #tpu.memory_space<vmem_shared>> -> memref<10240x16xf32, #tpu.memory_space<vmem_shared>>
      %dma_start3A_1152 = arith.constant 0 : i32
      %dma_start3A_1153 = tpu.memref_slice %dma_start3A_1151[%add3A_57, %dma_start3A_1152] : memref<10240x16xf32, #tpu.memory_space<vmem_shared>> -> memref<128x16xf32, #tpu.memory_space<vmem_shared>>
      tpu.enqueue_dma source(%arg11 : memref<128x16xf32, #tpu.memory_space<vmem>>) target(%dma_start3A_1153 : memref<128x16xf32, #tpu.memory_space<vmem_shared>>) target_semaphore(%run_scoped3A_1141 : memref<!tpu.dma_semaphore, #tpu.memory_space<semaphore_mem>>)
      %dma_wait3A_1154 = arith.constant 0 : i32
      %dma_wait3A_1155 = arith.constant 0 : i32
      %dma_wait3A_1156 = tpu.memref_slice %arg12[%run_scoped3A, %dma_wait3A_1154, %dma_wait3A_1155] : memref<2x10240x16xf32, #tpu.memory_space<vmem_shared>> -> memref<1x10240x16xf32, #tpu.memory_space<vmem_shared>>
      %dma_wait3A_1157 = tpu.memref_squeeze %dma_wait3A_1156 : memref<1x10240x16xf32, #tpu.memory_space<vmem_shared>> -> memref<10240x16xf32, #tpu.memory_space<vmem_shared>>
      %dma_wait3A_1158 = arith.constant 0 : i32
      %dma_wait3A_1159 = tpu.memref_slice %dma_wait3A_1157[%add3A_57, %dma_wait3A_1158] : memref<10240x16xf32, #tpu.memory_space<vmem_shared>> -> memref<128x16xf32, #tpu.memory_space<vmem_shared>>
      %dma_wait3A_1160 = arith.constant 0 : i32
      %dma_wait3A_1161 = arith.constant 0 : i32
      %dma_wait3A_1162 = tpu.memref_slice %arg12[%run_scoped3A, %dma_wait3A_1160, %dma_wait3A_1161] : memref<2x10240x16xf32, #tpu.memory_space<vmem_shared>> -> memref<1x10240x16xf32, #tpu.memory_space<vmem_shared>>
      %dma_wait3A_1163 = tpu.memref_squeeze %dma_wait3A_1162 : memref<1x10240x16xf32, #tpu.memory_space<vmem_shared>> -> memref<10240x16xf32, #tpu.memory_space<vmem_shared>>
      %dma_wait3A_1164 = arith.constant 0 : i32
      %dma_wait3A_1165 = tpu.memref_slice %dma_wait3A_1163[%add3A_57, %dma_wait3A_1164] : memref<10240x16xf32, #tpu.memory_space<vmem_shared>> -> memref<128x16xf32, #tpu.memory_space<vmem_shared>>
      tpu.wait_dma2 semaphore(%run_scoped3A_1141 : memref<!tpu.dma_semaphore, #tpu.memory_space<semaphore_mem>>) src(%arg11 : memref<128x16xf32, #tpu.memory_space<vmem>>) dst(%dma_wait3A_1165 : memref<128x16xf32, #tpu.memory_space<vmem_shared>>)
      tpu.yield
    }) : () -> ()
    %add3A_58 = arith.constant 128 : i32
    %add3A_59 = arith.addi %mul3A_55, %add3A_58 : i32
    %run_scoped3A_60 = arith.constant 0 : i32
    "tpu.region"() ({
      %run_scoped3A_1141 = tpu.sem_alloc : memref<!tpu.dma_semaphore, #tpu.memory_space<semaphore_mem>>
      %dma_start3A_1142 = arith.constant 0 : i32
      %dma_start3A_1143 = arith.constant 0 : i32
      %dma_start3A_1144 = tpu.memref_slice %arg12[%run_scoped3A_60, %dma_start3A_1142, %dma_start3A_1143] : memref<2x10240x16xf32, #tpu.memory_space<vmem_shared>> -> memref<1x10240x16xf32, #tpu.memory_space<vmem_shared>>
      %dma_start3A_1145 = tpu.memref_squeeze %dma_start3A_1144 : memref<1x10240x16xf32, #tpu.memory_space<vmem_shared>> -> memref<10240x16xf32, #tpu.memory_space<vmem_shared>>
      %dma_start3A_1146 = arith.constant 0 : i32
      %dma_start3A_1147 = tpu.memref_slice %dma_start3A_1145[%add3A_59, %dma_start3A_1146] : memref<10240x16xf32, #tpu.memory_space<vmem_shared>> -> memref<128x16xf32, #tpu.memory_space<vmem_shared>>
      %dma_start3A_1148 = arith.constant 0 : i32
      %dma_start3A_1149 = arith.constant 0 : i32
      %dma_start3A_1150 = tpu.memref_slice %arg12[%run_scoped3A_60, %dma_start3A_1148, %dma_start3A_1149] : memref<2x10240x16xf32, #tpu.memory_space<vmem_shared>> -> memref<1x10240x16xf32, #tpu.memory_space<vmem_shared>>
      %dma_start3A_1151 = tpu.memref_squeeze %dma_start3A_1150 : memref<1x10240x16xf32, #tpu.memory_space<vmem_shared>> -> memref<10240x16xf32, #tpu.memory_space<vmem_shared>>
      %dma_start3A_1152 = arith.constant 0 : i32
      %dma_start3A_1153 = tpu.memref_slice %dma_start3A_1151[%add3A_59, %dma_start3A_1152] : memref<10240x16xf32, #tpu.memory_space<vmem_shared>> -> memref<128x16xf32, #tpu.memory_space<vmem_shared>>
      tpu.enqueue_dma source(%arg11 : memref<128x16xf32, #tpu.memory_space<vmem>>) target(%dma_start3A_1153 : memref<128x16xf32, #tpu.memory_space<vmem_shared>>) target_semaphore(%run_scoped3A_1141 : memref<!tpu.dma_semaphore, #tpu.memory_space<semaphore_mem>>)
      %dma_wait3A_1154 = arith.constant 0 : i32
      %dma_wait3A_1155 = arith.constant 0 : i32
      %dma_wait3A_1156 = tpu.memref_slice %arg12[%run_scoped3A_60, %dma_wait3A_1154, %dma_wait3A_1155] : memref<2x10240x16xf32, #tpu.memory_space<vmem_shared>> -> memref<1x10240x16xf32, #tpu.memory_space<vmem_shared>>
      %dma_wait3A_1157 = tpu.memref_squeeze %dma_wait3A_1156 : memref<1x10240x16xf32, #tpu.memory_space<vmem_shared>> -> memref<10240x16xf32, #tpu.memory_space<vmem_shared>>
      %dma_wait3A_1158 = arith.constant 0 : i32
      %dma_wait3A_1159 = tpu.memref_slice %dma_wait3A_1157[%add3A_59, %dma_wait3A_1158] : memref<10240x16xf32, #tpu.memory_space<vmem_shared>> -> memref<128x16xf32, #tpu.memory_space<vmem_shared>>
      %dma_wait3A_1160 = arith.constant 0 : i32
      %dma_wait3A_1161 = arith.constant 0 : i32
      %dma_wait3A_1162 = tpu.memref_slice %arg12[%run_scoped3A_60, %dma_wait3A_1160, %dma_wait3A_1161] : memref<2x10240x16xf32, #tpu.memory_space<vmem_shared>> -> memref<1x10240x16xf32, #tpu.memory_space<vmem_shared>>
      %dma_wait3A_1163 = tpu.memref_squeeze %dma_wait3A_1162 : memref<1x10240x16xf32, #tpu.memory_space<vmem_shared>> -> memref<10240x16xf32, #tpu.memory_space<vmem_shared>>
      %dma_wait3A_1164 = arith.constant 0 : i32
      %dma_wait3A_1165 = tpu.memref_slice %dma_wait3A_1163[%add3A_59, %dma_wait3A_1164] : memref<10240x16xf32, #tpu.memory_space<vmem_shared>> -> memref<128x16xf32, #tpu.memory_space<vmem_shared>>
      tpu.wait_dma2 semaphore(%run_scoped3A_1141 : memref<!tpu.dma_semaphore, #tpu.memory_space<semaphore_mem>>) src(%arg11 : memref<128x16xf32, #tpu.memory_space<vmem>>) dst(%dma_wait3A_1165 : memref<128x16xf32, #tpu.memory_space<vmem_shared>>)
      tpu.yield
    }) : () -> ()
    %add3A_61 = arith.constant 256 : i32
    %add3A_62 = arith.addi %mul3A_55, %add3A_61 : i32
    %run_scoped3A_63 = arith.constant 0 : i32
    "tpu.region"() ({
      %run_scoped3A_1141 = tpu.sem_alloc : memref<!tpu.dma_semaphore, #tpu.memory_space<semaphore_mem>>
      %dma_start3A_1142 = arith.constant 0 : i32
      %dma_start3A_1143 = arith.constant 0 : i32
      %dma_start3A_1144 = tpu.memref_slice %arg12[%run_scoped3A_63, %dma_start3A_1142, %dma_start3A_1143] : memref<2x10240x16xf32, #tpu.memory_space<vmem_shared>> -> memref<1x10240x16xf32, #tpu.memory_space<vmem_shared>>
      %dma_start3A_1145 = tpu.memref_squeeze %dma_start3A_1144 : memref<1x10240x16xf32, #tpu.memory_space<vmem_shared>> -> memref<10240x16xf32, #tpu.memory_space<vmem_shared>>
      %dma_start3A_1146 = arith.constant 0 : i32
      %dma_start3A_1147 = tpu.memref_slice %dma_start3A_1145[%add3A_62, %dma_start3A_1146] : memref<10240x16xf32, #tpu.memory_space<vmem_shared>> -> memref<128x16xf32, #tpu.memory_space<vmem_shared>>
      %dma_start3A_1148 = arith.constant 0 : i32
      %dma_start3A_1149 = arith.constant 0 : i32
      %dma_start3A_1150 = tpu.memref_slice %arg12[%run_scoped3A_63, %dma_start3A_1148, %dma_start3A_1149] : memref<2x10240x16xf32, #tpu.memory_space<vmem_shared>> -> memref<1x10240x16xf32, #tpu.memory_space<vmem_shared>>
      %dma_start3A_1151 = tpu.memref_squeeze %dma_start3A_1150 : memref<1x10240x16xf32, #tpu.memory_space<vmem_shared>> -> memref<10240x16xf32, #tpu.memory_space<vmem_shared>>
      %dma_start3A_1152 = arith.constant 0 : i32
      %dma_start3A_1153 = tpu.memref_slice %dma_start3A_1151[%add3A_62, %dma_start3A_1152] : memref<10240x16xf32, #tpu.memory_space<vmem_shared>> -> memref<128x16xf32, #tpu.memory_space<vmem_shared>>
      tpu.enqueue_dma source(%arg11 : memref<128x16xf32, #tpu.memory_space<vmem>>) target(%dma_start3A_1153 : memref<128x16xf32, #tpu.memory_space<vmem_shared>>) target_semaphore(%run_scoped3A_1141 : memref<!tpu.dma_semaphore, #tpu.memory_space<semaphore_mem>>)
      %dma_wait3A_1154 = arith.constant 0 : i32
      %dma_wait3A_1155 = arith.constant 0 : i32
      %dma_wait3A_1156 = tpu.memref_slice %arg12[%run_scoped3A_63, %dma_wait3A_1154, %dma_wait3A_1155] : memref<2x10240x16xf32, #tpu.memory_space<vmem_shared>> -> memref<1x10240x16xf32, #tpu.memory_space<vmem_shared>>
      %dma_wait3A_1157 = tpu.memref_squeeze %dma_wait3A_1156 : memref<1x10240x16xf32, #tpu.memory_space<vmem_shared>> -> memref<10240x16xf32, #tpu.memory_space<vmem_shared>>
      %dma_wait3A_1158 = arith.constant 0 : i32
      %dma_wait3A_1159 = tpu.memref_slice %dma_wait3A_1157[%add3A_62, %dma_wait3A_1158] : memref<10240x16xf32, #tpu.memory_space<vmem_shared>> -> memref<128x16xf32, #tpu.memory_space<vmem_shared>>
      %dma_wait3A_1160 = arith.constant 0 : i32
      %dma_wait3A_1161 = arith.constant 0 : i32
      %dma_wait3A_1162 = tpu.memref_slice %arg12[%run_scoped3A_63, %dma_wait3A_1160, %dma_wait3A_1161] : memref<2x10240x16xf32, #tpu.memory_space<vmem_shared>> -> memref<1x10240x16xf32, #tpu.memory_space<vmem_shared>>
      %dma_wait3A_1163 = tpu.memref_squeeze %dma_wait3A_1162 : memref<1x10240x16xf32, #tpu.memory_space<vmem_shared>> -> memref<10240x16xf32, #tpu.memory_space<vmem_shared>>
      %dma_wait3A_1164 = arith.constant 0 : i32
      %dma_wait3A_1165 = tpu.memref_slice %dma_wait3A_1163[%add3A_62, %dma_wait3A_1164] : memref<10240x16xf32, #tpu.memory_space<vmem_shared>> -> memref<128x16xf32, #tpu.memory_space<vmem_shared>>
      tpu.wait_dma2 semaphore(%run_scoped3A_1141 : memref<!tpu.dma_semaphore, #tpu.memory_space<semaphore_mem>>) src(%arg11 : memref<128x16xf32, #tpu.memory_space<vmem>>) dst(%dma_wait3A_1165 : memref<128x16xf32, #tpu.memory_space<vmem_shared>>)
      tpu.yield
    }) : () -> ()
    %add3A_64 = arith.constant 384 : i32
    %add3A_65 = arith.addi %mul3A_55, %add3A_64 : i32
    %run_scoped3A_66 = arith.constant 0 : i32
    "tpu.region"() ({
      %run_scoped3A_1141 = tpu.sem_alloc : memref<!tpu.dma_semaphore, #tpu.memory_space<semaphore_mem>>
      %dma_start3A_1142 = arith.constant 0 : i32
      %dma_start3A_1143 = arith.constant 0 : i32
      %dma_start3A_1144 = tpu.memref_slice %arg12[%run_scoped3A_66, %dma_start3A_1142, %dma_start3A_1143] : memref<2x10240x16xf32, #tpu.memory_space<vmem_shared>> -> memref<1x10240x16xf32, #tpu.memory_space<vmem_shared>>
      %dma_start3A_1145 = tpu.memref_squeeze %dma_start3A_1144 : memref<1x10240x16xf32, #tpu.memory_space<vmem_shared>> -> memref<10240x16xf32, #tpu.memory_space<vmem_shared>>
      %dma_start3A_1146 = arith.constant 0 : i32
      %dma_start3A_1147 = tpu.memref_slice %dma_start3A_1145[%add3A_65, %dma_start3A_1146] : memref<10240x16xf32, #tpu.memory_space<vmem_shared>> -> memref<128x16xf32, #tpu.memory_space<vmem_shared>>
      %dma_start3A_1148 = arith.constant 0 : i32
      %dma_start3A_1149 = arith.constant 0 : i32
      %dma_start3A_1150 = tpu.memref_slice %arg12[%run_scoped3A_66, %dma_start3A_1148, %dma_start3A_1149] : memref<2x10240x16xf32, #tpu.memory_space<vmem_shared>> -> memref<1x10240x16xf32, #tpu.memory_space<vmem_shared>>
      %dma_start3A_1151 = tpu.memref_squeeze %dma_start3A_1150 : memref<1x10240x16xf32, #tpu.memory_space<vmem_shared>> -> memref<10240x16xf32, #tpu.memory_space<vmem_shared>>
      %dma_start3A_1152 = arith.constant 0 : i32
      %dma_start3A_1153 = tpu.memref_slice %dma_start3A_1151[%add3A_65, %dma_start3A_1152] : memref<10240x16xf32, #tpu.memory_space<vmem_shared>> -> memref<128x16xf32, #tpu.memory_space<vmem_shared>>
      tpu.enqueue_dma source(%arg11 : memref<128x16xf32, #tpu.memory_space<vmem>>) target(%dma_start3A_1153 : memref<128x16xf32, #tpu.memory_space<vmem_shared>>) target_semaphore(%run_scoped3A_1141 : memref<!tpu.dma_semaphore, #tpu.memory_space<semaphore_mem>>)
      %dma_wait3A_1154 = arith.constant 0 : i32
      %dma_wait3A_1155 = arith.constant 0 : i32
      %dma_wait3A_1156 = tpu.memref_slice %arg12[%run_scoped3A_66, %dma_wait3A_1154, %dma_wait3A_1155] : memref<2x10240x16xf32, #tpu.memory_space<vmem_shared>> -> memref<1x10240x16xf32, #tpu.memory_space<vmem_shared>>
      %dma_wait3A_1157 = tpu.memref_squeeze %dma_wait3A_1156 : memref<1x10240x16xf32, #tpu.memory_space<vmem_shared>> -> memref<10240x16xf32, #tpu.memory_space<vmem_shared>>
      %dma_wait3A_1158 = arith.constant 0 : i32
      %dma_wait3A_1159 = tpu.memref_slice %dma_wait3A_1157[%add3A_65, %dma_wait3A_1158] : memref<10240x16xf32, #tpu.memory_space<vmem_shared>> -> memref<128x16xf32, #tpu.memory_space<vmem_shared>>
      %dma_wait3A_1160 = arith.constant 0 : i32
      %dma_wait3A_1161 = arith.constant 0 : i32
      %dma_wait3A_1162 = tpu.memref_slice %arg12[%run_scoped3A_66, %dma_wait3A_1160, %dma_wait3A_1161] : memref<2x10240x16xf32, #tpu.memory_space<vmem_shared>> -> memref<1x10240x16xf32, #tpu.memory_space<vmem_shared>>
      %dma_wait3A_1163 = tpu.memref_squeeze %dma_wait3A_1162 : memref<1x10240x16xf32, #tpu.memory_space<vmem_shared>> -> memref<10240x16xf32, #tpu.memory_space<vmem_shared>>
      %dma_wait3A_1164 = arith.constant 0 : i32
      %dma_wait3A_1165 = tpu.memref_slice %dma_wait3A_1163[%add3A_65, %dma_wait3A_1164] : memref<10240x16xf32, #tpu.memory_space<vmem_shared>> -> memref<128x16xf32, #tpu.memory_space<vmem_shared>>
      tpu.wait_dma2 semaphore(%run_scoped3A_1141 : memref<!tpu.dma_semaphore, #tpu.memory_space<semaphore_mem>>) src(%arg11 : memref<128x16xf32, #tpu.memory_space<vmem>>) dst(%dma_wait3A_1165 : memref<128x16xf32, #tpu.memory_space<vmem_shared>>)
      tpu.yield
    }) : () -> ()
    %add3A_67 = arith.constant 512 : i32
    %add3A_68 = arith.addi %mul3A_55, %add3A_67 : i32
    %run_scoped3A_69 = arith.constant 0 : i32
    "tpu.region"() ({
      %run_scoped3A_1141 = tpu.sem_alloc : memref<!tpu.dma_semaphore, #tpu.memory_space<semaphore_mem>>
      %dma_start3A_1142 = arith.constant 0 : i32
      %dma_start3A_1143 = arith.constant 0 : i32
      %dma_start3A_1144 = tpu.memref_slice %arg12[%run_scoped3A_69, %dma_start3A_1142, %dma_start3A_1143] : memref<2x10240x16xf32, #tpu.memory_space<vmem_shared>> -> memref<1x10240x16xf32, #tpu.memory_space<vmem_shared>>
      %dma_start3A_1145 = tpu.memref_squeeze %dma_start3A_1144 : memref<1x10240x16xf32, #tpu.memory_space<vmem_shared>> -> memref<10240x16xf32, #tpu.memory_space<vmem_shared>>
      %dma_start3A_1146 = arith.constant 0 : i32
      %dma_start3A_1147 = tpu.memref_slice %dma_start3A_1145[%add3A_68, %dma_start3A_1146] : memref<10240x16xf32, #tpu.memory_space<vmem_shared>> -> memref<128x16xf32, #tpu.memory_space<vmem_shared>>
      %dma_start3A_1148 = arith.constant 0 : i32
      %dma_start3A_1149 = arith.constant 0 : i32
      %dma_start3A_1150 = tpu.memref_slice %arg12[%run_scoped3A_69, %dma_start3A_1148, %dma_start3A_1149] : memref<2x10240x16xf32, #tpu.memory_space<vmem_shared>> -> memref<1x10240x16xf32, #tpu.memory_space<vmem_shared>>
      %dma_start3A_1151 = tpu.memref_squeeze %dma_start3A_1150 : memref<1x10240x16xf32, #tpu.memory_space<vmem_shared>> -> memref<10240x16xf32, #tpu.memory_space<vmem_shared>>
      %dma_start3A_1152 = arith.constant 0 : i32
      %dma_start3A_1153 = tpu.memref_slice %dma_start3A_1151[%add3A_68, %dma_start3A_1152] : memref<10240x16xf32, #tpu.memory_space<vmem_shared>> -> memref<128x16xf32, #tpu.memory_space<vmem_shared>>
      tpu.enqueue_dma source(%arg11 : memref<128x16xf32, #tpu.memory_space<vmem>>) target(%dma_start3A_1153 : memref<128x16xf32, #tpu.memory_space<vmem_shared>>) target_semaphore(%run_scoped3A_1141 : memref<!tpu.dma_semaphore, #tpu.memory_space<semaphore_mem>>)
      %dma_wait3A_1154 = arith.constant 0 : i32
      %dma_wait3A_1155 = arith.constant 0 : i32
      %dma_wait3A_1156 = tpu.memref_slice %arg12[%run_scoped3A_69, %dma_wait3A_1154, %dma_wait3A_1155] : memref<2x10240x16xf32, #tpu.memory_space<vmem_shared>> -> memref<1x10240x16xf32, #tpu.memory_space<vmem_shared>>
      %dma_wait3A_1157 = tpu.memref_squeeze %dma_wait3A_1156 : memref<1x10240x16xf32, #tpu.memory_space<vmem_shared>> -> memref<10240x16xf32, #tpu.memory_space<vmem_shared>>
      %dma_wait3A_1158 = arith.constant 0 : i32
      %dma_wait3A_1159 = tpu.memref_slice %dma_wait3A_1157[%add3A_68, %dma_wait3A_1158] : memref<10240x16xf32, #tpu.memory_space<vmem_shared>> -> memref<128x16xf32, #tpu.memory_space<vmem_shared>>
      %dma_wait3A_1160 = arith.constant 0 : i32
      %dma_wait3A_1161 = arith.constant 0 : i32
      %dma_wait3A_1162 = tpu.memref_slice %arg12[%run_scoped3A_69, %dma_wait3A_1160, %dma_wait3A_1161] : memref<2x10240x16xf32, #tpu.memory_space<vmem_shared>> -> memref<1x10240x16xf32, #tpu.memory_space<vmem_shared>>
      %dma_wait3A_1163 = tpu.memref_squeeze %dma_wait3A_1162 : memref<1x10240x16xf32, #tpu.memory_space<vmem_shared>> -> memref<10240x16xf32, #tpu.memory_space<vmem_shared>>
      %dma_wait3A_1164 = arith.constant 0 : i32
      %dma_wait3A_1165 = tpu.memref_slice %dma_wait3A_1163[%add3A_68, %dma_wait3A_1164] : memref<10240x16xf32, #tpu.memory_space<vmem_shared>> -> memref<128x16xf32, #tpu.memory_space<vmem_shared>>
      tpu.wait_dma2 semaphore(%run_scoped3A_1141 : memref<!tpu.dma_semaphore, #tpu.memory_space<semaphore_mem>>) src(%arg11 : memref<128x16xf32, #tpu.memory_space<vmem>>) dst(%dma_wait3A_1165 : memref<128x16xf32, #tpu.memory_space<vmem_shared>>)
      tpu.yield
    }) : () -> ()
    %add3A_70 = arith.constant 0 : i32
    %add3A_71 = arith.addi %mul3A_55, %add3A_70 : i32
    %run_scoped3A_72 = arith.constant 1 : i32
    "tpu.region"() ({
      %run_scoped3A_1141 = tpu.sem_alloc : memref<!tpu.dma_semaphore, #tpu.memory_space<semaphore_mem>>
      %dma_start3A_1142 = arith.constant 0 : i32
      %dma_start3A_1143 = arith.constant 0 : i32
      %dma_start3A_1144 = tpu.memref_slice %arg12[%run_scoped3A_72, %dma_start3A_1142, %dma_start3A_1143] : memref<2x10240x16xf32, #tpu.memory_space<vmem_shared>> -> memref<1x10240x16xf32, #tpu.memory_space<vmem_shared>>
      %dma_start3A_1145 = tpu.memref_squeeze %dma_start3A_1144 : memref<1x10240x16xf32, #tpu.memory_space<vmem_shared>> -> memref<10240x16xf32, #tpu.memory_space<vmem_shared>>
      %dma_start3A_1146 = arith.constant 0 : i32
      %dma_start3A_1147 = tpu.memref_slice %dma_start3A_1145[%add3A_71, %dma_start3A_1146] : memref<10240x16xf32, #tpu.memory_space<vmem_shared>> -> memref<128x16xf32, #tpu.memory_space<vmem_shared>>
      %dma_start3A_1148 = arith.constant 0 : i32
      %dma_start3A_1149 = arith.constant 0 : i32
      %dma_start3A_1150 = tpu.memref_slice %arg12[%run_scoped3A_72, %dma_start3A_1148, %dma_start3A_1149] : memref<2x10240x16xf32, #tpu.memory_space<vmem_shared>> -> memref<1x10240x16xf32, #tpu.memory_space<vmem_shared>>
      %dma_start3A_1151 = tpu.memref_squeeze %dma_start3A_1150 : memref<1x10240x16xf32, #tpu.memory_space<vmem_shared>> -> memref<10240x16xf32, #tpu.memory_space<vmem_shared>>
      %dma_start3A_1152 = arith.constant 0 : i32
      %dma_start3A_1153 = tpu.memref_slice %dma_start3A_1151[%add3A_71, %dma_start3A_1152] : memref<10240x16xf32, #tpu.memory_space<vmem_shared>> -> memref<128x16xf32, #tpu.memory_space<vmem_shared>>
      tpu.enqueue_dma source(%arg11 : memref<128x16xf32, #tpu.memory_space<vmem>>) target(%dma_start3A_1153 : memref<128x16xf32, #tpu.memory_space<vmem_shared>>) target_semaphore(%run_scoped3A_1141 : memref<!tpu.dma_semaphore, #tpu.memory_space<semaphore_mem>>)
      %dma_wait3A_1154 = arith.constant 0 : i32
      %dma_wait3A_1155 = arith.constant 0 : i32
      %dma_wait3A_1156 = tpu.memref_slice %arg12[%run_scoped3A_72, %dma_wait3A_1154, %dma_wait3A_1155] : memref<2x10240x16xf32, #tpu.memory_space<vmem_shared>> -> memref<1x10240x16xf32, #tpu.memory_space<vmem_shared>>
      %dma_wait3A_1157 = tpu.memref_squeeze %dma_wait3A_1156 : memref<1x10240x16xf32, #tpu.memory_space<vmem_shared>> -> memref<10240x16xf32, #tpu.memory_space<vmem_shared>>
      %dma_wait3A_1158 = arith.constant 0 : i32
      %dma_wait3A_1159 = tpu.memref_slice %dma_wait3A_1157[%add3A_71, %dma_wait3A_1158] : memref<10240x16xf32, #tpu.memory_space<vmem_shared>> -> memref<128x16xf32, #tpu.memory_space<vmem_shared>>
      %dma_wait3A_1160 = arith.constant 0 : i32
      %dma_wait3A_1161 = arith.constant 0 : i32
      %dma_wait3A_1162 = tpu.memref_slice %arg12[%run_scoped3A_72, %dma_wait3A_1160, %dma_wait3A_1161] : memref<2x10240x16xf32, #tpu.memory_space<vmem_shared>> -> memref<1x10240x16xf32, #tpu.memory_space<vmem_shared>>
      %dma_wait3A_1163 = tpu.memref_squeeze %dma_wait3A_1162 : memref<1x10240x16xf32, #tpu.memory_space<vmem_shared>> -> memref<10240x16xf32, #tpu.memory_space<vmem_shared>>
      %dma_wait3A_1164 = arith.constant 0 : i32
      %dma_wait3A_1165 = tpu.memref_slice %dma_wait3A_1163[%add3A_71, %dma_wait3A_1164] : memref<10240x16xf32, #tpu.memory_space<vmem_shared>> -> memref<128x16xf32, #tpu.memory_space<vmem_shared>>
      tpu.wait_dma2 semaphore(%run_scoped3A_1141 : memref<!tpu.dma_semaphore, #tpu.memory_space<semaphore_mem>>) src(%arg11 : memref<128x16xf32, #tpu.memory_space<vmem>>) dst(%dma_wait3A_1165 : memref<128x16xf32, #tpu.memory_space<vmem_shared>>)
      tpu.yield
    }) : () -> ()
    %add3A_73 = arith.constant 128 : i32
    %add3A_74 = arith.addi %mul3A_55, %add3A_73 : i32
    %run_scoped3A_75 = arith.constant 1 : i32
    "tpu.region"() ({
      %run_scoped3A_1141 = tpu.sem_alloc : memref<!tpu.dma_semaphore, #tpu.memory_space<semaphore_mem>>
      %dma_start3A_1142 = arith.constant 0 : i32
      %dma_start3A_1143 = arith.constant 0 : i32
      %dma_start3A_1144 = tpu.memref_slice %arg12[%run_scoped3A_75, %dma_start3A_1142, %dma_start3A_1143] : memref<2x10240x16xf32, #tpu.memory_space<vmem_shared>> -> memref<1x10240x16xf32, #tpu.memory_space<vmem_shared>>
      %dma_start3A_1145 = tpu.memref_squeeze %dma_start3A_1144 : memref<1x10240x16xf32, #tpu.memory_space<vmem_shared>> -> memref<10240x16xf32, #tpu.memory_space<vmem_shared>>
      %dma_start3A_1146 = arith.constant 0 : i32
      %dma_start3A_1147 = tpu.memref_slice %dma_start3A_1145[%add3A_74, %dma_start3A_1146] : memref<10240x16xf32, #tpu.memory_space<vmem_shared>> -> memref<128x16xf32, #tpu.memory_space<vmem_shared>>
      %dma_start3A_1148 = arith.constant 0 : i32
      %dma_start3A_1149 = arith.constant 0 : i32
      %dma_start3A_1150 = tpu.memref_slice %arg12[%run_scoped3A_75, %dma_start3A_1148, %dma_start3A_1149] : memref<2x10240x16xf32, #tpu.memory_space<vmem_shared>> -> memref<1x10240x16xf32, #tpu.memory_space<vmem_shared>>
      %dma_start3A_1151 = tpu.memref_squeeze %dma_start3A_1150 : memref<1x10240x16xf32, #tpu.memory_space<vmem_shared>> -> memref<10240x16xf32, #tpu.memory_space<vmem_shared>>
      %dma_start3A_1152 = arith.constant 0 : i32
      %dma_start3A_1153 = tpu.memref_slice %dma_start3A_1151[%add3A_74, %dma_start3A_1152] : memref<10240x16xf32, #tpu.memory_space<vmem_shared>> -> memref<128x16xf32, #tpu.memory_space<vmem_shared>>
      tpu.enqueue_dma source(%arg11 : memref<128x16xf32, #tpu.memory_space<vmem>>) target(%dma_start3A_1153 : memref<128x16xf32, #tpu.memory_space<vmem_shared>>) target_semaphore(%run_scoped3A_1141 : memref<!tpu.dma_semaphore, #tpu.memory_space<semaphore_mem>>)
      %dma_wait3A_1154 = arith.constant 0 : i32
      %dma_wait3A_1155 = arith.constant 0 : i32
      %dma_wait3A_1156 = tpu.memref_slice %arg12[%run_scoped3A_75, %dma_wait3A_1154, %dma_wait3A_1155] : memref<2x10240x16xf32, #tpu.memory_space<vmem_shared>> -> memref<1x10240x16xf32, #tpu.memory_space<vmem_shared>>
      %dma_wait3A_1157 = tpu.memref_squeeze %dma_wait3A_1156 : memref<1x10240x16xf32, #tpu.memory_space<vmem_shared>> -> memref<10240x16xf32, #tpu.memory_space<vmem_shared>>
      %dma_wait3A_1158 = arith.constant 0 : i32
      %dma_wait3A_1159 = tpu.memref_slice %dma_wait3A_1157[%add3A_74, %dma_wait3A_1158] : memref<10240x16xf32, #tpu.memory_space<vmem_shared>> -> memref<128x16xf32, #tpu.memory_space<vmem_shared>>
      %dma_wait3A_1160 = arith.constant 0 : i32
      %dma_wait3A_1161 = arith.constant 0 : i32
      %dma_wait3A_1162 = tpu.memref_slice %arg12[%run_scoped3A_75, %dma_wait3A_1160, %dma_wait3A_1161] : memref<2x10240x16xf32, #tpu.memory_space<vmem_shared>> -> memref<1x10240x16xf32, #tpu.memory_space<vmem_shared>>
      %dma_wait3A_1163 = tpu.memref_squeeze %dma_wait3A_1162 : memref<1x10240x16xf32, #tpu.memory_space<vmem_shared>> -> memref<10240x16xf32, #tpu.memory_space<vmem_shared>>
      %dma_wait3A_1164 = arith.constant 0 : i32
      %dma_wait3A_1165 = tpu.memref_slice %dma_wait3A_1163[%add3A_74, %dma_wait3A_1164] : memref<10240x16xf32, #tpu.memory_space<vmem_shared>> -> memref<128x16xf32, #tpu.memory_space<vmem_shared>>
      tpu.wait_dma2 semaphore(%run_scoped3A_1141 : memref<!tpu.dma_semaphore, #tpu.memory_space<semaphore_mem>>) src(%arg11 : memref<128x16xf32, #tpu.memory_space<vmem>>) dst(%dma_wait3A_1165 : memref<128x16xf32, #tpu.memory_space<vmem_shared>>)
      tpu.yield
    }) : () -> ()
    %add3A_76 = arith.constant 256 : i32
    %add3A_77 = arith.addi %mul3A_55, %add3A_76 : i32
    %run_scoped3A_78 = arith.constant 1 : i32
    "tpu.region"() ({
      %run_scoped3A_1141 = tpu.sem_alloc : memref<!tpu.dma_semaphore, #tpu.memory_space<semaphore_mem>>
      %dma_start3A_1142 = arith.constant 0 : i32
      %dma_start3A_1143 = arith.constant 0 : i32
      %dma_start3A_1144 = tpu.memref_slice %arg12[%run_scoped3A_78, %dma_start3A_1142, %dma_start3A_1143] : memref<2x10240x16xf32, #tpu.memory_space<vmem_shared>> -> memref<1x10240x16xf32, #tpu.memory_space<vmem_shared>>
      %dma_start3A_1145 = tpu.memref_squeeze %dma_start3A_1144 : memref<1x10240x16xf32, #tpu.memory_space<vmem_shared>> -> memref<10240x16xf32, #tpu.memory_space<vmem_shared>>
      %dma_start3A_1146 = arith.constant 0 : i32
      %dma_start3A_1147 = tpu.memref_slice %dma_start3A_1145[%add3A_77, %dma_start3A_1146] : memref<10240x16xf32, #tpu.memory_space<vmem_shared>> -> memref<128x16xf32, #tpu.memory_space<vmem_shared>>
      %dma_start3A_1148 = arith.constant 0 : i32
      %dma_start3A_1149 = arith.constant 0 : i32
      %dma_start3A_1150 = tpu.memref_slice %arg12[%run_scoped3A_78, %dma_start3A_1148, %dma_start3A_1149] : memref<2x10240x16xf32, #tpu.memory_space<vmem_shared>> -> memref<1x10240x16xf32, #tpu.memory_space<vmem_shared>>
      %dma_start3A_1151 = tpu.memref_squeeze %dma_start3A_1150 : memref<1x10240x16xf32, #tpu.memory_space<vmem_shared>> -> memref<10240x16xf32, #tpu.memory_space<vmem_shared>>
      %dma_start3A_1152 = arith.constant 0 : i32
      %dma_start3A_1153 = tpu.memref_slice %dma_start3A_1151[%add3A_77, %dma_start3A_1152] : memref<10240x16xf32, #tpu.memory_space<vmem_shared>> -> memref<128x16xf32, #tpu.memory_space<vmem_shared>>
      tpu.enqueue_dma source(%arg11 : memref<128x16xf32, #tpu.memory_space<vmem>>) target(%dma_start3A_1153 : memref<128x16xf32, #tpu.memory_space<vmem_shared>>) target_semaphore(%run_scoped3A_1141 : memref<!tpu.dma_semaphore, #tpu.memory_space<semaphore_mem>>)
      %dma_wait3A_1154 = arith.constant 0 : i32
      %dma_wait3A_1155 = arith.constant 0 : i32
      %dma_wait3A_1156 = tpu.memref_slice %arg12[%run_scoped3A_78, %dma_wait3A_1154, %dma_wait3A_1155] : memref<2x10240x16xf32, #tpu.memory_space<vmem_shared>> -> memref<1x10240x16xf32, #tpu.memory_space<vmem_shared>>
      %dma_wait3A_1157 = tpu.memref_squeeze %dma_wait3A_1156 : memref<1x10240x16xf32, #tpu.memory_space<vmem_shared>> -> memref<10240x16xf32, #tpu.memory_space<vmem_shared>>
      %dma_wait3A_1158 = arith.constant 0 : i32
      %dma_wait3A_1159 = tpu.memref_slice %dma_wait3A_1157[%add3A_77, %dma_wait3A_1158] : memref<10240x16xf32, #tpu.memory_space<vmem_shared>> -> memref<128x16xf32, #tpu.memory_space<vmem_shared>>
      %dma_wait3A_1160 = arith.constant 0 : i32
      %dma_wait3A_1161 = arith.constant 0 : i32
      %dma_wait3A_1162 = tpu.memref_slice %arg12[%run_scoped3A_78, %dma_wait3A_1160, %dma_wait3A_1161] : memref<2x10240x16xf32, #tpu.memory_space<vmem_shared>> -> memref<1x10240x16xf32, #tpu.memory_space<vmem_shared>>
      %dma_wait3A_1163 = tpu.memref_squeeze %dma_wait3A_1162 : memref<1x10240x16xf32, #tpu.memory_space<vmem_shared>> -> memref<10240x16xf32, #tpu.memory_space<vmem_shared>>
      %dma_wait3A_1164 = arith.constant 0 : i32
      %dma_wait3A_1165 = tpu.memref_slice %dma_wait3A_1163[%add3A_77, %dma_wait3A_1164] : memref<10240x16xf32, #tpu.memory_space<vmem_shared>> -> memref<128x16xf32, #tpu.memory_space<vmem_shared>>
      tpu.wait_dma2 semaphore(%run_scoped3A_1141 : memref<!tpu.dma_semaphore, #tpu.memory_space<semaphore_mem>>) src(%arg11 : memref<128x16xf32, #tpu.memory_space<vmem>>) dst(%dma_wait3A_1165 : memref<128x16xf32, #tpu.memory_space<vmem_shared>>)
      tpu.yield
    }) : () -> ()
    %add3A_79 = arith.constant 384 : i32
    %add3A_80 = arith.addi %mul3A_55, %add3A_79 : i32
    %run_scoped3A_81 = arith.constant 1 : i32
    "tpu.region"() ({
      %run_scoped3A_1141 = tpu.sem_alloc : memref<!tpu.dma_semaphore, #tpu.memory_space<semaphore_mem>>
      %dma_start3A_1142 = arith.constant 0 : i32
      %dma_start3A_1143 = arith.constant 0 : i32
      %dma_start3A_1144 = tpu.memref_slice %arg12[%run_scoped3A_81, %dma_start3A_1142, %dma_start3A_1143] : memref<2x10240x16xf32, #tpu.memory_space<vmem_shared>> -> memref<1x10240x16xf32, #tpu.memory_space<vmem_shared>>
      %dma_start3A_1145 = tpu.memref_squeeze %dma_start3A_1144 : memref<1x10240x16xf32, #tpu.memory_space<vmem_shared>> -> memref<10240x16xf32, #tpu.memory_space<vmem_shared>>
      %dma_start3A_1146 = arith.constant 0 : i32
      %dma_start3A_1147 = tpu.memref_slice %dma_start3A_1145[%add3A_80, %dma_start3A_1146] : memref<10240x16xf32, #tpu.memory_space<vmem_shared>> -> memref<128x16xf32, #tpu.memory_space<vmem_shared>>
      %dma_start3A_1148 = arith.constant 0 : i32
      %dma_start3A_1149 = arith.constant 0 : i32
      %dma_start3A_1150 = tpu.memref_slice %arg12[%run_scoped3A_81, %dma_start3A_1148, %dma_start3A_1149] : memref<2x10240x16xf32, #tpu.memory_space<vmem_shared>> -> memref<1x10240x16xf32, #tpu.memory_space<vmem_shared>>
      %dma_start3A_1151 = tpu.memref_squeeze %dma_start3A_1150 : memref<1x10240x16xf32, #tpu.memory_space<vmem_shared>> -> memref<10240x16xf32, #tpu.memory_space<vmem_shared>>
      %dma_start3A_1152 = arith.constant 0 : i32
      %dma_start3A_1153 = tpu.memref_slice %dma_start3A_1151[%add3A_80, %dma_start3A_1152] : memref<10240x16xf32, #tpu.memory_space<vmem_shared>> -> memref<128x16xf32, #tpu.memory_space<vmem_shared>>
      tpu.enqueue_dma source(%arg11 : memref<128x16xf32, #tpu.memory_space<vmem>>) target(%dma_start3A_1153 : memref<128x16xf32, #tpu.memory_space<vmem_shared>>) target_semaphore(%run_scoped3A_1141 : memref<!tpu.dma_semaphore, #tpu.memory_space<semaphore_mem>>)
      %dma_wait3A_1154 = arith.constant 0 : i32
      %dma_wait3A_1155 = arith.constant 0 : i32
      %dma_wait3A_1156 = tpu.memref_slice %arg12[%run_scoped3A_81, %dma_wait3A_1154, %dma_wait3A_1155] : memref<2x10240x16xf32, #tpu.memory_space<vmem_shared>> -> memref<1x10240x16xf32, #tpu.memory_space<vmem_shared>>
      %dma_wait3A_1157 = tpu.memref_squeeze %dma_wait3A_1156 : memref<1x10240x16xf32, #tpu.memory_space<vmem_shared>> -> memref<10240x16xf32, #tpu.memory_space<vmem_shared>>
      %dma_wait3A_1158 = arith.constant 0 : i32
      %dma_wait3A_1159 = tpu.memref_slice %dma_wait3A_1157[%add3A_80, %dma_wait3A_1158] : memref<10240x16xf32, #tpu.memory_space<vmem_shared>> -> memref<128x16xf32, #tpu.memory_space<vmem_shared>>
      %dma_wait3A_1160 = arith.constant 0 : i32
      %dma_wait3A_1161 = arith.constant 0 : i32
      %dma_wait3A_1162 = tpu.memref_slice %arg12[%run_scoped3A_81, %dma_wait3A_1160, %dma_wait3A_1161] : memref<2x10240x16xf32, #tpu.memory_space<vmem_shared>> -> memref<1x10240x16xf32, #tpu.memory_space<vmem_shared>>
      %dma_wait3A_1163 = tpu.memref_squeeze %dma_wait3A_1162 : memref<1x10240x16xf32, #tpu.memory_space<vmem_shared>> -> memref<10240x16xf32, #tpu.memory_space<vmem_shared>>
      %dma_wait3A_1164 = arith.constant 0 : i32
      %dma_wait3A_1165 = tpu.memref_slice %dma_wait3A_1163[%add3A_80, %dma_wait3A_1164] : memref<10240x16xf32, #tpu.memory_space<vmem_shared>> -> memref<128x16xf32, #tpu.memory_space<vmem_shared>>
      tpu.wait_dma2 semaphore(%run_scoped3A_1141 : memref<!tpu.dma_semaphore, #tpu.memory_space<semaphore_mem>>) src(%arg11 : memref<128x16xf32, #tpu.memory_space<vmem>>) dst(%dma_wait3A_1165 : memref<128x16xf32, #tpu.memory_space<vmem_shared>>)
      tpu.yield
    }) : () -> ()
    %add3A_82 = arith.constant 512 : i32
    %add3A_83 = arith.addi %mul3A_55, %add3A_82 : i32
    %run_scoped3A_84 = arith.constant 1 : i32
    "tpu.region"() ({
      %run_scoped3A_1141 = tpu.sem_alloc : memref<!tpu.dma_semaphore, #tpu.memory_space<semaphore_mem>>
      %dma_start3A_1142 = arith.constant 0 : i32
      %dma_start3A_1143 = arith.constant 0 : i32
      %dma_start3A_1144 = tpu.memref_slice %arg12[%run_scoped3A_84, %dma_start3A_1142, %dma_start3A_1143] : memref<2x10240x16xf32, #tpu.memory_space<vmem_shared>> -> memref<1x10240x16xf32, #tpu.memory_space<vmem_shared>>
      %dma_start3A_1145 = tpu.memref_squeeze %dma_start3A_1144 : memref<1x10240x16xf32, #tpu.memory_space<vmem_shared>> -> memref<10240x16xf32, #tpu.memory_space<vmem_shared>>
      %dma_start3A_1146 = arith.constant 0 : i32
      %dma_start3A_1147 = tpu.memref_slice %dma_start3A_1145[%add3A_83, %dma_start3A_1146] : memref<10240x16xf32, #tpu.memory_space<vmem_shared>> -> memref<128x16xf32, #tpu.memory_space<vmem_shared>>
      %dma_start3A_1148 = arith.constant 0 : i32
      %dma_start3A_1149 = arith.constant 0 : i32
      %dma_start3A_1150 = tpu.memref_slice %arg12[%run_scoped3A_84, %dma_start3A_1148, %dma_start3A_1149] : memref<2x10240x16xf32, #tpu.memory_space<vmem_shared>> -> memref<1x10240x16xf32, #tpu.memory_space<vmem_shared>>
      %dma_start3A_1151 = tpu.memref_squeeze %dma_start3A_1150 : memref<1x10240x16xf32, #tpu.memory_space<vmem_shared>> -> memref<10240x16xf32, #tpu.memory_space<vmem_shared>>
      %dma_start3A_1152 = arith.constant 0 : i32
      %dma_start3A_1153 = tpu.memref_slice %dma_start3A_1151[%add3A_83, %dma_start3A_1152] : memref<10240x16xf32, #tpu.memory_space<vmem_shared>> -> memref<128x16xf32, #tpu.memory_space<vmem_shared>>
      tpu.enqueue_dma source(%arg11 : memref<128x16xf32, #tpu.memory_space<vmem>>) target(%dma_start3A_1153 : memref<128x16xf32, #tpu.memory_space<vmem_shared>>) target_semaphore(%run_scoped3A_1141 : memref<!tpu.dma_semaphore, #tpu.memory_space<semaphore_mem>>)
      %dma_wait3A_1154 = arith.constant 0 : i32
      %dma_wait3A_1155 = arith.constant 0 : i32
      %dma_wait3A_1156 = tpu.memref_slice %arg12[%run_scoped3A_84, %dma_wait3A_1154, %dma_wait3A_1155] : memref<2x10240x16xf32, #tpu.memory_space<vmem_shared>> -> memref<1x10240x16xf32, #tpu.memory_space<vmem_shared>>
      %dma_wait3A_1157 = tpu.memref_squeeze %dma_wait3A_1156 : memref<1x10240x16xf32, #tpu.memory_space<vmem_shared>> -> memref<10240x16xf32, #tpu.memory_space<vmem_shared>>
      %dma_wait3A_1158 = arith.constant 0 : i32
      %dma_wait3A_1159 = tpu.memref_slice %dma_wait3A_1157[%add3A_83, %dma_wait3A_1158] : memref<10240x16xf32, #tpu.memory_space<vmem_shared>> -> memref<128x16xf32, #tpu.memory_space<vmem_shared>>
      %dma_wait3A_1160 = arith.constant 0 : i32
      %dma_wait3A_1161 = arith.constant 0 : i32
      %dma_wait3A_1162 = tpu.memref_slice %arg12[%run_scoped3A_84, %dma_wait3A_1160, %dma_wait3A_1161] : memref<2x10240x16xf32, #tpu.memory_space<vmem_shared>> -> memref<1x10240x16xf32, #tpu.memory_space<vmem_shared>>
      %dma_wait3A_1163 = tpu.memref_squeeze %dma_wait3A_1162 : memref<1x10240x16xf32, #tpu.memory_space<vmem_shared>> -> memref<10240x16xf32, #tpu.memory_space<vmem_shared>>
      %dma_wait3A_1164 = arith.constant 0 : i32
      %dma_wait3A_1165 = tpu.memref_slice %dma_wait3A_1163[%add3A_83, %dma_wait3A_1164] : memref<10240x16xf32, #tpu.memory_space<vmem_shared>> -> memref<128x16xf32, #tpu.memory_space<vmem_shared>>
      tpu.wait_dma2 semaphore(%run_scoped3A_1141 : memref<!tpu.dma_semaphore, #tpu.memory_space<semaphore_mem>>) src(%arg11 : memref<128x16xf32, #tpu.memory_space<vmem>>) dst(%dma_wait3A_1165 : memref<128x16xf32, #tpu.memory_space<vmem_shared>>)
      tpu.yield
    }) : () -> ()
    %barrier3A = arith.constant 0 : index
    tpu.barrier barrier_id(%barrier3A)
    %eq3A_85 = arith.constant 0 : i32
    %eq3A_86 = arith.cmpi eq, %select_n3A, %eq3A_85 : i32
    %convert_element_type3A = arith.extui %eq3A_86 : i1 to i32
    %cond3A = arith.constant 0 : i32
    %cond3A_87 = arith.cmpi ne, %convert_element_type3A, %cond3A : i32
    scf.if %cond3A_87 {
      "tpu.region"() ({
        %run_scoped3A_1162 = tpu.sem_alloc : memref<!tpu.dma_semaphore, #tpu.memory_space<semaphore_mem>>
        %dma_start3A_1163 = arith.constant 0 : i32
        %dma_start3A_1164 = arith.constant 0 : i32
        %dma_start3A_1165 = tpu.memref_slice %arg2[%mul3A_48, %dma_start3A_1163, %dma_start3A_1164] : memref<2500x2x128xi32, #tpu.memory_space<hbm>> -> memref<312x2x128xi32, #tpu.memory_space<hbm>>
        %dma_start3A_1166 = arith.constant 0 : i32
        %dma_start3A_1167 = arith.constant 0 : i32
        %dma_start3A_1168 = tpu.memref_slice %arg2[%mul3A_48, %dma_start3A_1166, %dma_start3A_1167] : memref<2500x2x128xi32, #tpu.memory_space<hbm>> -> memref<312x2x128xi32, #tpu.memory_space<hbm>>
        tpu.enqueue_dma source(%dma_start3A_1168 : memref<312x2x128xi32, #tpu.memory_space<hbm>>) target(%arg8 : memref<312x2x128xi32, #tpu.memory_space<vmem>>) target_semaphore(%run_scoped3A_1162 : memref<!tpu.dma_semaphore, #tpu.memory_space<semaphore_mem>>)
        %dma_wait3A_1169 = arith.constant 0 : i32
        %dma_wait3A_1170 = arith.constant 0 : i32
        %dma_wait3A_1171 = tpu.memref_slice %arg2[%mul3A_48, %dma_wait3A_1169, %dma_wait3A_1170] : memref<2500x2x128xi32, #tpu.memory_space<hbm>> -> memref<312x2x128xi32, #tpu.memory_space<hbm>>
        %dma_wait3A_1172 = arith.constant 0 : i32
        %dma_wait3A_1173 = arith.constant 0 : i32
        %dma_wait3A_1174 = tpu.memref_slice %arg2[%mul3A_48, %dma_wait3A_1172, %dma_wait3A_1173] : memref<2500x2x128xi32, #tpu.memory_space<hbm>> -> memref<312x2x128xi32, #tpu.memory_space<hbm>>
        tpu.wait_dma2 semaphore(%run_scoped3A_1162 : memref<!tpu.dma_semaphore, #tpu.memory_space<semaphore_mem>>) src(%dma_wait3A_1174 : memref<312x2x128xi32, #tpu.memory_space<hbm>>) dst(%arg8 : memref<312x2x128xi32, #tpu.memory_space<vmem>>)
        tpu.yield
      }) : () -> ()
      %jit3A_1141 = arith.constant 8 : i32
      %eq3A_1142 = arith.constant 0 : i32
      %eq3A_1143 = arith.cmpi eq, %jit3A_1141, %eq3A_1142 : i32
      %jit3A_1144 = arith.constant 1 : i32
      %select_n3A_1145 = arith.select %eq3A_1143, %jit3A_1144, %jit3A_1141 : i32
      %rem3A_1146 = arith.remsi %add3A, %select_n3A_1145 : i32
      %ne3A_1147 = arith.constant 0 : i32
      %ne3A_1148 = arith.cmpi ne, %rem3A_1146, %ne3A_1147 : i32
      %lt3A_1149 = arith.constant 0 : i32
      %lt3A_1150 = arith.cmpi slt, %rem3A_1146, %lt3A_1149 : i32
      %lt3A_1151 = arith.constant 0 : i32
      %lt3A_1152 = arith.cmpi slt, %select_n3A_1145, %lt3A_1151 : i32
      %ne3A_1153 = arith.xori %lt3A_1150, %lt3A_1152 : i1
      %and3A_1154 = arith.andi %ne3A_1153, %ne3A_1148 : i1
      %add3A_1155 = arith.addi %rem3A_1146, %select_n3A_1145 : i32
      %select_n3A_1156 = arith.select %and3A_1154, %add3A_1155, %rem3A_1146 : i32
      %eq3A_1157 = arith.constant 0 : i32
      %eq3A_1158 = arith.cmpi eq, %select_n3A_1156, %eq3A_1157 : i32
      %convert_element_type3A_1159 = arith.extui %eq3A_1158 : i1 to i32
      %cond3A_1160 = arith.constant 0 : i32
      %cond3A_1161 = arith.cmpi ne, %convert_element_type3A_1159, %cond3A_1160 : i32
      scf.if %cond3A_1161 {
        "tpu.region"() ({
          %run_scoped3A_1162 = tpu.sem_alloc : memref<!tpu.dma_semaphore, #tpu.memory_space<semaphore_mem>>
          %dma_start3A_1163 = arith.constant 2496 : i32
          %dma_start3A_1164 = arith.constant 0 : i32
          %dma_start3A_1165 = arith.constant 0 : i32
          %dma_start3A_1166 = tpu.memref_slice %arg2[%dma_start3A_1163, %dma_start3A_1164, %dma_start3A_1165] : memref<2500x2x128xi32, #tpu.memory_space<hbm>> -> memref<4x2x128xi32, #tpu.memory_space<hbm>>
          %dma_start3A_1167 = arith.constant 2496 : i32
          %dma_start3A_1168 = arith.constant 0 : i32
          %dma_start3A_1169 = arith.constant 0 : i32
          %dma_start3A_1170 = tpu.memref_slice %arg2[%dma_start3A_1167, %dma_start3A_1168, %dma_start3A_1169] : memref<2500x2x128xi32, #tpu.memory_space<hbm>> -> memref<4x2x128xi32, #tpu.memory_space<hbm>>
          tpu.enqueue_dma source(%dma_start3A_1170 : memref<4x2x128xi32, #tpu.memory_space<hbm>>) target(%arg9 : memref<4x2x128xi32, #tpu.memory_space<vmem>>) target_semaphore(%run_scoped3A_1162 : memref<!tpu.dma_semaphore, #tpu.memory_space<semaphore_mem>>)
          %dma_wait3A_1171 = arith.constant 2496 : i32
          %dma_wait3A_1172 = arith.constant 0 : i32
          %dma_wait3A_1173 = arith.constant 0 : i32
          %dma_wait3A_1174 = tpu.memref_slice %arg2[%dma_wait3A_1171, %dma_wait3A_1172, %dma_wait3A_1173] : memref<2500x2x128xi32, #tpu.memory_space<hbm>> -> memref<4x2x128xi32, #tpu.memory_space<hbm>>
          %dma_wait3A_1175 = arith.constant 2496 : i32
          %dma_wait3A_1176 = arith.constant 0 : i32
          %dma_wait3A_1177 = arith.constant 0 : i32
          %dma_wait3A_1178 = tpu.memref_slice %arg2[%dma_wait3A_1175, %dma_wait3A_1176, %dma_wait3A_1177] : memref<2500x2x128xi32, #tpu.memory_space<hbm>> -> memref<4x2x128xi32, #tpu.memory_space<hbm>>
          tpu.wait_dma2 semaphore(%run_scoped3A_1162 : memref<!tpu.dma_semaphore, #tpu.memory_space<semaphore_mem>>) src(%dma_wait3A_1178 : memref<4x2x128xi32, #tpu.memory_space<hbm>>) dst(%arg9 : memref<4x2x128xi32, #tpu.memory_space<vmem>>)
          tpu.yield
        }) : () -> ()
      } else {
      }
    } else {
    }
    %eq3A_88 = arith.constant 1 : i32
    %eq3A_89 = arith.cmpi eq, %select_n3A, %eq3A_88 : i32
    %convert_element_type3A_90 = arith.extui %eq3A_89 : i1 to i32
    %cond3A_91 = arith.constant 0 : i32
    %cond3A_92 = arith.cmpi ne, %convert_element_type3A_90, %cond3A_91 : i32
    scf.if %cond3A_92 {
      "tpu.region"() ({
        %run_scoped3A_1162 = tpu.sem_alloc : memref<!tpu.dma_semaphore, #tpu.memory_space<semaphore_mem>>
        %dma_start3A_1163 = arith.constant 0 : i32
        %dma_start3A_1164 = arith.constant 0 : i32
        %dma_start3A_1165 = tpu.memref_slice %arg3[%mul3A_48, %dma_start3A_1163, %dma_start3A_1164] : memref<2500x2x128xi32, #tpu.memory_space<hbm>> -> memref<312x2x128xi32, #tpu.memory_space<hbm>>
        %dma_start3A_1166 = arith.constant 0 : i32
        %dma_start3A_1167 = arith.constant 0 : i32
        %dma_start3A_1168 = tpu.memref_slice %arg3[%mul3A_48, %dma_start3A_1166, %dma_start3A_1167] : memref<2500x2x128xi32, #tpu.memory_space<hbm>> -> memref<312x2x128xi32, #tpu.memory_space<hbm>>
        tpu.enqueue_dma source(%dma_start3A_1168 : memref<312x2x128xi32, #tpu.memory_space<hbm>>) target(%arg8 : memref<312x2x128xi32, #tpu.memory_space<vmem>>) target_semaphore(%run_scoped3A_1162 : memref<!tpu.dma_semaphore, #tpu.memory_space<semaphore_mem>>)
        %dma_wait3A_1169 = arith.constant 0 : i32
        %dma_wait3A_1170 = arith.constant 0 : i32
        %dma_wait3A_1171 = tpu.memref_slice %arg3[%mul3A_48, %dma_wait3A_1169, %dma_wait3A_1170] : memref<2500x2x128xi32, #tpu.memory_space<hbm>> -> memref<312x2x128xi32, #tpu.memory_space<hbm>>
        %dma_wait3A_1172 = arith.constant 0 : i32
        %dma_wait3A_1173 = arith.constant 0 : i32
        %dma_wait3A_1174 = tpu.memref_slice %arg3[%mul3A_48, %dma_wait3A_1172, %dma_wait3A_1173] : memref<2500x2x128xi32, #tpu.memory_space<hbm>> -> memref<312x2x128xi32, #tpu.memory_space<hbm>>
        tpu.wait_dma2 semaphore(%run_scoped3A_1162 : memref<!tpu.dma_semaphore, #tpu.memory_space<semaphore_mem>>) src(%dma_wait3A_1174 : memref<312x2x128xi32, #tpu.memory_space<hbm>>) dst(%arg8 : memref<312x2x128xi32, #tpu.memory_space<vmem>>)
        tpu.yield
      }) : () -> ()
      %jit3A_1141 = arith.constant 8 : i32
      %eq3A_1142 = arith.constant 0 : i32
      %eq3A_1143 = arith.cmpi eq, %jit3A_1141, %eq3A_1142 : i32
      %jit3A_1144 = arith.constant 1 : i32
      %select_n3A_1145 = arith.select %eq3A_1143, %jit3A_1144, %jit3A_1141 : i32
      %rem3A_1146 = arith.remsi %add3A, %select_n3A_1145 : i32
      %ne3A_1147 = arith.constant 0 : i32
      %ne3A_1148 = arith.cmpi ne, %rem3A_1146, %ne3A_1147 : i32
      %lt3A_1149 = arith.constant 0 : i32
      %lt3A_1150 = arith.cmpi slt, %rem3A_1146, %lt3A_1149 : i32
      %lt3A_1151 = arith.constant 0 : i32
      %lt3A_1152 = arith.cmpi slt, %select_n3A_1145, %lt3A_1151 : i32
      %ne3A_1153 = arith.xori %lt3A_1150, %lt3A_1152 : i1
      %and3A_1154 = arith.andi %ne3A_1153, %ne3A_1148 : i1
      %add3A_1155 = arith.addi %rem3A_1146, %select_n3A_1145 : i32
      %select_n3A_1156 = arith.select %and3A_1154, %add3A_1155, %rem3A_1146 : i32
      %eq3A_1157 = arith.constant 0 : i32
      %eq3A_1158 = arith.cmpi eq, %select_n3A_1156, %eq3A_1157 : i32
      %convert_element_type3A_1159 = arith.extui %eq3A_1158 : i1 to i32
      %cond3A_1160 = arith.constant 0 : i32
      %cond3A_1161 = arith.cmpi ne, %convert_element_type3A_1159, %cond3A_1160 : i32
      scf.if %cond3A_1161 {
        "tpu.region"() ({
          %run_scoped3A_1162 = tpu.sem_alloc : memref<!tpu.dma_semaphore, #tpu.memory_space<semaphore_mem>>
          %dma_start3A_1163 = arith.constant 2496 : i32
          %dma_start3A_1164 = arith.constant 0 : i32
          %dma_start3A_1165 = arith.constant 0 : i32
          %dma_start3A_1166 = tpu.memref_slice %arg3[%dma_start3A_1163, %dma_start3A_1164, %dma_start3A_1165] : memref<2500x2x128xi32, #tpu.memory_space<hbm>> -> memref<4x2x128xi32, #tpu.memory_space<hbm>>
          %dma_start3A_1167 = arith.constant 2496 : i32
          %dma_start3A_1168 = arith.constant 0 : i32
          %dma_start3A_1169 = arith.constant 0 : i32
          %dma_start3A_1170 = tpu.memref_slice %arg3[%dma_start3A_1167, %dma_start3A_1168, %dma_start3A_1169] : memref<2500x2x128xi32, #tpu.memory_space<hbm>> -> memref<4x2x128xi32, #tpu.memory_space<hbm>>
          tpu.enqueue_dma source(%dma_start3A_1170 : memref<4x2x128xi32, #tpu.memory_space<hbm>>) target(%arg9 : memref<4x2x128xi32, #tpu.memory_space<vmem>>) target_semaphore(%run_scoped3A_1162 : memref<!tpu.dma_semaphore, #tpu.memory_space<semaphore_mem>>)
          %dma_wait3A_1171 = arith.constant 2496 : i32
          %dma_wait3A_1172 = arith.constant 0 : i32
          %dma_wait3A_1173 = arith.constant 0 : i32
          %dma_wait3A_1174 = tpu.memref_slice %arg3[%dma_wait3A_1171, %dma_wait3A_1172, %dma_wait3A_1173] : memref<2500x2x128xi32, #tpu.memory_space<hbm>> -> memref<4x2x128xi32, #tpu.memory_space<hbm>>
          %dma_wait3A_1175 = arith.constant 2496 : i32
          %dma_wait3A_1176 = arith.constant 0 : i32
          %dma_wait3A_1177 = arith.constant 0 : i32
          %dma_wait3A_1178 = tpu.memref_slice %arg3[%dma_wait3A_1175, %dma_wait3A_1176, %dma_wait3A_1177] : memref<2500x2x128xi32, #tpu.memory_space<hbm>> -> memref<4x2x128xi32, #tpu.memory_space<hbm>>
          tpu.wait_dma2 semaphore(%run_scoped3A_1162 : memref<!tpu.dma_semaphore, #tpu.memory_space<semaphore_mem>>) src(%dma_wait3A_1178 : memref<4x2x128xi32, #tpu.memory_space<hbm>>) dst(%arg9 : memref<4x2x128xi32, #tpu.memory_space<vmem>>)
          tpu.yield
        }) : () -> ()
      } else {
      }
    } else {
    }
    %eq3A_93 = arith.constant 2 : i32
    %eq3A_94 = arith.cmpi eq, %select_n3A, %eq3A_93 : i32
    %convert_element_type3A_95 = arith.extui %eq3A_94 : i1 to i32
    %cond3A_96 = arith.constant 0 : i32
    %cond3A_97 = arith.cmpi ne, %convert_element_type3A_95, %cond3A_96 : i32
    scf.if %cond3A_97 {
      "tpu.region"() ({
        %run_scoped3A_1162 = tpu.sem_alloc : memref<!tpu.dma_semaphore, #tpu.memory_space<semaphore_mem>>
        %dma_start3A_1163 = arith.constant 0 : i32
        %dma_start3A_1164 = arith.constant 0 : i32
        %dma_start3A_1165 = tpu.memref_slice %arg4[%mul3A_48, %dma_start3A_1163, %dma_start3A_1164] : memref<2500x2x128xi32, #tpu.memory_space<hbm>> -> memref<312x2x128xi32, #tpu.memory_space<hbm>>
        %dma_start3A_1166 = arith.constant 0 : i32
        %dma_start3A_1167 = arith.constant 0 : i32
        %dma_start3A_1168 = tpu.memref_slice %arg4[%mul3A_48, %dma_start3A_1166, %dma_start3A_1167] : memref<2500x2x128xi32, #tpu.memory_space<hbm>> -> memref<312x2x128xi32, #tpu.memory_space<hbm>>
        tpu.enqueue_dma source(%dma_start3A_1168 : memref<312x2x128xi32, #tpu.memory_space<hbm>>) target(%arg8 : memref<312x2x128xi32, #tpu.memory_space<vmem>>) target_semaphore(%run_scoped3A_1162 : memref<!tpu.dma_semaphore, #tpu.memory_space<semaphore_mem>>)
        %dma_wait3A_1169 = arith.constant 0 : i32
        %dma_wait3A_1170 = arith.constant 0 : i32
        %dma_wait3A_1171 = tpu.memref_slice %arg4[%mul3A_48, %dma_wait3A_1169, %dma_wait3A_1170] : memref<2500x2x128xi32, #tpu.memory_space<hbm>> -> memref<312x2x128xi32, #tpu.memory_space<hbm>>
        %dma_wait3A_1172 = arith.constant 0 : i32
        %dma_wait3A_1173 = arith.constant 0 : i32
        %dma_wait3A_1174 = tpu.memref_slice %arg4[%mul3A_48, %dma_wait3A_1172, %dma_wait3A_1173] : memref<2500x2x128xi32, #tpu.memory_space<hbm>> -> memref<312x2x128xi32, #tpu.memory_space<hbm>>
        tpu.wait_dma2 semaphore(%run_scoped3A_1162 : memref<!tpu.dma_semaphore, #tpu.memory_space<semaphore_mem>>) src(%dma_wait3A_1174 : memref<312x2x128xi32, #tpu.memory_space<hbm>>) dst(%arg8 : memref<312x2x128xi32, #tpu.memory_space<vmem>>)
        tpu.yield
      }) : () -> ()
      %jit3A_1141 = arith.constant 8 : i32
      %eq3A_1142 = arith.constant 0 : i32
      %eq3A_1143 = arith.cmpi eq, %jit3A_1141, %eq3A_1142 : i32
      %jit3A_1144 = arith.constant 1 : i32
      %select_n3A_1145 = arith.select %eq3A_1143, %jit3A_1144, %jit3A_1141 : i32
      %rem3A_1146 = arith.remsi %add3A, %select_n3A_1145 : i32
      %ne3A_1147 = arith.constant 0 : i32
      %ne3A_1148 = arith.cmpi ne, %rem3A_1146, %ne3A_1147 : i32
      %lt3A_1149 = arith.constant 0 : i32
      %lt3A_1150 = arith.cmpi slt, %rem3A_1146, %lt3A_1149 : i32
      %lt3A_1151 = arith.constant 0 : i32
      %lt3A_1152 = arith.cmpi slt, %select_n3A_1145, %lt3A_1151 : i32
      %ne3A_1153 = arith.xori %lt3A_1150, %lt3A_1152 : i1
      %and3A_1154 = arith.andi %ne3A_1153, %ne3A_1148 : i1
      %add3A_1155 = arith.addi %rem3A_1146, %select_n3A_1145 : i32
      %select_n3A_1156 = arith.select %and3A_1154, %add3A_1155, %rem3A_1146 : i32
      %eq3A_1157 = arith.constant 0 : i32
      %eq3A_1158 = arith.cmpi eq, %select_n3A_1156, %eq3A_1157 : i32
      %convert_element_type3A_1159 = arith.extui %eq3A_1158 : i1 to i32
      %cond3A_1160 = arith.constant 0 : i32
      %cond3A_1161 = arith.cmpi ne, %convert_element_type3A_1159, %cond3A_1160 : i32
      scf.if %cond3A_1161 {
        "tpu.region"() ({
          %run_scoped3A_1162 = tpu.sem_alloc : memref<!tpu.dma_semaphore, #tpu.memory_space<semaphore_mem>>
          %dma_start3A_1163 = arith.constant 2496 : i32
          %dma_start3A_1164 = arith.constant 0 : i32
          %dma_start3A_1165 = arith.constant 0 : i32
          %dma_start3A_1166 = tpu.memref_slice %arg4[%dma_start3A_1163, %dma_start3A_1164, %dma_start3A_1165] : memref<2500x2x128xi32, #tpu.memory_space<hbm>> -> memref<4x2x128xi32, #tpu.memory_space<hbm>>
          %dma_start3A_1167 = arith.constant 2496 : i32
          %dma_start3A_1168 = arith.constant 0 : i32
          %dma_start3A_1169 = arith.constant 0 : i32
          %dma_start3A_1170 = tpu.memref_slice %arg4[%dma_start3A_1167, %dma_start3A_1168, %dma_start3A_1169] : memref<2500x2x128xi32, #tpu.memory_space<hbm>> -> memref<4x2x128xi32, #tpu.memory_space<hbm>>
          tpu.enqueue_dma source(%dma_start3A_1170 : memref<4x2x128xi32, #tpu.memory_space<hbm>>) target(%arg9 : memref<4x2x128xi32, #tpu.memory_space<vmem>>) target_semaphore(%run_scoped3A_1162 : memref<!tpu.dma_semaphore, #tpu.memory_space<semaphore_mem>>)
          %dma_wait3A_1171 = arith.constant 2496 : i32
          %dma_wait3A_1172 = arith.constant 0 : i32
          %dma_wait3A_1173 = arith.constant 0 : i32
          %dma_wait3A_1174 = tpu.memref_slice %arg4[%dma_wait3A_1171, %dma_wait3A_1172, %dma_wait3A_1173] : memref<2500x2x128xi32, #tpu.memory_space<hbm>> -> memref<4x2x128xi32, #tpu.memory_space<hbm>>
          %dma_wait3A_1175 = arith.constant 2496 : i32
          %dma_wait3A_1176 = arith.constant 0 : i32
          %dma_wait3A_1177 = arith.constant 0 : i32
          %dma_wait3A_1178 = tpu.memref_slice %arg4[%dma_wait3A_1175, %dma_wait3A_1176, %dma_wait3A_1177] : memref<2500x2x128xi32, #tpu.memory_space<hbm>> -> memref<4x2x128xi32, #tpu.memory_space<hbm>>
          tpu.wait_dma2 semaphore(%run_scoped3A_1162 : memref<!tpu.dma_semaphore, #tpu.memory_space<semaphore_mem>>) src(%dma_wait3A_1178 : memref<4x2x128xi32, #tpu.memory_space<hbm>>) dst(%arg9 : memref<4x2x128xi32, #tpu.memory_space<vmem>>)
          tpu.yield
        }) : () -> ()
      } else {
      }
    } else {
    }
    %eq3A_98 = arith.constant 3 : i32
    %eq3A_99 = arith.cmpi eq, %select_n3A, %eq3A_98 : i32
    %convert_element_type3A_100 = arith.extui %eq3A_99 : i1 to i32
    %cond3A_101 = arith.constant 0 : i32
    %cond3A_102 = arith.cmpi ne, %convert_element_type3A_100, %cond3A_101 : i32
    scf.if %cond3A_102 {
      "tpu.region"() ({
        %run_scoped3A_1162 = tpu.sem_alloc : memref<!tpu.dma_semaphore, #tpu.memory_space<semaphore_mem>>
        %dma_start3A_1163 = arith.constant 0 : i32
        %dma_start3A_1164 = arith.constant 0 : i32
        %dma_start3A_1165 = tpu.memref_slice %arg5[%mul3A_48, %dma_start3A_1163, %dma_start3A_1164] : memref<2500x2x128xi32, #tpu.memory_space<hbm>> -> memref<312x2x128xi32, #tpu.memory_space<hbm>>
        %dma_start3A_1166 = arith.constant 0 : i32
        %dma_start3A_1167 = arith.constant 0 : i32
        %dma_start3A_1168 = tpu.memref_slice %arg5[%mul3A_48, %dma_start3A_1166, %dma_start3A_1167] : memref<2500x2x128xi32, #tpu.memory_space<hbm>> -> memref<312x2x128xi32, #tpu.memory_space<hbm>>
        tpu.enqueue_dma source(%dma_start3A_1168 : memref<312x2x128xi32, #tpu.memory_space<hbm>>) target(%arg8 : memref<312x2x128xi32, #tpu.memory_space<vmem>>) target_semaphore(%run_scoped3A_1162 : memref<!tpu.dma_semaphore, #tpu.memory_space<semaphore_mem>>)
        %dma_wait3A_1169 = arith.constant 0 : i32
        %dma_wait3A_1170 = arith.constant 0 : i32
        %dma_wait3A_1171 = tpu.memref_slice %arg5[%mul3A_48, %dma_wait3A_1169, %dma_wait3A_1170] : memref<2500x2x128xi32, #tpu.memory_space<hbm>> -> memref<312x2x128xi32, #tpu.memory_space<hbm>>
        %dma_wait3A_1172 = arith.constant 0 : i32
        %dma_wait3A_1173 = arith.constant 0 : i32
        %dma_wait3A_1174 = tpu.memref_slice %arg5[%mul3A_48, %dma_wait3A_1172, %dma_wait3A_1173] : memref<2500x2x128xi32, #tpu.memory_space<hbm>> -> memref<312x2x128xi32, #tpu.memory_space<hbm>>
        tpu.wait_dma2 semaphore(%run_scoped3A_1162 : memref<!tpu.dma_semaphore, #tpu.memory_space<semaphore_mem>>) src(%dma_wait3A_1174 : memref<312x2x128xi32, #tpu.memory_space<hbm>>) dst(%arg8 : memref<312x2x128xi32, #tpu.memory_space<vmem>>)
        tpu.yield
      }) : () -> ()
      %jit3A_1141 = arith.constant 8 : i32
      %eq3A_1142 = arith.constant 0 : i32
      %eq3A_1143 = arith.cmpi eq, %jit3A_1141, %eq3A_1142 : i32
      %jit3A_1144 = arith.constant 1 : i32
      %select_n3A_1145 = arith.select %eq3A_1143, %jit3A_1144, %jit3A_1141 : i32
      %rem3A_1146 = arith.remsi %add3A, %select_n3A_1145 : i32
      %ne3A_1147 = arith.constant 0 : i32
      %ne3A_1148 = arith.cmpi ne, %rem3A_1146, %ne3A_1147 : i32
      %lt3A_1149 = arith.constant 0 : i32
      %lt3A_1150 = arith.cmpi slt, %rem3A_1146, %lt3A_1149 : i32
      %lt3A_1151 = arith.constant 0 : i32
      %lt3A_1152 = arith.cmpi slt, %select_n3A_1145, %lt3A_1151 : i32
      %ne3A_1153 = arith.xori %lt3A_1150, %lt3A_1152 : i1
      %and3A_1154 = arith.andi %ne3A_1153, %ne3A_1148 : i1
      %add3A_1155 = arith.addi %rem3A_1146, %select_n3A_1145 : i32
      %select_n3A_1156 = arith.select %and3A_1154, %add3A_1155, %rem3A_1146 : i32
      %eq3A_1157 = arith.constant 0 : i32
      %eq3A_1158 = arith.cmpi eq, %select_n3A_1156, %eq3A_1157 : i32
      %convert_element_type3A_1159 = arith.extui %eq3A_1158 : i1 to i32
      %cond3A_1160 = arith.constant 0 : i32
      %cond3A_1161 = arith.cmpi ne, %convert_element_type3A_1159, %cond3A_1160 : i32
      scf.if %cond3A_1161 {
        "tpu.region"() ({
          %run_scoped3A_1162 = tpu.sem_alloc : memref<!tpu.dma_semaphore, #tpu.memory_space<semaphore_mem>>
          %dma_start3A_1163 = arith.constant 2496 : i32
          %dma_start3A_1164 = arith.constant 0 : i32
          %dma_start3A_1165 = arith.constant 0 : i32
          %dma_start3A_1166 = tpu.memref_slice %arg5[%dma_start3A_1163, %dma_start3A_1164, %dma_start3A_1165] : memref<2500x2x128xi32, #tpu.memory_space<hbm>> -> memref<4x2x128xi32, #tpu.memory_space<hbm>>
          %dma_start3A_1167 = arith.constant 2496 : i32
          %dma_start3A_1168 = arith.constant 0 : i32
          %dma_start3A_1169 = arith.constant 0 : i32
          %dma_start3A_1170 = tpu.memref_slice %arg5[%dma_start3A_1167, %dma_start3A_1168, %dma_start3A_1169] : memref<2500x2x128xi32, #tpu.memory_space<hbm>> -> memref<4x2x128xi32, #tpu.memory_space<hbm>>
          tpu.enqueue_dma source(%dma_start3A_1170 : memref<4x2x128xi32, #tpu.memory_space<hbm>>) target(%arg9 : memref<4x2x128xi32, #tpu.memory_space<vmem>>) target_semaphore(%run_scoped3A_1162 : memref<!tpu.dma_semaphore, #tpu.memory_space<semaphore_mem>>)
          %dma_wait3A_1171 = arith.constant 2496 : i32
          %dma_wait3A_1172 = arith.constant 0 : i32
          %dma_wait3A_1173 = arith.constant 0 : i32
          %dma_wait3A_1174 = tpu.memref_slice %arg5[%dma_wait3A_1171, %dma_wait3A_1172, %dma_wait3A_1173] : memref<2500x2x128xi32, #tpu.memory_space<hbm>> -> memref<4x2x128xi32, #tpu.memory_space<hbm>>
          %dma_wait3A_1175 = arith.constant 2496 : i32
          %dma_wait3A_1176 = arith.constant 0 : i32
          %dma_wait3A_1177 = arith.constant 0 : i32
          %dma_wait3A_1178 = tpu.memref_slice %arg5[%dma_wait3A_1175, %dma_wait3A_1176, %dma_wait3A_1177] : memref<2500x2x128xi32, #tpu.memory_space<hbm>> -> memref<4x2x128xi32, #tpu.memory_space<hbm>>
          tpu.wait_dma2 semaphore(%run_scoped3A_1162 : memref<!tpu.dma_semaphore, #tpu.memory_space<semaphore_mem>>) src(%dma_wait3A_1178 : memref<4x2x128xi32, #tpu.memory_space<hbm>>) dst(%arg9 : memref<4x2x128xi32, #tpu.memory_space<vmem>>)
          tpu.yield
        }) : () -> ()
      } else {
      }
    } else {
    }
    %dma_start3A = arith.constant 0 : i32
    %dma_start3A_103 = arith.constant 0 : i32
    %dma_start3A_104 = arith.constant 0 : i32
    %dma_start3A_105 = arith.constant 0 : i32
    %dma_start3A_106 = arith.constant 0 : i32
    %dma_start3A_107 = arith.constant 0 : i32
    %dma_start3A_108 = arith.constant 0 : i32
    %dma_start3A_109 = tpu.memref_slice %arg10[%dma_start3A_104, %dma_start3A_105, %dma_start3A_107, %dma_start3A_108] : memref<2x6x128x16xf32, #tpu.memory_space<vmem>> -> memref<1x1x128x16xf32, #tpu.memory_space<vmem>>
    %dma_start3A_110 = tpu.memref_squeeze %dma_start3A_109 : memref<1x1x128x16xf32, #tpu.memory_space<vmem>> -> memref<128x16xf32, #tpu.memory_space<vmem>>
    %dma_start3A_111 = arith.constant 0 : i32
    %dma_start3A_112 = tpu.memref_slice %arg8[%dma_start3A, %dma_start3A_103, %dma_start3A_111] : memref<312x2x128xi32, #tpu.memory_space<vmem>> -> memref<1x1x128xi32, #tpu.memory_space<vmem>>
    %dma_start3A_113 = tpu.memref_squeeze %dma_start3A_112 : memref<1x1x128xi32, #tpu.memory_space<vmem>> -> memref<128xi32, #tpu.memory_space<vmem>>
    %dma_start3A_114 = arith.constant 0 : i32
    %dma_start3A_115 = arith.constant 0 : i32
    %dma_start3A_116 = tpu.memref_slice %arg6[%select_n3A, %dma_start3A_114, %dma_start3A_115] : memref<4x10240x16xf32, #tpu.memory_space<hbm>> -> memref<1x10240x16xf32, #tpu.memory_space<hbm>>
    %dma_start3A_117 = tpu.memref_squeeze %dma_start3A_116 : memref<1x10240x16xf32, #tpu.memory_space<hbm>> -> memref<10240x16xf32, #tpu.memory_space<hbm>>
    %dma_start3A_118 = arith.constant 0 : i32
    %dma_start3A_119 = arith.constant 0 : i32
    %dma_start3A_120 = tpu.memref_slice %dma_start3A_117[%dma_start3A_118, %dma_start3A_119] : memref<10240x16xf32, #tpu.memory_space<hbm>> -> memref<10240x16xf32, #tpu.memory_space<hbm>>
    %dma_start3A_121 = tpu.memref_slice %arg13[%dma_start3A_106] : memref<2x!tpu.dma_semaphore, #tpu.memory_space<semaphore_mem>> -> memref<1x!tpu.dma_semaphore, #tpu.memory_space<semaphore_mem>>
    %dma_start3A_122 = tpu.memref_squeeze %dma_start3A_121 : memref<1x!tpu.dma_semaphore, #tpu.memory_space<semaphore_mem>> -> memref<!tpu.dma_semaphore, #tpu.memory_space<semaphore_mem>>
    tpu.enqueue_indirect_dma source(%dma_start3A_120 : memref<10240x16xf32, #tpu.memory_space<hbm>>) target(%dma_start3A_110 : memref<128x16xf32, #tpu.memory_space<vmem>>) offsets(%dma_start3A_113 : memref<128xi32, #tpu.memory_space<vmem>>) semaphore(%dma_start3A_122 : memref<!tpu.dma_semaphore, #tpu.memory_space<semaphore_mem>>)
    %dma_start3A_123 = arith.constant 1 : i32
    %dma_start3A_124 = arith.constant 0 : i32
    %dma_start3A_125 = arith.constant 0 : i32
    %dma_start3A_126 = arith.constant 1 : i32
    %dma_start3A_127 = arith.constant 0 : i32
    %dma_start3A_128 = arith.constant 0 : i32
    %dma_start3A_129 = arith.constant 0 : i32
    %dma_start3A_130 = tpu.memref_slice %arg10[%dma_start3A_125, %dma_start3A_126, %dma_start3A_128, %dma_start3A_129] : memref<2x6x128x16xf32, #tpu.memory_space<vmem>> -> memref<1x1x128x16xf32, #tpu.memory_space<vmem>>
    %dma_start3A_131 = tpu.memref_squeeze %dma_start3A_130 : memref<1x1x128x16xf32, #tpu.memory_space<vmem>> -> memref<128x16xf32, #tpu.memory_space<vmem>>
    %dma_start3A_132 = arith.constant 0 : i32
    %dma_start3A_133 = tpu.memref_slice %arg8[%dma_start3A_123, %dma_start3A_124, %dma_start3A_132] : memref<312x2x128xi32, #tpu.memory_space<vmem>> -> memref<1x1x128xi32, #tpu.memory_space<vmem>>
    %dma_start3A_134 = tpu.memref_squeeze %dma_start3A_133 : memref<1x1x128xi32, #tpu.memory_space<vmem>> -> memref<128xi32, #tpu.memory_space<vmem>>
    %dma_start3A_135 = arith.constant 0 : i32
    %dma_start3A_136 = arith.constant 0 : i32
    %dma_start3A_137 = tpu.memref_slice %arg6[%select_n3A, %dma_start3A_135, %dma_start3A_136] : memref<4x10240x16xf32, #tpu.memory_space<hbm>> -> memref<1x10240x16xf32, #tpu.memory_space<hbm>>
    %dma_start3A_138 = tpu.memref_squeeze %dma_start3A_137 : memref<1x10240x16xf32, #tpu.memory_space<hbm>> -> memref<10240x16xf32, #tpu.memory_space<hbm>>
    %dma_start3A_139 = arith.constant 0 : i32
    %dma_start3A_140 = arith.constant 0 : i32
    %dma_start3A_141 = tpu.memref_slice %dma_start3A_138[%dma_start3A_139, %dma_start3A_140] : memref<10240x16xf32, #tpu.memory_space<hbm>> -> memref<10240x16xf32, #tpu.memory_space<hbm>>
    %dma_start3A_142 = tpu.memref_slice %arg13[%dma_start3A_127] : memref<2x!tpu.dma_semaphore, #tpu.memory_space<semaphore_mem>> -> memref<1x!tpu.dma_semaphore, #tpu.memory_space<semaphore_mem>>
    %dma_start3A_143 = tpu.memref_squeeze %dma_start3A_142 : memref<1x!tpu.dma_semaphore, #tpu.memory_space<semaphore_mem>> -> memref<!tpu.dma_semaphore, #tpu.memory_space<semaphore_mem>>
    tpu.enqueue_indirect_dma source(%dma_start3A_141 : memref<10240x16xf32, #tpu.memory_space<hbm>>) target(%dma_start3A_131 : memref<128x16xf32, #tpu.memory_space<vmem>>) offsets(%dma_start3A_134 : memref<128xi32, #tpu.memory_space<vmem>>) semaphore(%dma_start3A_143 : memref<!tpu.dma_semaphore, #tpu.memory_space<semaphore_mem>>)
    %dma_start3A_144 = arith.constant 2 : i32
    %dma_start3A_145 = arith.constant 0 : i32
    %dma_start3A_146 = arith.constant 0 : i32
    %dma_start3A_147 = arith.constant 2 : i32
    %dma_start3A_148 = arith.constant 0 : i32
    %dma_start3A_149 = arith.constant 0 : i32
    %dma_start3A_150 = arith.constant 0 : i32
    %dma_start3A_151 = tpu.memref_slice %arg10[%dma_start3A_146, %dma_start3A_147, %dma_start3A_149, %dma_start3A_150] : memref<2x6x128x16xf32, #tpu.memory_space<vmem>> -> memref<1x1x128x16xf32, #tpu.memory_space<vmem>>
    %dma_start3A_152 = tpu.memref_squeeze %dma_start3A_151 : memref<1x1x128x16xf32, #tpu.memory_space<vmem>> -> memref<128x16xf32, #tpu.memory_space<vmem>>
    %dma_start3A_153 = arith.constant 0 : i32
    %dma_start3A_154 = tpu.memref_slice %arg8[%dma_start3A_144, %dma_start3A_145, %dma_start3A_153] : memref<312x2x128xi32, #tpu.memory_space<vmem>> -> memref<1x1x128xi32, #tpu.memory_space<vmem>>
    %dma_start3A_155 = tpu.memref_squeeze %dma_start3A_154 : memref<1x1x128xi32, #tpu.memory_space<vmem>> -> memref<128xi32, #tpu.memory_space<vmem>>
    %dma_start3A_156 = arith.constant 0 : i32
    %dma_start3A_157 = arith.constant 0 : i32
    %dma_start3A_158 = tpu.memref_slice %arg6[%select_n3A, %dma_start3A_156, %dma_start3A_157] : memref<4x10240x16xf32, #tpu.memory_space<hbm>> -> memref<1x10240x16xf32, #tpu.memory_space<hbm>>
    %dma_start3A_159 = tpu.memref_squeeze %dma_start3A_158 : memref<1x10240x16xf32, #tpu.memory_space<hbm>> -> memref<10240x16xf32, #tpu.memory_space<hbm>>
    %dma_start3A_160 = arith.constant 0 : i32
    %dma_start3A_161 = arith.constant 0 : i32
    %dma_start3A_162 = tpu.memref_slice %dma_start3A_159[%dma_start3A_160, %dma_start3A_161] : memref<10240x16xf32, #tpu.memory_space<hbm>> -> memref<10240x16xf32, #tpu.memory_space<hbm>>
    %dma_start3A_163 = tpu.memref_slice %arg13[%dma_start3A_148] : memref<2x!tpu.dma_semaphore, #tpu.memory_space<semaphore_mem>> -> memref<1x!tpu.dma_semaphore, #tpu.memory_space<semaphore_mem>>
    %dma_start3A_164 = tpu.memref_squeeze %dma_start3A_163 : memref<1x!tpu.dma_semaphore, #tpu.memory_space<semaphore_mem>> -> memref<!tpu.dma_semaphore, #tpu.memory_space<semaphore_mem>>
    tpu.enqueue_indirect_dma source(%dma_start3A_162 : memref<10240x16xf32, #tpu.memory_space<hbm>>) target(%dma_start3A_152 : memref<128x16xf32, #tpu.memory_space<vmem>>) offsets(%dma_start3A_155 : memref<128xi32, #tpu.memory_space<vmem>>) semaphore(%dma_start3A_164 : memref<!tpu.dma_semaphore, #tpu.memory_space<semaphore_mem>>)
    %dma_start3A_165 = arith.constant 3 : i32
    %dma_start3A_166 = arith.constant 0 : i32
    %dma_start3A_167 = arith.constant 0 : i32
    %dma_start3A_168 = arith.constant 3 : i32
    %dma_start3A_169 = arith.constant 0 : i32
    %dma_start3A_170 = arith.constant 0 : i32
    %dma_start3A_171 = arith.constant 0 : i32
    %dma_start3A_172 = tpu.memref_slice %arg10[%dma_start3A_167, %dma_start3A_168, %dma_start3A_170, %dma_start3A_171] : memref<2x6x128x16xf32, #tpu.memory_space<vmem>> -> memref<1x1x128x16xf32, #tpu.memory_space<vmem>>
    %dma_start3A_173 = tpu.memref_squeeze %dma_start3A_172 : memref<1x1x128x16xf32, #tpu.memory_space<vmem>> -> memref<128x16xf32, #tpu.memory_space<vmem>>
    %dma_start3A_174 = arith.constant 0 : i32
    %dma_start3A_175 = tpu.memref_slice %arg8[%dma_start3A_165, %dma_start3A_166, %dma_start3A_174] : memref<312x2x128xi32, #tpu.memory_space<vmem>> -> memref<1x1x128xi32, #tpu.memory_space<vmem>>
    %dma_start3A_176 = tpu.memref_squeeze %dma_start3A_175 : memref<1x1x128xi32, #tpu.memory_space<vmem>> -> memref<128xi32, #tpu.memory_space<vmem>>
    %dma_start3A_177 = arith.constant 0 : i32
    %dma_start3A_178 = arith.constant 0 : i32
    %dma_start3A_179 = tpu.memref_slice %arg6[%select_n3A, %dma_start3A_177, %dma_start3A_178] : memref<4x10240x16xf32, #tpu.memory_space<hbm>> -> memref<1x10240x16xf32, #tpu.memory_space<hbm>>
    %dma_start3A_180 = tpu.memref_squeeze %dma_start3A_179 : memref<1x10240x16xf32, #tpu.memory_space<hbm>> -> memref<10240x16xf32, #tpu.memory_space<hbm>>
    %dma_start3A_181 = arith.constant 0 : i32
    %dma_start3A_182 = arith.constant 0 : i32
    %dma_start3A_183 = tpu.memref_slice %dma_start3A_180[%dma_start3A_181, %dma_start3A_182] : memref<10240x16xf32, #tpu.memory_space<hbm>> -> memref<10240x16xf32, #tpu.memory_space<hbm>>
    %dma_start3A_184 = tpu.memref_slice %arg13[%dma_start3A_169] : memref<2x!tpu.dma_semaphore, #tpu.memory_space<semaphore_mem>> -> memref<1x!tpu.dma_semaphore, #tpu.memory_space<semaphore_mem>>
    %dma_start3A_185 = tpu.memref_squeeze %dma_start3A_184 : memref<1x!tpu.dma_semaphore, #tpu.memory_space<semaphore_mem>> -> memref<!tpu.dma_semaphore, #tpu.memory_space<semaphore_mem>>
    tpu.enqueue_indirect_dma source(%dma_start3A_183 : memref<10240x16xf32, #tpu.memory_space<hbm>>) target(%dma_start3A_173 : memref<128x16xf32, #tpu.memory_space<vmem>>) offsets(%dma_start3A_176 : memref<128xi32, #tpu.memory_space<vmem>>) semaphore(%dma_start3A_185 : memref<!tpu.dma_semaphore, #tpu.memory_space<semaphore_mem>>)
    %dma_start3A_186 = arith.constant 4 : i32
    %dma_start3A_187 = arith.constant 0 : i32
    %dma_start3A_188 = arith.constant 0 : i32
    %dma_start3A_189 = arith.constant 4 : i32
    %dma_start3A_190 = arith.constant 0 : i32
    %dma_start3A_191 = arith.constant 0 : i32
    %dma_start3A_192 = arith.constant 0 : i32
    %dma_start3A_193 = tpu.memref_slice %arg10[%dma_start3A_188, %dma_start3A_189, %dma_start3A_191, %dma_start3A_192] : memref<2x6x128x16xf32, #tpu.memory_space<vmem>> -> memref<1x1x128x16xf32, #tpu.memory_space<vmem>>
    %dma_start3A_194 = tpu.memref_squeeze %dma_start3A_193 : memref<1x1x128x16xf32, #tpu.memory_space<vmem>> -> memref<128x16xf32, #tpu.memory_space<vmem>>
    %dma_start3A_195 = arith.constant 0 : i32
    %dma_start3A_196 = tpu.memref_slice %arg8[%dma_start3A_186, %dma_start3A_187, %dma_start3A_195] : memref<312x2x128xi32, #tpu.memory_space<vmem>> -> memref<1x1x128xi32, #tpu.memory_space<vmem>>
    %dma_start3A_197 = tpu.memref_squeeze %dma_start3A_196 : memref<1x1x128xi32, #tpu.memory_space<vmem>> -> memref<128xi32, #tpu.memory_space<vmem>>
    %dma_start3A_198 = arith.constant 0 : i32
    %dma_start3A_199 = arith.constant 0 : i32
    %dma_start3A_200 = tpu.memref_slice %arg6[%select_n3A, %dma_start3A_198, %dma_start3A_199] : memref<4x10240x16xf32, #tpu.memory_space<hbm>> -> memref<1x10240x16xf32, #tpu.memory_space<hbm>>
    %dma_start3A_201 = tpu.memref_squeeze %dma_start3A_200 : memref<1x10240x16xf32, #tpu.memory_space<hbm>> -> memref<10240x16xf32, #tpu.memory_space<hbm>>
    %dma_start3A_202 = arith.constant 0 : i32
    %dma_start3A_203 = arith.constant 0 : i32
    %dma_start3A_204 = tpu.memref_slice %dma_start3A_201[%dma_start3A_202, %dma_start3A_203] : memref<10240x16xf32, #tpu.memory_space<hbm>> -> memref<10240x16xf32, #tpu.memory_space<hbm>>
    %dma_start3A_205 = tpu.memref_slice %arg13[%dma_start3A_190] : memref<2x!tpu.dma_semaphore, #tpu.memory_space<semaphore_mem>> -> memref<1x!tpu.dma_semaphore, #tpu.memory_space<semaphore_mem>>
    %dma_start3A_206 = tpu.memref_squeeze %dma_start3A_205 : memref<1x!tpu.dma_semaphore, #tpu.memory_space<semaphore_mem>> -> memref<!tpu.dma_semaphore, #tpu.memory_space<semaphore_mem>>
    tpu.enqueue_indirect_dma source(%dma_start3A_204 : memref<10240x16xf32, #tpu.memory_space<hbm>>) target(%dma_start3A_194 : memref<128x16xf32, #tpu.memory_space<vmem>>) offsets(%dma_start3A_197 : memref<128xi32, #tpu.memory_space<vmem>>) semaphore(%dma_start3A_206 : memref<!tpu.dma_semaphore, #tpu.memory_space<semaphore_mem>>)
    %dma_start3A_207 = arith.constant 5 : i32
    %dma_start3A_208 = arith.constant 0 : i32
    %dma_start3A_209 = arith.constant 0 : i32
    %dma_start3A_210 = arith.constant 5 : i32
    %dma_start3A_211 = arith.constant 0 : i32
    %dma_start3A_212 = arith.constant 0 : i32
    %dma_start3A_213 = arith.constant 0 : i32
    %dma_start3A_214 = tpu.memref_slice %arg10[%dma_start3A_209, %dma_start3A_210, %dma_start3A_212, %dma_start3A_213] : memref<2x6x128x16xf32, #tpu.memory_space<vmem>> -> memref<1x1x128x16xf32, #tpu.memory_space<vmem>>
    %dma_start3A_215 = tpu.memref_squeeze %dma_start3A_214 : memref<1x1x128x16xf32, #tpu.memory_space<vmem>> -> memref<128x16xf32, #tpu.memory_space<vmem>>
    %dma_start3A_216 = arith.constant 0 : i32
    %dma_start3A_217 = tpu.memref_slice %arg8[%dma_start3A_207, %dma_start3A_208, %dma_start3A_216] : memref<312x2x128xi32, #tpu.memory_space<vmem>> -> memref<1x1x128xi32, #tpu.memory_space<vmem>>
    %dma_start3A_218 = tpu.memref_squeeze %dma_start3A_217 : memref<1x1x128xi32, #tpu.memory_space<vmem>> -> memref<128xi32, #tpu.memory_space<vmem>>
    %dma_start3A_219 = arith.constant 0 : i32
    %dma_start3A_220 = arith.constant 0 : i32
    %dma_start3A_221 = tpu.memref_slice %arg6[%select_n3A, %dma_start3A_219, %dma_start3A_220] : memref<4x10240x16xf32, #tpu.memory_space<hbm>> -> memref<1x10240x16xf32, #tpu.memory_space<hbm>>
    %dma_start3A_222 = tpu.memref_squeeze %dma_start3A_221 : memref<1x10240x16xf32, #tpu.memory_space<hbm>> -> memref<10240x16xf32, #tpu.memory_space<hbm>>
    %dma_start3A_223 = arith.constant 0 : i32
    %dma_start3A_224 = arith.constant 0 : i32
    %dma_start3A_225 = tpu.memref_slice %dma_start3A_222[%dma_start3A_223, %dma_start3A_224] : memref<10240x16xf32, #tpu.memory_space<hbm>> -> memref<10240x16xf32, #tpu.memory_space<hbm>>
    %dma_start3A_226 = tpu.memref_slice %arg13[%dma_start3A_211] : memref<2x!tpu.dma_semaphore, #tpu.memory_space<semaphore_mem>> -> memref<1x!tpu.dma_semaphore, #tpu.memory_space<semaphore_mem>>
    %dma_start3A_227 = tpu.memref_squeeze %dma_start3A_226 : memref<1x!tpu.dma_semaphore, #tpu.memory_space<semaphore_mem>> -> memref<!tpu.dma_semaphore, #tpu.memory_space<semaphore_mem>>
    tpu.enqueue_indirect_dma source(%dma_start3A_225 : memref<10240x16xf32, #tpu.memory_space<hbm>>) target(%dma_start3A_215 : memref<128x16xf32, #tpu.memory_space<vmem>>) offsets(%dma_start3A_218 : memref<128xi32, #tpu.memory_space<vmem>>) semaphore(%dma_start3A_227 : memref<!tpu.dma_semaphore, #tpu.memory_space<semaphore_mem>>)
    %dma_start3A_228 = arith.constant 6 : i32
    %dma_start3A_229 = arith.constant 0 : i32
    %dma_start3A_230 = arith.constant 1 : i32
    %dma_start3A_231 = arith.constant 0 : i32
    %dma_start3A_232 = arith.constant 1 : i32
    %dma_start3A_233 = arith.constant 0 : i32
    %dma_start3A_234 = arith.constant 0 : i32
    %dma_start3A_235 = tpu.memref_slice %arg10[%dma_start3A_230, %dma_start3A_231, %dma_start3A_233, %dma_start3A_234] : memref<2x6x128x16xf32, #tpu.memory_space<vmem>> -> memref<1x1x128x16xf32, #tpu.memory_space<vmem>>
    %dma_start3A_236 = tpu.memref_squeeze %dma_start3A_235 : memref<1x1x128x16xf32, #tpu.memory_space<vmem>> -> memref<128x16xf32, #tpu.memory_space<vmem>>
    %dma_start3A_237 = arith.constant 0 : i32
    %dma_start3A_238 = tpu.memref_slice %arg8[%dma_start3A_228, %dma_start3A_229, %dma_start3A_237] : memref<312x2x128xi32, #tpu.memory_space<vmem>> -> memref<1x1x128xi32, #tpu.memory_space<vmem>>
    %dma_start3A_239 = tpu.memref_squeeze %dma_start3A_238 : memref<1x1x128xi32, #tpu.memory_space<vmem>> -> memref<128xi32, #tpu.memory_space<vmem>>
    %dma_start3A_240 = arith.constant 0 : i32
    %dma_start3A_241 = arith.constant 0 : i32
    %dma_start3A_242 = tpu.memref_slice %arg6[%select_n3A, %dma_start3A_240, %dma_start3A_241] : memref<4x10240x16xf32, #tpu.memory_space<hbm>> -> memref<1x10240x16xf32, #tpu.memory_space<hbm>>
    %dma_start3A_243 = tpu.memref_squeeze %dma_start3A_242 : memref<1x10240x16xf32, #tpu.memory_space<hbm>> -> memref<10240x16xf32, #tpu.memory_space<hbm>>
    %dma_start3A_244 = arith.constant 0 : i32
    %dma_start3A_245 = arith.constant 0 : i32
    %dma_start3A_246 = tpu.memref_slice %dma_start3A_243[%dma_start3A_244, %dma_start3A_245] : memref<10240x16xf32, #tpu.memory_space<hbm>> -> memref<10240x16xf32, #tpu.memory_space<hbm>>
    %dma_start3A_247 = tpu.memref_slice %arg13[%dma_start3A_232] : memref<2x!tpu.dma_semaphore, #tpu.memory_space<semaphore_mem>> -> memref<1x!tpu.dma_semaphore, #tpu.memory_space<semaphore_mem>>
    %dma_start3A_248 = tpu.memref_squeeze %dma_start3A_247 : memref<1x!tpu.dma_semaphore, #tpu.memory_space<semaphore_mem>> -> memref<!tpu.dma_semaphore, #tpu.memory_space<semaphore_mem>>
    tpu.enqueue_indirect_dma source(%dma_start3A_246 : memref<10240x16xf32, #tpu.memory_space<hbm>>) target(%dma_start3A_236 : memref<128x16xf32, #tpu.memory_space<vmem>>) offsets(%dma_start3A_239 : memref<128xi32, #tpu.memory_space<vmem>>) semaphore(%dma_start3A_248 : memref<!tpu.dma_semaphore, #tpu.memory_space<semaphore_mem>>)
    %dma_start3A_249 = arith.constant 7 : i32
    %dma_start3A_250 = arith.constant 0 : i32
    %dma_start3A_251 = arith.constant 1 : i32
    %dma_start3A_252 = arith.constant 1 : i32
    %dma_start3A_253 = arith.constant 1 : i32
    %dma_start3A_254 = arith.constant 0 : i32
    %dma_start3A_255 = arith.constant 0 : i32
    %dma_start3A_256 = tpu.memref_slice %arg10[%dma_start3A_251, %dma_start3A_252, %dma_start3A_254, %dma_start3A_255] : memref<2x6x128x16xf32, #tpu.memory_space<vmem>> -> memref<1x1x128x16xf32, #tpu.memory_space<vmem>>
    %dma_start3A_257 = tpu.memref_squeeze %dma_start3A_256 : memref<1x1x128x16xf32, #tpu.memory_space<vmem>> -> memref<128x16xf32, #tpu.memory_space<vmem>>
    %dma_start3A_258 = arith.constant 0 : i32
    %dma_start3A_259 = tpu.memref_slice %arg8[%dma_start3A_249, %dma_start3A_250, %dma_start3A_258] : memref<312x2x128xi32, #tpu.memory_space<vmem>> -> memref<1x1x128xi32, #tpu.memory_space<vmem>>
    %dma_start3A_260 = tpu.memref_squeeze %dma_start3A_259 : memref<1x1x128xi32, #tpu.memory_space<vmem>> -> memref<128xi32, #tpu.memory_space<vmem>>
    %dma_start3A_261 = arith.constant 0 : i32
    %dma_start3A_262 = arith.constant 0 : i32
    %dma_start3A_263 = tpu.memref_slice %arg6[%select_n3A, %dma_start3A_261, %dma_start3A_262] : memref<4x10240x16xf32, #tpu.memory_space<hbm>> -> memref<1x10240x16xf32, #tpu.memory_space<hbm>>
    %dma_start3A_264 = tpu.memref_squeeze %dma_start3A_263 : memref<1x10240x16xf32, #tpu.memory_space<hbm>> -> memref<10240x16xf32, #tpu.memory_space<hbm>>
    %dma_start3A_265 = arith.constant 0 : i32
    %dma_start3A_266 = arith.constant 0 : i32
    %dma_start3A_267 = tpu.memref_slice %dma_start3A_264[%dma_start3A_265, %dma_start3A_266] : memref<10240x16xf32, #tpu.memory_space<hbm>> -> memref<10240x16xf32, #tpu.memory_space<hbm>>
    %dma_start3A_268 = tpu.memref_slice %arg13[%dma_start3A_253] : memref<2x!tpu.dma_semaphore, #tpu.memory_space<semaphore_mem>> -> memref<1x!tpu.dma_semaphore, #tpu.memory_space<semaphore_mem>>
    %dma_start3A_269 = tpu.memref_squeeze %dma_start3A_268 : memref<1x!tpu.dma_semaphore, #tpu.memory_space<semaphore_mem>> -> memref<!tpu.dma_semaphore, #tpu.memory_space<semaphore_mem>>
    tpu.enqueue_indirect_dma source(%dma_start3A_267 : memref<10240x16xf32, #tpu.memory_space<hbm>>) target(%dma_start3A_257 : memref<128x16xf32, #tpu.memory_space<vmem>>) offsets(%dma_start3A_260 : memref<128xi32, #tpu.memory_space<vmem>>) semaphore(%dma_start3A_269 : memref<!tpu.dma_semaphore, #tpu.memory_space<semaphore_mem>>)
    %dma_start3A_270 = arith.constant 8 : i32
    %dma_start3A_271 = arith.constant 0 : i32
    %dma_start3A_272 = arith.constant 1 : i32
    %dma_start3A_273 = arith.constant 2 : i32
    %dma_start3A_274 = arith.constant 1 : i32
    %dma_start3A_275 = arith.constant 0 : i32
    %dma_start3A_276 = arith.constant 0 : i32
    %dma_start3A_277 = tpu.memref_slice %arg10[%dma_start3A_272, %dma_start3A_273, %dma_start3A_275, %dma_start3A_276] : memref<2x6x128x16xf32, #tpu.memory_space<vmem>> -> memref<1x1x128x16xf32, #tpu.memory_space<vmem>>
    %dma_start3A_278 = tpu.memref_squeeze %dma_start3A_277 : memref<1x1x128x16xf32, #tpu.memory_space<vmem>> -> memref<128x16xf32, #tpu.memory_space<vmem>>
    %dma_start3A_279 = arith.constant 0 : i32
    %dma_start3A_280 = tpu.memref_slice %arg8[%dma_start3A_270, %dma_start3A_271, %dma_start3A_279] : memref<312x2x128xi32, #tpu.memory_space<vmem>> -> memref<1x1x128xi32, #tpu.memory_space<vmem>>
    %dma_start3A_281 = tpu.memref_squeeze %dma_start3A_280 : memref<1x1x128xi32, #tpu.memory_space<vmem>> -> memref<128xi32, #tpu.memory_space<vmem>>
    %dma_start3A_282 = arith.constant 0 : i32
    %dma_start3A_283 = arith.constant 0 : i32
    %dma_start3A_284 = tpu.memref_slice %arg6[%select_n3A, %dma_start3A_282, %dma_start3A_283] : memref<4x10240x16xf32, #tpu.memory_space<hbm>> -> memref<1x10240x16xf32, #tpu.memory_space<hbm>>
    %dma_start3A_285 = tpu.memref_squeeze %dma_start3A_284 : memref<1x10240x16xf32, #tpu.memory_space<hbm>> -> memref<10240x16xf32, #tpu.memory_space<hbm>>
    %dma_start3A_286 = arith.constant 0 : i32
    %dma_start3A_287 = arith.constant 0 : i32
    %dma_start3A_288 = tpu.memref_slice %dma_start3A_285[%dma_start3A_286, %dma_start3A_287] : memref<10240x16xf32, #tpu.memory_space<hbm>> -> memref<10240x16xf32, #tpu.memory_space<hbm>>
    %dma_start3A_289 = tpu.memref_slice %arg13[%dma_start3A_274] : memref<2x!tpu.dma_semaphore, #tpu.memory_space<semaphore_mem>> -> memref<1x!tpu.dma_semaphore, #tpu.memory_space<semaphore_mem>>
    %dma_start3A_290 = tpu.memref_squeeze %dma_start3A_289 : memref<1x!tpu.dma_semaphore, #tpu.memory_space<semaphore_mem>> -> memref<!tpu.dma_semaphore, #tpu.memory_space<semaphore_mem>>
    tpu.enqueue_indirect_dma source(%dma_start3A_288 : memref<10240x16xf32, #tpu.memory_space<hbm>>) target(%dma_start3A_278 : memref<128x16xf32, #tpu.memory_space<vmem>>) offsets(%dma_start3A_281 : memref<128xi32, #tpu.memory_space<vmem>>) semaphore(%dma_start3A_290 : memref<!tpu.dma_semaphore, #tpu.memory_space<semaphore_mem>>)
    %dma_start3A_291 = arith.constant 9 : i32
    %dma_start3A_292 = arith.constant 0 : i32
    %dma_start3A_293 = arith.constant 1 : i32
    %dma_start3A_294 = arith.constant 3 : i32
    %dma_start3A_295 = arith.constant 1 : i32
    %dma_start3A_296 = arith.constant 0 : i32
    %dma_start3A_297 = arith.constant 0 : i32
    %dma_start3A_298 = tpu.memref_slice %arg10[%dma_start3A_293, %dma_start3A_294, %dma_start3A_296, %dma_start3A_297] : memref<2x6x128x16xf32, #tpu.memory_space<vmem>> -> memref<1x1x128x16xf32, #tpu.memory_space<vmem>>
    %dma_start3A_299 = tpu.memref_squeeze %dma_start3A_298 : memref<1x1x128x16xf32, #tpu.memory_space<vmem>> -> memref<128x16xf32, #tpu.memory_space<vmem>>
    %dma_start3A_300 = arith.constant 0 : i32
    %dma_start3A_301 = tpu.memref_slice %arg8[%dma_start3A_291, %dma_start3A_292, %dma_start3A_300] : memref<312x2x128xi32, #tpu.memory_space<vmem>> -> memref<1x1x128xi32, #tpu.memory_space<vmem>>
    %dma_start3A_302 = tpu.memref_squeeze %dma_start3A_301 : memref<1x1x128xi32, #tpu.memory_space<vmem>> -> memref<128xi32, #tpu.memory_space<vmem>>
    %dma_start3A_303 = arith.constant 0 : i32
    %dma_start3A_304 = arith.constant 0 : i32
    %dma_start3A_305 = tpu.memref_slice %arg6[%select_n3A, %dma_start3A_303, %dma_start3A_304] : memref<4x10240x16xf32, #tpu.memory_space<hbm>> -> memref<1x10240x16xf32, #tpu.memory_space<hbm>>
    %dma_start3A_306 = tpu.memref_squeeze %dma_start3A_305 : memref<1x10240x16xf32, #tpu.memory_space<hbm>> -> memref<10240x16xf32, #tpu.memory_space<hbm>>
    %dma_start3A_307 = arith.constant 0 : i32
    %dma_start3A_308 = arith.constant 0 : i32
    %dma_start3A_309 = tpu.memref_slice %dma_start3A_306[%dma_start3A_307, %dma_start3A_308] : memref<10240x16xf32, #tpu.memory_space<hbm>> -> memref<10240x16xf32, #tpu.memory_space<hbm>>
    %dma_start3A_310 = tpu.memref_slice %arg13[%dma_start3A_295] : memref<2x!tpu.dma_semaphore, #tpu.memory_space<semaphore_mem>> -> memref<1x!tpu.dma_semaphore, #tpu.memory_space<semaphore_mem>>
    %dma_start3A_311 = tpu.memref_squeeze %dma_start3A_310 : memref<1x!tpu.dma_semaphore, #tpu.memory_space<semaphore_mem>> -> memref<!tpu.dma_semaphore, #tpu.memory_space<semaphore_mem>>
    tpu.enqueue_indirect_dma source(%dma_start3A_309 : memref<10240x16xf32, #tpu.memory_space<hbm>>) target(%dma_start3A_299 : memref<128x16xf32, #tpu.memory_space<vmem>>) offsets(%dma_start3A_302 : memref<128xi32, #tpu.memory_space<vmem>>) semaphore(%dma_start3A_311 : memref<!tpu.dma_semaphore, #tpu.memory_space<semaphore_mem>>)
    %dma_start3A_312 = arith.constant 10 : i32
    %dma_start3A_313 = arith.constant 0 : i32
    %dma_start3A_314 = arith.constant 1 : i32
    %dma_start3A_315 = arith.constant 4 : i32
    %dma_start3A_316 = arith.constant 1 : i32
    %dma_start3A_317 = arith.constant 0 : i32
    %dma_start3A_318 = arith.constant 0 : i32
    %dma_start3A_319 = tpu.memref_slice %arg10[%dma_start3A_314, %dma_start3A_315, %dma_start3A_317, %dma_start3A_318] : memref<2x6x128x16xf32, #tpu.memory_space<vmem>> -> memref<1x1x128x16xf32, #tpu.memory_space<vmem>>
    %dma_start3A_320 = tpu.memref_squeeze %dma_start3A_319 : memref<1x1x128x16xf32, #tpu.memory_space<vmem>> -> memref<128x16xf32, #tpu.memory_space<vmem>>
    %dma_start3A_321 = arith.constant 0 : i32
    %dma_start3A_322 = tpu.memref_slice %arg8[%dma_start3A_312, %dma_start3A_313, %dma_start3A_321] : memref<312x2x128xi32, #tpu.memory_space<vmem>> -> memref<1x1x128xi32, #tpu.memory_space<vmem>>
    %dma_start3A_323 = tpu.memref_squeeze %dma_start3A_322 : memref<1x1x128xi32, #tpu.memory_space<vmem>> -> memref<128xi32, #tpu.memory_space<vmem>>
    %dma_start3A_324 = arith.constant 0 : i32
    %dma_start3A_325 = arith.constant 0 : i32
    %dma_start3A_326 = tpu.memref_slice %arg6[%select_n3A, %dma_start3A_324, %dma_start3A_325] : memref<4x10240x16xf32, #tpu.memory_space<hbm>> -> memref<1x10240x16xf32, #tpu.memory_space<hbm>>
    %dma_start3A_327 = tpu.memref_squeeze %dma_start3A_326 : memref<1x10240x16xf32, #tpu.memory_space<hbm>> -> memref<10240x16xf32, #tpu.memory_space<hbm>>
    %dma_start3A_328 = arith.constant 0 : i32
    %dma_start3A_329 = arith.constant 0 : i32
    %dma_start3A_330 = tpu.memref_slice %dma_start3A_327[%dma_start3A_328, %dma_start3A_329] : memref<10240x16xf32, #tpu.memory_space<hbm>> -> memref<10240x16xf32, #tpu.memory_space<hbm>>
    %dma_start3A_331 = tpu.memref_slice %arg13[%dma_start3A_316] : memref<2x!tpu.dma_semaphore, #tpu.memory_space<semaphore_mem>> -> memref<1x!tpu.dma_semaphore, #tpu.memory_space<semaphore_mem>>
    %dma_start3A_332 = tpu.memref_squeeze %dma_start3A_331 : memref<1x!tpu.dma_semaphore, #tpu.memory_space<semaphore_mem>> -> memref<!tpu.dma_semaphore, #tpu.memory_space<semaphore_mem>>
    tpu.enqueue_indirect_dma source(%dma_start3A_330 : memref<10240x16xf32, #tpu.memory_space<hbm>>) target(%dma_start3A_320 : memref<128x16xf32, #tpu.memory_space<vmem>>) offsets(%dma_start3A_323 : memref<128xi32, #tpu.memory_space<vmem>>) semaphore(%dma_start3A_332 : memref<!tpu.dma_semaphore, #tpu.memory_space<semaphore_mem>>)
    %dma_start3A_333 = arith.constant 11 : i32
    %dma_start3A_334 = arith.constant 0 : i32
    %dma_start3A_335 = arith.constant 1 : i32
    %dma_start3A_336 = arith.constant 5 : i32
    %dma_start3A_337 = arith.constant 1 : i32
    %dma_start3A_338 = arith.constant 0 : i32
    %dma_start3A_339 = arith.constant 0 : i32
    %dma_start3A_340 = tpu.memref_slice %arg10[%dma_start3A_335, %dma_start3A_336, %dma_start3A_338, %dma_start3A_339] : memref<2x6x128x16xf32, #tpu.memory_space<vmem>> -> memref<1x1x128x16xf32, #tpu.memory_space<vmem>>
    %dma_start3A_341 = tpu.memref_squeeze %dma_start3A_340 : memref<1x1x128x16xf32, #tpu.memory_space<vmem>> -> memref<128x16xf32, #tpu.memory_space<vmem>>
    %dma_start3A_342 = arith.constant 0 : i32
    %dma_start3A_343 = tpu.memref_slice %arg8[%dma_start3A_333, %dma_start3A_334, %dma_start3A_342] : memref<312x2x128xi32, #tpu.memory_space<vmem>> -> memref<1x1x128xi32, #tpu.memory_space<vmem>>
    %dma_start3A_344 = tpu.memref_squeeze %dma_start3A_343 : memref<1x1x128xi32, #tpu.memory_space<vmem>> -> memref<128xi32, #tpu.memory_space<vmem>>
    %dma_start3A_345 = arith.constant 0 : i32
    %dma_start3A_346 = arith.constant 0 : i32
    %dma_start3A_347 = tpu.memref_slice %arg6[%select_n3A, %dma_start3A_345, %dma_start3A_346] : memref<4x10240x16xf32, #tpu.memory_space<hbm>> -> memref<1x10240x16xf32, #tpu.memory_space<hbm>>
    %dma_start3A_348 = tpu.memref_squeeze %dma_start3A_347 : memref<1x10240x16xf32, #tpu.memory_space<hbm>> -> memref<10240x16xf32, #tpu.memory_space<hbm>>
    %dma_start3A_349 = arith.constant 0 : i32
    %dma_start3A_350 = arith.constant 0 : i32
    %dma_start3A_351 = tpu.memref_slice %dma_start3A_348[%dma_start3A_349, %dma_start3A_350] : memref<10240x16xf32, #tpu.memory_space<hbm>> -> memref<10240x16xf32, #tpu.memory_space<hbm>>
    %dma_start3A_352 = tpu.memref_slice %arg13[%dma_start3A_337] : memref<2x!tpu.dma_semaphore, #tpu.memory_space<semaphore_mem>> -> memref<1x!tpu.dma_semaphore, #tpu.memory_space<semaphore_mem>>
    %dma_start3A_353 = tpu.memref_squeeze %dma_start3A_352 : memref<1x!tpu.dma_semaphore, #tpu.memory_space<semaphore_mem>> -> memref<!tpu.dma_semaphore, #tpu.memory_space<semaphore_mem>>
    tpu.enqueue_indirect_dma source(%dma_start3A_351 : memref<10240x16xf32, #tpu.memory_space<hbm>>) target(%dma_start3A_341 : memref<128x16xf32, #tpu.memory_space<vmem>>) offsets(%dma_start3A_344 : memref<128xi32, #tpu.memory_space<vmem>>) semaphore(%dma_start3A_353 : memref<!tpu.dma_semaphore, #tpu.memory_space<semaphore_mem>>)
    %scan3A_354 = arith.constant 0 : i32
    %scan3A_355 = arith.constant 0 : i32
    %scan3A_356 = arith.constant 25 : i32
    %scan3A_357 = arith.addi %scan3A_355, %scan3A_356 : i32
    %scan3A_358 = arith.constant 1 : i32
    scf.for %scan3A_1141 = %scan3A_355 to %scan3A_357 step %scan3A_358  : i32 {
      %mul3A_1142 = arith.constant 2 : i32
      %mul3A_1143 = arith.muli %mul3A_1142, %scan3A_1141 : i32
      %mul3A_1144 = arith.constant 6 : i32
      %mul3A_1145 = arith.muli %mul3A_1143, %mul3A_1144 : i32
      %add3A_1146 = arith.constant 0 : i32
      %add3A_1147 = arith.addi %mul3A_1145, %add3A_1146 : i32
      %dma_wait3A_1148 = arith.constant 0 : i32
      %dma_wait3A_1149 = arith.constant 0 : i32
      %dma_wait3A_1150 = arith.constant 0 : i32
      %dma_wait3A_1151 = arith.constant 0 : i32
      %dma_wait3A_1152 = arith.constant 0 : i32
      %dma_wait3A_1153 = arith.constant 0 : i32
      %dma_wait3A_1154 = tpu.memref_slice %arg10[%dma_wait3A_1149, %dma_wait3A_1150, %dma_wait3A_1152, %dma_wait3A_1153] : memref<2x6x128x16xf32, #tpu.memory_space<vmem>> -> memref<1x1x128x16xf32, #tpu.memory_space<vmem>>
      %dma_wait3A_1155 = tpu.memref_squeeze %dma_wait3A_1154 : memref<1x1x128x16xf32, #tpu.memory_space<vmem>> -> memref<128x16xf32, #tpu.memory_space<vmem>>
      %dma_wait3A_1156 = arith.constant 0 : i32
      %dma_wait3A_1157 = tpu.memref_slice %arg8[%add3A_1147, %dma_wait3A_1148, %dma_wait3A_1156] : memref<312x2x128xi32, #tpu.memory_space<vmem>> -> memref<1x1x128xi32, #tpu.memory_space<vmem>>
      %dma_wait3A_1158 = tpu.memref_squeeze %dma_wait3A_1157 : memref<1x1x128xi32, #tpu.memory_space<vmem>> -> memref<128xi32, #tpu.memory_space<vmem>>
      %dma_wait3A_1159 = arith.constant 0 : i32
      %dma_wait3A_1160 = arith.constant 0 : i32
      %dma_wait3A_1161 = tpu.memref_slice %arg6[%select_n3A, %dma_wait3A_1159, %dma_wait3A_1160] : memref<4x10240x16xf32, #tpu.memory_space<hbm>> -> memref<1x10240x16xf32, #tpu.memory_space<hbm>>
      %dma_wait3A_1162 = tpu.memref_squeeze %dma_wait3A_1161 : memref<1x10240x16xf32, #tpu.memory_space<hbm>> -> memref<10240x16xf32, #tpu.memory_space<hbm>>
      %dma_wait3A_1163 = arith.constant 0 : i32
      %dma_wait3A_1164 = arith.constant 0 : i32
      %dma_wait3A_1165 = tpu.memref_slice %dma_wait3A_1162[%dma_wait3A_1163, %dma_wait3A_1164] : memref<10240x16xf32, #tpu.memory_space<hbm>> -> memref<10240x16xf32, #tpu.memory_space<hbm>>
      %dma_wait3A_1166 = tpu.memref_slice %arg13[%dma_wait3A_1151] : memref<2x!tpu.dma_semaphore, #tpu.memory_space<semaphore_mem>> -> memref<1x!tpu.dma_semaphore, #tpu.memory_space<semaphore_mem>>
      %dma_wait3A_1167 = tpu.memref_squeeze %dma_wait3A_1166 : memref<1x!tpu.dma_semaphore, #tpu.memory_space<semaphore_mem>> -> memref<!tpu.dma_semaphore, #tpu.memory_space<semaphore_mem>>
      tpu.wait_indirect_dma semaphore(%dma_wait3A_1167 : memref<!tpu.dma_semaphore, #tpu.memory_space<semaphore_mem>>) src(%dma_wait3A_1165 : memref<10240x16xf32, #tpu.memory_space<hbm>>) dst(%dma_wait3A_1155 : memref<128x16xf32, #tpu.memory_space<vmem>>)
      %mul3A_1168 = arith.constant 6 : i32
      %mul3A_1169 = arith.muli %mul3A_1143, %mul3A_1168 : i32
      %add3A_1170 = arith.constant 1 : i32
      %add3A_1171 = arith.addi %mul3A_1169, %add3A_1170 : i32
      %dma_wait3A_1172 = arith.constant 0 : i32
      %dma_wait3A_1173 = arith.constant 0 : i32
      %dma_wait3A_1174 = arith.constant 1 : i32
      %dma_wait3A_1175 = arith.constant 0 : i32
      %dma_wait3A_1176 = arith.constant 0 : i32
      %dma_wait3A_1177 = arith.constant 0 : i32
      %dma_wait3A_1178 = tpu.memref_slice %arg10[%dma_wait3A_1173, %dma_wait3A_1174, %dma_wait3A_1176, %dma_wait3A_1177] : memref<2x6x128x16xf32, #tpu.memory_space<vmem>> -> memref<1x1x128x16xf32, #tpu.memory_space<vmem>>
      %dma_wait3A_1179 = tpu.memref_squeeze %dma_wait3A_1178 : memref<1x1x128x16xf32, #tpu.memory_space<vmem>> -> memref<128x16xf32, #tpu.memory_space<vmem>>
      %dma_wait3A_1180 = arith.constant 0 : i32
      %dma_wait3A_1181 = tpu.memref_slice %arg8[%add3A_1171, %dma_wait3A_1172, %dma_wait3A_1180] : memref<312x2x128xi32, #tpu.memory_space<vmem>> -> memref<1x1x128xi32, #tpu.memory_space<vmem>>
      %dma_wait3A_1182 = tpu.memref_squeeze %dma_wait3A_1181 : memref<1x1x128xi32, #tpu.memory_space<vmem>> -> memref<128xi32, #tpu.memory_space<vmem>>
      %dma_wait3A_1183 = arith.constant 0 : i32
      %dma_wait3A_1184 = arith.constant 0 : i32
      %dma_wait3A_1185 = tpu.memref_slice %arg6[%select_n3A, %dma_wait3A_1183, %dma_wait3A_1184] : memref<4x10240x16xf32, #tpu.memory_space<hbm>> -> memref<1x10240x16xf32, #tpu.memory_space<hbm>>
      %dma_wait3A_1186 = tpu.memref_squeeze %dma_wait3A_1185 : memref<1x10240x16xf32, #tpu.memory_space<hbm>> -> memref<10240x16xf32, #tpu.memory_space<hbm>>
      %dma_wait3A_1187 = arith.constant 0 : i32
      %dma_wait3A_1188 = arith.constant 0 : i32
      %dma_wait3A_1189 = tpu.memref_slice %dma_wait3A_1186[%dma_wait3A_1187, %dma_wait3A_1188] : memref<10240x16xf32, #tpu.memory_space<hbm>> -> memref<10240x16xf32, #tpu.memory_space<hbm>>
      %dma_wait3A_1190 = tpu.memref_slice %arg13[%dma_wait3A_1175] : memref<2x!tpu.dma_semaphore, #tpu.memory_space<semaphore_mem>> -> memref<1x!tpu.dma_semaphore, #tpu.memory_space<semaphore_mem>>
      %dma_wait3A_1191 = tpu.memref_squeeze %dma_wait3A_1190 : memref<1x!tpu.dma_semaphore, #tpu.memory_space<semaphore_mem>> -> memref<!tpu.dma_semaphore, #tpu.memory_space<semaphore_mem>>
      tpu.wait_indirect_dma semaphore(%dma_wait3A_1191 : memref<!tpu.dma_semaphore, #tpu.memory_space<semaphore_mem>>) src(%dma_wait3A_1189 : memref<10240x16xf32, #tpu.memory_space<hbm>>) dst(%dma_wait3A_1179 : memref<128x16xf32, #tpu.memory_space<vmem>>)
      %mul3A_1192 = arith.constant 6 : i32
      %mul3A_1193 = arith.muli %mul3A_1143, %mul3A_1192 : i32
      %add3A_1194 = arith.constant 2 : i32
      %add3A_1195 = arith.addi %mul3A_1193, %add3A_1194 : i32
      %dma_wait3A_1196 = arith.constant 0 : i32
      %dma_wait3A_1197 = arith.constant 0 : i32
      %dma_wait3A_1198 = arith.constant 2 : i32
      %dma_wait3A_1199 = arith.constant 0 : i32
      %dma_wait3A_1200 = arith.constant 0 : i32
      %dma_wait3A_1201 = arith.constant 0 : i32
      %dma_wait3A_1202 = tpu.memref_slice %arg10[%dma_wait3A_1197, %dma_wait3A_1198, %dma_wait3A_1200, %dma_wait3A_1201] : memref<2x6x128x16xf32, #tpu.memory_space<vmem>> -> memref<1x1x128x16xf32, #tpu.memory_space<vmem>>
      %dma_wait3A_1203 = tpu.memref_squeeze %dma_wait3A_1202 : memref<1x1x128x16xf32, #tpu.memory_space<vmem>> -> memref<128x16xf32, #tpu.memory_space<vmem>>
      %dma_wait3A_1204 = arith.constant 0 : i32
      %dma_wait3A_1205 = tpu.memref_slice %arg8[%add3A_1195, %dma_wait3A_1196, %dma_wait3A_1204] : memref<312x2x128xi32, #tpu.memory_space<vmem>> -> memref<1x1x128xi32, #tpu.memory_space<vmem>>
      %dma_wait3A_1206 = tpu.memref_squeeze %dma_wait3A_1205 : memref<1x1x128xi32, #tpu.memory_space<vmem>> -> memref<128xi32, #tpu.memory_space<vmem>>
      %dma_wait3A_1207 = arith.constant 0 : i32
      %dma_wait3A_1208 = arith.constant 0 : i32
      %dma_wait3A_1209 = tpu.memref_slice %arg6[%select_n3A, %dma_wait3A_1207, %dma_wait3A_1208] : memref<4x10240x16xf32, #tpu.memory_space<hbm>> -> memref<1x10240x16xf32, #tpu.memory_space<hbm>>
      %dma_wait3A_1210 = tpu.memref_squeeze %dma_wait3A_1209 : memref<1x10240x16xf32, #tpu.memory_space<hbm>> -> memref<10240x16xf32, #tpu.memory_space<hbm>>
      %dma_wait3A_1211 = arith.constant 0 : i32
      %dma_wait3A_1212 = arith.constant 0 : i32
      %dma_wait3A_1213 = tpu.memref_slice %dma_wait3A_1210[%dma_wait3A_1211, %dma_wait3A_1212] : memref<10240x16xf32, #tpu.memory_space<hbm>> -> memref<10240x16xf32, #tpu.memory_space<hbm>>
      %dma_wait3A_1214 = tpu.memref_slice %arg13[%dma_wait3A_1199] : memref<2x!tpu.dma_semaphore, #tpu.memory_space<semaphore_mem>> -> memref<1x!tpu.dma_semaphore, #tpu.memory_space<semaphore_mem>>
      %dma_wait3A_1215 = tpu.memref_squeeze %dma_wait3A_1214 : memref<1x!tpu.dma_semaphore, #tpu.memory_space<semaphore_mem>> -> memref<!tpu.dma_semaphore, #tpu.memory_space<semaphore_mem>>
      tpu.wait_indirect_dma semaphore(%dma_wait3A_1215 : memref<!tpu.dma_semaphore, #tpu.memory_space<semaphore_mem>>) src(%dma_wait3A_1213 : memref<10240x16xf32, #tpu.memory_space<hbm>>) dst(%dma_wait3A_1203 : memref<128x16xf32, #tpu.memory_space<vmem>>)
      %mul3A_1216 = arith.constant 6 : i32
      %mul3A_1217 = arith.muli %mul3A_1143, %mul3A_1216 : i32
      %add3A_1218 = arith.constant 3 : i32
      %add3A_1219 = arith.addi %mul3A_1217, %add3A_1218 : i32
      %dma_wait3A_1220 = arith.constant 0 : i32
      %dma_wait3A_1221 = arith.constant 0 : i32
      %dma_wait3A_1222 = arith.constant 3 : i32
      %dma_wait3A_1223 = arith.constant 0 : i32
      %dma_wait3A_1224 = arith.constant 0 : i32
      %dma_wait3A_1225 = arith.constant 0 : i32
      %dma_wait3A_1226 = tpu.memref_slice %arg10[%dma_wait3A_1221, %dma_wait3A_1222, %dma_wait3A_1224, %dma_wait3A_1225] : memref<2x6x128x16xf32, #tpu.memory_space<vmem>> -> memref<1x1x128x16xf32, #tpu.memory_space<vmem>>
      %dma_wait3A_1227 = tpu.memref_squeeze %dma_wait3A_1226 : memref<1x1x128x16xf32, #tpu.memory_space<vmem>> -> memref<128x16xf32, #tpu.memory_space<vmem>>
      %dma_wait3A_1228 = arith.constant 0 : i32
      %dma_wait3A_1229 = tpu.memref_slice %arg8[%add3A_1219, %dma_wait3A_1220, %dma_wait3A_1228] : memref<312x2x128xi32, #tpu.memory_space<vmem>> -> memref<1x1x128xi32, #tpu.memory_space<vmem>>
      %dma_wait3A_1230 = tpu.memref_squeeze %dma_wait3A_1229 : memref<1x1x128xi32, #tpu.memory_space<vmem>> -> memref<128xi32, #tpu.memory_space<vmem>>
      %dma_wait3A_1231 = arith.constant 0 : i32
      %dma_wait3A_1232 = arith.constant 0 : i32
      %dma_wait3A_1233 = tpu.memref_slice %arg6[%select_n3A, %dma_wait3A_1231, %dma_wait3A_1232] : memref<4x10240x16xf32, #tpu.memory_space<hbm>> -> memref<1x10240x16xf32, #tpu.memory_space<hbm>>
      %dma_wait3A_1234 = tpu.memref_squeeze %dma_wait3A_1233 : memref<1x10240x16xf32, #tpu.memory_space<hbm>> -> memref<10240x16xf32, #tpu.memory_space<hbm>>
      %dma_wait3A_1235 = arith.constant 0 : i32
      %dma_wait3A_1236 = arith.constant 0 : i32
      %dma_wait3A_1237 = tpu.memref_slice %dma_wait3A_1234[%dma_wait3A_1235, %dma_wait3A_1236] : memref<10240x16xf32, #tpu.memory_space<hbm>> -> memref<10240x16xf32, #tpu.memory_space<hbm>>
      %dma_wait3A_1238 = tpu.memref_slice %arg13[%dma_wait3A_1223] : memref<2x!tpu.dma_semaphore, #tpu.memory_space<semaphore_mem>> -> memref<1x!tpu.dma_semaphore, #tpu.memory_space<semaphore_mem>>
      %dma_wait3A_1239 = tpu.memref_squeeze %dma_wait3A_1238 : memref<1x!tpu.dma_semaphore, #tpu.memory_space<semaphore_mem>> -> memref<!tpu.dma_semaphore, #tpu.memory_space<semaphore_mem>>
      tpu.wait_indirect_dma semaphore(%dma_wait3A_1239 : memref<!tpu.dma_semaphore, #tpu.memory_space<semaphore_mem>>) src(%dma_wait3A_1237 : memref<10240x16xf32, #tpu.memory_space<hbm>>) dst(%dma_wait3A_1227 : memref<128x16xf32, #tpu.memory_space<vmem>>)
      %mul3A_1240 = arith.constant 6 : i32
      %mul3A_1241 = arith.muli %mul3A_1143, %mul3A_1240 : i32
      %add3A_1242 = arith.constant 4 : i32
      %add3A_1243 = arith.addi %mul3A_1241, %add3A_1242 : i32
      %dma_wait3A_1244 = arith.constant 0 : i32
      %dma_wait3A_1245 = arith.constant 0 : i32
      %dma_wait3A_1246 = arith.constant 4 : i32
      %dma_wait3A_1247 = arith.constant 0 : i32
      %dma_wait3A_1248 = arith.constant 0 : i32
      %dma_wait3A_1249 = arith.constant 0 : i32
      %dma_wait3A_1250 = tpu.memref_slice %arg10[%dma_wait3A_1245, %dma_wait3A_1246, %dma_wait3A_1248, %dma_wait3A_1249] : memref<2x6x128x16xf32, #tpu.memory_space<vmem>> -> memref<1x1x128x16xf32, #tpu.memory_space<vmem>>
      %dma_wait3A_1251 = tpu.memref_squeeze %dma_wait3A_1250 : memref<1x1x128x16xf32, #tpu.memory_space<vmem>> -> memref<128x16xf32, #tpu.memory_space<vmem>>
      %dma_wait3A_1252 = arith.constant 0 : i32
      %dma_wait3A_1253 = tpu.memref_slice %arg8[%add3A_1243, %dma_wait3A_1244, %dma_wait3A_1252] : memref<312x2x128xi32, #tpu.memory_space<vmem>> -> memref<1x1x128xi32, #tpu.memory_space<vmem>>
      %dma_wait3A_1254 = tpu.memref_squeeze %dma_wait3A_1253 : memref<1x1x128xi32, #tpu.memory_space<vmem>> -> memref<128xi32, #tpu.memory_space<vmem>>
      %dma_wait3A_1255 = arith.constant 0 : i32
      %dma_wait3A_1256 = arith.constant 0 : i32
      %dma_wait3A_1257 = tpu.memref_slice %arg6[%select_n3A, %dma_wait3A_1255, %dma_wait3A_1256] : memref<4x10240x16xf32, #tpu.memory_space<hbm>> -> memref<1x10240x16xf32, #tpu.memory_space<hbm>>
      %dma_wait3A_1258 = tpu.memref_squeeze %dma_wait3A_1257 : memref<1x10240x16xf32, #tpu.memory_space<hbm>> -> memref<10240x16xf32, #tpu.memory_space<hbm>>
      %dma_wait3A_1259 = arith.constant 0 : i32
      %dma_wait3A_1260 = arith.constant 0 : i32
      %dma_wait3A_1261 = tpu.memref_slice %dma_wait3A_1258[%dma_wait3A_1259, %dma_wait3A_1260] : memref<10240x16xf32, #tpu.memory_space<hbm>> -> memref<10240x16xf32, #tpu.memory_space<hbm>>
      %dma_wait3A_1262 = tpu.memref_slice %arg13[%dma_wait3A_1247] : memref<2x!tpu.dma_semaphore, #tpu.memory_space<semaphore_mem>> -> memref<1x!tpu.dma_semaphore, #tpu.memory_space<semaphore_mem>>
      %dma_wait3A_1263 = tpu.memref_squeeze %dma_wait3A_1262 : memref<1x!tpu.dma_semaphore, #tpu.memory_space<semaphore_mem>> -> memref<!tpu.dma_semaphore, #tpu.memory_space<semaphore_mem>>
      tpu.wait_indirect_dma semaphore(%dma_wait3A_1263 : memref<!tpu.dma_semaphore, #tpu.memory_space<semaphore_mem>>) src(%dma_wait3A_1261 : memref<10240x16xf32, #tpu.memory_space<hbm>>) dst(%dma_wait3A_1251 : memref<128x16xf32, #tpu.memory_space<vmem>>)
      %mul3A_1264 = arith.constant 6 : i32
      %mul3A_1265 = arith.muli %mul3A_1143, %mul3A_1264 : i32
      %add3A_1266 = arith.constant 5 : i32
      %add3A_1267 = arith.addi %mul3A_1265, %add3A_1266 : i32
      %dma_wait3A_1268 = arith.constant 0 : i32
      %dma_wait3A_1269 = arith.constant 0 : i32
      %dma_wait3A_1270 = arith.constant 5 : i32
      %dma_wait3A_1271 = arith.constant 0 : i32
      %dma_wait3A_1272 = arith.constant 0 : i32
      %dma_wait3A_1273 = arith.constant 0 : i32
      %dma_wait3A_1274 = tpu.memref_slice %arg10[%dma_wait3A_1269, %dma_wait3A_1270, %dma_wait3A_1272, %dma_wait3A_1273] : memref<2x6x128x16xf32, #tpu.memory_space<vmem>> -> memref<1x1x128x16xf32, #tpu.memory_space<vmem>>
      %dma_wait3A_1275 = tpu.memref_squeeze %dma_wait3A_1274 : memref<1x1x128x16xf32, #tpu.memory_space<vmem>> -> memref<128x16xf32, #tpu.memory_space<vmem>>
      %dma_wait3A_1276 = arith.constant 0 : i32
      %dma_wait3A_1277 = tpu.memref_slice %arg8[%add3A_1267, %dma_wait3A_1268, %dma_wait3A_1276] : memref<312x2x128xi32, #tpu.memory_space<vmem>> -> memref<1x1x128xi32, #tpu.memory_space<vmem>>
      %dma_wait3A_1278 = tpu.memref_squeeze %dma_wait3A_1277 : memref<1x1x128xi32, #tpu.memory_space<vmem>> -> memref<128xi32, #tpu.memory_space<vmem>>
      %dma_wait3A_1279 = arith.constant 0 : i32
      %dma_wait3A_1280 = arith.constant 0 : i32
      %dma_wait3A_1281 = tpu.memref_slice %arg6[%select_n3A, %dma_wait3A_1279, %dma_wait3A_1280] : memref<4x10240x16xf32, #tpu.memory_space<hbm>> -> memref<1x10240x16xf32, #tpu.memory_space<hbm>>
      %dma_wait3A_1282 = tpu.memref_squeeze %dma_wait3A_1281 : memref<1x10240x16xf32, #tpu.memory_space<hbm>> -> memref<10240x16xf32, #tpu.memory_space<hbm>>
      %dma_wait3A_1283 = arith.constant 0 : i32
      %dma_wait3A_1284 = arith.constant 0 : i32
      %dma_wait3A_1285 = tpu.memref_slice %dma_wait3A_1282[%dma_wait3A_1283, %dma_wait3A_1284] : memref<10240x16xf32, #tpu.memory_space<hbm>> -> memref<10240x16xf32, #tpu.memory_space<hbm>>
      %dma_wait3A_1286 = tpu.memref_slice %arg13[%dma_wait3A_1271] : memref<2x!tpu.dma_semaphore, #tpu.memory_space<semaphore_mem>> -> memref<1x!tpu.dma_semaphore, #tpu.memory_space<semaphore_mem>>
      %dma_wait3A_1287 = tpu.memref_squeeze %dma_wait3A_1286 : memref<1x!tpu.dma_semaphore, #tpu.memory_space<semaphore_mem>> -> memref<!tpu.dma_semaphore, #tpu.memory_space<semaphore_mem>>
      tpu.wait_indirect_dma semaphore(%dma_wait3A_1287 : memref<!tpu.dma_semaphore, #tpu.memory_space<semaphore_mem>>) src(%dma_wait3A_1285 : memref<10240x16xf32, #tpu.memory_space<hbm>>) dst(%dma_wait3A_1275 : memref<128x16xf32, #tpu.memory_space<vmem>>)
      %mul3A_1288 = arith.constant 6 : i32
      %mul3A_1289 = arith.muli %mul3A_1143, %mul3A_1288 : i32
      %add3A_1290 = arith.constant 0 : i32
      %add3A_1291 = arith.addi %mul3A_1289, %add3A_1290 : i32
      %dma_start3A_1292 = arith.constant 0 : i32
      %dma_start3A_1293 = arith.constant 0 : i32
      %dma_start3A_1294 = arith.constant 1 : i32
      %dma_start3A_1295 = arith.constant 0 : i32
      %dma_start3A_1296 = arith.constant 0 : i32
      %dma_start3A_1297 = arith.constant 0 : i32
      %dma_start3A_1298 = tpu.memref_slice %arg10[%dma_start3A_1292, %dma_start3A_1293, %dma_start3A_1296, %dma_start3A_1297] : memref<2x6x128x16xf32, #tpu.memory_space<vmem>> -> memref<1x1x128x16xf32, #tpu.memory_space<vmem>>
      %dma_start3A_1299 = tpu.memref_squeeze %dma_start3A_1298 : memref<1x1x128x16xf32, #tpu.memory_space<vmem>> -> memref<128x16xf32, #tpu.memory_space<vmem>>
      %dma_start3A_1300 = arith.constant 0 : i32
      %dma_start3A_1301 = tpu.memref_slice %arg8[%add3A_1291, %dma_start3A_1294, %dma_start3A_1300] : memref<312x2x128xi32, #tpu.memory_space<vmem>> -> memref<1x1x128xi32, #tpu.memory_space<vmem>>
      %dma_start3A_1302 = tpu.memref_squeeze %dma_start3A_1301 : memref<1x1x128xi32, #tpu.memory_space<vmem>> -> memref<128xi32, #tpu.memory_space<vmem>>
      %dma_start3A_1303 = arith.constant 0 : i32
      %dma_start3A_1304 = arith.constant 0 : i32
      %dma_start3A_1305 = tpu.memref_slice %arg12[%select_n3A_30, %dma_start3A_1303, %dma_start3A_1304] : memref<2x10240x16xf32, #tpu.memory_space<vmem_shared>> -> memref<1x10240x16xf32, #tpu.memory_space<vmem_shared>>
      %dma_start3A_1306 = tpu.memref_squeeze %dma_start3A_1305 : memref<1x10240x16xf32, #tpu.memory_space<vmem_shared>> -> memref<10240x16xf32, #tpu.memory_space<vmem_shared>>
      %dma_start3A_1307 = arith.constant 0 : i32
      %dma_start3A_1308 = arith.constant 0 : i32
      %dma_start3A_1309 = tpu.memref_slice %dma_start3A_1306[%dma_start3A_1307, %dma_start3A_1308] : memref<10240x16xf32, #tpu.memory_space<vmem_shared>> -> memref<10240x16xf32, #tpu.memory_space<vmem_shared>>
      %dma_start3A_1310 = tpu.memref_slice %arg14[%dma_start3A_1295] : memref<2x!tpu.dma_semaphore, #tpu.memory_space<semaphore_mem>> -> memref<1x!tpu.dma_semaphore, #tpu.memory_space<semaphore_mem>>
      %dma_start3A_1311 = tpu.memref_squeeze %dma_start3A_1310 : memref<1x!tpu.dma_semaphore, #tpu.memory_space<semaphore_mem>> -> memref<!tpu.dma_semaphore, #tpu.memory_space<semaphore_mem>>
      tpu.enqueue_indirect_dma source(%dma_start3A_1299 : memref<128x16xf32, #tpu.memory_space<vmem>>) target(%dma_start3A_1309 : memref<10240x16xf32, #tpu.memory_space<vmem_shared>>) offsets(%dma_start3A_1302 : memref<128xi32, #tpu.memory_space<vmem>>) semaphore(%dma_start3A_1311 : memref<!tpu.dma_semaphore, #tpu.memory_space<semaphore_mem>>) {add = true}
      %mul3A_1312 = arith.constant 6 : i32
      %mul3A_1313 = arith.muli %mul3A_1143, %mul3A_1312 : i32
      %add3A_1314 = arith.constant 1 : i32
      %add3A_1315 = arith.addi %mul3A_1313, %add3A_1314 : i32
      %dma_start3A_1316 = arith.constant 0 : i32
      %dma_start3A_1317 = arith.constant 1 : i32
      %dma_start3A_1318 = arith.constant 1 : i32
      %dma_start3A_1319 = arith.constant 0 : i32
      %dma_start3A_1320 = arith.constant 0 : i32
      %dma_start3A_1321 = arith.constant 0 : i32
      %dma_start3A_1322 = tpu.memref_slice %arg10[%dma_start3A_1316, %dma_start3A_1317, %dma_start3A_1320, %dma_start3A_1321] : memref<2x6x128x16xf32, #tpu.memory_space<vmem>> -> memref<1x1x128x16xf32, #tpu.memory_space<vmem>>
      %dma_start3A_1323 = tpu.memref_squeeze %dma_start3A_1322 : memref<1x1x128x16xf32, #tpu.memory_space<vmem>> -> memref<128x16xf32, #tpu.memory_space<vmem>>
      %dma_start3A_1324 = arith.constant 0 : i32
      %dma_start3A_1325 = tpu.memref_slice %arg8[%add3A_1315, %dma_start3A_1318, %dma_start3A_1324] : memref<312x2x128xi32, #tpu.memory_space<vmem>> -> memref<1x1x128xi32, #tpu.memory_space<vmem>>
      %dma_start3A_1326 = tpu.memref_squeeze %dma_start3A_1325 : memref<1x1x128xi32, #tpu.memory_space<vmem>> -> memref<128xi32, #tpu.memory_space<vmem>>
      %dma_start3A_1327 = arith.constant 0 : i32
      %dma_start3A_1328 = arith.constant 0 : i32
      %dma_start3A_1329 = tpu.memref_slice %arg12[%select_n3A_30, %dma_start3A_1327, %dma_start3A_1328] : memref<2x10240x16xf32, #tpu.memory_space<vmem_shared>> -> memref<1x10240x16xf32, #tpu.memory_space<vmem_shared>>
      %dma_start3A_1330 = tpu.memref_squeeze %dma_start3A_1329 : memref<1x10240x16xf32, #tpu.memory_space<vmem_shared>> -> memref<10240x16xf32, #tpu.memory_space<vmem_shared>>
      %dma_start3A_1331 = arith.constant 0 : i32
      %dma_start3A_1332 = arith.constant 0 : i32
      %dma_start3A_1333 = tpu.memref_slice %dma_start3A_1330[%dma_start3A_1331, %dma_start3A_1332] : memref<10240x16xf32, #tpu.memory_space<vmem_shared>> -> memref<10240x16xf32, #tpu.memory_space<vmem_shared>>
      %dma_start3A_1334 = tpu.memref_slice %arg14[%dma_start3A_1319] : memref<2x!tpu.dma_semaphore, #tpu.memory_space<semaphore_mem>> -> memref<1x!tpu.dma_semaphore, #tpu.memory_space<semaphore_mem>>
      %dma_start3A_1335 = tpu.memref_squeeze %dma_start3A_1334 : memref<1x!tpu.dma_semaphore, #tpu.memory_space<semaphore_mem>> -> memref<!tpu.dma_semaphore, #tpu.memory_space<semaphore_mem>>
      tpu.enqueue_indirect_dma source(%dma_start3A_1323 : memref<128x16xf32, #tpu.memory_space<vmem>>) target(%dma_start3A_1333 : memref<10240x16xf32, #tpu.memory_space<vmem_shared>>) offsets(%dma_start3A_1326 : memref<128xi32, #tpu.memory_space<vmem>>) semaphore(%dma_start3A_1335 : memref<!tpu.dma_semaphore, #tpu.memory_space<semaphore_mem>>) {add = true}
      %mul3A_1336 = arith.constant 6 : i32
      %mul3A_1337 = arith.muli %mul3A_1143, %mul3A_1336 : i32
      %add3A_1338 = arith.constant 2 : i32
      %add3A_1339 = arith.addi %mul3A_1337, %add3A_1338 : i32
      %dma_start3A_1340 = arith.constant 0 : i32
      %dma_start3A_1341 = arith.constant 2 : i32
      %dma_start3A_1342 = arith.constant 1 : i32
      %dma_start3A_1343 = arith.constant 0 : i32
      %dma_start3A_1344 = arith.constant 0 : i32
      %dma_start3A_1345 = arith.constant 0 : i32
      %dma_start3A_1346 = tpu.memref_slice %arg10[%dma_start3A_1340, %dma_start3A_1341, %dma_start3A_1344, %dma_start3A_1345] : memref<2x6x128x16xf32, #tpu.memory_space<vmem>> -> memref<1x1x128x16xf32, #tpu.memory_space<vmem>>
      %dma_start3A_1347 = tpu.memref_squeeze %dma_start3A_1346 : memref<1x1x128x16xf32, #tpu.memory_space<vmem>> -> memref<128x16xf32, #tpu.memory_space<vmem>>
      %dma_start3A_1348 = arith.constant 0 : i32
      %dma_start3A_1349 = tpu.memref_slice %arg8[%add3A_1339, %dma_start3A_1342, %dma_start3A_1348] : memref<312x2x128xi32, #tpu.memory_space<vmem>> -> memref<1x1x128xi32, #tpu.memory_space<vmem>>
      %dma_start3A_1350 = tpu.memref_squeeze %dma_start3A_1349 : memref<1x1x128xi32, #tpu.memory_space<vmem>> -> memref<128xi32, #tpu.memory_space<vmem>>
      %dma_start3A_1351 = arith.constant 0 : i32
      %dma_start3A_1352 = arith.constant 0 : i32
      %dma_start3A_1353 = tpu.memref_slice %arg12[%select_n3A_30, %dma_start3A_1351, %dma_start3A_1352] : memref<2x10240x16xf32, #tpu.memory_space<vmem_shared>> -> memref<1x10240x16xf32, #tpu.memory_space<vmem_shared>>
      %dma_start3A_1354 = tpu.memref_squeeze %dma_start3A_1353 : memref<1x10240x16xf32, #tpu.memory_space<vmem_shared>> -> memref<10240x16xf32, #tpu.memory_space<vmem_shared>>
      %dma_start3A_1355 = arith.constant 0 : i32
      %dma_start3A_1356 = arith.constant 0 : i32
      %dma_start3A_1357 = tpu.memref_slice %dma_start3A_1354[%dma_start3A_1355, %dma_start3A_1356] : memref<10240x16xf32, #tpu.memory_space<vmem_shared>> -> memref<10240x16xf32, #tpu.memory_space<vmem_shared>>
      %dma_start3A_1358 = tpu.memref_slice %arg14[%dma_start3A_1343] : memref<2x!tpu.dma_semaphore, #tpu.memory_space<semaphore_mem>> -> memref<1x!tpu.dma_semaphore, #tpu.memory_space<semaphore_mem>>
      %dma_start3A_1359 = tpu.memref_squeeze %dma_start3A_1358 : memref<1x!tpu.dma_semaphore, #tpu.memory_space<semaphore_mem>> -> memref<!tpu.dma_semaphore, #tpu.memory_space<semaphore_mem>>
      tpu.enqueue_indirect_dma source(%dma_start3A_1347 : memref<128x16xf32, #tpu.memory_space<vmem>>) target(%dma_start3A_1357 : memref<10240x16xf32, #tpu.memory_space<vmem_shared>>) offsets(%dma_start3A_1350 : memref<128xi32, #tpu.memory_space<vmem>>) semaphore(%dma_start3A_1359 : memref<!tpu.dma_semaphore, #tpu.memory_space<semaphore_mem>>) {add = true}
      %mul3A_1360 = arith.constant 6 : i32
      %mul3A_1361 = arith.muli %mul3A_1143, %mul3A_1360 : i32
      %add3A_1362 = arith.constant 3 : i32
      %add3A_1363 = arith.addi %mul3A_1361, %add3A_1362 : i32
      %dma_start3A_1364 = arith.constant 0 : i32
      %dma_start3A_1365 = arith.constant 3 : i32
      %dma_start3A_1366 = arith.constant 1 : i32
      %dma_start3A_1367 = arith.constant 0 : i32
      %dma_start3A_1368 = arith.constant 0 : i32
      %dma_start3A_1369 = arith.constant 0 : i32
      %dma_start3A_1370 = tpu.memref_slice %arg10[%dma_start3A_1364, %dma_start3A_1365, %dma_start3A_1368, %dma_start3A_1369] : memref<2x6x128x16xf32, #tpu.memory_space<vmem>> -> memref<1x1x128x16xf32, #tpu.memory_space<vmem>>
      %dma_start3A_1371 = tpu.memref_squeeze %dma_start3A_1370 : memref<1x1x128x16xf32, #tpu.memory_space<vmem>> -> memref<128x16xf32, #tpu.memory_space<vmem>>
      %dma_start3A_1372 = arith.constant 0 : i32
      %dma_start3A_1373 = tpu.memref_slice %arg8[%add3A_1363, %dma_start3A_1366, %dma_start3A_1372] : memref<312x2x128xi32, #tpu.memory_space<vmem>> -> memref<1x1x128xi32, #tpu.memory_space<vmem>>
      %dma_start3A_1374 = tpu.memref_squeeze %dma_start3A_1373 : memref<1x1x128xi32, #tpu.memory_space<vmem>> -> memref<128xi32, #tpu.memory_space<vmem>>
      %dma_start3A_1375 = arith.constant 0 : i32
      %dma_start3A_1376 = arith.constant 0 : i32
      %dma_start3A_1377 = tpu.memref_slice %arg12[%select_n3A_30, %dma_start3A_1375, %dma_start3A_1376] : memref<2x10240x16xf32, #tpu.memory_space<vmem_shared>> -> memref<1x10240x16xf32, #tpu.memory_space<vmem_shared>>
      %dma_start3A_1378 = tpu.memref_squeeze %dma_start3A_1377 : memref<1x10240x16xf32, #tpu.memory_space<vmem_shared>> -> memref<10240x16xf32, #tpu.memory_space<vmem_shared>>
      %dma_start3A_1379 = arith.constant 0 : i32
      %dma_start3A_1380 = arith.constant 0 : i32
      %dma_start3A_1381 = tpu.memref_slice %dma_start3A_1378[%dma_start3A_1379, %dma_start3A_1380] : memref<10240x16xf32, #tpu.memory_space<vmem_shared>> -> memref<10240x16xf32, #tpu.memory_space<vmem_shared>>
      %dma_start3A_1382 = tpu.memref_slice %arg14[%dma_start3A_1367] : memref<2x!tpu.dma_semaphore, #tpu.memory_space<semaphore_mem>> -> memref<1x!tpu.dma_semaphore, #tpu.memory_space<semaphore_mem>>
      %dma_start3A_1383 = tpu.memref_squeeze %dma_start3A_1382 : memref<1x!tpu.dma_semaphore, #tpu.memory_space<semaphore_mem>> -> memref<!tpu.dma_semaphore, #tpu.memory_space<semaphore_mem>>
      tpu.enqueue_indirect_dma source(%dma_start3A_1371 : memref<128x16xf32, #tpu.memory_space<vmem>>) target(%dma_start3A_1381 : memref<10240x16xf32, #tpu.memory_space<vmem_shared>>) offsets(%dma_start3A_1374 : memref<128xi32, #tpu.memory_space<vmem>>) semaphore(%dma_start3A_1383 : memref<!tpu.dma_semaphore, #tpu.memory_space<semaphore_mem>>) {add = true}
      %mul3A_1384 = arith.constant 6 : i32
      %mul3A_1385 = arith.muli %mul3A_1143, %mul3A_1384 : i32
      %add3A_1386 = arith.constant 4 : i32
      %add3A_1387 = arith.addi %mul3A_1385, %add3A_1386 : i32
      %dma_start3A_1388 = arith.constant 0 : i32
      %dma_start3A_1389 = arith.constant 4 : i32
      %dma_start3A_1390 = arith.constant 1 : i32
      %dma_start3A_1391 = arith.constant 0 : i32
      %dma_start3A_1392 = arith.constant 0 : i32
      %dma_start3A_1393 = arith.constant 0 : i32
      %dma_start3A_1394 = tpu.memref_slice %arg10[%dma_start3A_1388, %dma_start3A_1389, %dma_start3A_1392, %dma_start3A_1393] : memref<2x6x128x16xf32, #tpu.memory_space<vmem>> -> memref<1x1x128x16xf32, #tpu.memory_space<vmem>>
      %dma_start3A_1395 = tpu.memref_squeeze %dma_start3A_1394 : memref<1x1x128x16xf32, #tpu.memory_space<vmem>> -> memref<128x16xf32, #tpu.memory_space<vmem>>
      %dma_start3A_1396 = arith.constant 0 : i32
      %dma_start3A_1397 = tpu.memref_slice %arg8[%add3A_1387, %dma_start3A_1390, %dma_start3A_1396] : memref<312x2x128xi32, #tpu.memory_space<vmem>> -> memref<1x1x128xi32, #tpu.memory_space<vmem>>
      %dma_start3A_1398 = tpu.memref_squeeze %dma_start3A_1397 : memref<1x1x128xi32, #tpu.memory_space<vmem>> -> memref<128xi32, #tpu.memory_space<vmem>>
      %dma_start3A_1399 = arith.constant 0 : i32
      %dma_start3A_1400 = arith.constant 0 : i32
      %dma_start3A_1401 = tpu.memref_slice %arg12[%select_n3A_30, %dma_start3A_1399, %dma_start3A_1400] : memref<2x10240x16xf32, #tpu.memory_space<vmem_shared>> -> memref<1x10240x16xf32, #tpu.memory_space<vmem_shared>>
      %dma_start3A_1402 = tpu.memref_squeeze %dma_start3A_1401 : memref<1x10240x16xf32, #tpu.memory_space<vmem_shared>> -> memref<10240x16xf32, #tpu.memory_space<vmem_shared>>
      %dma_start3A_1403 = arith.constant 0 : i32
      %dma_start3A_1404 = arith.constant 0 : i32
      %dma_start3A_1405 = tpu.memref_slice %dma_start3A_1402[%dma_start3A_1403, %dma_start3A_1404] : memref<10240x16xf32, #tpu.memory_space<vmem_shared>> -> memref<10240x16xf32, #tpu.memory_space<vmem_shared>>
      %dma_start3A_1406 = tpu.memref_slice %arg14[%dma_start3A_1391] : memref<2x!tpu.dma_semaphore, #tpu.memory_space<semaphore_mem>> -> memref<1x!tpu.dma_semaphore, #tpu.memory_space<semaphore_mem>>
      %dma_start3A_1407 = tpu.memref_squeeze %dma_start3A_1406 : memref<1x!tpu.dma_semaphore, #tpu.memory_space<semaphore_mem>> -> memref<!tpu.dma_semaphore, #tpu.memory_space<semaphore_mem>>
      tpu.enqueue_indirect_dma source(%dma_start3A_1395 : memref<128x16xf32, #tpu.memory_space<vmem>>) target(%dma_start3A_1405 : memref<10240x16xf32, #tpu.memory_space<vmem_shared>>) offsets(%dma_start3A_1398 : memref<128xi32, #tpu.memory_space<vmem>>) semaphore(%dma_start3A_1407 : memref<!tpu.dma_semaphore, #tpu.memory_space<semaphore_mem>>) {add = true}
      %mul3A_1408 = arith.constant 6 : i32
      %mul3A_1409 = arith.muli %mul3A_1143, %mul3A_1408 : i32
      %add3A_1410 = arith.constant 5 : i32
      %add3A_1411 = arith.addi %mul3A_1409, %add3A_1410 : i32
      %dma_start3A_1412 = arith.constant 0 : i32
      %dma_start3A_1413 = arith.constant 5 : i32
      %dma_start3A_1414 = arith.constant 1 : i32
      %dma_start3A_1415 = arith.constant 0 : i32
      %dma_start3A_1416 = arith.constant 0 : i32
      %dma_start3A_1417 = arith.constant 0 : i32
      %dma_start3A_1418 = tpu.memref_slice %arg10[%dma_start3A_1412, %dma_start3A_1413, %dma_start3A_1416, %dma_start3A_1417] : memref<2x6x128x16xf32, #tpu.memory_space<vmem>> -> memref<1x1x128x16xf32, #tpu.memory_space<vmem>>
      %dma_start3A_1419 = tpu.memref_squeeze %dma_start3A_1418 : memref<1x1x128x16xf32, #tpu.memory_space<vmem>> -> memref<128x16xf32, #tpu.memory_space<vmem>>
      %dma_start3A_1420 = arith.constant 0 : i32
      %dma_start3A_1421 = tpu.memref_slice %arg8[%add3A_1411, %dma_start3A_1414, %dma_start3A_1420] : memref<312x2x128xi32, #tpu.memory_space<vmem>> -> memref<1x1x128xi32, #tpu.memory_space<vmem>>
      %dma_start3A_1422 = tpu.memref_squeeze %dma_start3A_1421 : memref<1x1x128xi32, #tpu.memory_space<vmem>> -> memref<128xi32, #tpu.memory_space<vmem>>
      %dma_start3A_1423 = arith.constant 0 : i32
      %dma_start3A_1424 = arith.constant 0 : i32
      %dma_start3A_1425 = tpu.memref_slice %arg12[%select_n3A_30, %dma_start3A_1423, %dma_start3A_1424] : memref<2x10240x16xf32, #tpu.memory_space<vmem_shared>> -> memref<1x10240x16xf32, #tpu.memory_space<vmem_shared>>
      %dma_start3A_1426 = tpu.memref_squeeze %dma_start3A_1425 : memref<1x10240x16xf32, #tpu.memory_space<vmem_shared>> -> memref<10240x16xf32, #tpu.memory_space<vmem_shared>>
      %dma_start3A_1427 = arith.constant 0 : i32
      %dma_start3A_1428 = arith.constant 0 : i32
      %dma_start3A_1429 = tpu.memref_slice %dma_start3A_1426[%dma_start3A_1427, %dma_start3A_1428] : memref<10240x16xf32, #tpu.memory_space<vmem_shared>> -> memref<10240x16xf32, #tpu.memory_space<vmem_shared>>
      %dma_start3A_1430 = tpu.memref_slice %arg14[%dma_start3A_1415] : memref<2x!tpu.dma_semaphore, #tpu.memory_space<semaphore_mem>> -> memref<1x!tpu.dma_semaphore, #tpu.memory_space<semaphore_mem>>
      %dma_start3A_1431 = tpu.memref_squeeze %dma_start3A_1430 : memref<1x!tpu.dma_semaphore, #tpu.memory_space<semaphore_mem>> -> memref<!tpu.dma_semaphore, #tpu.memory_space<semaphore_mem>>
      tpu.enqueue_indirect_dma source(%dma_start3A_1419 : memref<128x16xf32, #tpu.memory_space<vmem>>) target(%dma_start3A_1429 : memref<10240x16xf32, #tpu.memory_space<vmem_shared>>) offsets(%dma_start3A_1422 : memref<128xi32, #tpu.memory_space<vmem>>) semaphore(%dma_start3A_1431 : memref<!tpu.dma_semaphore, #tpu.memory_space<semaphore_mem>>) {add = true}
      %mul3A_1432 = arith.constant 6 : i32
      %mul3A_1433 = arith.muli %mul3A_1143, %mul3A_1432 : i32
      %add3A_1434 = arith.constant 0 : i32
      %add3A_1435 = arith.addi %mul3A_1433, %add3A_1434 : i32
      %dma_wait3A_1436 = arith.constant 0 : i32
      %dma_wait3A_1437 = arith.constant 0 : i32
      %dma_wait3A_1438 = arith.constant 1 : i32
      %dma_wait3A_1439 = arith.constant 0 : i32
      %dma_wait3A_1440 = arith.constant 0 : i32
      %dma_wait3A_1441 = arith.constant 0 : i32
      %dma_wait3A_1442 = tpu.memref_slice %arg10[%dma_wait3A_1436, %dma_wait3A_1437, %dma_wait3A_1440, %dma_wait3A_1441] : memref<2x6x128x16xf32, #tpu.memory_space<vmem>> -> memref<1x1x128x16xf32, #tpu.memory_space<vmem>>
      %dma_wait3A_1443 = tpu.memref_squeeze %dma_wait3A_1442 : memref<1x1x128x16xf32, #tpu.memory_space<vmem>> -> memref<128x16xf32, #tpu.memory_space<vmem>>
      %dma_wait3A_1444 = arith.constant 0 : i32
      %dma_wait3A_1445 = tpu.memref_slice %arg8[%add3A_1435, %dma_wait3A_1438, %dma_wait3A_1444] : memref<312x2x128xi32, #tpu.memory_space<vmem>> -> memref<1x1x128xi32, #tpu.memory_space<vmem>>
      %dma_wait3A_1446 = tpu.memref_squeeze %dma_wait3A_1445 : memref<1x1x128xi32, #tpu.memory_space<vmem>> -> memref<128xi32, #tpu.memory_space<vmem>>
      %dma_wait3A_1447 = arith.constant 0 : i32
      %dma_wait3A_1448 = arith.constant 0 : i32
      %dma_wait3A_1449 = tpu.memref_slice %arg12[%select_n3A_30, %dma_wait3A_1447, %dma_wait3A_1448] : memref<2x10240x16xf32, #tpu.memory_space<vmem_shared>> -> memref<1x10240x16xf32, #tpu.memory_space<vmem_shared>>
      %dma_wait3A_1450 = tpu.memref_squeeze %dma_wait3A_1449 : memref<1x10240x16xf32, #tpu.memory_space<vmem_shared>> -> memref<10240x16xf32, #tpu.memory_space<vmem_shared>>
      %dma_wait3A_1451 = arith.constant 0 : i32
      %dma_wait3A_1452 = arith.constant 0 : i32
      %dma_wait3A_1453 = tpu.memref_slice %dma_wait3A_1450[%dma_wait3A_1451, %dma_wait3A_1452] : memref<10240x16xf32, #tpu.memory_space<vmem_shared>> -> memref<10240x16xf32, #tpu.memory_space<vmem_shared>>
      %dma_wait3A_1454 = tpu.memref_slice %arg14[%dma_wait3A_1439] : memref<2x!tpu.dma_semaphore, #tpu.memory_space<semaphore_mem>> -> memref<1x!tpu.dma_semaphore, #tpu.memory_space<semaphore_mem>>
      %dma_wait3A_1455 = tpu.memref_squeeze %dma_wait3A_1454 : memref<1x!tpu.dma_semaphore, #tpu.memory_space<semaphore_mem>> -> memref<!tpu.dma_semaphore, #tpu.memory_space<semaphore_mem>>
      tpu.wait_indirect_dma semaphore(%dma_wait3A_1455 : memref<!tpu.dma_semaphore, #tpu.memory_space<semaphore_mem>>) src(%dma_wait3A_1443 : memref<128x16xf32, #tpu.memory_space<vmem>>) dst(%dma_wait3A_1453 : memref<10240x16xf32, #tpu.memory_space<vmem_shared>>)
      %mul3A_1456 = arith.constant 6 : i32
      %mul3A_1457 = arith.muli %mul3A_1143, %mul3A_1456 : i32
      %add3A_1458 = arith.constant 1 : i32
      %add3A_1459 = arith.addi %mul3A_1457, %add3A_1458 : i32
      %dma_wait3A_1460 = arith.constant 0 : i32
      %dma_wait3A_1461 = arith.constant 1 : i32
      %dma_wait3A_1462 = arith.constant 1 : i32
      %dma_wait3A_1463 = arith.constant 0 : i32
      %dma_wait3A_1464 = arith.constant 0 : i32
      %dma_wait3A_1465 = arith.constant 0 : i32
      %dma_wait3A_1466 = tpu.memref_slice %arg10[%dma_wait3A_1460, %dma_wait3A_1461, %dma_wait3A_1464, %dma_wait3A_1465] : memref<2x6x128x16xf32, #tpu.memory_space<vmem>> -> memref<1x1x128x16xf32, #tpu.memory_space<vmem>>
      %dma_wait3A_1467 = tpu.memref_squeeze %dma_wait3A_1466 : memref<1x1x128x16xf32, #tpu.memory_space<vmem>> -> memref<128x16xf32, #tpu.memory_space<vmem>>
      %dma_wait3A_1468 = arith.constant 0 : i32
      %dma_wait3A_1469 = tpu.memref_slice %arg8[%add3A_1459, %dma_wait3A_1462, %dma_wait3A_1468] : memref<312x2x128xi32, #tpu.memory_space<vmem>> -> memref<1x1x128xi32, #tpu.memory_space<vmem>>
      %dma_wait3A_1470 = tpu.memref_squeeze %dma_wait3A_1469 : memref<1x1x128xi32, #tpu.memory_space<vmem>> -> memref<128xi32, #tpu.memory_space<vmem>>
      %dma_wait3A_1471 = arith.constant 0 : i32
      %dma_wait3A_1472 = arith.constant 0 : i32
      %dma_wait3A_1473 = tpu.memref_slice %arg12[%select_n3A_30, %dma_wait3A_1471, %dma_wait3A_1472] : memref<2x10240x16xf32, #tpu.memory_space<vmem_shared>> -> memref<1x10240x16xf32, #tpu.memory_space<vmem_shared>>
      %dma_wait3A_1474 = tpu.memref_squeeze %dma_wait3A_1473 : memref<1x10240x16xf32, #tpu.memory_space<vmem_shared>> -> memref<10240x16xf32, #tpu.memory_space<vmem_shared>>
      %dma_wait3A_1475 = arith.constant 0 : i32
      %dma_wait3A_1476 = arith.constant 0 : i32
      %dma_wait3A_1477 = tpu.memref_slice %dma_wait3A_1474[%dma_wait3A_1475, %dma_wait3A_1476] : memref<10240x16xf32, #tpu.memory_space<vmem_shared>> -> memref<10240x16xf32, #tpu.memory_space<vmem_shared>>
      %dma_wait3A_1478 = tpu.memref_slice %arg14[%dma_wait3A_1463] : memref<2x!tpu.dma_semaphore, #tpu.memory_space<semaphore_mem>> -> memref<1x!tpu.dma_semaphore, #tpu.memory_space<semaphore_mem>>
      %dma_wait3A_1479 = tpu.memref_squeeze %dma_wait3A_1478 : memref<1x!tpu.dma_semaphore, #tpu.memory_space<semaphore_mem>> -> memref<!tpu.dma_semaphore, #tpu.memory_space<semaphore_mem>>
      tpu.wait_indirect_dma semaphore(%dma_wait3A_1479 : memref<!tpu.dma_semaphore, #tpu.memory_space<semaphore_mem>>) src(%dma_wait3A_1467 : memref<128x16xf32, #tpu.memory_space<vmem>>) dst(%dma_wait3A_1477 : memref<10240x16xf32, #tpu.memory_space<vmem_shared>>)
      %mul3A_1480 = arith.constant 6 : i32
      %mul3A_1481 = arith.muli %mul3A_1143, %mul3A_1480 : i32
      %add3A_1482 = arith.constant 2 : i32
      %add3A_1483 = arith.addi %mul3A_1481, %add3A_1482 : i32
      %dma_wait3A_1484 = arith.constant 0 : i32
      %dma_wait3A_1485 = arith.constant 2 : i32
      %dma_wait3A_1486 = arith.constant 1 : i32
      %dma_wait3A_1487 = arith.constant 0 : i32
      %dma_wait3A_1488 = arith.constant 0 : i32
      %dma_wait3A_1489 = arith.constant 0 : i32
      %dma_wait3A_1490 = tpu.memref_slice %arg10[%dma_wait3A_1484, %dma_wait3A_1485, %dma_wait3A_1488, %dma_wait3A_1489] : memref<2x6x128x16xf32, #tpu.memory_space<vmem>> -> memref<1x1x128x16xf32, #tpu.memory_space<vmem>>
      %dma_wait3A_1491 = tpu.memref_squeeze %dma_wait3A_1490 : memref<1x1x128x16xf32, #tpu.memory_space<vmem>> -> memref<128x16xf32, #tpu.memory_space<vmem>>
      %dma_wait3A_1492 = arith.constant 0 : i32
      %dma_wait3A_1493 = tpu.memref_slice %arg8[%add3A_1483, %dma_wait3A_1486, %dma_wait3A_1492] : memref<312x2x128xi32, #tpu.memory_space<vmem>> -> memref<1x1x128xi32, #tpu.memory_space<vmem>>
      %dma_wait3A_1494 = tpu.memref_squeeze %dma_wait3A_1493 : memref<1x1x128xi32, #tpu.memory_space<vmem>> -> memref<128xi32, #tpu.memory_space<vmem>>
      %dma_wait3A_1495 = arith.constant 0 : i32
      %dma_wait3A_1496 = arith.constant 0 : i32
      %dma_wait3A_1497 = tpu.memref_slice %arg12[%select_n3A_30, %dma_wait3A_1495, %dma_wait3A_1496] : memref<2x10240x16xf32, #tpu.memory_space<vmem_shared>> -> memref<1x10240x16xf32, #tpu.memory_space<vmem_shared>>
      %dma_wait3A_1498 = tpu.memref_squeeze %dma_wait3A_1497 : memref<1x10240x16xf32, #tpu.memory_space<vmem_shared>> -> memref<10240x16xf32, #tpu.memory_space<vmem_shared>>
      %dma_wait3A_1499 = arith.constant 0 : i32
      %dma_wait3A_1500 = arith.constant 0 : i32
      %dma_wait3A_1501 = tpu.memref_slice %dma_wait3A_1498[%dma_wait3A_1499, %dma_wait3A_1500] : memref<10240x16xf32, #tpu.memory_space<vmem_shared>> -> memref<10240x16xf32, #tpu.memory_space<vmem_shared>>
      %dma_wait3A_1502 = tpu.memref_slice %arg14[%dma_wait3A_1487] : memref<2x!tpu.dma_semaphore, #tpu.memory_space<semaphore_mem>> -> memref<1x!tpu.dma_semaphore, #tpu.memory_space<semaphore_mem>>
      %dma_wait3A_1503 = tpu.memref_squeeze %dma_wait3A_1502 : memref<1x!tpu.dma_semaphore, #tpu.memory_space<semaphore_mem>> -> memref<!tpu.dma_semaphore, #tpu.memory_space<semaphore_mem>>
      tpu.wait_indirect_dma semaphore(%dma_wait3A_1503 : memref<!tpu.dma_semaphore, #tpu.memory_space<semaphore_mem>>) src(%dma_wait3A_1491 : memref<128x16xf32, #tpu.memory_space<vmem>>) dst(%dma_wait3A_1501 : memref<10240x16xf32, #tpu.memory_space<vmem_shared>>)
      %mul3A_1504 = arith.constant 6 : i32
      %mul3A_1505 = arith.muli %mul3A_1143, %mul3A_1504 : i32
      %add3A_1506 = arith.constant 3 : i32
      %add3A_1507 = arith.addi %mul3A_1505, %add3A_1506 : i32
      %dma_wait3A_1508 = arith.constant 0 : i32
      %dma_wait3A_1509 = arith.constant 3 : i32
      %dma_wait3A_1510 = arith.constant 1 : i32
      %dma_wait3A_1511 = arith.constant 0 : i32
      %dma_wait3A_1512 = arith.constant 0 : i32
      %dma_wait3A_1513 = arith.constant 0 : i32
      %dma_wait3A_1514 = tpu.memref_slice %arg10[%dma_wait3A_1508, %dma_wait3A_1509, %dma_wait3A_1512, %dma_wait3A_1513] : memref<2x6x128x16xf32, #tpu.memory_space<vmem>> -> memref<1x1x128x16xf32, #tpu.memory_space<vmem>>
      %dma_wait3A_1515 = tpu.memref_squeeze %dma_wait3A_1514 : memref<1x1x128x16xf32, #tpu.memory_space<vmem>> -> memref<128x16xf32, #tpu.memory_space<vmem>>
      %dma_wait3A_1516 = arith.constant 0 : i32
      %dma_wait3A_1517 = tpu.memref_slice %arg8[%add3A_1507, %dma_wait3A_1510, %dma_wait3A_1516] : memref<312x2x128xi32, #tpu.memory_space<vmem>> -> memref<1x1x128xi32, #tpu.memory_space<vmem>>
      %dma_wait3A_1518 = tpu.memref_squeeze %dma_wait3A_1517 : memref<1x1x128xi32, #tpu.memory_space<vmem>> -> memref<128xi32, #tpu.memory_space<vmem>>
      %dma_wait3A_1519 = arith.constant 0 : i32
      %dma_wait3A_1520 = arith.constant 0 : i32
      %dma_wait3A_1521 = tpu.memref_slice %arg12[%select_n3A_30, %dma_wait3A_1519, %dma_wait3A_1520] : memref<2x10240x16xf32, #tpu.memory_space<vmem_shared>> -> memref<1x10240x16xf32, #tpu.memory_space<vmem_shared>>
      %dma_wait3A_1522 = tpu.memref_squeeze %dma_wait3A_1521 : memref<1x10240x16xf32, #tpu.memory_space<vmem_shared>> -> memref<10240x16xf32, #tpu.memory_space<vmem_shared>>
      %dma_wait3A_1523 = arith.constant 0 : i32
      %dma_wait3A_1524 = arith.constant 0 : i32
      %dma_wait3A_1525 = tpu.memref_slice %dma_wait3A_1522[%dma_wait3A_1523, %dma_wait3A_1524] : memref<10240x16xf32, #tpu.memory_space<vmem_shared>> -> memref<10240x16xf32, #tpu.memory_space<vmem_shared>>
      %dma_wait3A_1526 = tpu.memref_slice %arg14[%dma_wait3A_1511] : memref<2x!tpu.dma_semaphore, #tpu.memory_space<semaphore_mem>> -> memref<1x!tpu.dma_semaphore, #tpu.memory_space<semaphore_mem>>
      %dma_wait3A_1527 = tpu.memref_squeeze %dma_wait3A_1526 : memref<1x!tpu.dma_semaphore, #tpu.memory_space<semaphore_mem>> -> memref<!tpu.dma_semaphore, #tpu.memory_space<semaphore_mem>>
      tpu.wait_indirect_dma semaphore(%dma_wait3A_1527 : memref<!tpu.dma_semaphore, #tpu.memory_space<semaphore_mem>>) src(%dma_wait3A_1515 : memref<128x16xf32, #tpu.memory_space<vmem>>) dst(%dma_wait3A_1525 : memref<10240x16xf32, #tpu.memory_space<vmem_shared>>)
      %mul3A_1528 = arith.constant 6 : i32
      %mul3A_1529 = arith.muli %mul3A_1143, %mul3A_1528 : i32
      %add3A_1530 = arith.constant 4 : i32
      %add3A_1531 = arith.addi %mul3A_1529, %add3A_1530 : i32
      %dma_wait3A_1532 = arith.constant 0 : i32
      %dma_wait3A_1533 = arith.constant 4 : i32
      %dma_wait3A_1534 = arith.constant 1 : i32
      %dma_wait3A_1535 = arith.constant 0 : i32
      %dma_wait3A_1536 = arith.constant 0 : i32
      %dma_wait3A_1537 = arith.constant 0 : i32
      %dma_wait3A_1538 = tpu.memref_slice %arg10[%dma_wait3A_1532, %dma_wait3A_1533, %dma_wait3A_1536, %dma_wait3A_1537] : memref<2x6x128x16xf32, #tpu.memory_space<vmem>> -> memref<1x1x128x16xf32, #tpu.memory_space<vmem>>
      %dma_wait3A_1539 = tpu.memref_squeeze %dma_wait3A_1538 : memref<1x1x128x16xf32, #tpu.memory_space<vmem>> -> memref<128x16xf32, #tpu.memory_space<vmem>>
      %dma_wait3A_1540 = arith.constant 0 : i32
      %dma_wait3A_1541 = tpu.memref_slice %arg8[%add3A_1531, %dma_wait3A_1534, %dma_wait3A_1540] : memref<312x2x128xi32, #tpu.memory_space<vmem>> -> memref<1x1x128xi32, #tpu.memory_space<vmem>>
      %dma_wait3A_1542 = tpu.memref_squeeze %dma_wait3A_1541 : memref<1x1x128xi32, #tpu.memory_space<vmem>> -> memref<128xi32, #tpu.memory_space<vmem>>
      %dma_wait3A_1543 = arith.constant 0 : i32
      %dma_wait3A_1544 = arith.constant 0 : i32
      %dma_wait3A_1545 = tpu.memref_slice %arg12[%select_n3A_30, %dma_wait3A_1543, %dma_wait3A_1544] : memref<2x10240x16xf32, #tpu.memory_space<vmem_shared>> -> memref<1x10240x16xf32, #tpu.memory_space<vmem_shared>>
      %dma_wait3A_1546 = tpu.memref_squeeze %dma_wait3A_1545 : memref<1x10240x16xf32, #tpu.memory_space<vmem_shared>> -> memref<10240x16xf32, #tpu.memory_space<vmem_shared>>
      %dma_wait3A_1547 = arith.constant 0 : i32
      %dma_wait3A_1548 = arith.constant 0 : i32
      %dma_wait3A_1549 = tpu.memref_slice %dma_wait3A_1546[%dma_wait3A_1547, %dma_wait3A_1548] : memref<10240x16xf32, #tpu.memory_space<vmem_shared>> -> memref<10240x16xf32, #tpu.memory_space<vmem_shared>>
      %dma_wait3A_1550 = tpu.memref_slice %arg14[%dma_wait3A_1535] : memref<2x!tpu.dma_semaphore, #tpu.memory_space<semaphore_mem>> -> memref<1x!tpu.dma_semaphore, #tpu.memory_space<semaphore_mem>>
      %dma_wait3A_1551 = tpu.memref_squeeze %dma_wait3A_1550 : memref<1x!tpu.dma_semaphore, #tpu.memory_space<semaphore_mem>> -> memref<!tpu.dma_semaphore, #tpu.memory_space<semaphore_mem>>
      tpu.wait_indirect_dma semaphore(%dma_wait3A_1551 : memref<!tpu.dma_semaphore, #tpu.memory_space<semaphore_mem>>) src(%dma_wait3A_1539 : memref<128x16xf32, #tpu.memory_space<vmem>>) dst(%dma_wait3A_1549 : memref<10240x16xf32, #tpu.memory_space<vmem_shared>>)
      %mul3A_1552 = arith.constant 6 : i32
      %mul3A_1553 = arith.muli %mul3A_1143, %mul3A_1552 : i32
      %add3A_1554 = arith.constant 5 : i32
      %add3A_1555 = arith.addi %mul3A_1553, %add3A_1554 : i32
      %dma_wait3A_1556 = arith.constant 0 : i32
      %dma_wait3A_1557 = arith.constant 5 : i32
      %dma_wait3A_1558 = arith.constant 1 : i32
      %dma_wait3A_1559 = arith.constant 0 : i32
      %dma_wait3A_1560 = arith.constant 0 : i32
      %dma_wait3A_1561 = arith.constant 0 : i32
      %dma_wait3A_1562 = tpu.memref_slice %arg10[%dma_wait3A_1556, %dma_wait3A_1557, %dma_wait3A_1560, %dma_wait3A_1561] : memref<2x6x128x16xf32, #tpu.memory_space<vmem>> -> memref<1x1x128x16xf32, #tpu.memory_space<vmem>>
      %dma_wait3A_1563 = tpu.memref_squeeze %dma_wait3A_1562 : memref<1x1x128x16xf32, #tpu.memory_space<vmem>> -> memref<128x16xf32, #tpu.memory_space<vmem>>
      %dma_wait3A_1564 = arith.constant 0 : i32
      %dma_wait3A_1565 = tpu.memref_slice %arg8[%add3A_1555, %dma_wait3A_1558, %dma_wait3A_1564] : memref<312x2x128xi32, #tpu.memory_space<vmem>> -> memref<1x1x128xi32, #tpu.memory_space<vmem>>
      %dma_wait3A_1566 = tpu.memref_squeeze %dma_wait3A_1565 : memref<1x1x128xi32, #tpu.memory_space<vmem>> -> memref<128xi32, #tpu.memory_space<vmem>>
      %dma_wait3A_1567 = arith.constant 0 : i32
      %dma_wait3A_1568 = arith.constant 0 : i32
      %dma_wait3A_1569 = tpu.memref_slice %arg12[%select_n3A_30, %dma_wait3A_1567, %dma_wait3A_1568] : memref<2x10240x16xf32, #tpu.memory_space<vmem_shared>> -> memref<1x10240x16xf32, #tpu.memory_space<vmem_shared>>
      %dma_wait3A_1570 = tpu.memref_squeeze %dma_wait3A_1569 : memref<1x10240x16xf32, #tpu.memory_space<vmem_shared>> -> memref<10240x16xf32, #tpu.memory_space<vmem_shared>>
      %dma_wait3A_1571 = arith.constant 0 : i32
      %dma_wait3A_1572 = arith.constant 0 : i32
      %dma_wait3A_1573 = tpu.memref_slice %dma_wait3A_1570[%dma_wait3A_1571, %dma_wait3A_1572] : memref<10240x16xf32, #tpu.memory_space<vmem_shared>> -> memref<10240x16xf32, #tpu.memory_space<vmem_shared>>
      %dma_wait3A_1574 = tpu.memref_slice %arg14[%dma_wait3A_1559] : memref<2x!tpu.dma_semaphore, #tpu.memory_space<semaphore_mem>> -> memref<1x!tpu.dma_semaphore, #tpu.memory_space<semaphore_mem>>
      %dma_wait3A_1575 = tpu.memref_squeeze %dma_wait3A_1574 : memref<1x!tpu.dma_semaphore, #tpu.memory_space<semaphore_mem>> -> memref<!tpu.dma_semaphore, #tpu.memory_space<semaphore_mem>>
      tpu.wait_indirect_dma semaphore(%dma_wait3A_1575 : memref<!tpu.dma_semaphore, #tpu.memory_space<semaphore_mem>>) src(%dma_wait3A_1563 : memref<128x16xf32, #tpu.memory_space<vmem>>) dst(%dma_wait3A_1573 : memref<10240x16xf32, #tpu.memory_space<vmem_shared>>)
      %add3A_1576 = arith.constant 2 : i32
      %add3A_1577 = arith.addi %mul3A_1143, %add3A_1576 : i32
      %mul3A_1578 = arith.constant 6 : i32
      %mul3A_1579 = arith.muli %add3A_1577, %mul3A_1578 : i32
      %add3A_1580 = arith.constant 0 : i32
      %add3A_1581 = arith.addi %mul3A_1579, %add3A_1580 : i32
      %dma_start3A_1582 = arith.constant 0 : i32
      %dma_start3A_1583 = arith.constant 0 : i32
      %dma_start3A_1584 = arith.constant 0 : i32
      %dma_start3A_1585 = arith.constant 0 : i32
      %dma_start3A_1586 = arith.constant 0 : i32
      %dma_start3A_1587 = arith.constant 0 : i32
      %dma_start3A_1588 = tpu.memref_slice %arg10[%dma_start3A_1583, %dma_start3A_1584, %dma_start3A_1586, %dma_start3A_1587] : memref<2x6x128x16xf32, #tpu.memory_space<vmem>> -> memref<1x1x128x16xf32, #tpu.memory_space<vmem>>
      %dma_start3A_1589 = tpu.memref_squeeze %dma_start3A_1588 : memref<1x1x128x16xf32, #tpu.memory_space<vmem>> -> memref<128x16xf32, #tpu.memory_space<vmem>>
      %dma_start3A_1590 = arith.constant 0 : i32
      %dma_start3A_1591 = tpu.memref_slice %arg8[%add3A_1581, %dma_start3A_1582, %dma_start3A_1590] : memref<312x2x128xi32, #tpu.memory_space<vmem>> -> memref<1x1x128xi32, #tpu.memory_space<vmem>>
      %dma_start3A_1592 = tpu.memref_squeeze %dma_start3A_1591 : memref<1x1x128xi32, #tpu.memory_space<vmem>> -> memref<128xi32, #tpu.memory_space<vmem>>
      %dma_start3A_1593 = arith.constant 0 : i32
      %dma_start3A_1594 = arith.constant 0 : i32
      %dma_start3A_1595 = tpu.memref_slice %arg6[%select_n3A, %dma_start3A_1593, %dma_start3A_1594] : memref<4x10240x16xf32, #tpu.memory_space<hbm>> -> memref<1x10240x16xf32, #tpu.memory_space<hbm>>
      %dma_start3A_1596 = tpu.memref_squeeze %dma_start3A_1595 : memref<1x10240x16xf32, #tpu.memory_space<hbm>> -> memref<10240x16xf32, #tpu.memory_space<hbm>>
      %dma_start3A_1597 = arith.constant 0 : i32
      %dma_start3A_1598 = arith.constant 0 : i32
      %dma_start3A_1599 = tpu.memref_slice %dma_start3A_1596[%dma_start3A_1597, %dma_start3A_1598] : memref<10240x16xf32, #tpu.memory_space<hbm>> -> memref<10240x16xf32, #tpu.memory_space<hbm>>
      %dma_start3A_1600 = tpu.memref_slice %arg13[%dma_start3A_1585] : memref<2x!tpu.dma_semaphore, #tpu.memory_space<semaphore_mem>> -> memref<1x!tpu.dma_semaphore, #tpu.memory_space<semaphore_mem>>
      %dma_start3A_1601 = tpu.memref_squeeze %dma_start3A_1600 : memref<1x!tpu.dma_semaphore, #tpu.memory_space<semaphore_mem>> -> memref<!tpu.dma_semaphore, #tpu.memory_space<semaphore_mem>>
      tpu.enqueue_indirect_dma source(%dma_start3A_1599 : memref<10240x16xf32, #tpu.memory_space<hbm>>) target(%dma_start3A_1589 : memref<128x16xf32, #tpu.memory_space<vmem>>) offsets(%dma_start3A_1592 : memref<128xi32, #tpu.memory_space<vmem>>) semaphore(%dma_start3A_1601 : memref<!tpu.dma_semaphore, #tpu.memory_space<semaphore_mem>>)
      %add3A_1602 = arith.constant 2 : i32
      %add3A_1603 = arith.addi %mul3A_1143, %add3A_1602 : i32
      %mul3A_1604 = arith.constant 6 : i32
      %mul3A_1605 = arith.muli %add3A_1603, %mul3A_1604 : i32
      %add3A_1606 = arith.constant 1 : i32
      %add3A_1607 = arith.addi %mul3A_1605, %add3A_1606 : i32
      %dma_start3A_1608 = arith.constant 0 : i32
      %dma_start3A_1609 = arith.constant 0 : i32
      %dma_start3A_1610 = arith.constant 1 : i32
      %dma_start3A_1611 = arith.constant 0 : i32
      %dma_start3A_1612 = arith.constant 0 : i32
      %dma_start3A_1613 = arith.constant 0 : i32
      %dma_start3A_1614 = tpu.memref_slice %arg10[%dma_start3A_1609, %dma_start3A_1610, %dma_start3A_1612, %dma_start3A_1613] : memref<2x6x128x16xf32, #tpu.memory_space<vmem>> -> memref<1x1x128x16xf32, #tpu.memory_space<vmem>>
      %dma_start3A_1615 = tpu.memref_squeeze %dma_start3A_1614 : memref<1x1x128x16xf32, #tpu.memory_space<vmem>> -> memref<128x16xf32, #tpu.memory_space<vmem>>
      %dma_start3A_1616 = arith.constant 0 : i32
      %dma_start3A_1617 = tpu.memref_slice %arg8[%add3A_1607, %dma_start3A_1608, %dma_start3A_1616] : memref<312x2x128xi32, #tpu.memory_space<vmem>> -> memref<1x1x128xi32, #tpu.memory_space<vmem>>
      %dma_start3A_1618 = tpu.memref_squeeze %dma_start3A_1617 : memref<1x1x128xi32, #tpu.memory_space<vmem>> -> memref<128xi32, #tpu.memory_space<vmem>>
      %dma_start3A_1619 = arith.constant 0 : i32
      %dma_start3A_1620 = arith.constant 0 : i32
      %dma_start3A_1621 = tpu.memref_slice %arg6[%select_n3A, %dma_start3A_1619, %dma_start3A_1620] : memref<4x10240x16xf32, #tpu.memory_space<hbm>> -> memref<1x10240x16xf32, #tpu.memory_space<hbm>>
      %dma_start3A_1622 = tpu.memref_squeeze %dma_start3A_1621 : memref<1x10240x16xf32, #tpu.memory_space<hbm>> -> memref<10240x16xf32, #tpu.memory_space<hbm>>
      %dma_start3A_1623 = arith.constant 0 : i32
      %dma_start3A_1624 = arith.constant 0 : i32
      %dma_start3A_1625 = tpu.memref_slice %dma_start3A_1622[%dma_start3A_1623, %dma_start3A_1624] : memref<10240x16xf32, #tpu.memory_space<hbm>> -> memref<10240x16xf32, #tpu.memory_space<hbm>>
      %dma_start3A_1626 = tpu.memref_slice %arg13[%dma_start3A_1611] : memref<2x!tpu.dma_semaphore, #tpu.memory_space<semaphore_mem>> -> memref<1x!tpu.dma_semaphore, #tpu.memory_space<semaphore_mem>>
      %dma_start3A_1627 = tpu.memref_squeeze %dma_start3A_1626 : memref<1x!tpu.dma_semaphore, #tpu.memory_space<semaphore_mem>> -> memref<!tpu.dma_semaphore, #tpu.memory_space<semaphore_mem>>
      tpu.enqueue_indirect_dma source(%dma_start3A_1625 : memref<10240x16xf32, #tpu.memory_space<hbm>>) target(%dma_start3A_1615 : memref<128x16xf32, #tpu.memory_space<vmem>>) offsets(%dma_start3A_1618 : memref<128xi32, #tpu.memory_space<vmem>>) semaphore(%dma_start3A_1627 : memref<!tpu.dma_semaphore, #tpu.memory_space<semaphore_mem>>)
      %add3A_1628 = arith.constant 2 : i32
      %add3A_1629 = arith.addi %mul3A_1143, %add3A_1628 : i32
      %mul3A_1630 = arith.constant 6 : i32
      %mul3A_1631 = arith.muli %add3A_1629, %mul3A_1630 : i32
      %add3A_1632 = arith.constant 2 : i32
      %add3A_1633 = arith.addi %mul3A_1631, %add3A_1632 : i32
      %dma_start3A_1634 = arith.constant 0 : i32
      %dma_start3A_1635 = arith.constant 0 : i32
      %dma_start3A_1636 = arith.constant 2 : i32
      %dma_start3A_1637 = arith.constant 0 : i32
      %dma_start3A_1638 = arith.constant 0 : i32
      %dma_start3A_1639 = arith.constant 0 : i32
      %dma_start3A_1640 = tpu.memref_slice %arg10[%dma_start3A_1635, %dma_start3A_1636, %dma_start3A_1638, %dma_start3A_1639] : memref<2x6x128x16xf32, #tpu.memory_space<vmem>> -> memref<1x1x128x16xf32, #tpu.memory_space<vmem>>
      %dma_start3A_1641 = tpu.memref_squeeze %dma_start3A_1640 : memref<1x1x128x16xf32, #tpu.memory_space<vmem>> -> memref<128x16xf32, #tpu.memory_space<vmem>>
      %dma_start3A_1642 = arith.constant 0 : i32
      %dma_start3A_1643 = tpu.memref_slice %arg8[%add3A_1633, %dma_start3A_1634, %dma_start3A_1642] : memref<312x2x128xi32, #tpu.memory_space<vmem>> -> memref<1x1x128xi32, #tpu.memory_space<vmem>>
      %dma_start3A_1644 = tpu.memref_squeeze %dma_start3A_1643 : memref<1x1x128xi32, #tpu.memory_space<vmem>> -> memref<128xi32, #tpu.memory_space<vmem>>
      %dma_start3A_1645 = arith.constant 0 : i32
      %dma_start3A_1646 = arith.constant 0 : i32
      %dma_start3A_1647 = tpu.memref_slice %arg6[%select_n3A, %dma_start3A_1645, %dma_start3A_1646] : memref<4x10240x16xf32, #tpu.memory_space<hbm>> -> memref<1x10240x16xf32, #tpu.memory_space<hbm>>
      %dma_start3A_1648 = tpu.memref_squeeze %dma_start3A_1647 : memref<1x10240x16xf32, #tpu.memory_space<hbm>> -> memref<10240x16xf32, #tpu.memory_space<hbm>>
      %dma_start3A_1649 = arith.constant 0 : i32
      %dma_start3A_1650 = arith.constant 0 : i32
      %dma_start3A_1651 = tpu.memref_slice %dma_start3A_1648[%dma_start3A_1649, %dma_start3A_1650] : memref<10240x16xf32, #tpu.memory_space<hbm>> -> memref<10240x16xf32, #tpu.memory_space<hbm>>
      %dma_start3A_1652 = tpu.memref_slice %arg13[%dma_start3A_1637] : memref<2x!tpu.dma_semaphore, #tpu.memory_space<semaphore_mem>> -> memref<1x!tpu.dma_semaphore, #tpu.memory_space<semaphore_mem>>
      %dma_start3A_1653 = tpu.memref_squeeze %dma_start3A_1652 : memref<1x!tpu.dma_semaphore, #tpu.memory_space<semaphore_mem>> -> memref<!tpu.dma_semaphore, #tpu.memory_space<semaphore_mem>>
      tpu.enqueue_indirect_dma source(%dma_start3A_1651 : memref<10240x16xf32, #tpu.memory_space<hbm>>) target(%dma_start3A_1641 : memref<128x16xf32, #tpu.memory_space<vmem>>) offsets(%dma_start3A_1644 : memref<128xi32, #tpu.memory_space<vmem>>) semaphore(%dma_start3A_1653 : memref<!tpu.dma_semaphore, #tpu.memory_space<semaphore_mem>>)
      %add3A_1654 = arith.constant 2 : i32
      %add3A_1655 = arith.addi %mul3A_1143, %add3A_1654 : i32
      %mul3A_1656 = arith.constant 6 : i32
      %mul3A_1657 = arith.muli %add3A_1655, %mul3A_1656 : i32
      %add3A_1658 = arith.constant 3 : i32
      %add3A_1659 = arith.addi %mul3A_1657, %add3A_1658 : i32
      %dma_start3A_1660 = arith.constant 0 : i32
      %dma_start3A_1661 = arith.constant 0 : i32
      %dma_start3A_1662 = arith.constant 3 : i32
      %dma_start3A_1663 = arith.constant 0 : i32
      %dma_start3A_1664 = arith.constant 0 : i32
      %dma_start3A_1665 = arith.constant 0 : i32
      %dma_start3A_1666 = tpu.memref_slice %arg10[%dma_start3A_1661, %dma_start3A_1662, %dma_start3A_1664, %dma_start3A_1665] : memref<2x6x128x16xf32, #tpu.memory_space<vmem>> -> memref<1x1x128x16xf32, #tpu.memory_space<vmem>>
      %dma_start3A_1667 = tpu.memref_squeeze %dma_start3A_1666 : memref<1x1x128x16xf32, #tpu.memory_space<vmem>> -> memref<128x16xf32, #tpu.memory_space<vmem>>
      %dma_start3A_1668 = arith.constant 0 : i32
      %dma_start3A_1669 = tpu.memref_slice %arg8[%add3A_1659, %dma_start3A_1660, %dma_start3A_1668] : memref<312x2x128xi32, #tpu.memory_space<vmem>> -> memref<1x1x128xi32, #tpu.memory_space<vmem>>
      %dma_start3A_1670 = tpu.memref_squeeze %dma_start3A_1669 : memref<1x1x128xi32, #tpu.memory_space<vmem>> -> memref<128xi32, #tpu.memory_space<vmem>>
      %dma_start3A_1671 = arith.constant 0 : i32
      %dma_start3A_1672 = arith.constant 0 : i32
      %dma_start3A_1673 = tpu.memref_slice %arg6[%select_n3A, %dma_start3A_1671, %dma_start3A_1672] : memref<4x10240x16xf32, #tpu.memory_space<hbm>> -> memref<1x10240x16xf32, #tpu.memory_space<hbm>>
      %dma_start3A_1674 = tpu.memref_squeeze %dma_start3A_1673 : memref<1x10240x16xf32, #tpu.memory_space<hbm>> -> memref<10240x16xf32, #tpu.memory_space<hbm>>
      %dma_start3A_1675 = arith.constant 0 : i32
      %dma_start3A_1676 = arith.constant 0 : i32
      %dma_start3A_1677 = tpu.memref_slice %dma_start3A_1674[%dma_start3A_1675, %dma_start3A_1676] : memref<10240x16xf32, #tpu.memory_space<hbm>> -> memref<10240x16xf32, #tpu.memory_space<hbm>>
      %dma_start3A_1678 = tpu.memref_slice %arg13[%dma_start3A_1663] : memref<2x!tpu.dma_semaphore, #tpu.memory_space<semaphore_mem>> -> memref<1x!tpu.dma_semaphore, #tpu.memory_space<semaphore_mem>>
      %dma_start3A_1679 = tpu.memref_squeeze %dma_start3A_1678 : memref<1x!tpu.dma_semaphore, #tpu.memory_space<semaphore_mem>> -> memref<!tpu.dma_semaphore, #tpu.memory_space<semaphore_mem>>
      tpu.enqueue_indirect_dma source(%dma_start3A_1677 : memref<10240x16xf32, #tpu.memory_space<hbm>>) target(%dma_start3A_1667 : memref<128x16xf32, #tpu.memory_space<vmem>>) offsets(%dma_start3A_1670 : memref<128xi32, #tpu.memory_space<vmem>>) semaphore(%dma_start3A_1679 : memref<!tpu.dma_semaphore, #tpu.memory_space<semaphore_mem>>)
      %add3A_1680 = arith.constant 2 : i32
      %add3A_1681 = arith.addi %mul3A_1143, %add3A_1680 : i32
      %mul3A_1682 = arith.constant 6 : i32
      %mul3A_1683 = arith.muli %add3A_1681, %mul3A_1682 : i32
      %add3A_1684 = arith.constant 4 : i32
      %add3A_1685 = arith.addi %mul3A_1683, %add3A_1684 : i32
      %dma_start3A_1686 = arith.constant 0 : i32
      %dma_start3A_1687 = arith.constant 0 : i32
      %dma_start3A_1688 = arith.constant 4 : i32
      %dma_start3A_1689 = arith.constant 0 : i32
      %dma_start3A_1690 = arith.constant 0 : i32
      %dma_start3A_1691 = arith.constant 0 : i32
      %dma_start3A_1692 = tpu.memref_slice %arg10[%dma_start3A_1687, %dma_start3A_1688, %dma_start3A_1690, %dma_start3A_1691] : memref<2x6x128x16xf32, #tpu.memory_space<vmem>> -> memref<1x1x128x16xf32, #tpu.memory_space<vmem>>
      %dma_start3A_1693 = tpu.memref_squeeze %dma_start3A_1692 : memref<1x1x128x16xf32, #tpu.memory_space<vmem>> -> memref<128x16xf32, #tpu.memory_space<vmem>>
      %dma_start3A_1694 = arith.constant 0 : i32
      %dma_start3A_1695 = tpu.memref_slice %arg8[%add3A_1685, %dma_start3A_1686, %dma_start3A_1694] : memref<312x2x128xi32, #tpu.memory_space<vmem>> -> memref<1x1x128xi32, #tpu.memory_space<vmem>>
      %dma_start3A_1696 = tpu.memref_squeeze %dma_start3A_1695 : memref<1x1x128xi32, #tpu.memory_space<vmem>> -> memref<128xi32, #tpu.memory_space<vmem>>
      %dma_start3A_1697 = arith.constant 0 : i32
      %dma_start3A_1698 = arith.constant 0 : i32
      %dma_start3A_1699 = tpu.memref_slice %arg6[%select_n3A, %dma_start3A_1697, %dma_start3A_1698] : memref<4x10240x16xf32, #tpu.memory_space<hbm>> -> memref<1x10240x16xf32, #tpu.memory_space<hbm>>
      %dma_start3A_1700 = tpu.memref_squeeze %dma_start3A_1699 : memref<1x10240x16xf32, #tpu.memory_space<hbm>> -> memref<10240x16xf32, #tpu.memory_space<hbm>>
      %dma_start3A_1701 = arith.constant 0 : i32
      %dma_start3A_1702 = arith.constant 0 : i32
      %dma_start3A_1703 = tpu.memref_slice %dma_start3A_1700[%dma_start3A_1701, %dma_start3A_1702] : memref<10240x16xf32, #tpu.memory_space<hbm>> -> memref<10240x16xf32, #tpu.memory_space<hbm>>
      %dma_start3A_1704 = tpu.memref_slice %arg13[%dma_start3A_1689] : memref<2x!tpu.dma_semaphore, #tpu.memory_space<semaphore_mem>> -> memref<1x!tpu.dma_semaphore, #tpu.memory_space<semaphore_mem>>
      %dma_start3A_1705 = tpu.memref_squeeze %dma_start3A_1704 : memref<1x!tpu.dma_semaphore, #tpu.memory_space<semaphore_mem>> -> memref<!tpu.dma_semaphore, #tpu.memory_space<semaphore_mem>>
      tpu.enqueue_indirect_dma source(%dma_start3A_1703 : memref<10240x16xf32, #tpu.memory_space<hbm>>) target(%dma_start3A_1693 : memref<128x16xf32, #tpu.memory_space<vmem>>) offsets(%dma_start3A_1696 : memref<128xi32, #tpu.memory_space<vmem>>) semaphore(%dma_start3A_1705 : memref<!tpu.dma_semaphore, #tpu.memory_space<semaphore_mem>>)
      %add3A_1706 = arith.constant 2 : i32
      %add3A_1707 = arith.addi %mul3A_1143, %add3A_1706 : i32
      %mul3A_1708 = arith.constant 6 : i32
      %mul3A_1709 = arith.muli %add3A_1707, %mul3A_1708 : i32
      %add3A_1710 = arith.constant 5 : i32
      %add3A_1711 = arith.addi %mul3A_1709, %add3A_1710 : i32
      %dma_start3A_1712 = arith.constant 0 : i32
      %dma_start3A_1713 = arith.constant 0 : i32
      %dma_start3A_1714 = arith.constant 5 : i32
      %dma_start3A_1715 = arith.constant 0 : i32
      %dma_start3A_1716 = arith.constant 0 : i32
      %dma_start3A_1717 = arith.constant 0 : i32
      %dma_start3A_1718 = tpu.memref_slice %arg10[%dma_start3A_1713, %dma_start3A_1714, %dma_start3A_1716, %dma_start3A_1717] : memref<2x6x128x16xf32, #tpu.memory_space<vmem>> -> memref<1x1x128x16xf32, #tpu.memory_space<vmem>>
      %dma_start3A_1719 = tpu.memref_squeeze %dma_start3A_1718 : memref<1x1x128x16xf32, #tpu.memory_space<vmem>> -> memref<128x16xf32, #tpu.memory_space<vmem>>
      %dma_start3A_1720 = arith.constant 0 : i32
      %dma_start3A_1721 = tpu.memref_slice %arg8[%add3A_1711, %dma_start3A_1712, %dma_start3A_1720] : memref<312x2x128xi32, #tpu.memory_space<vmem>> -> memref<1x1x128xi32, #tpu.memory_space<vmem>>
      %dma_start3A_1722 = tpu.memref_squeeze %dma_start3A_1721 : memref<1x1x128xi32, #tpu.memory_space<vmem>> -> memref<128xi32, #tpu.memory_space<vmem>>
      %dma_start3A_1723 = arith.constant 0 : i32
      %dma_start3A_1724 = arith.constant 0 : i32
      %dma_start3A_1725 = tpu.memref_slice %arg6[%select_n3A, %dma_start3A_1723, %dma_start3A_1724] : memref<4x10240x16xf32, #tpu.memory_space<hbm>> -> memref<1x10240x16xf32, #tpu.memory_space<hbm>>
      %dma_start3A_1726 = tpu.memref_squeeze %dma_start3A_1725 : memref<1x10240x16xf32, #tpu.memory_space<hbm>> -> memref<10240x16xf32, #tpu.memory_space<hbm>>
      %dma_start3A_1727 = arith.constant 0 : i32
      %dma_start3A_1728 = arith.constant 0 : i32
      %dma_start3A_1729 = tpu.memref_slice %dma_start3A_1726[%dma_start3A_1727, %dma_start3A_1728] : memref<10240x16xf32, #tpu.memory_space<hbm>> -> memref<10240x16xf32, #tpu.memory_space<hbm>>
      %dma_start3A_1730 = tpu.memref_slice %arg13[%dma_start3A_1715] : memref<2x!tpu.dma_semaphore, #tpu.memory_space<semaphore_mem>> -> memref<1x!tpu.dma_semaphore, #tpu.memory_space<semaphore_mem>>
      %dma_start3A_1731 = tpu.memref_squeeze %dma_start3A_1730 : memref<1x!tpu.dma_semaphore, #tpu.memory_space<semaphore_mem>> -> memref<!tpu.dma_semaphore, #tpu.memory_space<semaphore_mem>>
      tpu.enqueue_indirect_dma source(%dma_start3A_1729 : memref<10240x16xf32, #tpu.memory_space<hbm>>) target(%dma_start3A_1719 : memref<128x16xf32, #tpu.memory_space<vmem>>) offsets(%dma_start3A_1722 : memref<128xi32, #tpu.memory_space<vmem>>) semaphore(%dma_start3A_1731 : memref<!tpu.dma_semaphore, #tpu.memory_space<semaphore_mem>>)
      %mul3A_1732 = arith.constant 2 : i32
      %mul3A_1733 = arith.muli %mul3A_1732, %scan3A_1141 : i32
      %add3A_1734 = arith.constant 1 : i32
      %add3A_1735 = arith.addi %mul3A_1733, %add3A_1734 : i32
      %mul3A_1736 = arith.constant 6 : i32
      %mul3A_1737 = arith.muli %add3A_1735, %mul3A_1736 : i32
      %add3A_1738 = arith.constant 0 : i32
      %add3A_1739 = arith.addi %mul3A_1737, %add3A_1738 : i32
      %dma_wait3A_1740 = arith.constant 0 : i32
      %dma_wait3A_1741 = arith.constant 1 : i32
      %dma_wait3A_1742 = arith.constant 0 : i32
      %dma_wait3A_1743 = arith.constant 1 : i32
      %dma_wait3A_1744 = arith.constant 0 : i32
      %dma_wait3A_1745 = arith.constant 0 : i32
      %dma_wait3A_1746 = tpu.memref_slice %arg10[%dma_wait3A_1741, %dma_wait3A_1742, %dma_wait3A_1744, %dma_wait3A_1745] : memref<2x6x128x16xf32, #tpu.memory_space<vmem>> -> memref<1x1x128x16xf32, #tpu.memory_space<vmem>>
      %dma_wait3A_1747 = tpu.memref_squeeze %dma_wait3A_1746 : memref<1x1x128x16xf32, #tpu.memory_space<vmem>> -> memref<128x16xf32, #tpu.memory_space<vmem>>
      %dma_wait3A_1748 = arith.constant 0 : i32
      %dma_wait3A_1749 = tpu.memref_slice %arg8[%add3A_1739, %dma_wait3A_1740, %dma_wait3A_1748] : memref<312x2x128xi32, #tpu.memory_space<vmem>> -> memref<1x1x128xi32, #tpu.memory_space<vmem>>
      %dma_wait3A_1750 = tpu.memref_squeeze %dma_wait3A_1749 : memref<1x1x128xi32, #tpu.memory_space<vmem>> -> memref<128xi32, #tpu.memory_space<vmem>>
      %dma_wait3A_1751 = arith.constant 0 : i32
      %dma_wait3A_1752 = arith.constant 0 : i32
      %dma_wait3A_1753 = tpu.memref_slice %arg6[%select_n3A, %dma_wait3A_1751, %dma_wait3A_1752] : memref<4x10240x16xf32, #tpu.memory_space<hbm>> -> memref<1x10240x16xf32, #tpu.memory_space<hbm>>
      %dma_wait3A_1754 = tpu.memref_squeeze %dma_wait3A_1753 : memref<1x10240x16xf32, #tpu.memory_space<hbm>> -> memref<10240x16xf32, #tpu.memory_space<hbm>>
      %dma_wait3A_1755 = arith.constant 0 : i32
      %dma_wait3A_1756 = arith.constant 0 : i32
      %dma_wait3A_1757 = tpu.memref_slice %dma_wait3A_1754[%dma_wait3A_1755, %dma_wait3A_1756] : memref<10240x16xf32, #tpu.memory_space<hbm>> -> memref<10240x16xf32, #tpu.memory_space<hbm>>
      %dma_wait3A_1758 = tpu.memref_slice %arg13[%dma_wait3A_1743] : memref<2x!tpu.dma_semaphore, #tpu.memory_space<semaphore_mem>> -> memref<1x!tpu.dma_semaphore, #tpu.memory_space<semaphore_mem>>
      %dma_wait3A_1759 = tpu.memref_squeeze %dma_wait3A_1758 : memref<1x!tpu.dma_semaphore, #tpu.memory_space<semaphore_mem>> -> memref<!tpu.dma_semaphore, #tpu.memory_space<semaphore_mem>>
      tpu.wait_indirect_dma semaphore(%dma_wait3A_1759 : memref<!tpu.dma_semaphore, #tpu.memory_space<semaphore_mem>>) src(%dma_wait3A_1757 : memref<10240x16xf32, #tpu.memory_space<hbm>>) dst(%dma_wait3A_1747 : memref<128x16xf32, #tpu.memory_space<vmem>>)
      %mul3A_1760 = arith.constant 6 : i32
      %mul3A_1761 = arith.muli %add3A_1735, %mul3A_1760 : i32
      %add3A_1762 = arith.constant 1 : i32
      %add3A_1763 = arith.addi %mul3A_1761, %add3A_1762 : i32
      %dma_wait3A_1764 = arith.constant 0 : i32
      %dma_wait3A_1765 = arith.constant 1 : i32
      %dma_wait3A_1766 = arith.constant 1 : i32
      %dma_wait3A_1767 = arith.constant 1 : i32
      %dma_wait3A_1768 = arith.constant 0 : i32
      %dma_wait3A_1769 = arith.constant 0 : i32
      %dma_wait3A_1770 = tpu.memref_slice %arg10[%dma_wait3A_1765, %dma_wait3A_1766, %dma_wait3A_1768, %dma_wait3A_1769] : memref<2x6x128x16xf32, #tpu.memory_space<vmem>> -> memref<1x1x128x16xf32, #tpu.memory_space<vmem>>
      %dma_wait3A_1771 = tpu.memref_squeeze %dma_wait3A_1770 : memref<1x1x128x16xf32, #tpu.memory_space<vmem>> -> memref<128x16xf32, #tpu.memory_space<vmem>>
      %dma_wait3A_1772 = arith.constant 0 : i32
      %dma_wait3A_1773 = tpu.memref_slice %arg8[%add3A_1763, %dma_wait3A_1764, %dma_wait3A_1772] : memref<312x2x128xi32, #tpu.memory_space<vmem>> -> memref<1x1x128xi32, #tpu.memory_space<vmem>>
      %dma_wait3A_1774 = tpu.memref_squeeze %dma_wait3A_1773 : memref<1x1x128xi32, #tpu.memory_space<vmem>> -> memref<128xi32, #tpu.memory_space<vmem>>
      %dma_wait3A_1775 = arith.constant 0 : i32
      %dma_wait3A_1776 = arith.constant 0 : i32
      %dma_wait3A_1777 = tpu.memref_slice %arg6[%select_n3A, %dma_wait3A_1775, %dma_wait3A_1776] : memref<4x10240x16xf32, #tpu.memory_space<hbm>> -> memref<1x10240x16xf32, #tpu.memory_space<hbm>>
      %dma_wait3A_1778 = tpu.memref_squeeze %dma_wait3A_1777 : memref<1x10240x16xf32, #tpu.memory_space<hbm>> -> memref<10240x16xf32, #tpu.memory_space<hbm>>
      %dma_wait3A_1779 = arith.constant 0 : i32
      %dma_wait3A_1780 = arith.constant 0 : i32
      %dma_wait3A_1781 = tpu.memref_slice %dma_wait3A_1778[%dma_wait3A_1779, %dma_wait3A_1780] : memref<10240x16xf32, #tpu.memory_space<hbm>> -> memref<10240x16xf32, #tpu.memory_space<hbm>>
      %dma_wait3A_1782 = tpu.memref_slice %arg13[%dma_wait3A_1767] : memref<2x!tpu.dma_semaphore, #tpu.memory_space<semaphore_mem>> -> memref<1x!tpu.dma_semaphore, #tpu.memory_space<semaphore_mem>>
      %dma_wait3A_1783 = tpu.memref_squeeze %dma_wait3A_1782 : memref<1x!tpu.dma_semaphore, #tpu.memory_space<semaphore_mem>> -> memref<!tpu.dma_semaphore, #tpu.memory_space<semaphore_mem>>
      tpu.wait_indirect_dma semaphore(%dma_wait3A_1783 : memref<!tpu.dma_semaphore, #tpu.memory_space<semaphore_mem>>) src(%dma_wait3A_1781 : memref<10240x16xf32, #tpu.memory_space<hbm>>) dst(%dma_wait3A_1771 : memref<128x16xf32, #tpu.memory_space<vmem>>)
      %mul3A_1784 = arith.constant 6 : i32
      %mul3A_1785 = arith.muli %add3A_1735, %mul3A_1784 : i32
      %add3A_1786 = arith.constant 2 : i32
      %add3A_1787 = arith.addi %mul3A_1785, %add3A_1786 : i32
      %dma_wait3A_1788 = arith.constant 0 : i32
      %dma_wait3A_1789 = arith.constant 1 : i32
      %dma_wait3A_1790 = arith.constant 2 : i32
      %dma_wait3A_1791 = arith.constant 1 : i32
      %dma_wait3A_1792 = arith.constant 0 : i32
      %dma_wait3A_1793 = arith.constant 0 : i32
      %dma_wait3A_1794 = tpu.memref_slice %arg10[%dma_wait3A_1789, %dma_wait3A_1790, %dma_wait3A_1792, %dma_wait3A_1793] : memref<2x6x128x16xf32, #tpu.memory_space<vmem>> -> memref<1x1x128x16xf32, #tpu.memory_space<vmem>>
      %dma_wait3A_1795 = tpu.memref_squeeze %dma_wait3A_1794 : memref<1x1x128x16xf32, #tpu.memory_space<vmem>> -> memref<128x16xf32, #tpu.memory_space<vmem>>
      %dma_wait3A_1796 = arith.constant 0 : i32
      %dma_wait3A_1797 = tpu.memref_slice %arg8[%add3A_1787, %dma_wait3A_1788, %dma_wait3A_1796] : memref<312x2x128xi32, #tpu.memory_space<vmem>> -> memref<1x1x128xi32, #tpu.memory_space<vmem>>
      %dma_wait3A_1798 = tpu.memref_squeeze %dma_wait3A_1797 : memref<1x1x128xi32, #tpu.memory_space<vmem>> -> memref<128xi32, #tpu.memory_space<vmem>>
      %dma_wait3A_1799 = arith.constant 0 : i32
      %dma_wait3A_1800 = arith.constant 0 : i32
      %dma_wait3A_1801 = tpu.memref_slice %arg6[%select_n3A, %dma_wait3A_1799, %dma_wait3A_1800] : memref<4x10240x16xf32, #tpu.memory_space<hbm>> -> memref<1x10240x16xf32, #tpu.memory_space<hbm>>
      %dma_wait3A_1802 = tpu.memref_squeeze %dma_wait3A_1801 : memref<1x10240x16xf32, #tpu.memory_space<hbm>> -> memref<10240x16xf32, #tpu.memory_space<hbm>>
      %dma_wait3A_1803 = arith.constant 0 : i32
      %dma_wait3A_1804 = arith.constant 0 : i32
      %dma_wait3A_1805 = tpu.memref_slice %dma_wait3A_1802[%dma_wait3A_1803, %dma_wait3A_1804] : memref<10240x16xf32, #tpu.memory_space<hbm>> -> memref<10240x16xf32, #tpu.memory_space<hbm>>
      %dma_wait3A_1806 = tpu.memref_slice %arg13[%dma_wait3A_1791] : memref<2x!tpu.dma_semaphore, #tpu.memory_space<semaphore_mem>> -> memref<1x!tpu.dma_semaphore, #tpu.memory_space<semaphore_mem>>
      %dma_wait3A_1807 = tpu.memref_squeeze %dma_wait3A_1806 : memref<1x!tpu.dma_semaphore, #tpu.memory_space<semaphore_mem>> -> memref<!tpu.dma_semaphore, #tpu.memory_space<semaphore_mem>>
      tpu.wait_indirect_dma semaphore(%dma_wait3A_1807 : memref<!tpu.dma_semaphore, #tpu.memory_space<semaphore_mem>>) src(%dma_wait3A_1805 : memref<10240x16xf32, #tpu.memory_space<hbm>>) dst(%dma_wait3A_1795 : memref<128x16xf32, #tpu.memory_space<vmem>>)
      %mul3A_1808 = arith.constant 6 : i32
      %mul3A_1809 = arith.muli %add3A_1735, %mul3A_1808 : i32
      %add3A_1810 = arith.constant 3 : i32
      %add3A_1811 = arith.addi %mul3A_1809, %add3A_1810 : i32
      %dma_wait3A_1812 = arith.constant 0 : i32
      %dma_wait3A_1813 = arith.constant 1 : i32
      %dma_wait3A_1814 = arith.constant 3 : i32
      %dma_wait3A_1815 = arith.constant 1 : i32
      %dma_wait3A_1816 = arith.constant 0 : i32
      %dma_wait3A_1817 = arith.constant 0 : i32
      %dma_wait3A_1818 = tpu.memref_slice %arg10[%dma_wait3A_1813, %dma_wait3A_1814, %dma_wait3A_1816, %dma_wait3A_1817] : memref<2x6x128x16xf32, #tpu.memory_space<vmem>> -> memref<1x1x128x16xf32, #tpu.memory_space<vmem>>
      %dma_wait3A_1819 = tpu.memref_squeeze %dma_wait3A_1818 : memref<1x1x128x16xf32, #tpu.memory_space<vmem>> -> memref<128x16xf32, #tpu.memory_space<vmem>>
      %dma_wait3A_1820 = arith.constant 0 : i32
      %dma_wait3A_1821 = tpu.memref_slice %arg8[%add3A_1811, %dma_wait3A_1812, %dma_wait3A_1820] : memref<312x2x128xi32, #tpu.memory_space<vmem>> -> memref<1x1x128xi32, #tpu.memory_space<vmem>>
      %dma_wait3A_1822 = tpu.memref_squeeze %dma_wait3A_1821 : memref<1x1x128xi32, #tpu.memory_space<vmem>> -> memref<128xi32, #tpu.memory_space<vmem>>
      %dma_wait3A_1823 = arith.constant 0 : i32
      %dma_wait3A_1824 = arith.constant 0 : i32
      %dma_wait3A_1825 = tpu.memref_slice %arg6[%select_n3A, %dma_wait3A_1823, %dma_wait3A_1824] : memref<4x10240x16xf32, #tpu.memory_space<hbm>> -> memref<1x10240x16xf32, #tpu.memory_space<hbm>>
      %dma_wait3A_1826 = tpu.memref_squeeze %dma_wait3A_1825 : memref<1x10240x16xf32, #tpu.memory_space<hbm>> -> memref<10240x16xf32, #tpu.memory_space<hbm>>
      %dma_wait3A_1827 = arith.constant 0 : i32
      %dma_wait3A_1828 = arith.constant 0 : i32
      %dma_wait3A_1829 = tpu.memref_slice %dma_wait3A_1826[%dma_wait3A_1827, %dma_wait3A_1828] : memref<10240x16xf32, #tpu.memory_space<hbm>> -> memref<10240x16xf32, #tpu.memory_space<hbm>>
      %dma_wait3A_1830 = tpu.memref_slice %arg13[%dma_wait3A_1815] : memref<2x!tpu.dma_semaphore, #tpu.memory_space<semaphore_mem>> -> memref<1x!tpu.dma_semaphore, #tpu.memory_space<semaphore_mem>>
      %dma_wait3A_1831 = tpu.memref_squeeze %dma_wait3A_1830 : memref<1x!tpu.dma_semaphore, #tpu.memory_space<semaphore_mem>> -> memref<!tpu.dma_semaphore, #tpu.memory_space<semaphore_mem>>
      tpu.wait_indirect_dma semaphore(%dma_wait3A_1831 : memref<!tpu.dma_semaphore, #tpu.memory_space<semaphore_mem>>) src(%dma_wait3A_1829 : memref<10240x16xf32, #tpu.memory_space<hbm>>) dst(%dma_wait3A_1819 : memref<128x16xf32, #tpu.memory_space<vmem>>)
      %mul3A_1832 = arith.constant 6 : i32
      %mul3A_1833 = arith.muli %add3A_1735, %mul3A_1832 : i32
      %add3A_1834 = arith.constant 4 : i32
      %add3A_1835 = arith.addi %mul3A_1833, %add3A_1834 : i32
      %dma_wait3A_1836 = arith.constant 0 : i32
      %dma_wait3A_1837 = arith.constant 1 : i32
      %dma_wait3A_1838 = arith.constant 4 : i32
      %dma_wait3A_1839 = arith.constant 1 : i32
      %dma_wait3A_1840 = arith.constant 0 : i32
      %dma_wait3A_1841 = arith.constant 0 : i32
      %dma_wait3A_1842 = tpu.memref_slice %arg10[%dma_wait3A_1837, %dma_wait3A_1838, %dma_wait3A_1840, %dma_wait3A_1841] : memref<2x6x128x16xf32, #tpu.memory_space<vmem>> -> memref<1x1x128x16xf32, #tpu.memory_space<vmem>>
      %dma_wait3A_1843 = tpu.memref_squeeze %dma_wait3A_1842 : memref<1x1x128x16xf32, #tpu.memory_space<vmem>> -> memref<128x16xf32, #tpu.memory_space<vmem>>
      %dma_wait3A_1844 = arith.constant 0 : i32
      %dma_wait3A_1845 = tpu.memref_slice %arg8[%add3A_1835, %dma_wait3A_1836, %dma_wait3A_1844] : memref<312x2x128xi32, #tpu.memory_space<vmem>> -> memref<1x1x128xi32, #tpu.memory_space<vmem>>
      %dma_wait3A_1846 = tpu.memref_squeeze %dma_wait3A_1845 : memref<1x1x128xi32, #tpu.memory_space<vmem>> -> memref<128xi32, #tpu.memory_space<vmem>>
      %dma_wait3A_1847 = arith.constant 0 : i32
      %dma_wait3A_1848 = arith.constant 0 : i32
      %dma_wait3A_1849 = tpu.memref_slice %arg6[%select_n3A, %dma_wait3A_1847, %dma_wait3A_1848] : memref<4x10240x16xf32, #tpu.memory_space<hbm>> -> memref<1x10240x16xf32, #tpu.memory_space<hbm>>
      %dma_wait3A_1850 = tpu.memref_squeeze %dma_wait3A_1849 : memref<1x10240x16xf32, #tpu.memory_space<hbm>> -> memref<10240x16xf32, #tpu.memory_space<hbm>>
      %dma_wait3A_1851 = arith.constant 0 : i32
      %dma_wait3A_1852 = arith.constant 0 : i32
      %dma_wait3A_1853 = tpu.memref_slice %dma_wait3A_1850[%dma_wait3A_1851, %dma_wait3A_1852] : memref<10240x16xf32, #tpu.memory_space<hbm>> -> memref<10240x16xf32, #tpu.memory_space<hbm>>
      %dma_wait3A_1854 = tpu.memref_slice %arg13[%dma_wait3A_1839] : memref<2x!tpu.dma_semaphore, #tpu.memory_space<semaphore_mem>> -> memref<1x!tpu.dma_semaphore, #tpu.memory_space<semaphore_mem>>
      %dma_wait3A_1855 = tpu.memref_squeeze %dma_wait3A_1854 : memref<1x!tpu.dma_semaphore, #tpu.memory_space<semaphore_mem>> -> memref<!tpu.dma_semaphore, #tpu.memory_space<semaphore_mem>>
      tpu.wait_indirect_dma semaphore(%dma_wait3A_1855 : memref<!tpu.dma_semaphore, #tpu.memory_space<semaphore_mem>>) src(%dma_wait3A_1853 : memref<10240x16xf32, #tpu.memory_space<hbm>>) dst(%dma_wait3A_1843 : memref<128x16xf32, #tpu.memory_space<vmem>>)
      %mul3A_1856 = arith.constant 6 : i32
      %mul3A_1857 = arith.muli %add3A_1735, %mul3A_1856 : i32
      %add3A_1858 = arith.constant 5 : i32
      %add3A_1859 = arith.addi %mul3A_1857, %add3A_1858 : i32
      %dma_wait3A_1860 = arith.constant 0 : i32
      %dma_wait3A_1861 = arith.constant 1 : i32
      %dma_wait3A_1862 = arith.constant 5 : i32
      %dma_wait3A_1863 = arith.constant 1 : i32
      %dma_wait3A_1864 = arith.constant 0 : i32
      %dma_wait3A_1865 = arith.constant 0 : i32
      %dma_wait3A_1866 = tpu.memref_slice %arg10[%dma_wait3A_1861, %dma_wait3A_1862, %dma_wait3A_1864, %dma_wait3A_1865] : memref<2x6x128x16xf32, #tpu.memory_space<vmem>> -> memref<1x1x128x16xf32, #tpu.memory_space<vmem>>
      %dma_wait3A_1867 = tpu.memref_squeeze %dma_wait3A_1866 : memref<1x1x128x16xf32, #tpu.memory_space<vmem>> -> memref<128x16xf32, #tpu.memory_space<vmem>>
      %dma_wait3A_1868 = arith.constant 0 : i32
      %dma_wait3A_1869 = tpu.memref_slice %arg8[%add3A_1859, %dma_wait3A_1860, %dma_wait3A_1868] : memref<312x2x128xi32, #tpu.memory_space<vmem>> -> memref<1x1x128xi32, #tpu.memory_space<vmem>>
      %dma_wait3A_1870 = tpu.memref_squeeze %dma_wait3A_1869 : memref<1x1x128xi32, #tpu.memory_space<vmem>> -> memref<128xi32, #tpu.memory_space<vmem>>
      %dma_wait3A_1871 = arith.constant 0 : i32
      %dma_wait3A_1872 = arith.constant 0 : i32
      %dma_wait3A_1873 = tpu.memref_slice %arg6[%select_n3A, %dma_wait3A_1871, %dma_wait3A_1872] : memref<4x10240x16xf32, #tpu.memory_space<hbm>> -> memref<1x10240x16xf32, #tpu.memory_space<hbm>>
      %dma_wait3A_1874 = tpu.memref_squeeze %dma_wait3A_1873 : memref<1x10240x16xf32, #tpu.memory_space<hbm>> -> memref<10240x16xf32, #tpu.memory_space<hbm>>
      %dma_wait3A_1875 = arith.constant 0 : i32
      %dma_wait3A_1876 = arith.constant 0 : i32
      %dma_wait3A_1877 = tpu.memref_slice %dma_wait3A_1874[%dma_wait3A_1875, %dma_wait3A_1876] : memref<10240x16xf32, #tpu.memory_space<hbm>> -> memref<10240x16xf32, #tpu.memory_space<hbm>>
      %dma_wait3A_1878 = tpu.memref_slice %arg13[%dma_wait3A_1863] : memref<2x!tpu.dma_semaphore, #tpu.memory_space<semaphore_mem>> -> memref<1x!tpu.dma_semaphore, #tpu.memory_space<semaphore_mem>>
      %dma_wait3A_1879 = tpu.memref_squeeze %dma_wait3A_1878 : memref<1x!tpu.dma_semaphore, #tpu.memory_space<semaphore_mem>> -> memref<!tpu.dma_semaphore, #tpu.memory_space<semaphore_mem>>
      tpu.wait_indirect_dma semaphore(%dma_wait3A_1879 : memref<!tpu.dma_semaphore, #tpu.memory_space<semaphore_mem>>) src(%dma_wait3A_1877 : memref<10240x16xf32, #tpu.memory_space<hbm>>) dst(%dma_wait3A_1867 : memref<128x16xf32, #tpu.memory_space<vmem>>)
      %mul3A_1880 = arith.constant 6 : i32
      %mul3A_1881 = arith.muli %add3A_1735, %mul3A_1880 : i32
      %add3A_1882 = arith.constant 0 : i32
      %add3A_1883 = arith.addi %mul3A_1881, %add3A_1882 : i32
      %dma_start3A_1884 = arith.constant 1 : i32
      %dma_start3A_1885 = arith.constant 0 : i32
      %dma_start3A_1886 = arith.constant 1 : i32
      %dma_start3A_1887 = arith.constant 1 : i32
      %dma_start3A_1888 = arith.constant 0 : i32
      %dma_start3A_1889 = arith.constant 0 : i32
      %dma_start3A_1890 = tpu.memref_slice %arg10[%dma_start3A_1884, %dma_start3A_1885, %dma_start3A_1888, %dma_start3A_1889] : memref<2x6x128x16xf32, #tpu.memory_space<vmem>> -> memref<1x1x128x16xf32, #tpu.memory_space<vmem>>
      %dma_start3A_1891 = tpu.memref_squeeze %dma_start3A_1890 : memref<1x1x128x16xf32, #tpu.memory_space<vmem>> -> memref<128x16xf32, #tpu.memory_space<vmem>>
      %dma_start3A_1892 = arith.constant 0 : i32
      %dma_start3A_1893 = tpu.memref_slice %arg8[%add3A_1883, %dma_start3A_1886, %dma_start3A_1892] : memref<312x2x128xi32, #tpu.memory_space<vmem>> -> memref<1x1x128xi32, #tpu.memory_space<vmem>>
      %dma_start3A_1894 = tpu.memref_squeeze %dma_start3A_1893 : memref<1x1x128xi32, #tpu.memory_space<vmem>> -> memref<128xi32, #tpu.memory_space<vmem>>
      %dma_start3A_1895 = arith.constant 0 : i32
      %dma_start3A_1896 = arith.constant 0 : i32
      %dma_start3A_1897 = tpu.memref_slice %arg12[%select_n3A_30, %dma_start3A_1895, %dma_start3A_1896] : memref<2x10240x16xf32, #tpu.memory_space<vmem_shared>> -> memref<1x10240x16xf32, #tpu.memory_space<vmem_shared>>
      %dma_start3A_1898 = tpu.memref_squeeze %dma_start3A_1897 : memref<1x10240x16xf32, #tpu.memory_space<vmem_shared>> -> memref<10240x16xf32, #tpu.memory_space<vmem_shared>>
      %dma_start3A_1899 = arith.constant 0 : i32
      %dma_start3A_1900 = arith.constant 0 : i32
      %dma_start3A_1901 = tpu.memref_slice %dma_start3A_1898[%dma_start3A_1899, %dma_start3A_1900] : memref<10240x16xf32, #tpu.memory_space<vmem_shared>> -> memref<10240x16xf32, #tpu.memory_space<vmem_shared>>
      %dma_start3A_1902 = tpu.memref_slice %arg14[%dma_start3A_1887] : memref<2x!tpu.dma_semaphore, #tpu.memory_space<semaphore_mem>> -> memref<1x!tpu.dma_semaphore, #tpu.memory_space<semaphore_mem>>
      %dma_start3A_1903 = tpu.memref_squeeze %dma_start3A_1902 : memref<1x!tpu.dma_semaphore, #tpu.memory_space<semaphore_mem>> -> memref<!tpu.dma_semaphore, #tpu.memory_space<semaphore_mem>>
      tpu.enqueue_indirect_dma source(%dma_start3A_1891 : memref<128x16xf32, #tpu.memory_space<vmem>>) target(%dma_start3A_1901 : memref<10240x16xf32, #tpu.memory_space<vmem_shared>>) offsets(%dma_start3A_1894 : memref<128xi32, #tpu.memory_space<vmem>>) semaphore(%dma_start3A_1903 : memref<!tpu.dma_semaphore, #tpu.memory_space<semaphore_mem>>) {add = true}
      %mul3A_1904 = arith.constant 6 : i32
      %mul3A_1905 = arith.muli %add3A_1735, %mul3A_1904 : i32
      %add3A_1906 = arith.constant 1 : i32
      %add3A_1907 = arith.addi %mul3A_1905, %add3A_1906 : i32
      %dma_start3A_1908 = arith.constant 1 : i32
      %dma_start3A_1909 = arith.constant 1 : i32
      %dma_start3A_1910 = arith.constant 1 : i32
      %dma_start3A_1911 = arith.constant 1 : i32
      %dma_start3A_1912 = arith.constant 0 : i32
      %dma_start3A_1913 = arith.constant 0 : i32
      %dma_start3A_1914 = tpu.memref_slice %arg10[%dma_start3A_1908, %dma_start3A_1909, %dma_start3A_1912, %dma_start3A_1913] : memref<2x6x128x16xf32, #tpu.memory_space<vmem>> -> memref<1x1x128x16xf32, #tpu.memory_space<vmem>>
      %dma_start3A_1915 = tpu.memref_squeeze %dma_start3A_1914 : memref<1x1x128x16xf32, #tpu.memory_space<vmem>> -> memref<128x16xf32, #tpu.memory_space<vmem>>
      %dma_start3A_1916 = arith.constant 0 : i32
      %dma_start3A_1917 = tpu.memref_slice %arg8[%add3A_1907, %dma_start3A_1910, %dma_start3A_1916] : memref<312x2x128xi32, #tpu.memory_space<vmem>> -> memref<1x1x128xi32, #tpu.memory_space<vmem>>
      %dma_start3A_1918 = tpu.memref_squeeze %dma_start3A_1917 : memref<1x1x128xi32, #tpu.memory_space<vmem>> -> memref<128xi32, #tpu.memory_space<vmem>>
      %dma_start3A_1919 = arith.constant 0 : i32
      %dma_start3A_1920 = arith.constant 0 : i32
      %dma_start3A_1921 = tpu.memref_slice %arg12[%select_n3A_30, %dma_start3A_1919, %dma_start3A_1920] : memref<2x10240x16xf32, #tpu.memory_space<vmem_shared>> -> memref<1x10240x16xf32, #tpu.memory_space<vmem_shared>>
      %dma_start3A_1922 = tpu.memref_squeeze %dma_start3A_1921 : memref<1x10240x16xf32, #tpu.memory_space<vmem_shared>> -> memref<10240x16xf32, #tpu.memory_space<vmem_shared>>
      %dma_start3A_1923 = arith.constant 0 : i32
      %dma_start3A_1924 = arith.constant 0 : i32
      %dma_start3A_1925 = tpu.memref_slice %dma_start3A_1922[%dma_start3A_1923, %dma_start3A_1924] : memref<10240x16xf32, #tpu.memory_space<vmem_shared>> -> memref<10240x16xf32, #tpu.memory_space<vmem_shared>>
      %dma_start3A_1926 = tpu.memref_slice %arg14[%dma_start3A_1911] : memref<2x!tpu.dma_semaphore, #tpu.memory_space<semaphore_mem>> -> memref<1x!tpu.dma_semaphore, #tpu.memory_space<semaphore_mem>>
      %dma_start3A_1927 = tpu.memref_squeeze %dma_start3A_1926 : memref<1x!tpu.dma_semaphore, #tpu.memory_space<semaphore_mem>> -> memref<!tpu.dma_semaphore, #tpu.memory_space<semaphore_mem>>
      tpu.enqueue_indirect_dma source(%dma_start3A_1915 : memref<128x16xf32, #tpu.memory_space<vmem>>) target(%dma_start3A_1925 : memref<10240x16xf32, #tpu.memory_space<vmem_shared>>) offsets(%dma_start3A_1918 : memref<128xi32, #tpu.memory_space<vmem>>) semaphore(%dma_start3A_1927 : memref<!tpu.dma_semaphore, #tpu.memory_space<semaphore_mem>>) {add = true}
      %mul3A_1928 = arith.constant 6 : i32
      %mul3A_1929 = arith.muli %add3A_1735, %mul3A_1928 : i32
      %add3A_1930 = arith.constant 2 : i32
      %add3A_1931 = arith.addi %mul3A_1929, %add3A_1930 : i32
      %dma_start3A_1932 = arith.constant 1 : i32
      %dma_start3A_1933 = arith.constant 2 : i32
      %dma_start3A_1934 = arith.constant 1 : i32
      %dma_start3A_1935 = arith.constant 1 : i32
      %dma_start3A_1936 = arith.constant 0 : i32
      %dma_start3A_1937 = arith.constant 0 : i32
      %dma_start3A_1938 = tpu.memref_slice %arg10[%dma_start3A_1932, %dma_start3A_1933, %dma_start3A_1936, %dma_start3A_1937] : memref<2x6x128x16xf32, #tpu.memory_space<vmem>> -> memref<1x1x128x16xf32, #tpu.memory_space<vmem>>
      %dma_start3A_1939 = tpu.memref_squeeze %dma_start3A_1938 : memref<1x1x128x16xf32, #tpu.memory_space<vmem>> -> memref<128x16xf32, #tpu.memory_space<vmem>>
      %dma_start3A_1940 = arith.constant 0 : i32
      %dma_start3A_1941 = tpu.memref_slice %arg8[%add3A_1931, %dma_start3A_1934, %dma_start3A_1940] : memref<312x2x128xi32, #tpu.memory_space<vmem>> -> memref<1x1x128xi32, #tpu.memory_space<vmem>>
      %dma_start3A_1942 = tpu.memref_squeeze %dma_start3A_1941 : memref<1x1x128xi32, #tpu.memory_space<vmem>> -> memref<128xi32, #tpu.memory_space<vmem>>
      %dma_start3A_1943 = arith.constant 0 : i32
      %dma_start3A_1944 = arith.constant 0 : i32
      %dma_start3A_1945 = tpu.memref_slice %arg12[%select_n3A_30, %dma_start3A_1943, %dma_start3A_1944] : memref<2x10240x16xf32, #tpu.memory_space<vmem_shared>> -> memref<1x10240x16xf32, #tpu.memory_space<vmem_shared>>
      %dma_start3A_1946 = tpu.memref_squeeze %dma_start3A_1945 : memref<1x10240x16xf32, #tpu.memory_space<vmem_shared>> -> memref<10240x16xf32, #tpu.memory_space<vmem_shared>>
      %dma_start3A_1947 = arith.constant 0 : i32
      %dma_start3A_1948 = arith.constant 0 : i32
      %dma_start3A_1949 = tpu.memref_slice %dma_start3A_1946[%dma_start3A_1947, %dma_start3A_1948] : memref<10240x16xf32, #tpu.memory_space<vmem_shared>> -> memref<10240x16xf32, #tpu.memory_space<vmem_shared>>
      %dma_start3A_1950 = tpu.memref_slice %arg14[%dma_start3A_1935] : memref<2x!tpu.dma_semaphore, #tpu.memory_space<semaphore_mem>> -> memref<1x!tpu.dma_semaphore, #tpu.memory_space<semaphore_mem>>
      %dma_start3A_1951 = tpu.memref_squeeze %dma_start3A_1950 : memref<1x!tpu.dma_semaphore, #tpu.memory_space<semaphore_mem>> -> memref<!tpu.dma_semaphore, #tpu.memory_space<semaphore_mem>>
      tpu.enqueue_indirect_dma source(%dma_start3A_1939 : memref<128x16xf32, #tpu.memory_space<vmem>>) target(%dma_start3A_1949 : memref<10240x16xf32, #tpu.memory_space<vmem_shared>>) offsets(%dma_start3A_1942 : memref<128xi32, #tpu.memory_space<vmem>>) semaphore(%dma_start3A_1951 : memref<!tpu.dma_semaphore, #tpu.memory_space<semaphore_mem>>) {add = true}
      %mul3A_1952 = arith.constant 6 : i32
      %mul3A_1953 = arith.muli %add3A_1735, %mul3A_1952 : i32
      %add3A_1954 = arith.constant 3 : i32
      %add3A_1955 = arith.addi %mul3A_1953, %add3A_1954 : i32
      %dma_start3A_1956 = arith.constant 1 : i32
      %dma_start3A_1957 = arith.constant 3 : i32
      %dma_start3A_1958 = arith.constant 1 : i32
      %dma_start3A_1959 = arith.constant 1 : i32
      %dma_start3A_1960 = arith.constant 0 : i32
      %dma_start3A_1961 = arith.constant 0 : i32
      %dma_start3A_1962 = tpu.memref_slice %arg10[%dma_start3A_1956, %dma_start3A_1957, %dma_start3A_1960, %dma_start3A_1961] : memref<2x6x128x16xf32, #tpu.memory_space<vmem>> -> memref<1x1x128x16xf32, #tpu.memory_space<vmem>>
      %dma_start3A_1963 = tpu.memref_squeeze %dma_start3A_1962 : memref<1x1x128x16xf32, #tpu.memory_space<vmem>> -> memref<128x16xf32, #tpu.memory_space<vmem>>
      %dma_start3A_1964 = arith.constant 0 : i32
      %dma_start3A_1965 = tpu.memref_slice %arg8[%add3A_1955, %dma_start3A_1958, %dma_start3A_1964] : memref<312x2x128xi32, #tpu.memory_space<vmem>> -> memref<1x1x128xi32, #tpu.memory_space<vmem>>
      %dma_start3A_1966 = tpu.memref_squeeze %dma_start3A_1965 : memref<1x1x128xi32, #tpu.memory_space<vmem>> -> memref<128xi32, #tpu.memory_space<vmem>>
      %dma_start3A_1967 = arith.constant 0 : i32
      %dma_start3A_1968 = arith.constant 0 : i32
      %dma_start3A_1969 = tpu.memref_slice %arg12[%select_n3A_30, %dma_start3A_1967, %dma_start3A_1968] : memref<2x10240x16xf32, #tpu.memory_space<vmem_shared>> -> memref<1x10240x16xf32, #tpu.memory_space<vmem_shared>>
      %dma_start3A_1970 = tpu.memref_squeeze %dma_start3A_1969 : memref<1x10240x16xf32, #tpu.memory_space<vmem_shared>> -> memref<10240x16xf32, #tpu.memory_space<vmem_shared>>
      %dma_start3A_1971 = arith.constant 0 : i32
      %dma_start3A_1972 = arith.constant 0 : i32
      %dma_start3A_1973 = tpu.memref_slice %dma_start3A_1970[%dma_start3A_1971, %dma_start3A_1972] : memref<10240x16xf32, #tpu.memory_space<vmem_shared>> -> memref<10240x16xf32, #tpu.memory_space<vmem_shared>>
      %dma_start3A_1974 = tpu.memref_slice %arg14[%dma_start3A_1959] : memref<2x!tpu.dma_semaphore, #tpu.memory_space<semaphore_mem>> -> memref<1x!tpu.dma_semaphore, #tpu.memory_space<semaphore_mem>>
      %dma_start3A_1975 = tpu.memref_squeeze %dma_start3A_1974 : memref<1x!tpu.dma_semaphore, #tpu.memory_space<semaphore_mem>> -> memref<!tpu.dma_semaphore, #tpu.memory_space<semaphore_mem>>
      tpu.enqueue_indirect_dma source(%dma_start3A_1963 : memref<128x16xf32, #tpu.memory_space<vmem>>) target(%dma_start3A_1973 : memref<10240x16xf32, #tpu.memory_space<vmem_shared>>) offsets(%dma_start3A_1966 : memref<128xi32, #tpu.memory_space<vmem>>) semaphore(%dma_start3A_1975 : memref<!tpu.dma_semaphore, #tpu.memory_space<semaphore_mem>>) {add = true}
      %mul3A_1976 = arith.constant 6 : i32
      %mul3A_1977 = arith.muli %add3A_1735, %mul3A_1976 : i32
      %add3A_1978 = arith.constant 4 : i32
      %add3A_1979 = arith.addi %mul3A_1977, %add3A_1978 : i32
      %dma_start3A_1980 = arith.constant 1 : i32
      %dma_start3A_1981 = arith.constant 4 : i32
      %dma_start3A_1982 = arith.constant 1 : i32
      %dma_start3A_1983 = arith.constant 1 : i32
      %dma_start3A_1984 = arith.constant 0 : i32
      %dma_start3A_1985 = arith.constant 0 : i32
      %dma_start3A_1986 = tpu.memref_slice %arg10[%dma_start3A_1980, %dma_start3A_1981, %dma_start3A_1984, %dma_start3A_1985] : memref<2x6x128x16xf32, #tpu.memory_space<vmem>> -> memref<1x1x128x16xf32, #tpu.memory_space<vmem>>
      %dma_start3A_1987 = tpu.memref_squeeze %dma_start3A_1986 : memref<1x1x128x16xf32, #tpu.memory_space<vmem>> -> memref<128x16xf32, #tpu.memory_space<vmem>>
      %dma_start3A_1988 = arith.constant 0 : i32
      %dma_start3A_1989 = tpu.memref_slice %arg8[%add3A_1979, %dma_start3A_1982, %dma_start3A_1988] : memref<312x2x128xi32, #tpu.memory_space<vmem>> -> memref<1x1x128xi32, #tpu.memory_space<vmem>>
      %dma_start3A_1990 = tpu.memref_squeeze %dma_start3A_1989 : memref<1x1x128xi32, #tpu.memory_space<vmem>> -> memref<128xi32, #tpu.memory_space<vmem>>
      %dma_start3A_1991 = arith.constant 0 : i32
      %dma_start3A_1992 = arith.constant 0 : i32
      %dma_start3A_1993 = tpu.memref_slice %arg12[%select_n3A_30, %dma_start3A_1991, %dma_start3A_1992] : memref<2x10240x16xf32, #tpu.memory_space<vmem_shared>> -> memref<1x10240x16xf32, #tpu.memory_space<vmem_shared>>
      %dma_start3A_1994 = tpu.memref_squeeze %dma_start3A_1993 : memref<1x10240x16xf32, #tpu.memory_space<vmem_shared>> -> memref<10240x16xf32, #tpu.memory_space<vmem_shared>>
      %dma_start3A_1995 = arith.constant 0 : i32
      %dma_start3A_1996 = arith.constant 0 : i32
      %dma_start3A_1997 = tpu.memref_slice %dma_start3A_1994[%dma_start3A_1995, %dma_start3A_1996] : memref<10240x16xf32, #tpu.memory_space<vmem_shared>> -> memref<10240x16xf32, #tpu.memory_space<vmem_shared>>
      %dma_start3A_1998 = tpu.memref_slice %arg14[%dma_start3A_1983] : memref<2x!tpu.dma_semaphore, #tpu.memory_space<semaphore_mem>> -> memref<1x!tpu.dma_semaphore, #tpu.memory_space<semaphore_mem>>
      %dma_start3A_1999 = tpu.memref_squeeze %dma_start3A_1998 : memref<1x!tpu.dma_semaphore, #tpu.memory_space<semaphore_mem>> -> memref<!tpu.dma_semaphore, #tpu.memory_space<semaphore_mem>>
      tpu.enqueue_indirect_dma source(%dma_start3A_1987 : memref<128x16xf32, #tpu.memory_space<vmem>>) target(%dma_start3A_1997 : memref<10240x16xf32, #tpu.memory_space<vmem_shared>>) offsets(%dma_start3A_1990 : memref<128xi32, #tpu.memory_space<vmem>>) semaphore(%dma_start3A_1999 : memref<!tpu.dma_semaphore, #tpu.memory_space<semaphore_mem>>) {add = true}
      %mul3A_2000 = arith.constant 6 : i32
      %mul3A_2001 = arith.muli %add3A_1735, %mul3A_2000 : i32
      %add3A_2002 = arith.constant 5 : i32
      %add3A_2003 = arith.addi %mul3A_2001, %add3A_2002 : i32
      %dma_start3A_2004 = arith.constant 1 : i32
      %dma_start3A_2005 = arith.constant 5 : i32
      %dma_start3A_2006 = arith.constant 1 : i32
      %dma_start3A_2007 = arith.constant 1 : i32
      %dma_start3A_2008 = arith.constant 0 : i32
      %dma_start3A_2009 = arith.constant 0 : i32
      %dma_start3A_2010 = tpu.memref_slice %arg10[%dma_start3A_2004, %dma_start3A_2005, %dma_start3A_2008, %dma_start3A_2009] : memref<2x6x128x16xf32, #tpu.memory_space<vmem>> -> memref<1x1x128x16xf32, #tpu.memory_space<vmem>>
      %dma_start3A_2011 = tpu.memref_squeeze %dma_start3A_2010 : memref<1x1x128x16xf32, #tpu.memory_space<vmem>> -> memref<128x16xf32, #tpu.memory_space<vmem>>
      %dma_start3A_2012 = arith.constant 0 : i32
      %dma_start3A_2013 = tpu.memref_slice %arg8[%add3A_2003, %dma_start3A_2006, %dma_start3A_2012] : memref<312x2x128xi32, #tpu.memory_space<vmem>> -> memref<1x1x128xi32, #tpu.memory_space<vmem>>
      %dma_start3A_2014 = tpu.memref_squeeze %dma_start3A_2013 : memref<1x1x128xi32, #tpu.memory_space<vmem>> -> memref<128xi32, #tpu.memory_space<vmem>>
      %dma_start3A_2015 = arith.constant 0 : i32
      %dma_start3A_2016 = arith.constant 0 : i32
      %dma_start3A_2017 = tpu.memref_slice %arg12[%select_n3A_30, %dma_start3A_2015, %dma_start3A_2016] : memref<2x10240x16xf32, #tpu.memory_space<vmem_shared>> -> memref<1x10240x16xf32, #tpu.memory_space<vmem_shared>>
      %dma_start3A_2018 = tpu.memref_squeeze %dma_start3A_2017 : memref<1x10240x16xf32, #tpu.memory_space<vmem_shared>> -> memref<10240x16xf32, #tpu.memory_space<vmem_shared>>
      %dma_start3A_2019 = arith.constant 0 : i32
      %dma_start3A_2020 = arith.constant 0 : i32
      %dma_start3A_2021 = tpu.memref_slice %dma_start3A_2018[%dma_start3A_2019, %dma_start3A_2020] : memref<10240x16xf32, #tpu.memory_space<vmem_shared>> -> memref<10240x16xf32, #tpu.memory_space<vmem_shared>>
      %dma_start3A_2022 = tpu.memref_slice %arg14[%dma_start3A_2007] : memref<2x!tpu.dma_semaphore, #tpu.memory_space<semaphore_mem>> -> memref<1x!tpu.dma_semaphore, #tpu.memory_space<semaphore_mem>>
      %dma_start3A_2023 = tpu.memref_squeeze %dma_start3A_2022 : memref<1x!tpu.dma_semaphore, #tpu.memory_space<semaphore_mem>> -> memref<!tpu.dma_semaphore, #tpu.memory_space<semaphore_mem>>
      tpu.enqueue_indirect_dma source(%dma_start3A_2011 : memref<128x16xf32, #tpu.memory_space<vmem>>) target(%dma_start3A_2021 : memref<10240x16xf32, #tpu.memory_space<vmem_shared>>) offsets(%dma_start3A_2014 : memref<128xi32, #tpu.memory_space<vmem>>) semaphore(%dma_start3A_2023 : memref<!tpu.dma_semaphore, #tpu.memory_space<semaphore_mem>>) {add = true}
      %mul3A_2024 = arith.constant 6 : i32
      %mul3A_2025 = arith.muli %add3A_1735, %mul3A_2024 : i32
      %add3A_2026 = arith.constant 0 : i32
      %add3A_2027 = arith.addi %mul3A_2025, %add3A_2026 : i32
      %dma_wait3A_2028 = arith.constant 1 : i32
      %dma_wait3A_2029 = arith.constant 0 : i32
      %dma_wait3A_2030 = arith.constant 1 : i32
      %dma_wait3A_2031 = arith.constant 1 : i32
      %dma_wait3A_2032 = arith.constant 0 : i32
      %dma_wait3A_2033 = arith.constant 0 : i32
      %dma_wait3A_2034 = tpu.memref_slice %arg10[%dma_wait3A_2028, %dma_wait3A_2029, %dma_wait3A_2032, %dma_wait3A_2033] : memref<2x6x128x16xf32, #tpu.memory_space<vmem>> -> memref<1x1x128x16xf32, #tpu.memory_space<vmem>>
      %dma_wait3A_2035 = tpu.memref_squeeze %dma_wait3A_2034 : memref<1x1x128x16xf32, #tpu.memory_space<vmem>> -> memref<128x16xf32, #tpu.memory_space<vmem>>
      %dma_wait3A_2036 = arith.constant 0 : i32
      %dma_wait3A_2037 = tpu.memref_slice %arg8[%add3A_2027, %dma_wait3A_2030, %dma_wait3A_2036] : memref<312x2x128xi32, #tpu.memory_space<vmem>> -> memref<1x1x128xi32, #tpu.memory_space<vmem>>
      %dma_wait3A_2038 = tpu.memref_squeeze %dma_wait3A_2037 : memref<1x1x128xi32, #tpu.memory_space<vmem>> -> memref<128xi32, #tpu.memory_space<vmem>>
      %dma_wait3A_2039 = arith.constant 0 : i32
      %dma_wait3A_2040 = arith.constant 0 : i32
      %dma_wait3A_2041 = tpu.memref_slice %arg12[%select_n3A_30, %dma_wait3A_2039, %dma_wait3A_2040] : memref<2x10240x16xf32, #tpu.memory_space<vmem_shared>> -> memref<1x10240x16xf32, #tpu.memory_space<vmem_shared>>
      %dma_wait3A_2042 = tpu.memref_squeeze %dma_wait3A_2041 : memref<1x10240x16xf32, #tpu.memory_space<vmem_shared>> -> memref<10240x16xf32, #tpu.memory_space<vmem_shared>>
      %dma_wait3A_2043 = arith.constant 0 : i32
      %dma_wait3A_2044 = arith.constant 0 : i32
      %dma_wait3A_2045 = tpu.memref_slice %dma_wait3A_2042[%dma_wait3A_2043, %dma_wait3A_2044] : memref<10240x16xf32, #tpu.memory_space<vmem_shared>> -> memref<10240x16xf32, #tpu.memory_space<vmem_shared>>
      %dma_wait3A_2046 = tpu.memref_slice %arg14[%dma_wait3A_2031] : memref<2x!tpu.dma_semaphore, #tpu.memory_space<semaphore_mem>> -> memref<1x!tpu.dma_semaphore, #tpu.memory_space<semaphore_mem>>
      %dma_wait3A_2047 = tpu.memref_squeeze %dma_wait3A_2046 : memref<1x!tpu.dma_semaphore, #tpu.memory_space<semaphore_mem>> -> memref<!tpu.dma_semaphore, #tpu.memory_space<semaphore_mem>>
      tpu.wait_indirect_dma semaphore(%dma_wait3A_2047 : memref<!tpu.dma_semaphore, #tpu.memory_space<semaphore_mem>>) src(%dma_wait3A_2035 : memref<128x16xf32, #tpu.memory_space<vmem>>) dst(%dma_wait3A_2045 : memref<10240x16xf32, #tpu.memory_space<vmem_shared>>)
      %mul3A_2048 = arith.constant 6 : i32
      %mul3A_2049 = arith.muli %add3A_1735, %mul3A_2048 : i32
      %add3A_2050 = arith.constant 1 : i32
      %add3A_2051 = arith.addi %mul3A_2049, %add3A_2050 : i32
      %dma_wait3A_2052 = arith.constant 1 : i32
      %dma_wait3A_2053 = arith.constant 1 : i32
      %dma_wait3A_2054 = arith.constant 1 : i32
      %dma_wait3A_2055 = arith.constant 1 : i32
      %dma_wait3A_2056 = arith.constant 0 : i32
      %dma_wait3A_2057 = arith.constant 0 : i32
      %dma_wait3A_2058 = tpu.memref_slice %arg10[%dma_wait3A_2052, %dma_wait3A_2053, %dma_wait3A_2056, %dma_wait3A_2057] : memref<2x6x128x16xf32, #tpu.memory_space<vmem>> -> memref<1x1x128x16xf32, #tpu.memory_space<vmem>>
      %dma_wait3A_2059 = tpu.memref_squeeze %dma_wait3A_2058 : memref<1x1x128x16xf32, #tpu.memory_space<vmem>> -> memref<128x16xf32, #tpu.memory_space<vmem>>
      %dma_wait3A_2060 = arith.constant 0 : i32
      %dma_wait3A_2061 = tpu.memref_slice %arg8[%add3A_2051, %dma_wait3A_2054, %dma_wait3A_2060] : memref<312x2x128xi32, #tpu.memory_space<vmem>> -> memref<1x1x128xi32, #tpu.memory_space<vmem>>
      %dma_wait3A_2062 = tpu.memref_squeeze %dma_wait3A_2061 : memref<1x1x128xi32, #tpu.memory_space<vmem>> -> memref<128xi32, #tpu.memory_space<vmem>>
      %dma_wait3A_2063 = arith.constant 0 : i32
      %dma_wait3A_2064 = arith.constant 0 : i32
      %dma_wait3A_2065 = tpu.memref_slice %arg12[%select_n3A_30, %dma_wait3A_2063, %dma_wait3A_2064] : memref<2x10240x16xf32, #tpu.memory_space<vmem_shared>> -> memref<1x10240x16xf32, #tpu.memory_space<vmem_shared>>
      %dma_wait3A_2066 = tpu.memref_squeeze %dma_wait3A_2065 : memref<1x10240x16xf32, #tpu.memory_space<vmem_shared>> -> memref<10240x16xf32, #tpu.memory_space<vmem_shared>>
      %dma_wait3A_2067 = arith.constant 0 : i32
      %dma_wait3A_2068 = arith.constant 0 : i32
      %dma_wait3A_2069 = tpu.memref_slice %dma_wait3A_2066[%dma_wait3A_2067, %dma_wait3A_2068] : memref<10240x16xf32, #tpu.memory_space<vmem_shared>> -> memref<10240x16xf32, #tpu.memory_space<vmem_shared>>
      %dma_wait3A_2070 = tpu.memref_slice %arg14[%dma_wait3A_2055] : memref<2x!tpu.dma_semaphore, #tpu.memory_space<semaphore_mem>> -> memref<1x!tpu.dma_semaphore, #tpu.memory_space<semaphore_mem>>
      %dma_wait3A_2071 = tpu.memref_squeeze %dma_wait3A_2070 : memref<1x!tpu.dma_semaphore, #tpu.memory_space<semaphore_mem>> -> memref<!tpu.dma_semaphore, #tpu.memory_space<semaphore_mem>>
      tpu.wait_indirect_dma semaphore(%dma_wait3A_2071 : memref<!tpu.dma_semaphore, #tpu.memory_space<semaphore_mem>>) src(%dma_wait3A_2059 : memref<128x16xf32, #tpu.memory_space<vmem>>) dst(%dma_wait3A_2069 : memref<10240x16xf32, #tpu.memory_space<vmem_shared>>)
      %mul3A_2072 = arith.constant 6 : i32
      %mul3A_2073 = arith.muli %add3A_1735, %mul3A_2072 : i32
      %add3A_2074 = arith.constant 2 : i32
      %add3A_2075 = arith.addi %mul3A_2073, %add3A_2074 : i32
      %dma_wait3A_2076 = arith.constant 1 : i32
      %dma_wait3A_2077 = arith.constant 2 : i32
      %dma_wait3A_2078 = arith.constant 1 : i32
      %dma_wait3A_2079 = arith.constant 1 : i32
      %dma_wait3A_2080 = arith.constant 0 : i32
      %dma_wait3A_2081 = arith.constant 0 : i32
      %dma_wait3A_2082 = tpu.memref_slice %arg10[%dma_wait3A_2076, %dma_wait3A_2077, %dma_wait3A_2080, %dma_wait3A_2081] : memref<2x6x128x16xf32, #tpu.memory_space<vmem>> -> memref<1x1x128x16xf32, #tpu.memory_space<vmem>>
      %dma_wait3A_2083 = tpu.memref_squeeze %dma_wait3A_2082 : memref<1x1x128x16xf32, #tpu.memory_space<vmem>> -> memref<128x16xf32, #tpu.memory_space<vmem>>
      %dma_wait3A_2084 = arith.constant 0 : i32
      %dma_wait3A_2085 = tpu.memref_slice %arg8[%add3A_2075, %dma_wait3A_2078, %dma_wait3A_2084] : memref<312x2x128xi32, #tpu.memory_space<vmem>> -> memref<1x1x128xi32, #tpu.memory_space<vmem>>
      %dma_wait3A_2086 = tpu.memref_squeeze %dma_wait3A_2085 : memref<1x1x128xi32, #tpu.memory_space<vmem>> -> memref<128xi32, #tpu.memory_space<vmem>>
      %dma_wait3A_2087 = arith.constant 0 : i32
      %dma_wait3A_2088 = arith.constant 0 : i32
      %dma_wait3A_2089 = tpu.memref_slice %arg12[%select_n3A_30, %dma_wait3A_2087, %dma_wait3A_2088] : memref<2x10240x16xf32, #tpu.memory_space<vmem_shared>> -> memref<1x10240x16xf32, #tpu.memory_space<vmem_shared>>
      %dma_wait3A_2090 = tpu.memref_squeeze %dma_wait3A_2089 : memref<1x10240x16xf32, #tpu.memory_space<vmem_shared>> -> memref<10240x16xf32, #tpu.memory_space<vmem_shared>>
      %dma_wait3A_2091 = arith.constant 0 : i32
      %dma_wait3A_2092 = arith.constant 0 : i32
      %dma_wait3A_2093 = tpu.memref_slice %dma_wait3A_2090[%dma_wait3A_2091, %dma_wait3A_2092] : memref<10240x16xf32, #tpu.memory_space<vmem_shared>> -> memref<10240x16xf32, #tpu.memory_space<vmem_shared>>
      %dma_wait3A_2094 = tpu.memref_slice %arg14[%dma_wait3A_2079] : memref<2x!tpu.dma_semaphore, #tpu.memory_space<semaphore_mem>> -> memref<1x!tpu.dma_semaphore, #tpu.memory_space<semaphore_mem>>
      %dma_wait3A_2095 = tpu.memref_squeeze %dma_wait3A_2094 : memref<1x!tpu.dma_semaphore, #tpu.memory_space<semaphore_mem>> -> memref<!tpu.dma_semaphore, #tpu.memory_space<semaphore_mem>>
      tpu.wait_indirect_dma semaphore(%dma_wait3A_2095 : memref<!tpu.dma_semaphore, #tpu.memory_space<semaphore_mem>>) src(%dma_wait3A_2083 : memref<128x16xf32, #tpu.memory_space<vmem>>) dst(%dma_wait3A_2093 : memref<10240x16xf32, #tpu.memory_space<vmem_shared>>)
      %mul3A_2096 = arith.constant 6 : i32
      %mul3A_2097 = arith.muli %add3A_1735, %mul3A_2096 : i32
      %add3A_2098 = arith.constant 3 : i32
      %add3A_2099 = arith.addi %mul3A_2097, %add3A_2098 : i32
      %dma_wait3A_2100 = arith.constant 1 : i32
      %dma_wait3A_2101 = arith.constant 3 : i32
      %dma_wait3A_2102 = arith.constant 1 : i32
      %dma_wait3A_2103 = arith.constant 1 : i32
      %dma_wait3A_2104 = arith.constant 0 : i32
      %dma_wait3A_2105 = arith.constant 0 : i32
      %dma_wait3A_2106 = tpu.memref_slice %arg10[%dma_wait3A_2100, %dma_wait3A_2101, %dma_wait3A_2104, %dma_wait3A_2105] : memref<2x6x128x16xf32, #tpu.memory_space<vmem>> -> memref<1x1x128x16xf32, #tpu.memory_space<vmem>>
      %dma_wait3A_2107 = tpu.memref_squeeze %dma_wait3A_2106 : memref<1x1x128x16xf32, #tpu.memory_space<vmem>> -> memref<128x16xf32, #tpu.memory_space<vmem>>
      %dma_wait3A_2108 = arith.constant 0 : i32
      %dma_wait3A_2109 = tpu.memref_slice %arg8[%add3A_2099, %dma_wait3A_2102, %dma_wait3A_2108] : memref<312x2x128xi32, #tpu.memory_space<vmem>> -> memref<1x1x128xi32, #tpu.memory_space<vmem>>
      %dma_wait3A_2110 = tpu.memref_squeeze %dma_wait3A_2109 : memref<1x1x128xi32, #tpu.memory_space<vmem>> -> memref<128xi32, #tpu.memory_space<vmem>>
      %dma_wait3A_2111 = arith.constant 0 : i32
      %dma_wait3A_2112 = arith.constant 0 : i32
      %dma_wait3A_2113 = tpu.memref_slice %arg12[%select_n3A_30, %dma_wait3A_2111, %dma_wait3A_2112] : memref<2x10240x16xf32, #tpu.memory_space<vmem_shared>> -> memref<1x10240x16xf32, #tpu.memory_space<vmem_shared>>
      %dma_wait3A_2114 = tpu.memref_squeeze %dma_wait3A_2113 : memref<1x10240x16xf32, #tpu.memory_space<vmem_shared>> -> memref<10240x16xf32, #tpu.memory_space<vmem_shared>>
      %dma_wait3A_2115 = arith.constant 0 : i32
      %dma_wait3A_2116 = arith.constant 0 : i32
      %dma_wait3A_2117 = tpu.memref_slice %dma_wait3A_2114[%dma_wait3A_2115, %dma_wait3A_2116] : memref<10240x16xf32, #tpu.memory_space<vmem_shared>> -> memref<10240x16xf32, #tpu.memory_space<vmem_shared>>
      %dma_wait3A_2118 = tpu.memref_slice %arg14[%dma_wait3A_2103] : memref<2x!tpu.dma_semaphore, #tpu.memory_space<semaphore_mem>> -> memref<1x!tpu.dma_semaphore, #tpu.memory_space<semaphore_mem>>
      %dma_wait3A_2119 = tpu.memref_squeeze %dma_wait3A_2118 : memref<1x!tpu.dma_semaphore, #tpu.memory_space<semaphore_mem>> -> memref<!tpu.dma_semaphore, #tpu.memory_space<semaphore_mem>>
      tpu.wait_indirect_dma semaphore(%dma_wait3A_2119 : memref<!tpu.dma_semaphore, #tpu.memory_space<semaphore_mem>>) src(%dma_wait3A_2107 : memref<128x16xf32, #tpu.memory_space<vmem>>) dst(%dma_wait3A_2117 : memref<10240x16xf32, #tpu.memory_space<vmem_shared>>)
      %mul3A_2120 = arith.constant 6 : i32
      %mul3A_2121 = arith.muli %add3A_1735, %mul3A_2120 : i32
      %add3A_2122 = arith.constant 4 : i32
      %add3A_2123 = arith.addi %mul3A_2121, %add3A_2122 : i32
      %dma_wait3A_2124 = arith.constant 1 : i32
      %dma_wait3A_2125 = arith.constant 4 : i32
      %dma_wait3A_2126 = arith.constant 1 : i32
      %dma_wait3A_2127 = arith.constant 1 : i32
      %dma_wait3A_2128 = arith.constant 0 : i32
      %dma_wait3A_2129 = arith.constant 0 : i32
      %dma_wait3A_2130 = tpu.memref_slice %arg10[%dma_wait3A_2124, %dma_wait3A_2125, %dma_wait3A_2128, %dma_wait3A_2129] : memref<2x6x128x16xf32, #tpu.memory_space<vmem>> -> memref<1x1x128x16xf32, #tpu.memory_space<vmem>>
      %dma_wait3A_2131 = tpu.memref_squeeze %dma_wait3A_2130 : memref<1x1x128x16xf32, #tpu.memory_space<vmem>> -> memref<128x16xf32, #tpu.memory_space<vmem>>
      %dma_wait3A_2132 = arith.constant 0 : i32
      %dma_wait3A_2133 = tpu.memref_slice %arg8[%add3A_2123, %dma_wait3A_2126, %dma_wait3A_2132] : memref<312x2x128xi32, #tpu.memory_space<vmem>> -> memref<1x1x128xi32, #tpu.memory_space<vmem>>
      %dma_wait3A_2134 = tpu.memref_squeeze %dma_wait3A_2133 : memref<1x1x128xi32, #tpu.memory_space<vmem>> -> memref<128xi32, #tpu.memory_space<vmem>>
      %dma_wait3A_2135 = arith.constant 0 : i32
      %dma_wait3A_2136 = arith.constant 0 : i32
      %dma_wait3A_2137 = tpu.memref_slice %arg12[%select_n3A_30, %dma_wait3A_2135, %dma_wait3A_2136] : memref<2x10240x16xf32, #tpu.memory_space<vmem_shared>> -> memref<1x10240x16xf32, #tpu.memory_space<vmem_shared>>
      %dma_wait3A_2138 = tpu.memref_squeeze %dma_wait3A_2137 : memref<1x10240x16xf32, #tpu.memory_space<vmem_shared>> -> memref<10240x16xf32, #tpu.memory_space<vmem_shared>>
      %dma_wait3A_2139 = arith.constant 0 : i32
      %dma_wait3A_2140 = arith.constant 0 : i32
      %dma_wait3A_2141 = tpu.memref_slice %dma_wait3A_2138[%dma_wait3A_2139, %dma_wait3A_2140] : memref<10240x16xf32, #tpu.memory_space<vmem_shared>> -> memref<10240x16xf32, #tpu.memory_space<vmem_shared>>
      %dma_wait3A_2142 = tpu.memref_slice %arg14[%dma_wait3A_2127] : memref<2x!tpu.dma_semaphore, #tpu.memory_space<semaphore_mem>> -> memref<1x!tpu.dma_semaphore, #tpu.memory_space<semaphore_mem>>
      %dma_wait3A_2143 = tpu.memref_squeeze %dma_wait3A_2142 : memref<1x!tpu.dma_semaphore, #tpu.memory_space<semaphore_mem>> -> memref<!tpu.dma_semaphore, #tpu.memory_space<semaphore_mem>>
      tpu.wait_indirect_dma semaphore(%dma_wait3A_2143 : memref<!tpu.dma_semaphore, #tpu.memory_space<semaphore_mem>>) src(%dma_wait3A_2131 : memref<128x16xf32, #tpu.memory_space<vmem>>) dst(%dma_wait3A_2141 : memref<10240x16xf32, #tpu.memory_space<vmem_shared>>)
      %mul3A_2144 = arith.constant 6 : i32
      %mul3A_2145 = arith.muli %add3A_1735, %mul3A_2144 : i32
      %add3A_2146 = arith.constant 5 : i32
      %add3A_2147 = arith.addi %mul3A_2145, %add3A_2146 : i32
      %dma_wait3A_2148 = arith.constant 1 : i32
      %dma_wait3A_2149 = arith.constant 5 : i32
      %dma_wait3A_2150 = arith.constant 1 : i32
      %dma_wait3A_2151 = arith.constant 1 : i32
      %dma_wait3A_2152 = arith.constant 0 : i32
      %dma_wait3A_2153 = arith.constant 0 : i32
      %dma_wait3A_2154 = tpu.memref_slice %arg10[%dma_wait3A_2148, %dma_wait3A_2149, %dma_wait3A_2152, %dma_wait3A_2153] : memref<2x6x128x16xf32, #tpu.memory_space<vmem>> -> memref<1x1x128x16xf32, #tpu.memory_space<vmem>>
      %dma_wait3A_2155 = tpu.memref_squeeze %dma_wait3A_2154 : memref<1x1x128x16xf32, #tpu.memory_space<vmem>> -> memref<128x16xf32, #tpu.memory_space<vmem>>
      %dma_wait3A_2156 = arith.constant 0 : i32
      %dma_wait3A_2157 = tpu.memref_slice %arg8[%add3A_2147, %dma_wait3A_2150, %dma_wait3A_2156] : memref<312x2x128xi32, #tpu.memory_space<vmem>> -> memref<1x1x128xi32, #tpu.memory_space<vmem>>
      %dma_wait3A_2158 = tpu.memref_squeeze %dma_wait3A_2157 : memref<1x1x128xi32, #tpu.memory_space<vmem>> -> memref<128xi32, #tpu.memory_space<vmem>>
      %dma_wait3A_2159 = arith.constant 0 : i32
      %dma_wait3A_2160 = arith.constant 0 : i32
      %dma_wait3A_2161 = tpu.memref_slice %arg12[%select_n3A_30, %dma_wait3A_2159, %dma_wait3A_2160] : memref<2x10240x16xf32, #tpu.memory_space<vmem_shared>> -> memref<1x10240x16xf32, #tpu.memory_space<vmem_shared>>
      %dma_wait3A_2162 = tpu.memref_squeeze %dma_wait3A_2161 : memref<1x10240x16xf32, #tpu.memory_space<vmem_shared>> -> memref<10240x16xf32, #tpu.memory_space<vmem_shared>>
      %dma_wait3A_2163 = arith.constant 0 : i32
      %dma_wait3A_2164 = arith.constant 0 : i32
      %dma_wait3A_2165 = tpu.memref_slice %dma_wait3A_2162[%dma_wait3A_2163, %dma_wait3A_2164] : memref<10240x16xf32, #tpu.memory_space<vmem_shared>> -> memref<10240x16xf32, #tpu.memory_space<vmem_shared>>
      %dma_wait3A_2166 = tpu.memref_slice %arg14[%dma_wait3A_2151] : memref<2x!tpu.dma_semaphore, #tpu.memory_space<semaphore_mem>> -> memref<1x!tpu.dma_semaphore, #tpu.memory_space<semaphore_mem>>
      %dma_wait3A_2167 = tpu.memref_squeeze %dma_wait3A_2166 : memref<1x!tpu.dma_semaphore, #tpu.memory_space<semaphore_mem>> -> memref<!tpu.dma_semaphore, #tpu.memory_space<semaphore_mem>>
      tpu.wait_indirect_dma semaphore(%dma_wait3A_2167 : memref<!tpu.dma_semaphore, #tpu.memory_space<semaphore_mem>>) src(%dma_wait3A_2155 : memref<128x16xf32, #tpu.memory_space<vmem>>) dst(%dma_wait3A_2165 : memref<10240x16xf32, #tpu.memory_space<vmem_shared>>)
      %add3A_2168 = arith.constant 2 : i32
      %add3A_2169 = arith.addi %add3A_1735, %add3A_2168 : i32
      %mul3A_2170 = arith.constant 6 : i32
      %mul3A_2171 = arith.muli %add3A_2169, %mul3A_2170 : i32
      %add3A_2172 = arith.constant 0 : i32
      %add3A_2173 = arith.addi %mul3A_2171, %add3A_2172 : i32
      %dma_start3A_2174 = arith.constant 0 : i32
      %dma_start3A_2175 = arith.constant 1 : i32
      %dma_start3A_2176 = arith.constant 0 : i32
      %dma_start3A_2177 = arith.constant 1 : i32
      %dma_start3A_2178 = arith.constant 0 : i32
      %dma_start3A_2179 = arith.constant 0 : i32
      %dma_start3A_2180 = tpu.memref_slice %arg10[%dma_start3A_2175, %dma_start3A_2176, %dma_start3A_2178, %dma_start3A_2179] : memref<2x6x128x16xf32, #tpu.memory_space<vmem>> -> memref<1x1x128x16xf32, #tpu.memory_space<vmem>>
      %dma_start3A_2181 = tpu.memref_squeeze %dma_start3A_2180 : memref<1x1x128x16xf32, #tpu.memory_space<vmem>> -> memref<128x16xf32, #tpu.memory_space<vmem>>
      %dma_start3A_2182 = arith.constant 0 : i32
      %dma_start3A_2183 = tpu.memref_slice %arg8[%add3A_2173, %dma_start3A_2174, %dma_start3A_2182] : memref<312x2x128xi32, #tpu.memory_space<vmem>> -> memref<1x1x128xi32, #tpu.memory_space<vmem>>
      %dma_start3A_2184 = tpu.memref_squeeze %dma_start3A_2183 : memref<1x1x128xi32, #tpu.memory_space<vmem>> -> memref<128xi32, #tpu.memory_space<vmem>>
      %dma_start3A_2185 = arith.constant 0 : i32
      %dma_start3A_2186 = arith.constant 0 : i32
      %dma_start3A_2187 = tpu.memref_slice %arg6[%select_n3A, %dma_start3A_2185, %dma_start3A_2186] : memref<4x10240x16xf32, #tpu.memory_space<hbm>> -> memref<1x10240x16xf32, #tpu.memory_space<hbm>>
      %dma_start3A_2188 = tpu.memref_squeeze %dma_start3A_2187 : memref<1x10240x16xf32, #tpu.memory_space<hbm>> -> memref<10240x16xf32, #tpu.memory_space<hbm>>
      %dma_start3A_2189 = arith.constant 0 : i32
      %dma_start3A_2190 = arith.constant 0 : i32
      %dma_start3A_2191 = tpu.memref_slice %dma_start3A_2188[%dma_start3A_2189, %dma_start3A_2190] : memref<10240x16xf32, #tpu.memory_space<hbm>> -> memref<10240x16xf32, #tpu.memory_space<hbm>>
      %dma_start3A_2192 = tpu.memref_slice %arg13[%dma_start3A_2177] : memref<2x!tpu.dma_semaphore, #tpu.memory_space<semaphore_mem>> -> memref<1x!tpu.dma_semaphore, #tpu.memory_space<semaphore_mem>>
      %dma_start3A_2193 = tpu.memref_squeeze %dma_start3A_2192 : memref<1x!tpu.dma_semaphore, #tpu.memory_space<semaphore_mem>> -> memref<!tpu.dma_semaphore, #tpu.memory_space<semaphore_mem>>
      tpu.enqueue_indirect_dma source(%dma_start3A_2191 : memref<10240x16xf32, #tpu.memory_space<hbm>>) target(%dma_start3A_2181 : memref<128x16xf32, #tpu.memory_space<vmem>>) offsets(%dma_start3A_2184 : memref<128xi32, #tpu.memory_space<vmem>>) semaphore(%dma_start3A_2193 : memref<!tpu.dma_semaphore, #tpu.memory_space<semaphore_mem>>)
      %add3A_2194 = arith.constant 2 : i32
      %add3A_2195 = arith.addi %add3A_1735, %add3A_2194 : i32
      %mul3A_2196 = arith.constant 6 : i32
      %mul3A_2197 = arith.muli %add3A_2195, %mul3A_2196 : i32
      %add3A_2198 = arith.constant 1 : i32
      %add3A_2199 = arith.addi %mul3A_2197, %add3A_2198 : i32
      %dma_start3A_2200 = arith.constant 0 : i32
      %dma_start3A_2201 = arith.constant 1 : i32
      %dma_start3A_2202 = arith.constant 1 : i32
      %dma_start3A_2203 = arith.constant 1 : i32
      %dma_start3A_2204 = arith.constant 0 : i32
      %dma_start3A_2205 = arith.constant 0 : i32
      %dma_start3A_2206 = tpu.memref_slice %arg10[%dma_start3A_2201, %dma_start3A_2202, %dma_start3A_2204, %dma_start3A_2205] : memref<2x6x128x16xf32, #tpu.memory_space<vmem>> -> memref<1x1x128x16xf32, #tpu.memory_space<vmem>>
      %dma_start3A_2207 = tpu.memref_squeeze %dma_start3A_2206 : memref<1x1x128x16xf32, #tpu.memory_space<vmem>> -> memref<128x16xf32, #tpu.memory_space<vmem>>
      %dma_start3A_2208 = arith.constant 0 : i32
      %dma_start3A_2209 = tpu.memref_slice %arg8[%add3A_2199, %dma_start3A_2200, %dma_start3A_2208] : memref<312x2x128xi32, #tpu.memory_space<vmem>> -> memref<1x1x128xi32, #tpu.memory_space<vmem>>
      %dma_start3A_2210 = tpu.memref_squeeze %dma_start3A_2209 : memref<1x1x128xi32, #tpu.memory_space<vmem>> -> memref<128xi32, #tpu.memory_space<vmem>>
      %dma_start3A_2211 = arith.constant 0 : i32
      %dma_start3A_2212 = arith.constant 0 : i32
      %dma_start3A_2213 = tpu.memref_slice %arg6[%select_n3A, %dma_start3A_2211, %dma_start3A_2212] : memref<4x10240x16xf32, #tpu.memory_space<hbm>> -> memref<1x10240x16xf32, #tpu.memory_space<hbm>>
      %dma_start3A_2214 = tpu.memref_squeeze %dma_start3A_2213 : memref<1x10240x16xf32, #tpu.memory_space<hbm>> -> memref<10240x16xf32, #tpu.memory_space<hbm>>
      %dma_start3A_2215 = arith.constant 0 : i32
      %dma_start3A_2216 = arith.constant 0 : i32
      %dma_start3A_2217 = tpu.memref_slice %dma_start3A_2214[%dma_start3A_2215, %dma_start3A_2216] : memref<10240x16xf32, #tpu.memory_space<hbm>> -> memref<10240x16xf32, #tpu.memory_space<hbm>>
      %dma_start3A_2218 = tpu.memref_slice %arg13[%dma_start3A_2203] : memref<2x!tpu.dma_semaphore, #tpu.memory_space<semaphore_mem>> -> memref<1x!tpu.dma_semaphore, #tpu.memory_space<semaphore_mem>>
      %dma_start3A_2219 = tpu.memref_squeeze %dma_start3A_2218 : memref<1x!tpu.dma_semaphore, #tpu.memory_space<semaphore_mem>> -> memref<!tpu.dma_semaphore, #tpu.memory_space<semaphore_mem>>
      tpu.enqueue_indirect_dma source(%dma_start3A_2217 : memref<10240x16xf32, #tpu.memory_space<hbm>>) target(%dma_start3A_2207 : memref<128x16xf32, #tpu.memory_space<vmem>>) offsets(%dma_start3A_2210 : memref<128xi32, #tpu.memory_space<vmem>>) semaphore(%dma_start3A_2219 : memref<!tpu.dma_semaphore, #tpu.memory_space<semaphore_mem>>)
      %add3A_2220 = arith.constant 2 : i32
      %add3A_2221 = arith.addi %add3A_1735, %add3A_2220 : i32
      %mul3A_2222 = arith.constant 6 : i32
      %mul3A_2223 = arith.muli %add3A_2221, %mul3A_2222 : i32
      %add3A_2224 = arith.constant 2 : i32
      %add3A_2225 = arith.addi %mul3A_2223, %add3A_2224 : i32
      %dma_start3A_2226 = arith.constant 0 : i32
      %dma_start3A_2227 = arith.constant 1 : i32
      %dma_start3A_2228 = arith.constant 2 : i32
      %dma_start3A_2229 = arith.constant 1 : i32
      %dma_start3A_2230 = arith.constant 0 : i32
      %dma_start3A_2231 = arith.constant 0 : i32
      %dma_start3A_2232 = tpu.memref_slice %arg10[%dma_start3A_2227, %dma_start3A_2228, %dma_start3A_2230, %dma_start3A_2231] : memref<2x6x128x16xf32, #tpu.memory_space<vmem>> -> memref<1x1x128x16xf32, #tpu.memory_space<vmem>>
      %dma_start3A_2233 = tpu.memref_squeeze %dma_start3A_2232 : memref<1x1x128x16xf32, #tpu.memory_space<vmem>> -> memref<128x16xf32, #tpu.memory_space<vmem>>
      %dma_start3A_2234 = arith.constant 0 : i32
      %dma_start3A_2235 = tpu.memref_slice %arg8[%add3A_2225, %dma_start3A_2226, %dma_start3A_2234] : memref<312x2x128xi32, #tpu.memory_space<vmem>> -> memref<1x1x128xi32, #tpu.memory_space<vmem>>
      %dma_start3A_2236 = tpu.memref_squeeze %dma_start3A_2235 : memref<1x1x128xi32, #tpu.memory_space<vmem>> -> memref<128xi32, #tpu.memory_space<vmem>>
      %dma_start3A_2237 = arith.constant 0 : i32
      %dma_start3A_2238 = arith.constant 0 : i32
      %dma_start3A_2239 = tpu.memref_slice %arg6[%select_n3A, %dma_start3A_2237, %dma_start3A_2238] : memref<4x10240x16xf32, #tpu.memory_space<hbm>> -> memref<1x10240x16xf32, #tpu.memory_space<hbm>>
      %dma_start3A_2240 = tpu.memref_squeeze %dma_start3A_2239 : memref<1x10240x16xf32, #tpu.memory_space<hbm>> -> memref<10240x16xf32, #tpu.memory_space<hbm>>
      %dma_start3A_2241 = arith.constant 0 : i32
      %dma_start3A_2242 = arith.constant 0 : i32
      %dma_start3A_2243 = tpu.memref_slice %dma_start3A_2240[%dma_start3A_2241, %dma_start3A_2242] : memref<10240x16xf32, #tpu.memory_space<hbm>> -> memref<10240x16xf32, #tpu.memory_space<hbm>>
      %dma_start3A_2244 = tpu.memref_slice %arg13[%dma_start3A_2229] : memref<2x!tpu.dma_semaphore, #tpu.memory_space<semaphore_mem>> -> memref<1x!tpu.dma_semaphore, #tpu.memory_space<semaphore_mem>>
      %dma_start3A_2245 = tpu.memref_squeeze %dma_start3A_2244 : memref<1x!tpu.dma_semaphore, #tpu.memory_space<semaphore_mem>> -> memref<!tpu.dma_semaphore, #tpu.memory_space<semaphore_mem>>
      tpu.enqueue_indirect_dma source(%dma_start3A_2243 : memref<10240x16xf32, #tpu.memory_space<hbm>>) target(%dma_start3A_2233 : memref<128x16xf32, #tpu.memory_space<vmem>>) offsets(%dma_start3A_2236 : memref<128xi32, #tpu.memory_space<vmem>>) semaphore(%dma_start3A_2245 : memref<!tpu.dma_semaphore, #tpu.memory_space<semaphore_mem>>)
      %add3A_2246 = arith.constant 2 : i32
      %add3A_2247 = arith.addi %add3A_1735, %add3A_2246 : i32
      %mul3A_2248 = arith.constant 6 : i32
      %mul3A_2249 = arith.muli %add3A_2247, %mul3A_2248 : i32
      %add3A_2250 = arith.constant 3 : i32
      %add3A_2251 = arith.addi %mul3A_2249, %add3A_2250 : i32
      %dma_start3A_2252 = arith.constant 0 : i32
      %dma_start3A_2253 = arith.constant 1 : i32
      %dma_start3A_2254 = arith.constant 3 : i32
      %dma_start3A_2255 = arith.constant 1 : i32
      %dma_start3A_2256 = arith.constant 0 : i32
      %dma_start3A_2257 = arith.constant 0 : i32
      %dma_start3A_2258 = tpu.memref_slice %arg10[%dma_start3A_2253, %dma_start3A_2254, %dma_start3A_2256, %dma_start3A_2257] : memref<2x6x128x16xf32, #tpu.memory_space<vmem>> -> memref<1x1x128x16xf32, #tpu.memory_space<vmem>>
      %dma_start3A_2259 = tpu.memref_squeeze %dma_start3A_2258 : memref<1x1x128x16xf32, #tpu.memory_space<vmem>> -> memref<128x16xf32, #tpu.memory_space<vmem>>
      %dma_start3A_2260 = arith.constant 0 : i32
      %dma_start3A_2261 = tpu.memref_slice %arg8[%add3A_2251, %dma_start3A_2252, %dma_start3A_2260] : memref<312x2x128xi32, #tpu.memory_space<vmem>> -> memref<1x1x128xi32, #tpu.memory_space<vmem>>
      %dma_start3A_2262 = tpu.memref_squeeze %dma_start3A_2261 : memref<1x1x128xi32, #tpu.memory_space<vmem>> -> memref<128xi32, #tpu.memory_space<vmem>>
      %dma_start3A_2263 = arith.constant 0 : i32
      %dma_start3A_2264 = arith.constant 0 : i32
      %dma_start3A_2265 = tpu.memref_slice %arg6[%select_n3A, %dma_start3A_2263, %dma_start3A_2264] : memref<4x10240x16xf32, #tpu.memory_space<hbm>> -> memref<1x10240x16xf32, #tpu.memory_space<hbm>>
      %dma_start3A_2266 = tpu.memref_squeeze %dma_start3A_2265 : memref<1x10240x16xf32, #tpu.memory_space<hbm>> -> memref<10240x16xf32, #tpu.memory_space<hbm>>
      %dma_start3A_2267 = arith.constant 0 : i32
      %dma_start3A_2268 = arith.constant 0 : i32
      %dma_start3A_2269 = tpu.memref_slice %dma_start3A_2266[%dma_start3A_2267, %dma_start3A_2268] : memref<10240x16xf32, #tpu.memory_space<hbm>> -> memref<10240x16xf32, #tpu.memory_space<hbm>>
      %dma_start3A_2270 = tpu.memref_slice %arg13[%dma_start3A_2255] : memref<2x!tpu.dma_semaphore, #tpu.memory_space<semaphore_mem>> -> memref<1x!tpu.dma_semaphore, #tpu.memory_space<semaphore_mem>>
      %dma_start3A_2271 = tpu.memref_squeeze %dma_start3A_2270 : memref<1x!tpu.dma_semaphore, #tpu.memory_space<semaphore_mem>> -> memref<!tpu.dma_semaphore, #tpu.memory_space<semaphore_mem>>
      tpu.enqueue_indirect_dma source(%dma_start3A_2269 : memref<10240x16xf32, #tpu.memory_space<hbm>>) target(%dma_start3A_2259 : memref<128x16xf32, #tpu.memory_space<vmem>>) offsets(%dma_start3A_2262 : memref<128xi32, #tpu.memory_space<vmem>>) semaphore(%dma_start3A_2271 : memref<!tpu.dma_semaphore, #tpu.memory_space<semaphore_mem>>)
      %add3A_2272 = arith.constant 2 : i32
      %add3A_2273 = arith.addi %add3A_1735, %add3A_2272 : i32
      %mul3A_2274 = arith.constant 6 : i32
      %mul3A_2275 = arith.muli %add3A_2273, %mul3A_2274 : i32
      %add3A_2276 = arith.constant 4 : i32
      %add3A_2277 = arith.addi %mul3A_2275, %add3A_2276 : i32
      %dma_start3A_2278 = arith.constant 0 : i32
      %dma_start3A_2279 = arith.constant 1 : i32
      %dma_start3A_2280 = arith.constant 4 : i32
      %dma_start3A_2281 = arith.constant 1 : i32
      %dma_start3A_2282 = arith.constant 0 : i32
      %dma_start3A_2283 = arith.constant 0 : i32
      %dma_start3A_2284 = tpu.memref_slice %arg10[%dma_start3A_2279, %dma_start3A_2280, %dma_start3A_2282, %dma_start3A_2283] : memref<2x6x128x16xf32, #tpu.memory_space<vmem>> -> memref<1x1x128x16xf32, #tpu.memory_space<vmem>>
      %dma_start3A_2285 = tpu.memref_squeeze %dma_start3A_2284 : memref<1x1x128x16xf32, #tpu.memory_space<vmem>> -> memref<128x16xf32, #tpu.memory_space<vmem>>
      %dma_start3A_2286 = arith.constant 0 : i32
      %dma_start3A_2287 = tpu.memref_slice %arg8[%add3A_2277, %dma_start3A_2278, %dma_start3A_2286] : memref<312x2x128xi32, #tpu.memory_space<vmem>> -> memref<1x1x128xi32, #tpu.memory_space<vmem>>
      %dma_start3A_2288 = tpu.memref_squeeze %dma_start3A_2287 : memref<1x1x128xi32, #tpu.memory_space<vmem>> -> memref<128xi32, #tpu.memory_space<vmem>>
      %dma_start3A_2289 = arith.constant 0 : i32
      %dma_start3A_2290 = arith.constant 0 : i32
      %dma_start3A_2291 = tpu.memref_slice %arg6[%select_n3A, %dma_start3A_2289, %dma_start3A_2290] : memref<4x10240x16xf32, #tpu.memory_space<hbm>> -> memref<1x10240x16xf32, #tpu.memory_space<hbm>>
      %dma_start3A_2292 = tpu.memref_squeeze %dma_start3A_2291 : memref<1x10240x16xf32, #tpu.memory_space<hbm>> -> memref<10240x16xf32, #tpu.memory_space<hbm>>
      %dma_start3A_2293 = arith.constant 0 : i32
      %dma_start3A_2294 = arith.constant 0 : i32
      %dma_start3A_2295 = tpu.memref_slice %dma_start3A_2292[%dma_start3A_2293, %dma_start3A_2294] : memref<10240x16xf32, #tpu.memory_space<hbm>> -> memref<10240x16xf32, #tpu.memory_space<hbm>>
      %dma_start3A_2296 = tpu.memref_slice %arg13[%dma_start3A_2281] : memref<2x!tpu.dma_semaphore, #tpu.memory_space<semaphore_mem>> -> memref<1x!tpu.dma_semaphore, #tpu.memory_space<semaphore_mem>>
      %dma_start3A_2297 = tpu.memref_squeeze %dma_start3A_2296 : memref<1x!tpu.dma_semaphore, #tpu.memory_space<semaphore_mem>> -> memref<!tpu.dma_semaphore, #tpu.memory_space<semaphore_mem>>
      tpu.enqueue_indirect_dma source(%dma_start3A_2295 : memref<10240x16xf32, #tpu.memory_space<hbm>>) target(%dma_start3A_2285 : memref<128x16xf32, #tpu.memory_space<vmem>>) offsets(%dma_start3A_2288 : memref<128xi32, #tpu.memory_space<vmem>>) semaphore(%dma_start3A_2297 : memref<!tpu.dma_semaphore, #tpu.memory_space<semaphore_mem>>)
      %add3A_2298 = arith.constant 2 : i32
      %add3A_2299 = arith.addi %add3A_1735, %add3A_2298 : i32
      %mul3A_2300 = arith.constant 6 : i32
      %mul3A_2301 = arith.muli %add3A_2299, %mul3A_2300 : i32
      %add3A_2302 = arith.constant 5 : i32
      %add3A_2303 = arith.addi %mul3A_2301, %add3A_2302 : i32
      %dma_start3A_2304 = arith.constant 0 : i32
      %dma_start3A_2305 = arith.constant 1 : i32
      %dma_start3A_2306 = arith.constant 5 : i32
      %dma_start3A_2307 = arith.constant 1 : i32
      %dma_start3A_2308 = arith.constant 0 : i32
      %dma_start3A_2309 = arith.constant 0 : i32
      %dma_start3A_2310 = tpu.memref_slice %arg10[%dma_start3A_2305, %dma_start3A_2306, %dma_start3A_2308, %dma_start3A_2309] : memref<2x6x128x16xf32, #tpu.memory_space<vmem>> -> memref<1x1x128x16xf32, #tpu.memory_space<vmem>>
      %dma_start3A_2311 = tpu.memref_squeeze %dma_start3A_2310 : memref<1x1x128x16xf32, #tpu.memory_space<vmem>> -> memref<128x16xf32, #tpu.memory_space<vmem>>
      %dma_start3A_2312 = arith.constant 0 : i32
      %dma_start3A_2313 = tpu.memref_slice %arg8[%add3A_2303, %dma_start3A_2304, %dma_start3A_2312] : memref<312x2x128xi32, #tpu.memory_space<vmem>> -> memref<1x1x128xi32, #tpu.memory_space<vmem>>
      %dma_start3A_2314 = tpu.memref_squeeze %dma_start3A_2313 : memref<1x1x128xi32, #tpu.memory_space<vmem>> -> memref<128xi32, #tpu.memory_space<vmem>>
      %dma_start3A_2315 = arith.constant 0 : i32
      %dma_start3A_2316 = arith.constant 0 : i32
      %dma_start3A_2317 = tpu.memref_slice %arg6[%select_n3A, %dma_start3A_2315, %dma_start3A_2316] : memref<4x10240x16xf32, #tpu.memory_space<hbm>> -> memref<1x10240x16xf32, #tpu.memory_space<hbm>>
      %dma_start3A_2318 = tpu.memref_squeeze %dma_start3A_2317 : memref<1x10240x16xf32, #tpu.memory_space<hbm>> -> memref<10240x16xf32, #tpu.memory_space<hbm>>
      %dma_start3A_2319 = arith.constant 0 : i32
      %dma_start3A_2320 = arith.constant 0 : i32
      %dma_start3A_2321 = tpu.memref_slice %dma_start3A_2318[%dma_start3A_2319, %dma_start3A_2320] : memref<10240x16xf32, #tpu.memory_space<hbm>> -> memref<10240x16xf32, #tpu.memory_space<hbm>>
      %dma_start3A_2322 = tpu.memref_slice %arg13[%dma_start3A_2307] : memref<2x!tpu.dma_semaphore, #tpu.memory_space<semaphore_mem>> -> memref<1x!tpu.dma_semaphore, #tpu.memory_space<semaphore_mem>>
      %dma_start3A_2323 = tpu.memref_squeeze %dma_start3A_2322 : memref<1x!tpu.dma_semaphore, #tpu.memory_space<semaphore_mem>> -> memref<!tpu.dma_semaphore, #tpu.memory_space<semaphore_mem>>
      tpu.enqueue_indirect_dma source(%dma_start3A_2321 : memref<10240x16xf32, #tpu.memory_space<hbm>>) target(%dma_start3A_2311 : memref<128x16xf32, #tpu.memory_space<vmem>>) offsets(%dma_start3A_2314 : memref<128xi32, #tpu.memory_space<vmem>>) semaphore(%dma_start3A_2323 : memref<!tpu.dma_semaphore, #tpu.memory_space<semaphore_mem>>)
    }
    %scan3A_359 = arith.constant 25 : i32
    %dma_wait3A = arith.constant 300 : i32
    %dma_wait3A_360 = arith.constant 0 : i32
    %dma_wait3A_361 = arith.constant 0 : i32
    %dma_wait3A_362 = arith.constant 0 : i32
    %dma_wait3A_363 = arith.constant 0 : i32
    %dma_wait3A_364 = arith.constant 0 : i32
    %dma_wait3A_365 = arith.constant 0 : i32
    %dma_wait3A_366 = tpu.memref_slice %arg10[%dma_wait3A_361, %dma_wait3A_362, %dma_wait3A_364, %dma_wait3A_365] : memref<2x6x128x16xf32, #tpu.memory_space<vmem>> -> memref<1x1x128x16xf32, #tpu.memory_space<vmem>>
    %dma_wait3A_367 = tpu.memref_squeeze %dma_wait3A_366 : memref<1x1x128x16xf32, #tpu.memory_space<vmem>> -> memref<128x16xf32, #tpu.memory_space<vmem>>
    %dma_wait3A_368 = arith.constant 0 : i32
    %dma_wait3A_369 = tpu.memref_slice %arg8[%dma_wait3A, %dma_wait3A_360, %dma_wait3A_368] : memref<312x2x128xi32, #tpu.memory_space<vmem>> -> memref<1x1x128xi32, #tpu.memory_space<vmem>>
    %dma_wait3A_370 = tpu.memref_squeeze %dma_wait3A_369 : memref<1x1x128xi32, #tpu.memory_space<vmem>> -> memref<128xi32, #tpu.memory_space<vmem>>
    %dma_wait3A_371 = arith.constant 0 : i32
    %dma_wait3A_372 = arith.constant 0 : i32
    %dma_wait3A_373 = tpu.memref_slice %arg6[%select_n3A, %dma_wait3A_371, %dma_wait3A_372] : memref<4x10240x16xf32, #tpu.memory_space<hbm>> -> memref<1x10240x16xf32, #tpu.memory_space<hbm>>
    %dma_wait3A_374 = tpu.memref_squeeze %dma_wait3A_373 : memref<1x10240x16xf32, #tpu.memory_space<hbm>> -> memref<10240x16xf32, #tpu.memory_space<hbm>>
    %dma_wait3A_375 = arith.constant 0 : i32
    %dma_wait3A_376 = arith.constant 0 : i32
    %dma_wait3A_377 = tpu.memref_slice %dma_wait3A_374[%dma_wait3A_375, %dma_wait3A_376] : memref<10240x16xf32, #tpu.memory_space<hbm>> -> memref<10240x16xf32, #tpu.memory_space<hbm>>
    %dma_wait3A_378 = tpu.memref_slice %arg13[%dma_wait3A_363] : memref<2x!tpu.dma_semaphore, #tpu.memory_space<semaphore_mem>> -> memref<1x!tpu.dma_semaphore, #tpu.memory_space<semaphore_mem>>
    %dma_wait3A_379 = tpu.memref_squeeze %dma_wait3A_378 : memref<1x!tpu.dma_semaphore, #tpu.memory_space<semaphore_mem>> -> memref<!tpu.dma_semaphore, #tpu.memory_space<semaphore_mem>>
    tpu.wait_indirect_dma semaphore(%dma_wait3A_379 : memref<!tpu.dma_semaphore, #tpu.memory_space<semaphore_mem>>) src(%dma_wait3A_377 : memref<10240x16xf32, #tpu.memory_space<hbm>>) dst(%dma_wait3A_367 : memref<128x16xf32, #tpu.memory_space<vmem>>)
    %dma_wait3A_380 = arith.constant 301 : i32
    %dma_wait3A_381 = arith.constant 0 : i32
    %dma_wait3A_382 = arith.constant 0 : i32
    %dma_wait3A_383 = arith.constant 1 : i32
    %dma_wait3A_384 = arith.constant 0 : i32
    %dma_wait3A_385 = arith.constant 0 : i32
    %dma_wait3A_386 = arith.constant 0 : i32
    %dma_wait3A_387 = tpu.memref_slice %arg10[%dma_wait3A_382, %dma_wait3A_383, %dma_wait3A_385, %dma_wait3A_386] : memref<2x6x128x16xf32, #tpu.memory_space<vmem>> -> memref<1x1x128x16xf32, #tpu.memory_space<vmem>>
    %dma_wait3A_388 = tpu.memref_squeeze %dma_wait3A_387 : memref<1x1x128x16xf32, #tpu.memory_space<vmem>> -> memref<128x16xf32, #tpu.memory_space<vmem>>
    %dma_wait3A_389 = arith.constant 0 : i32
    %dma_wait3A_390 = tpu.memref_slice %arg8[%dma_wait3A_380, %dma_wait3A_381, %dma_wait3A_389] : memref<312x2x128xi32, #tpu.memory_space<vmem>> -> memref<1x1x128xi32, #tpu.memory_space<vmem>>
    %dma_wait3A_391 = tpu.memref_squeeze %dma_wait3A_390 : memref<1x1x128xi32, #tpu.memory_space<vmem>> -> memref<128xi32, #tpu.memory_space<vmem>>
    %dma_wait3A_392 = arith.constant 0 : i32
    %dma_wait3A_393 = arith.constant 0 : i32
    %dma_wait3A_394 = tpu.memref_slice %arg6[%select_n3A, %dma_wait3A_392, %dma_wait3A_393] : memref<4x10240x16xf32, #tpu.memory_space<hbm>> -> memref<1x10240x16xf32, #tpu.memory_space<hbm>>
    %dma_wait3A_395 = tpu.memref_squeeze %dma_wait3A_394 : memref<1x10240x16xf32, #tpu.memory_space<hbm>> -> memref<10240x16xf32, #tpu.memory_space<hbm>>
    %dma_wait3A_396 = arith.constant 0 : i32
    %dma_wait3A_397 = arith.constant 0 : i32
    %dma_wait3A_398 = tpu.memref_slice %dma_wait3A_395[%dma_wait3A_396, %dma_wait3A_397] : memref<10240x16xf32, #tpu.memory_space<hbm>> -> memref<10240x16xf32, #tpu.memory_space<hbm>>
    %dma_wait3A_399 = tpu.memref_slice %arg13[%dma_wait3A_384] : memref<2x!tpu.dma_semaphore, #tpu.memory_space<semaphore_mem>> -> memref<1x!tpu.dma_semaphore, #tpu.memory_space<semaphore_mem>>
    %dma_wait3A_400 = tpu.memref_squeeze %dma_wait3A_399 : memref<1x!tpu.dma_semaphore, #tpu.memory_space<semaphore_mem>> -> memref<!tpu.dma_semaphore, #tpu.memory_space<semaphore_mem>>
    tpu.wait_indirect_dma semaphore(%dma_wait3A_400 : memref<!tpu.dma_semaphore, #tpu.memory_space<semaphore_mem>>) src(%dma_wait3A_398 : memref<10240x16xf32, #tpu.memory_space<hbm>>) dst(%dma_wait3A_388 : memref<128x16xf32, #tpu.memory_space<vmem>>)
    %dma_wait3A_401 = arith.constant 302 : i32
    %dma_wait3A_402 = arith.constant 0 : i32
    %dma_wait3A_403 = arith.constant 0 : i32
    %dma_wait3A_404 = arith.constant 2 : i32
    %dma_wait3A_405 = arith.constant 0 : i32
    %dma_wait3A_406 = arith.constant 0 : i32
    %dma_wait3A_407 = arith.constant 0 : i32
    %dma_wait3A_408 = tpu.memref_slice %arg10[%dma_wait3A_403, %dma_wait3A_404, %dma_wait3A_406, %dma_wait3A_407] : memref<2x6x128x16xf32, #tpu.memory_space<vmem>> -> memref<1x1x128x16xf32, #tpu.memory_space<vmem>>
    %dma_wait3A_409 = tpu.memref_squeeze %dma_wait3A_408 : memref<1x1x128x16xf32, #tpu.memory_space<vmem>> -> memref<128x16xf32, #tpu.memory_space<vmem>>
    %dma_wait3A_410 = arith.constant 0 : i32
    %dma_wait3A_411 = tpu.memref_slice %arg8[%dma_wait3A_401, %dma_wait3A_402, %dma_wait3A_410] : memref<312x2x128xi32, #tpu.memory_space<vmem>> -> memref<1x1x128xi32, #tpu.memory_space<vmem>>
    %dma_wait3A_412 = tpu.memref_squeeze %dma_wait3A_411 : memref<1x1x128xi32, #tpu.memory_space<vmem>> -> memref<128xi32, #tpu.memory_space<vmem>>
    %dma_wait3A_413 = arith.constant 0 : i32
    %dma_wait3A_414 = arith.constant 0 : i32
    %dma_wait3A_415 = tpu.memref_slice %arg6[%select_n3A, %dma_wait3A_413, %dma_wait3A_414] : memref<4x10240x16xf32, #tpu.memory_space<hbm>> -> memref<1x10240x16xf32, #tpu.memory_space<hbm>>
    %dma_wait3A_416 = tpu.memref_squeeze %dma_wait3A_415 : memref<1x10240x16xf32, #tpu.memory_space<hbm>> -> memref<10240x16xf32, #tpu.memory_space<hbm>>
    %dma_wait3A_417 = arith.constant 0 : i32
    %dma_wait3A_418 = arith.constant 0 : i32
    %dma_wait3A_419 = tpu.memref_slice %dma_wait3A_416[%dma_wait3A_417, %dma_wait3A_418] : memref<10240x16xf32, #tpu.memory_space<hbm>> -> memref<10240x16xf32, #tpu.memory_space<hbm>>
    %dma_wait3A_420 = tpu.memref_slice %arg13[%dma_wait3A_405] : memref<2x!tpu.dma_semaphore, #tpu.memory_space<semaphore_mem>> -> memref<1x!tpu.dma_semaphore, #tpu.memory_space<semaphore_mem>>
    %dma_wait3A_421 = tpu.memref_squeeze %dma_wait3A_420 : memref<1x!tpu.dma_semaphore, #tpu.memory_space<semaphore_mem>> -> memref<!tpu.dma_semaphore, #tpu.memory_space<semaphore_mem>>
    tpu.wait_indirect_dma semaphore(%dma_wait3A_421 : memref<!tpu.dma_semaphore, #tpu.memory_space<semaphore_mem>>) src(%dma_wait3A_419 : memref<10240x16xf32, #tpu.memory_space<hbm>>) dst(%dma_wait3A_409 : memref<128x16xf32, #tpu.memory_space<vmem>>)
    %dma_wait3A_422 = arith.constant 303 : i32
    %dma_wait3A_423 = arith.constant 0 : i32
    %dma_wait3A_424 = arith.constant 0 : i32
    %dma_wait3A_425 = arith.constant 3 : i32
    %dma_wait3A_426 = arith.constant 0 : i32
    %dma_wait3A_427 = arith.constant 0 : i32
    %dma_wait3A_428 = arith.constant 0 : i32
    %dma_wait3A_429 = tpu.memref_slice %arg10[%dma_wait3A_424, %dma_wait3A_425, %dma_wait3A_427, %dma_wait3A_428] : memref<2x6x128x16xf32, #tpu.memory_space<vmem>> -> memref<1x1x128x16xf32, #tpu.memory_space<vmem>>
    %dma_wait3A_430 = tpu.memref_squeeze %dma_wait3A_429 : memref<1x1x128x16xf32, #tpu.memory_space<vmem>> -> memref<128x16xf32, #tpu.memory_space<vmem>>
    %dma_wait3A_431 = arith.constant 0 : i32
    %dma_wait3A_432 = tpu.memref_slice %arg8[%dma_wait3A_422, %dma_wait3A_423, %dma_wait3A_431] : memref<312x2x128xi32, #tpu.memory_space<vmem>> -> memref<1x1x128xi32, #tpu.memory_space<vmem>>
    %dma_wait3A_433 = tpu.memref_squeeze %dma_wait3A_432 : memref<1x1x128xi32, #tpu.memory_space<vmem>> -> memref<128xi32, #tpu.memory_space<vmem>>
    %dma_wait3A_434 = arith.constant 0 : i32
    %dma_wait3A_435 = arith.constant 0 : i32
    %dma_wait3A_436 = tpu.memref_slice %arg6[%select_n3A, %dma_wait3A_434, %dma_wait3A_435] : memref<4x10240x16xf32, #tpu.memory_space<hbm>> -> memref<1x10240x16xf32, #tpu.memory_space<hbm>>
    %dma_wait3A_437 = tpu.memref_squeeze %dma_wait3A_436 : memref<1x10240x16xf32, #tpu.memory_space<hbm>> -> memref<10240x16xf32, #tpu.memory_space<hbm>>
    %dma_wait3A_438 = arith.constant 0 : i32
    %dma_wait3A_439 = arith.constant 0 : i32
    %dma_wait3A_440 = tpu.memref_slice %dma_wait3A_437[%dma_wait3A_438, %dma_wait3A_439] : memref<10240x16xf32, #tpu.memory_space<hbm>> -> memref<10240x16xf32, #tpu.memory_space<hbm>>
    %dma_wait3A_441 = tpu.memref_slice %arg13[%dma_wait3A_426] : memref<2x!tpu.dma_semaphore, #tpu.memory_space<semaphore_mem>> -> memref<1x!tpu.dma_semaphore, #tpu.memory_space<semaphore_mem>>
    %dma_wait3A_442 = tpu.memref_squeeze %dma_wait3A_441 : memref<1x!tpu.dma_semaphore, #tpu.memory_space<semaphore_mem>> -> memref<!tpu.dma_semaphore, #tpu.memory_space<semaphore_mem>>
    tpu.wait_indirect_dma semaphore(%dma_wait3A_442 : memref<!tpu.dma_semaphore, #tpu.memory_space<semaphore_mem>>) src(%dma_wait3A_440 : memref<10240x16xf32, #tpu.memory_space<hbm>>) dst(%dma_wait3A_430 : memref<128x16xf32, #tpu.memory_space<vmem>>)
    %dma_wait3A_443 = arith.constant 304 : i32
    %dma_wait3A_444 = arith.constant 0 : i32
    %dma_wait3A_445 = arith.constant 0 : i32
    %dma_wait3A_446 = arith.constant 4 : i32
    %dma_wait3A_447 = arith.constant 0 : i32
    %dma_wait3A_448 = arith.constant 0 : i32
    %dma_wait3A_449 = arith.constant 0 : i32
    %dma_wait3A_450 = tpu.memref_slice %arg10[%dma_wait3A_445, %dma_wait3A_446, %dma_wait3A_448, %dma_wait3A_449] : memref<2x6x128x16xf32, #tpu.memory_space<vmem>> -> memref<1x1x128x16xf32, #tpu.memory_space<vmem>>
    %dma_wait3A_451 = tpu.memref_squeeze %dma_wait3A_450 : memref<1x1x128x16xf32, #tpu.memory_space<vmem>> -> memref<128x16xf32, #tpu.memory_space<vmem>>
    %dma_wait3A_452 = arith.constant 0 : i32
    %dma_wait3A_453 = tpu.memref_slice %arg8[%dma_wait3A_443, %dma_wait3A_444, %dma_wait3A_452] : memref<312x2x128xi32, #tpu.memory_space<vmem>> -> memref<1x1x128xi32, #tpu.memory_space<vmem>>
    %dma_wait3A_454 = tpu.memref_squeeze %dma_wait3A_453 : memref<1x1x128xi32, #tpu.memory_space<vmem>> -> memref<128xi32, #tpu.memory_space<vmem>>
    %dma_wait3A_455 = arith.constant 0 : i32
    %dma_wait3A_456 = arith.constant 0 : i32
    %dma_wait3A_457 = tpu.memref_slice %arg6[%select_n3A, %dma_wait3A_455, %dma_wait3A_456] : memref<4x10240x16xf32, #tpu.memory_space<hbm>> -> memref<1x10240x16xf32, #tpu.memory_space<hbm>>
    %dma_wait3A_458 = tpu.memref_squeeze %dma_wait3A_457 : memref<1x10240x16xf32, #tpu.memory_space<hbm>> -> memref<10240x16xf32, #tpu.memory_space<hbm>>
    %dma_wait3A_459 = arith.constant 0 : i32
    %dma_wait3A_460 = arith.constant 0 : i32
    %dma_wait3A_461 = tpu.memref_slice %dma_wait3A_458[%dma_wait3A_459, %dma_wait3A_460] : memref<10240x16xf32, #tpu.memory_space<hbm>> -> memref<10240x16xf32, #tpu.memory_space<hbm>>
    %dma_wait3A_462 = tpu.memref_slice %arg13[%dma_wait3A_447] : memref<2x!tpu.dma_semaphore, #tpu.memory_space<semaphore_mem>> -> memref<1x!tpu.dma_semaphore, #tpu.memory_space<semaphore_mem>>
    %dma_wait3A_463 = tpu.memref_squeeze %dma_wait3A_462 : memref<1x!tpu.dma_semaphore, #tpu.memory_space<semaphore_mem>> -> memref<!tpu.dma_semaphore, #tpu.memory_space<semaphore_mem>>
    tpu.wait_indirect_dma semaphore(%dma_wait3A_463 : memref<!tpu.dma_semaphore, #tpu.memory_space<semaphore_mem>>) src(%dma_wait3A_461 : memref<10240x16xf32, #tpu.memory_space<hbm>>) dst(%dma_wait3A_451 : memref<128x16xf32, #tpu.memory_space<vmem>>)
    %dma_wait3A_464 = arith.constant 305 : i32
    %dma_wait3A_465 = arith.constant 0 : i32
    %dma_wait3A_466 = arith.constant 0 : i32
    %dma_wait3A_467 = arith.constant 5 : i32
    %dma_wait3A_468 = arith.constant 0 : i32
    %dma_wait3A_469 = arith.constant 0 : i32
    %dma_wait3A_470 = arith.constant 0 : i32
    %dma_wait3A_471 = tpu.memref_slice %arg10[%dma_wait3A_466, %dma_wait3A_467, %dma_wait3A_469, %dma_wait3A_470] : memref<2x6x128x16xf32, #tpu.memory_space<vmem>> -> memref<1x1x128x16xf32, #tpu.memory_space<vmem>>
    %dma_wait3A_472 = tpu.memref_squeeze %dma_wait3A_471 : memref<1x1x128x16xf32, #tpu.memory_space<vmem>> -> memref<128x16xf32, #tpu.memory_space<vmem>>
    %dma_wait3A_473 = arith.constant 0 : i32
    %dma_wait3A_474 = tpu.memref_slice %arg8[%dma_wait3A_464, %dma_wait3A_465, %dma_wait3A_473] : memref<312x2x128xi32, #tpu.memory_space<vmem>> -> memref<1x1x128xi32, #tpu.memory_space<vmem>>
    %dma_wait3A_475 = tpu.memref_squeeze %dma_wait3A_474 : memref<1x1x128xi32, #tpu.memory_space<vmem>> -> memref<128xi32, #tpu.memory_space<vmem>>
    %dma_wait3A_476 = arith.constant 0 : i32
    %dma_wait3A_477 = arith.constant 0 : i32
    %dma_wait3A_478 = tpu.memref_slice %arg6[%select_n3A, %dma_wait3A_476, %dma_wait3A_477] : memref<4x10240x16xf32, #tpu.memory_space<hbm>> -> memref<1x10240x16xf32, #tpu.memory_space<hbm>>
    %dma_wait3A_479 = tpu.memref_squeeze %dma_wait3A_478 : memref<1x10240x16xf32, #tpu.memory_space<hbm>> -> memref<10240x16xf32, #tpu.memory_space<hbm>>
    %dma_wait3A_480 = arith.constant 0 : i32
    %dma_wait3A_481 = arith.constant 0 : i32
    %dma_wait3A_482 = tpu.memref_slice %dma_wait3A_479[%dma_wait3A_480, %dma_wait3A_481] : memref<10240x16xf32, #tpu.memory_space<hbm>> -> memref<10240x16xf32, #tpu.memory_space<hbm>>
    %dma_wait3A_483 = tpu.memref_slice %arg13[%dma_wait3A_468] : memref<2x!tpu.dma_semaphore, #tpu.memory_space<semaphore_mem>> -> memref<1x!tpu.dma_semaphore, #tpu.memory_space<semaphore_mem>>
    %dma_wait3A_484 = tpu.memref_squeeze %dma_wait3A_483 : memref<1x!tpu.dma_semaphore, #tpu.memory_space<semaphore_mem>> -> memref<!tpu.dma_semaphore, #tpu.memory_space<semaphore_mem>>
    tpu.wait_indirect_dma semaphore(%dma_wait3A_484 : memref<!tpu.dma_semaphore, #tpu.memory_space<semaphore_mem>>) src(%dma_wait3A_482 : memref<10240x16xf32, #tpu.memory_space<hbm>>) dst(%dma_wait3A_472 : memref<128x16xf32, #tpu.memory_space<vmem>>)
    %dma_start3A_485 = arith.constant 0 : i32
    %dma_start3A_486 = arith.constant 0 : i32
    %dma_start3A_487 = arith.constant 300 : i32
    %dma_start3A_488 = arith.constant 1 : i32
    %dma_start3A_489 = arith.constant 0 : i32
    %dma_start3A_490 = arith.constant 0 : i32
    %dma_start3A_491 = arith.constant 0 : i32
    %dma_start3A_492 = tpu.memref_slice %arg10[%dma_start3A_485, %dma_start3A_486, %dma_start3A_490, %dma_start3A_491] : memref<2x6x128x16xf32, #tpu.memory_space<vmem>> -> memref<1x1x128x16xf32, #tpu.memory_space<vmem>>
    %dma_start3A_493 = tpu.memref_squeeze %dma_start3A_492 : memref<1x1x128x16xf32, #tpu.memory_space<vmem>> -> memref<128x16xf32, #tpu.memory_space<vmem>>
    %dma_start3A_494 = arith.constant 0 : i32
    %dma_start3A_495 = tpu.memref_slice %arg8[%dma_start3A_487, %dma_start3A_488, %dma_start3A_494] : memref<312x2x128xi32, #tpu.memory_space<vmem>> -> memref<1x1x128xi32, #tpu.memory_space<vmem>>
    %dma_start3A_496 = tpu.memref_squeeze %dma_start3A_495 : memref<1x1x128xi32, #tpu.memory_space<vmem>> -> memref<128xi32, #tpu.memory_space<vmem>>
    %dma_start3A_497 = arith.constant 0 : i32
    %dma_start3A_498 = arith.constant 0 : i32
    %dma_start3A_499 = tpu.memref_slice %arg12[%select_n3A_30, %dma_start3A_497, %dma_start3A_498] : memref<2x10240x16xf32, #tpu.memory_space<vmem_shared>> -> memref<1x10240x16xf32, #tpu.memory_space<vmem_shared>>
    %dma_start3A_500 = tpu.memref_squeeze %dma_start3A_499 : memref<1x10240x16xf32, #tpu.memory_space<vmem_shared>> -> memref<10240x16xf32, #tpu.memory_space<vmem_shared>>
    %dma_start3A_501 = arith.constant 0 : i32
    %dma_start3A_502 = arith.constant 0 : i32
    %dma_start3A_503 = tpu.memref_slice %dma_start3A_500[%dma_start3A_501, %dma_start3A_502] : memref<10240x16xf32, #tpu.memory_space<vmem_shared>> -> memref<10240x16xf32, #tpu.memory_space<vmem_shared>>
    %dma_start3A_504 = tpu.memref_slice %arg14[%dma_start3A_489] : memref<2x!tpu.dma_semaphore, #tpu.memory_space<semaphore_mem>> -> memref<1x!tpu.dma_semaphore, #tpu.memory_space<semaphore_mem>>
    %dma_start3A_505 = tpu.memref_squeeze %dma_start3A_504 : memref<1x!tpu.dma_semaphore, #tpu.memory_space<semaphore_mem>> -> memref<!tpu.dma_semaphore, #tpu.memory_space<semaphore_mem>>
    tpu.enqueue_indirect_dma source(%dma_start3A_493 : memref<128x16xf32, #tpu.memory_space<vmem>>) target(%dma_start3A_503 : memref<10240x16xf32, #tpu.memory_space<vmem_shared>>) offsets(%dma_start3A_496 : memref<128xi32, #tpu.memory_space<vmem>>) semaphore(%dma_start3A_505 : memref<!tpu.dma_semaphore, #tpu.memory_space<semaphore_mem>>) {add = true}
    %dma_start3A_506 = arith.constant 0 : i32
    %dma_start3A_507 = arith.constant 1 : i32
    %dma_start3A_508 = arith.constant 301 : i32
    %dma_start3A_509 = arith.constant 1 : i32
    %dma_start3A_510 = arith.constant 0 : i32
    %dma_start3A_511 = arith.constant 0 : i32
    %dma_start3A_512 = arith.constant 0 : i32
    %dma_start3A_513 = tpu.memref_slice %arg10[%dma_start3A_506, %dma_start3A_507, %dma_start3A_511, %dma_start3A_512] : memref<2x6x128x16xf32, #tpu.memory_space<vmem>> -> memref<1x1x128x16xf32, #tpu.memory_space<vmem>>
    %dma_start3A_514 = tpu.memref_squeeze %dma_start3A_513 : memref<1x1x128x16xf32, #tpu.memory_space<vmem>> -> memref<128x16xf32, #tpu.memory_space<vmem>>
    %dma_start3A_515 = arith.constant 0 : i32
    %dma_start3A_516 = tpu.memref_slice %arg8[%dma_start3A_508, %dma_start3A_509, %dma_start3A_515] : memref<312x2x128xi32, #tpu.memory_space<vmem>> -> memref<1x1x128xi32, #tpu.memory_space<vmem>>
    %dma_start3A_517 = tpu.memref_squeeze %dma_start3A_516 : memref<1x1x128xi32, #tpu.memory_space<vmem>> -> memref<128xi32, #tpu.memory_space<vmem>>
    %dma_start3A_518 = arith.constant 0 : i32
    %dma_start3A_519 = arith.constant 0 : i32
    %dma_start3A_520 = tpu.memref_slice %arg12[%select_n3A_30, %dma_start3A_518, %dma_start3A_519] : memref<2x10240x16xf32, #tpu.memory_space<vmem_shared>> -> memref<1x10240x16xf32, #tpu.memory_space<vmem_shared>>
    %dma_start3A_521 = tpu.memref_squeeze %dma_start3A_520 : memref<1x10240x16xf32, #tpu.memory_space<vmem_shared>> -> memref<10240x16xf32, #tpu.memory_space<vmem_shared>>
    %dma_start3A_522 = arith.constant 0 : i32
    %dma_start3A_523 = arith.constant 0 : i32
    %dma_start3A_524 = tpu.memref_slice %dma_start3A_521[%dma_start3A_522, %dma_start3A_523] : memref<10240x16xf32, #tpu.memory_space<vmem_shared>> -> memref<10240x16xf32, #tpu.memory_space<vmem_shared>>
    %dma_start3A_525 = tpu.memref_slice %arg14[%dma_start3A_510] : memref<2x!tpu.dma_semaphore, #tpu.memory_space<semaphore_mem>> -> memref<1x!tpu.dma_semaphore, #tpu.memory_space<semaphore_mem>>
    %dma_start3A_526 = tpu.memref_squeeze %dma_start3A_525 : memref<1x!tpu.dma_semaphore, #tpu.memory_space<semaphore_mem>> -> memref<!tpu.dma_semaphore, #tpu.memory_space<semaphore_mem>>
    tpu.enqueue_indirect_dma source(%dma_start3A_514 : memref<128x16xf32, #tpu.memory_space<vmem>>) target(%dma_start3A_524 : memref<10240x16xf32, #tpu.memory_space<vmem_shared>>) offsets(%dma_start3A_517 : memref<128xi32, #tpu.memory_space<vmem>>) semaphore(%dma_start3A_526 : memref<!tpu.dma_semaphore, #tpu.memory_space<semaphore_mem>>) {add = true}
    %dma_start3A_527 = arith.constant 0 : i32
    %dma_start3A_528 = arith.constant 2 : i32
    %dma_start3A_529 = arith.constant 302 : i32
    %dma_start3A_530 = arith.constant 1 : i32
    %dma_start3A_531 = arith.constant 0 : i32
    %dma_start3A_532 = arith.constant 0 : i32
    %dma_start3A_533 = arith.constant 0 : i32
    %dma_start3A_534 = tpu.memref_slice %arg10[%dma_start3A_527, %dma_start3A_528, %dma_start3A_532, %dma_start3A_533] : memref<2x6x128x16xf32, #tpu.memory_space<vmem>> -> memref<1x1x128x16xf32, #tpu.memory_space<vmem>>
    %dma_start3A_535 = tpu.memref_squeeze %dma_start3A_534 : memref<1x1x128x16xf32, #tpu.memory_space<vmem>> -> memref<128x16xf32, #tpu.memory_space<vmem>>
    %dma_start3A_536 = arith.constant 0 : i32
    %dma_start3A_537 = tpu.memref_slice %arg8[%dma_start3A_529, %dma_start3A_530, %dma_start3A_536] : memref<312x2x128xi32, #tpu.memory_space<vmem>> -> memref<1x1x128xi32, #tpu.memory_space<vmem>>
    %dma_start3A_538 = tpu.memref_squeeze %dma_start3A_537 : memref<1x1x128xi32, #tpu.memory_space<vmem>> -> memref<128xi32, #tpu.memory_space<vmem>>
    %dma_start3A_539 = arith.constant 0 : i32
    %dma_start3A_540 = arith.constant 0 : i32
    %dma_start3A_541 = tpu.memref_slice %arg12[%select_n3A_30, %dma_start3A_539, %dma_start3A_540] : memref<2x10240x16xf32, #tpu.memory_space<vmem_shared>> -> memref<1x10240x16xf32, #tpu.memory_space<vmem_shared>>
    %dma_start3A_542 = tpu.memref_squeeze %dma_start3A_541 : memref<1x10240x16xf32, #tpu.memory_space<vmem_shared>> -> memref<10240x16xf32, #tpu.memory_space<vmem_shared>>
    %dma_start3A_543 = arith.constant 0 : i32
    %dma_start3A_544 = arith.constant 0 : i32
    %dma_start3A_545 = tpu.memref_slice %dma_start3A_542[%dma_start3A_543, %dma_start3A_544] : memref<10240x16xf32, #tpu.memory_space<vmem_shared>> -> memref<10240x16xf32, #tpu.memory_space<vmem_shared>>
    %dma_start3A_546 = tpu.memref_slice %arg14[%dma_start3A_531] : memref<2x!tpu.dma_semaphore, #tpu.memory_space<semaphore_mem>> -> memref<1x!tpu.dma_semaphore, #tpu.memory_space<semaphore_mem>>
    %dma_start3A_547 = tpu.memref_squeeze %dma_start3A_546 : memref<1x!tpu.dma_semaphore, #tpu.memory_space<semaphore_mem>> -> memref<!tpu.dma_semaphore, #tpu.memory_space<semaphore_mem>>
    tpu.enqueue_indirect_dma source(%dma_start3A_535 : memref<128x16xf32, #tpu.memory_space<vmem>>) target(%dma_start3A_545 : memref<10240x16xf32, #tpu.memory_space<vmem_shared>>) offsets(%dma_start3A_538 : memref<128xi32, #tpu.memory_space<vmem>>) semaphore(%dma_start3A_547 : memref<!tpu.dma_semaphore, #tpu.memory_space<semaphore_mem>>) {add = true}
    %dma_start3A_548 = arith.constant 0 : i32
    %dma_start3A_549 = arith.constant 3 : i32
    %dma_start3A_550 = arith.constant 303 : i32
    %dma_start3A_551 = arith.constant 1 : i32
    %dma_start3A_552 = arith.constant 0 : i32
    %dma_start3A_553 = arith.constant 0 : i32
    %dma_start3A_554 = arith.constant 0 : i32
    %dma_start3A_555 = tpu.memref_slice %arg10[%dma_start3A_548, %dma_start3A_549, %dma_start3A_553, %dma_start3A_554] : memref<2x6x128x16xf32, #tpu.memory_space<vmem>> -> memref<1x1x128x16xf32, #tpu.memory_space<vmem>>
    %dma_start3A_556 = tpu.memref_squeeze %dma_start3A_555 : memref<1x1x128x16xf32, #tpu.memory_space<vmem>> -> memref<128x16xf32, #tpu.memory_space<vmem>>
    %dma_start3A_557 = arith.constant 0 : i32
    %dma_start3A_558 = tpu.memref_slice %arg8[%dma_start3A_550, %dma_start3A_551, %dma_start3A_557] : memref<312x2x128xi32, #tpu.memory_space<vmem>> -> memref<1x1x128xi32, #tpu.memory_space<vmem>>
    %dma_start3A_559 = tpu.memref_squeeze %dma_start3A_558 : memref<1x1x128xi32, #tpu.memory_space<vmem>> -> memref<128xi32, #tpu.memory_space<vmem>>
    %dma_start3A_560 = arith.constant 0 : i32
    %dma_start3A_561 = arith.constant 0 : i32
    %dma_start3A_562 = tpu.memref_slice %arg12[%select_n3A_30, %dma_start3A_560, %dma_start3A_561] : memref<2x10240x16xf32, #tpu.memory_space<vmem_shared>> -> memref<1x10240x16xf32, #tpu.memory_space<vmem_shared>>
    %dma_start3A_563 = tpu.memref_squeeze %dma_start3A_562 : memref<1x10240x16xf32, #tpu.memory_space<vmem_shared>> -> memref<10240x16xf32, #tpu.memory_space<vmem_shared>>
    %dma_start3A_564 = arith.constant 0 : i32
    %dma_start3A_565 = arith.constant 0 : i32
    %dma_start3A_566 = tpu.memref_slice %dma_start3A_563[%dma_start3A_564, %dma_start3A_565] : memref<10240x16xf32, #tpu.memory_space<vmem_shared>> -> memref<10240x16xf32, #tpu.memory_space<vmem_shared>>
    %dma_start3A_567 = tpu.memref_slice %arg14[%dma_start3A_552] : memref<2x!tpu.dma_semaphore, #tpu.memory_space<semaphore_mem>> -> memref<1x!tpu.dma_semaphore, #tpu.memory_space<semaphore_mem>>
    %dma_start3A_568 = tpu.memref_squeeze %dma_start3A_567 : memref<1x!tpu.dma_semaphore, #tpu.memory_space<semaphore_mem>> -> memref<!tpu.dma_semaphore, #tpu.memory_space<semaphore_mem>>
    tpu.enqueue_indirect_dma source(%dma_start3A_556 : memref<128x16xf32, #tpu.memory_space<vmem>>) target(%dma_start3A_566 : memref<10240x16xf32, #tpu.memory_space<vmem_shared>>) offsets(%dma_start3A_559 : memref<128xi32, #tpu.memory_space<vmem>>) semaphore(%dma_start3A_568 : memref<!tpu.dma_semaphore, #tpu.memory_space<semaphore_mem>>) {add = true}
    %dma_start3A_569 = arith.constant 0 : i32
    %dma_start3A_570 = arith.constant 4 : i32
    %dma_start3A_571 = arith.constant 304 : i32
    %dma_start3A_572 = arith.constant 1 : i32
    %dma_start3A_573 = arith.constant 0 : i32
    %dma_start3A_574 = arith.constant 0 : i32
    %dma_start3A_575 = arith.constant 0 : i32
    %dma_start3A_576 = tpu.memref_slice %arg10[%dma_start3A_569, %dma_start3A_570, %dma_start3A_574, %dma_start3A_575] : memref<2x6x128x16xf32, #tpu.memory_space<vmem>> -> memref<1x1x128x16xf32, #tpu.memory_space<vmem>>
    %dma_start3A_577 = tpu.memref_squeeze %dma_start3A_576 : memref<1x1x128x16xf32, #tpu.memory_space<vmem>> -> memref<128x16xf32, #tpu.memory_space<vmem>>
    %dma_start3A_578 = arith.constant 0 : i32
    %dma_start3A_579 = tpu.memref_slice %arg8[%dma_start3A_571, %dma_start3A_572, %dma_start3A_578] : memref<312x2x128xi32, #tpu.memory_space<vmem>> -> memref<1x1x128xi32, #tpu.memory_space<vmem>>
    %dma_start3A_580 = tpu.memref_squeeze %dma_start3A_579 : memref<1x1x128xi32, #tpu.memory_space<vmem>> -> memref<128xi32, #tpu.memory_space<vmem>>
    %dma_start3A_581 = arith.constant 0 : i32
    %dma_start3A_582 = arith.constant 0 : i32
    %dma_start3A_583 = tpu.memref_slice %arg12[%select_n3A_30, %dma_start3A_581, %dma_start3A_582] : memref<2x10240x16xf32, #tpu.memory_space<vmem_shared>> -> memref<1x10240x16xf32, #tpu.memory_space<vmem_shared>>
    %dma_start3A_584 = tpu.memref_squeeze %dma_start3A_583 : memref<1x10240x16xf32, #tpu.memory_space<vmem_shared>> -> memref<10240x16xf32, #tpu.memory_space<vmem_shared>>
    %dma_start3A_585 = arith.constant 0 : i32
    %dma_start3A_586 = arith.constant 0 : i32
    %dma_start3A_587 = tpu.memref_slice %dma_start3A_584[%dma_start3A_585, %dma_start3A_586] : memref<10240x16xf32, #tpu.memory_space<vmem_shared>> -> memref<10240x16xf32, #tpu.memory_space<vmem_shared>>
    %dma_start3A_588 = tpu.memref_slice %arg14[%dma_start3A_573] : memref<2x!tpu.dma_semaphore, #tpu.memory_space<semaphore_mem>> -> memref<1x!tpu.dma_semaphore, #tpu.memory_space<semaphore_mem>>
    %dma_start3A_589 = tpu.memref_squeeze %dma_start3A_588 : memref<1x!tpu.dma_semaphore, #tpu.memory_space<semaphore_mem>> -> memref<!tpu.dma_semaphore, #tpu.memory_space<semaphore_mem>>
    tpu.enqueue_indirect_dma source(%dma_start3A_577 : memref<128x16xf32, #tpu.memory_space<vmem>>) target(%dma_start3A_587 : memref<10240x16xf32, #tpu.memory_space<vmem_shared>>) offsets(%dma_start3A_580 : memref<128xi32, #tpu.memory_space<vmem>>) semaphore(%dma_start3A_589 : memref<!tpu.dma_semaphore, #tpu.memory_space<semaphore_mem>>) {add = true}
    %dma_start3A_590 = arith.constant 0 : i32
    %dma_start3A_591 = arith.constant 5 : i32
    %dma_start3A_592 = arith.constant 305 : i32
    %dma_start3A_593 = arith.constant 1 : i32
    %dma_start3A_594 = arith.constant 0 : i32
    %dma_start3A_595 = arith.constant 0 : i32
    %dma_start3A_596 = arith.constant 0 : i32
    %dma_start3A_597 = tpu.memref_slice %arg10[%dma_start3A_590, %dma_start3A_591, %dma_start3A_595, %dma_start3A_596] : memref<2x6x128x16xf32, #tpu.memory_space<vmem>> -> memref<1x1x128x16xf32, #tpu.memory_space<vmem>>
    %dma_start3A_598 = tpu.memref_squeeze %dma_start3A_597 : memref<1x1x128x16xf32, #tpu.memory_space<vmem>> -> memref<128x16xf32, #tpu.memory_space<vmem>>
    %dma_start3A_599 = arith.constant 0 : i32
    %dma_start3A_600 = tpu.memref_slice %arg8[%dma_start3A_592, %dma_start3A_593, %dma_start3A_599] : memref<312x2x128xi32, #tpu.memory_space<vmem>> -> memref<1x1x128xi32, #tpu.memory_space<vmem>>
    %dma_start3A_601 = tpu.memref_squeeze %dma_start3A_600 : memref<1x1x128xi32, #tpu.memory_space<vmem>> -> memref<128xi32, #tpu.memory_space<vmem>>
    %dma_start3A_602 = arith.constant 0 : i32
    %dma_start3A_603 = arith.constant 0 : i32
    %dma_start3A_604 = tpu.memref_slice %arg12[%select_n3A_30, %dma_start3A_602, %dma_start3A_603] : memref<2x10240x16xf32, #tpu.memory_space<vmem_shared>> -> memref<1x10240x16xf32, #tpu.memory_space<vmem_shared>>
    %dma_start3A_605 = tpu.memref_squeeze %dma_start3A_604 : memref<1x10240x16xf32, #tpu.memory_space<vmem_shared>> -> memref<10240x16xf32, #tpu.memory_space<vmem_shared>>
    %dma_start3A_606 = arith.constant 0 : i32
    %dma_start3A_607 = arith.constant 0 : i32
    %dma_start3A_608 = tpu.memref_slice %dma_start3A_605[%dma_start3A_606, %dma_start3A_607] : memref<10240x16xf32, #tpu.memory_space<vmem_shared>> -> memref<10240x16xf32, #tpu.memory_space<vmem_shared>>
    %dma_start3A_609 = tpu.memref_slice %arg14[%dma_start3A_594] : memref<2x!tpu.dma_semaphore, #tpu.memory_space<semaphore_mem>> -> memref<1x!tpu.dma_semaphore, #tpu.memory_space<semaphore_mem>>
    %dma_start3A_610 = tpu.memref_squeeze %dma_start3A_609 : memref<1x!tpu.dma_semaphore, #tpu.memory_space<semaphore_mem>> -> memref<!tpu.dma_semaphore, #tpu.memory_space<semaphore_mem>>
    tpu.enqueue_indirect_dma source(%dma_start3A_598 : memref<128x16xf32, #tpu.memory_space<vmem>>) target(%dma_start3A_608 : memref<10240x16xf32, #tpu.memory_space<vmem_shared>>) offsets(%dma_start3A_601 : memref<128xi32, #tpu.memory_space<vmem>>) semaphore(%dma_start3A_610 : memref<!tpu.dma_semaphore, #tpu.memory_space<semaphore_mem>>) {add = true}
    %dma_wait3A_611 = arith.constant 0 : i32
    %dma_wait3A_612 = arith.constant 0 : i32
    %dma_wait3A_613 = arith.constant 300 : i32
    %dma_wait3A_614 = arith.constant 1 : i32
    %dma_wait3A_615 = arith.constant 0 : i32
    %dma_wait3A_616 = arith.constant 0 : i32
    %dma_wait3A_617 = arith.constant 0 : i32
    %dma_wait3A_618 = tpu.memref_slice %arg10[%dma_wait3A_611, %dma_wait3A_612, %dma_wait3A_616, %dma_wait3A_617] : memref<2x6x128x16xf32, #tpu.memory_space<vmem>> -> memref<1x1x128x16xf32, #tpu.memory_space<vmem>>
    %dma_wait3A_619 = tpu.memref_squeeze %dma_wait3A_618 : memref<1x1x128x16xf32, #tpu.memory_space<vmem>> -> memref<128x16xf32, #tpu.memory_space<vmem>>
    %dma_wait3A_620 = arith.constant 0 : i32
    %dma_wait3A_621 = tpu.memref_slice %arg8[%dma_wait3A_613, %dma_wait3A_614, %dma_wait3A_620] : memref<312x2x128xi32, #tpu.memory_space<vmem>> -> memref<1x1x128xi32, #tpu.memory_space<vmem>>
    %dma_wait3A_622 = tpu.memref_squeeze %dma_wait3A_621 : memref<1x1x128xi32, #tpu.memory_space<vmem>> -> memref<128xi32, #tpu.memory_space<vmem>>
    %dma_wait3A_623 = arith.constant 0 : i32
    %dma_wait3A_624 = arith.constant 0 : i32
    %dma_wait3A_625 = tpu.memref_slice %arg12[%select_n3A_30, %dma_wait3A_623, %dma_wait3A_624] : memref<2x10240x16xf32, #tpu.memory_space<vmem_shared>> -> memref<1x10240x16xf32, #tpu.memory_space<vmem_shared>>
    %dma_wait3A_626 = tpu.memref_squeeze %dma_wait3A_625 : memref<1x10240x16xf32, #tpu.memory_space<vmem_shared>> -> memref<10240x16xf32, #tpu.memory_space<vmem_shared>>
    %dma_wait3A_627 = arith.constant 0 : i32
    %dma_wait3A_628 = arith.constant 0 : i32
    %dma_wait3A_629 = tpu.memref_slice %dma_wait3A_626[%dma_wait3A_627, %dma_wait3A_628] : memref<10240x16xf32, #tpu.memory_space<vmem_shared>> -> memref<10240x16xf32, #tpu.memory_space<vmem_shared>>
    %dma_wait3A_630 = tpu.memref_slice %arg14[%dma_wait3A_615] : memref<2x!tpu.dma_semaphore, #tpu.memory_space<semaphore_mem>> -> memref<1x!tpu.dma_semaphore, #tpu.memory_space<semaphore_mem>>
    %dma_wait3A_631 = tpu.memref_squeeze %dma_wait3A_630 : memref<1x!tpu.dma_semaphore, #tpu.memory_space<semaphore_mem>> -> memref<!tpu.dma_semaphore, #tpu.memory_space<semaphore_mem>>
    tpu.wait_indirect_dma semaphore(%dma_wait3A_631 : memref<!tpu.dma_semaphore, #tpu.memory_space<semaphore_mem>>) src(%dma_wait3A_619 : memref<128x16xf32, #tpu.memory_space<vmem>>) dst(%dma_wait3A_629 : memref<10240x16xf32, #tpu.memory_space<vmem_shared>>)
    %dma_wait3A_632 = arith.constant 0 : i32
    %dma_wait3A_633 = arith.constant 1 : i32
    %dma_wait3A_634 = arith.constant 301 : i32
    %dma_wait3A_635 = arith.constant 1 : i32
    %dma_wait3A_636 = arith.constant 0 : i32
    %dma_wait3A_637 = arith.constant 0 : i32
    %dma_wait3A_638 = arith.constant 0 : i32
    %dma_wait3A_639 = tpu.memref_slice %arg10[%dma_wait3A_632, %dma_wait3A_633, %dma_wait3A_637, %dma_wait3A_638] : memref<2x6x128x16xf32, #tpu.memory_space<vmem>> -> memref<1x1x128x16xf32, #tpu.memory_space<vmem>>
    %dma_wait3A_640 = tpu.memref_squeeze %dma_wait3A_639 : memref<1x1x128x16xf32, #tpu.memory_space<vmem>> -> memref<128x16xf32, #tpu.memory_space<vmem>>
    %dma_wait3A_641 = arith.constant 0 : i32
    %dma_wait3A_642 = tpu.memref_slice %arg8[%dma_wait3A_634, %dma_wait3A_635, %dma_wait3A_641] : memref<312x2x128xi32, #tpu.memory_space<vmem>> -> memref<1x1x128xi32, #tpu.memory_space<vmem>>
    %dma_wait3A_643 = tpu.memref_squeeze %dma_wait3A_642 : memref<1x1x128xi32, #tpu.memory_space<vmem>> -> memref<128xi32, #tpu.memory_space<vmem>>
    %dma_wait3A_644 = arith.constant 0 : i32
    %dma_wait3A_645 = arith.constant 0 : i32
    %dma_wait3A_646 = tpu.memref_slice %arg12[%select_n3A_30, %dma_wait3A_644, %dma_wait3A_645] : memref<2x10240x16xf32, #tpu.memory_space<vmem_shared>> -> memref<1x10240x16xf32, #tpu.memory_space<vmem_shared>>
    %dma_wait3A_647 = tpu.memref_squeeze %dma_wait3A_646 : memref<1x10240x16xf32, #tpu.memory_space<vmem_shared>> -> memref<10240x16xf32, #tpu.memory_space<vmem_shared>>
    %dma_wait3A_648 = arith.constant 0 : i32
    %dma_wait3A_649 = arith.constant 0 : i32
    %dma_wait3A_650 = tpu.memref_slice %dma_wait3A_647[%dma_wait3A_648, %dma_wait3A_649] : memref<10240x16xf32, #tpu.memory_space<vmem_shared>> -> memref<10240x16xf32, #tpu.memory_space<vmem_shared>>
    %dma_wait3A_651 = tpu.memref_slice %arg14[%dma_wait3A_636] : memref<2x!tpu.dma_semaphore, #tpu.memory_space<semaphore_mem>> -> memref<1x!tpu.dma_semaphore, #tpu.memory_space<semaphore_mem>>
    %dma_wait3A_652 = tpu.memref_squeeze %dma_wait3A_651 : memref<1x!tpu.dma_semaphore, #tpu.memory_space<semaphore_mem>> -> memref<!tpu.dma_semaphore, #tpu.memory_space<semaphore_mem>>
    tpu.wait_indirect_dma semaphore(%dma_wait3A_652 : memref<!tpu.dma_semaphore, #tpu.memory_space<semaphore_mem>>) src(%dma_wait3A_640 : memref<128x16xf32, #tpu.memory_space<vmem>>) dst(%dma_wait3A_650 : memref<10240x16xf32, #tpu.memory_space<vmem_shared>>)
    %dma_wait3A_653 = arith.constant 0 : i32
    %dma_wait3A_654 = arith.constant 2 : i32
    %dma_wait3A_655 = arith.constant 302 : i32
    %dma_wait3A_656 = arith.constant 1 : i32
    %dma_wait3A_657 = arith.constant 0 : i32
    %dma_wait3A_658 = arith.constant 0 : i32
    %dma_wait3A_659 = arith.constant 0 : i32
    %dma_wait3A_660 = tpu.memref_slice %arg10[%dma_wait3A_653, %dma_wait3A_654, %dma_wait3A_658, %dma_wait3A_659] : memref<2x6x128x16xf32, #tpu.memory_space<vmem>> -> memref<1x1x128x16xf32, #tpu.memory_space<vmem>>
    %dma_wait3A_661 = tpu.memref_squeeze %dma_wait3A_660 : memref<1x1x128x16xf32, #tpu.memory_space<vmem>> -> memref<128x16xf32, #tpu.memory_space<vmem>>
    %dma_wait3A_662 = arith.constant 0 : i32
    %dma_wait3A_663 = tpu.memref_slice %arg8[%dma_wait3A_655, %dma_wait3A_656, %dma_wait3A_662] : memref<312x2x128xi32, #tpu.memory_space<vmem>> -> memref<1x1x128xi32, #tpu.memory_space<vmem>>
    %dma_wait3A_664 = tpu.memref_squeeze %dma_wait3A_663 : memref<1x1x128xi32, #tpu.memory_space<vmem>> -> memref<128xi32, #tpu.memory_space<vmem>>
    %dma_wait3A_665 = arith.constant 0 : i32
    %dma_wait3A_666 = arith.constant 0 : i32
    %dma_wait3A_667 = tpu.memref_slice %arg12[%select_n3A_30, %dma_wait3A_665, %dma_wait3A_666] : memref<2x10240x16xf32, #tpu.memory_space<vmem_shared>> -> memref<1x10240x16xf32, #tpu.memory_space<vmem_shared>>
    %dma_wait3A_668 = tpu.memref_squeeze %dma_wait3A_667 : memref<1x10240x16xf32, #tpu.memory_space<vmem_shared>> -> memref<10240x16xf32, #tpu.memory_space<vmem_shared>>
    %dma_wait3A_669 = arith.constant 0 : i32
    %dma_wait3A_670 = arith.constant 0 : i32
    %dma_wait3A_671 = tpu.memref_slice %dma_wait3A_668[%dma_wait3A_669, %dma_wait3A_670] : memref<10240x16xf32, #tpu.memory_space<vmem_shared>> -> memref<10240x16xf32, #tpu.memory_space<vmem_shared>>
    %dma_wait3A_672 = tpu.memref_slice %arg14[%dma_wait3A_657] : memref<2x!tpu.dma_semaphore, #tpu.memory_space<semaphore_mem>> -> memref<1x!tpu.dma_semaphore, #tpu.memory_space<semaphore_mem>>
    %dma_wait3A_673 = tpu.memref_squeeze %dma_wait3A_672 : memref<1x!tpu.dma_semaphore, #tpu.memory_space<semaphore_mem>> -> memref<!tpu.dma_semaphore, #tpu.memory_space<semaphore_mem>>
    tpu.wait_indirect_dma semaphore(%dma_wait3A_673 : memref<!tpu.dma_semaphore, #tpu.memory_space<semaphore_mem>>) src(%dma_wait3A_661 : memref<128x16xf32, #tpu.memory_space<vmem>>) dst(%dma_wait3A_671 : memref<10240x16xf32, #tpu.memory_space<vmem_shared>>)
    %dma_wait3A_674 = arith.constant 0 : i32
    %dma_wait3A_675 = arith.constant 3 : i32
    %dma_wait3A_676 = arith.constant 303 : i32
    %dma_wait3A_677 = arith.constant 1 : i32
    %dma_wait3A_678 = arith.constant 0 : i32
    %dma_wait3A_679 = arith.constant 0 : i32
    %dma_wait3A_680 = arith.constant 0 : i32
    %dma_wait3A_681 = tpu.memref_slice %arg10[%dma_wait3A_674, %dma_wait3A_675, %dma_wait3A_679, %dma_wait3A_680] : memref<2x6x128x16xf32, #tpu.memory_space<vmem>> -> memref<1x1x128x16xf32, #tpu.memory_space<vmem>>
    %dma_wait3A_682 = tpu.memref_squeeze %dma_wait3A_681 : memref<1x1x128x16xf32, #tpu.memory_space<vmem>> -> memref<128x16xf32, #tpu.memory_space<vmem>>
    %dma_wait3A_683 = arith.constant 0 : i32
    %dma_wait3A_684 = tpu.memref_slice %arg8[%dma_wait3A_676, %dma_wait3A_677, %dma_wait3A_683] : memref<312x2x128xi32, #tpu.memory_space<vmem>> -> memref<1x1x128xi32, #tpu.memory_space<vmem>>
    %dma_wait3A_685 = tpu.memref_squeeze %dma_wait3A_684 : memref<1x1x128xi32, #tpu.memory_space<vmem>> -> memref<128xi32, #tpu.memory_space<vmem>>
    %dma_wait3A_686 = arith.constant 0 : i32
    %dma_wait3A_687 = arith.constant 0 : i32
    %dma_wait3A_688 = tpu.memref_slice %arg12[%select_n3A_30, %dma_wait3A_686, %dma_wait3A_687] : memref<2x10240x16xf32, #tpu.memory_space<vmem_shared>> -> memref<1x10240x16xf32, #tpu.memory_space<vmem_shared>>
    %dma_wait3A_689 = tpu.memref_squeeze %dma_wait3A_688 : memref<1x10240x16xf32, #tpu.memory_space<vmem_shared>> -> memref<10240x16xf32, #tpu.memory_space<vmem_shared>>
    %dma_wait3A_690 = arith.constant 0 : i32
    %dma_wait3A_691 = arith.constant 0 : i32
    %dma_wait3A_692 = tpu.memref_slice %dma_wait3A_689[%dma_wait3A_690, %dma_wait3A_691] : memref<10240x16xf32, #tpu.memory_space<vmem_shared>> -> memref<10240x16xf32, #tpu.memory_space<vmem_shared>>
    %dma_wait3A_693 = tpu.memref_slice %arg14[%dma_wait3A_678] : memref<2x!tpu.dma_semaphore, #tpu.memory_space<semaphore_mem>> -> memref<1x!tpu.dma_semaphore, #tpu.memory_space<semaphore_mem>>
    %dma_wait3A_694 = tpu.memref_squeeze %dma_wait3A_693 : memref<1x!tpu.dma_semaphore, #tpu.memory_space<semaphore_mem>> -> memref<!tpu.dma_semaphore, #tpu.memory_space<semaphore_mem>>
    tpu.wait_indirect_dma semaphore(%dma_wait3A_694 : memref<!tpu.dma_semaphore, #tpu.memory_space<semaphore_mem>>) src(%dma_wait3A_682 : memref<128x16xf32, #tpu.memory_space<vmem>>) dst(%dma_wait3A_692 : memref<10240x16xf32, #tpu.memory_space<vmem_shared>>)
    %dma_wait3A_695 = arith.constant 0 : i32
    %dma_wait3A_696 = arith.constant 4 : i32
    %dma_wait3A_697 = arith.constant 304 : i32
    %dma_wait3A_698 = arith.constant 1 : i32
    %dma_wait3A_699 = arith.constant 0 : i32
    %dma_wait3A_700 = arith.constant 0 : i32
    %dma_wait3A_701 = arith.constant 0 : i32
    %dma_wait3A_702 = tpu.memref_slice %arg10[%dma_wait3A_695, %dma_wait3A_696, %dma_wait3A_700, %dma_wait3A_701] : memref<2x6x128x16xf32, #tpu.memory_space<vmem>> -> memref<1x1x128x16xf32, #tpu.memory_space<vmem>>
    %dma_wait3A_703 = tpu.memref_squeeze %dma_wait3A_702 : memref<1x1x128x16xf32, #tpu.memory_space<vmem>> -> memref<128x16xf32, #tpu.memory_space<vmem>>
    %dma_wait3A_704 = arith.constant 0 : i32
    %dma_wait3A_705 = tpu.memref_slice %arg8[%dma_wait3A_697, %dma_wait3A_698, %dma_wait3A_704] : memref<312x2x128xi32, #tpu.memory_space<vmem>> -> memref<1x1x128xi32, #tpu.memory_space<vmem>>
    %dma_wait3A_706 = tpu.memref_squeeze %dma_wait3A_705 : memref<1x1x128xi32, #tpu.memory_space<vmem>> -> memref<128xi32, #tpu.memory_space<vmem>>
    %dma_wait3A_707 = arith.constant 0 : i32
    %dma_wait3A_708 = arith.constant 0 : i32
    %dma_wait3A_709 = tpu.memref_slice %arg12[%select_n3A_30, %dma_wait3A_707, %dma_wait3A_708] : memref<2x10240x16xf32, #tpu.memory_space<vmem_shared>> -> memref<1x10240x16xf32, #tpu.memory_space<vmem_shared>>
    %dma_wait3A_710 = tpu.memref_squeeze %dma_wait3A_709 : memref<1x10240x16xf32, #tpu.memory_space<vmem_shared>> -> memref<10240x16xf32, #tpu.memory_space<vmem_shared>>
    %dma_wait3A_711 = arith.constant 0 : i32
    %dma_wait3A_712 = arith.constant 0 : i32
    %dma_wait3A_713 = tpu.memref_slice %dma_wait3A_710[%dma_wait3A_711, %dma_wait3A_712] : memref<10240x16xf32, #tpu.memory_space<vmem_shared>> -> memref<10240x16xf32, #tpu.memory_space<vmem_shared>>
    %dma_wait3A_714 = tpu.memref_slice %arg14[%dma_wait3A_699] : memref<2x!tpu.dma_semaphore, #tpu.memory_space<semaphore_mem>> -> memref<1x!tpu.dma_semaphore, #tpu.memory_space<semaphore_mem>>
    %dma_wait3A_715 = tpu.memref_squeeze %dma_wait3A_714 : memref<1x!tpu.dma_semaphore, #tpu.memory_space<semaphore_mem>> -> memref<!tpu.dma_semaphore, #tpu.memory_space<semaphore_mem>>
    tpu.wait_indirect_dma semaphore(%dma_wait3A_715 : memref<!tpu.dma_semaphore, #tpu.memory_space<semaphore_mem>>) src(%dma_wait3A_703 : memref<128x16xf32, #tpu.memory_space<vmem>>) dst(%dma_wait3A_713 : memref<10240x16xf32, #tpu.memory_space<vmem_shared>>)
    %dma_wait3A_716 = arith.constant 0 : i32
    %dma_wait3A_717 = arith.constant 5 : i32
    %dma_wait3A_718 = arith.constant 305 : i32
    %dma_wait3A_719 = arith.constant 1 : i32
    %dma_wait3A_720 = arith.constant 0 : i32
    %dma_wait3A_721 = arith.constant 0 : i32
    %dma_wait3A_722 = arith.constant 0 : i32
    %dma_wait3A_723 = tpu.memref_slice %arg10[%dma_wait3A_716, %dma_wait3A_717, %dma_wait3A_721, %dma_wait3A_722] : memref<2x6x128x16xf32, #tpu.memory_space<vmem>> -> memref<1x1x128x16xf32, #tpu.memory_space<vmem>>
    %dma_wait3A_724 = tpu.memref_squeeze %dma_wait3A_723 : memref<1x1x128x16xf32, #tpu.memory_space<vmem>> -> memref<128x16xf32, #tpu.memory_space<vmem>>
    %dma_wait3A_725 = arith.constant 0 : i32
    %dma_wait3A_726 = tpu.memref_slice %arg8[%dma_wait3A_718, %dma_wait3A_719, %dma_wait3A_725] : memref<312x2x128xi32, #tpu.memory_space<vmem>> -> memref<1x1x128xi32, #tpu.memory_space<vmem>>
    %dma_wait3A_727 = tpu.memref_squeeze %dma_wait3A_726 : memref<1x1x128xi32, #tpu.memory_space<vmem>> -> memref<128xi32, #tpu.memory_space<vmem>>
    %dma_wait3A_728 = arith.constant 0 : i32
    %dma_wait3A_729 = arith.constant 0 : i32
    %dma_wait3A_730 = tpu.memref_slice %arg12[%select_n3A_30, %dma_wait3A_728, %dma_wait3A_729] : memref<2x10240x16xf32, #tpu.memory_space<vmem_shared>> -> memref<1x10240x16xf32, #tpu.memory_space<vmem_shared>>
    %dma_wait3A_731 = tpu.memref_squeeze %dma_wait3A_730 : memref<1x10240x16xf32, #tpu.memory_space<vmem_shared>> -> memref<10240x16xf32, #tpu.memory_space<vmem_shared>>
    %dma_wait3A_732 = arith.constant 0 : i32
    %dma_wait3A_733 = arith.constant 0 : i32
    %dma_wait3A_734 = tpu.memref_slice %dma_wait3A_731[%dma_wait3A_732, %dma_wait3A_733] : memref<10240x16xf32, #tpu.memory_space<vmem_shared>> -> memref<10240x16xf32, #tpu.memory_space<vmem_shared>>
    %dma_wait3A_735 = tpu.memref_slice %arg14[%dma_wait3A_720] : memref<2x!tpu.dma_semaphore, #tpu.memory_space<semaphore_mem>> -> memref<1x!tpu.dma_semaphore, #tpu.memory_space<semaphore_mem>>
    %dma_wait3A_736 = tpu.memref_squeeze %dma_wait3A_735 : memref<1x!tpu.dma_semaphore, #tpu.memory_space<semaphore_mem>> -> memref<!tpu.dma_semaphore, #tpu.memory_space<semaphore_mem>>
    tpu.wait_indirect_dma semaphore(%dma_wait3A_736 : memref<!tpu.dma_semaphore, #tpu.memory_space<semaphore_mem>>) src(%dma_wait3A_724 : memref<128x16xf32, #tpu.memory_space<vmem>>) dst(%dma_wait3A_734 : memref<10240x16xf32, #tpu.memory_space<vmem_shared>>)
    %dma_wait3A_737 = arith.constant 306 : i32
    %dma_wait3A_738 = arith.constant 0 : i32
    %dma_wait3A_739 = arith.constant 1 : i32
    %dma_wait3A_740 = arith.constant 0 : i32
    %dma_wait3A_741 = arith.constant 1 : i32
    %dma_wait3A_742 = arith.constant 0 : i32
    %dma_wait3A_743 = arith.constant 0 : i32
    %dma_wait3A_744 = tpu.memref_slice %arg10[%dma_wait3A_739, %dma_wait3A_740, %dma_wait3A_742, %dma_wait3A_743] : memref<2x6x128x16xf32, #tpu.memory_space<vmem>> -> memref<1x1x128x16xf32, #tpu.memory_space<vmem>>
    %dma_wait3A_745 = tpu.memref_squeeze %dma_wait3A_744 : memref<1x1x128x16xf32, #tpu.memory_space<vmem>> -> memref<128x16xf32, #tpu.memory_space<vmem>>
    %dma_wait3A_746 = arith.constant 0 : i32
    %dma_wait3A_747 = tpu.memref_slice %arg8[%dma_wait3A_737, %dma_wait3A_738, %dma_wait3A_746] : memref<312x2x128xi32, #tpu.memory_space<vmem>> -> memref<1x1x128xi32, #tpu.memory_space<vmem>>
    %dma_wait3A_748 = tpu.memref_squeeze %dma_wait3A_747 : memref<1x1x128xi32, #tpu.memory_space<vmem>> -> memref<128xi32, #tpu.memory_space<vmem>>
    %dma_wait3A_749 = arith.constant 0 : i32
    %dma_wait3A_750 = arith.constant 0 : i32
    %dma_wait3A_751 = tpu.memref_slice %arg6[%select_n3A, %dma_wait3A_749, %dma_wait3A_750] : memref<4x10240x16xf32, #tpu.memory_space<hbm>> -> memref<1x10240x16xf32, #tpu.memory_space<hbm>>
    %dma_wait3A_752 = tpu.memref_squeeze %dma_wait3A_751 : memref<1x10240x16xf32, #tpu.memory_space<hbm>> -> memref<10240x16xf32, #tpu.memory_space<hbm>>
    %dma_wait3A_753 = arith.constant 0 : i32
    %dma_wait3A_754 = arith.constant 0 : i32
    %dma_wait3A_755 = tpu.memref_slice %dma_wait3A_752[%dma_wait3A_753, %dma_wait3A_754] : memref<10240x16xf32, #tpu.memory_space<hbm>> -> memref<10240x16xf32, #tpu.memory_space<hbm>>
    %dma_wait3A_756 = tpu.memref_slice %arg13[%dma_wait3A_741] : memref<2x!tpu.dma_semaphore, #tpu.memory_space<semaphore_mem>> -> memref<1x!tpu.dma_semaphore, #tpu.memory_space<semaphore_mem>>
    %dma_wait3A_757 = tpu.memref_squeeze %dma_wait3A_756 : memref<1x!tpu.dma_semaphore, #tpu.memory_space<semaphore_mem>> -> memref<!tpu.dma_semaphore, #tpu.memory_space<semaphore_mem>>
    tpu.wait_indirect_dma semaphore(%dma_wait3A_757 : memref<!tpu.dma_semaphore, #tpu.memory_space<semaphore_mem>>) src(%dma_wait3A_755 : memref<10240x16xf32, #tpu.memory_space<hbm>>) dst(%dma_wait3A_745 : memref<128x16xf32, #tpu.memory_space<vmem>>)
    %dma_wait3A_758 = arith.constant 307 : i32
    %dma_wait3A_759 = arith.constant 0 : i32
    %dma_wait3A_760 = arith.constant 1 : i32
    %dma_wait3A_761 = arith.constant 1 : i32
    %dma_wait3A_762 = arith.constant 1 : i32
    %dma_wait3A_763 = arith.constant 0 : i32
    %dma_wait3A_764 = arith.constant 0 : i32
    %dma_wait3A_765 = tpu.memref_slice %arg10[%dma_wait3A_760, %dma_wait3A_761, %dma_wait3A_763, %dma_wait3A_764] : memref<2x6x128x16xf32, #tpu.memory_space<vmem>> -> memref<1x1x128x16xf32, #tpu.memory_space<vmem>>
    %dma_wait3A_766 = tpu.memref_squeeze %dma_wait3A_765 : memref<1x1x128x16xf32, #tpu.memory_space<vmem>> -> memref<128x16xf32, #tpu.memory_space<vmem>>
    %dma_wait3A_767 = arith.constant 0 : i32
    %dma_wait3A_768 = tpu.memref_slice %arg8[%dma_wait3A_758, %dma_wait3A_759, %dma_wait3A_767] : memref<312x2x128xi32, #tpu.memory_space<vmem>> -> memref<1x1x128xi32, #tpu.memory_space<vmem>>
    %dma_wait3A_769 = tpu.memref_squeeze %dma_wait3A_768 : memref<1x1x128xi32, #tpu.memory_space<vmem>> -> memref<128xi32, #tpu.memory_space<vmem>>
    %dma_wait3A_770 = arith.constant 0 : i32
    %dma_wait3A_771 = arith.constant 0 : i32
    %dma_wait3A_772 = tpu.memref_slice %arg6[%select_n3A, %dma_wait3A_770, %dma_wait3A_771] : memref<4x10240x16xf32, #tpu.memory_space<hbm>> -> memref<1x10240x16xf32, #tpu.memory_space<hbm>>
    %dma_wait3A_773 = tpu.memref_squeeze %dma_wait3A_772 : memref<1x10240x16xf32, #tpu.memory_space<hbm>> -> memref<10240x16xf32, #tpu.memory_space<hbm>>
    %dma_wait3A_774 = arith.constant 0 : i32
    %dma_wait3A_775 = arith.constant 0 : i32
    %dma_wait3A_776 = tpu.memref_slice %dma_wait3A_773[%dma_wait3A_774, %dma_wait3A_775] : memref<10240x16xf32, #tpu.memory_space<hbm>> -> memref<10240x16xf32, #tpu.memory_space<hbm>>
    %dma_wait3A_777 = tpu.memref_slice %arg13[%dma_wait3A_762] : memref<2x!tpu.dma_semaphore, #tpu.memory_space<semaphore_mem>> -> memref<1x!tpu.dma_semaphore, #tpu.memory_space<semaphore_mem>>
    %dma_wait3A_778 = tpu.memref_squeeze %dma_wait3A_777 : memref<1x!tpu.dma_semaphore, #tpu.memory_space<semaphore_mem>> -> memref<!tpu.dma_semaphore, #tpu.memory_space<semaphore_mem>>
    tpu.wait_indirect_dma semaphore(%dma_wait3A_778 : memref<!tpu.dma_semaphore, #tpu.memory_space<semaphore_mem>>) src(%dma_wait3A_776 : memref<10240x16xf32, #tpu.memory_space<hbm>>) dst(%dma_wait3A_766 : memref<128x16xf32, #tpu.memory_space<vmem>>)
    %dma_wait3A_779 = arith.constant 308 : i32
    %dma_wait3A_780 = arith.constant 0 : i32
    %dma_wait3A_781 = arith.constant 1 : i32
    %dma_wait3A_782 = arith.constant 2 : i32
    %dma_wait3A_783 = arith.constant 1 : i32
    %dma_wait3A_784 = arith.constant 0 : i32
    %dma_wait3A_785 = arith.constant 0 : i32
    %dma_wait3A_786 = tpu.memref_slice %arg10[%dma_wait3A_781, %dma_wait3A_782, %dma_wait3A_784, %dma_wait3A_785] : memref<2x6x128x16xf32, #tpu.memory_space<vmem>> -> memref<1x1x128x16xf32, #tpu.memory_space<vmem>>
    %dma_wait3A_787 = tpu.memref_squeeze %dma_wait3A_786 : memref<1x1x128x16xf32, #tpu.memory_space<vmem>> -> memref<128x16xf32, #tpu.memory_space<vmem>>
    %dma_wait3A_788 = arith.constant 0 : i32
    %dma_wait3A_789 = tpu.memref_slice %arg8[%dma_wait3A_779, %dma_wait3A_780, %dma_wait3A_788] : memref<312x2x128xi32, #tpu.memory_space<vmem>> -> memref<1x1x128xi32, #tpu.memory_space<vmem>>
    %dma_wait3A_790 = tpu.memref_squeeze %dma_wait3A_789 : memref<1x1x128xi32, #tpu.memory_space<vmem>> -> memref<128xi32, #tpu.memory_space<vmem>>
    %dma_wait3A_791 = arith.constant 0 : i32
    %dma_wait3A_792 = arith.constant 0 : i32
    %dma_wait3A_793 = tpu.memref_slice %arg6[%select_n3A, %dma_wait3A_791, %dma_wait3A_792] : memref<4x10240x16xf32, #tpu.memory_space<hbm>> -> memref<1x10240x16xf32, #tpu.memory_space<hbm>>
    %dma_wait3A_794 = tpu.memref_squeeze %dma_wait3A_793 : memref<1x10240x16xf32, #tpu.memory_space<hbm>> -> memref<10240x16xf32, #tpu.memory_space<hbm>>
    %dma_wait3A_795 = arith.constant 0 : i32
    %dma_wait3A_796 = arith.constant 0 : i32
    %dma_wait3A_797 = tpu.memref_slice %dma_wait3A_794[%dma_wait3A_795, %dma_wait3A_796] : memref<10240x16xf32, #tpu.memory_space<hbm>> -> memref<10240x16xf32, #tpu.memory_space<hbm>>
    %dma_wait3A_798 = tpu.memref_slice %arg13[%dma_wait3A_783] : memref<2x!tpu.dma_semaphore, #tpu.memory_space<semaphore_mem>> -> memref<1x!tpu.dma_semaphore, #tpu.memory_space<semaphore_mem>>
    %dma_wait3A_799 = tpu.memref_squeeze %dma_wait3A_798 : memref<1x!tpu.dma_semaphore, #tpu.memory_space<semaphore_mem>> -> memref<!tpu.dma_semaphore, #tpu.memory_space<semaphore_mem>>
    tpu.wait_indirect_dma semaphore(%dma_wait3A_799 : memref<!tpu.dma_semaphore, #tpu.memory_space<semaphore_mem>>) src(%dma_wait3A_797 : memref<10240x16xf32, #tpu.memory_space<hbm>>) dst(%dma_wait3A_787 : memref<128x16xf32, #tpu.memory_space<vmem>>)
    %dma_wait3A_800 = arith.constant 309 : i32
    %dma_wait3A_801 = arith.constant 0 : i32
    %dma_wait3A_802 = arith.constant 1 : i32
    %dma_wait3A_803 = arith.constant 3 : i32
    %dma_wait3A_804 = arith.constant 1 : i32
    %dma_wait3A_805 = arith.constant 0 : i32
    %dma_wait3A_806 = arith.constant 0 : i32
    %dma_wait3A_807 = tpu.memref_slice %arg10[%dma_wait3A_802, %dma_wait3A_803, %dma_wait3A_805, %dma_wait3A_806] : memref<2x6x128x16xf32, #tpu.memory_space<vmem>> -> memref<1x1x128x16xf32, #tpu.memory_space<vmem>>
    %dma_wait3A_808 = tpu.memref_squeeze %dma_wait3A_807 : memref<1x1x128x16xf32, #tpu.memory_space<vmem>> -> memref<128x16xf32, #tpu.memory_space<vmem>>
    %dma_wait3A_809 = arith.constant 0 : i32
    %dma_wait3A_810 = tpu.memref_slice %arg8[%dma_wait3A_800, %dma_wait3A_801, %dma_wait3A_809] : memref<312x2x128xi32, #tpu.memory_space<vmem>> -> memref<1x1x128xi32, #tpu.memory_space<vmem>>
    %dma_wait3A_811 = tpu.memref_squeeze %dma_wait3A_810 : memref<1x1x128xi32, #tpu.memory_space<vmem>> -> memref<128xi32, #tpu.memory_space<vmem>>
    %dma_wait3A_812 = arith.constant 0 : i32
    %dma_wait3A_813 = arith.constant 0 : i32
    %dma_wait3A_814 = tpu.memref_slice %arg6[%select_n3A, %dma_wait3A_812, %dma_wait3A_813] : memref<4x10240x16xf32, #tpu.memory_space<hbm>> -> memref<1x10240x16xf32, #tpu.memory_space<hbm>>
    %dma_wait3A_815 = tpu.memref_squeeze %dma_wait3A_814 : memref<1x10240x16xf32, #tpu.memory_space<hbm>> -> memref<10240x16xf32, #tpu.memory_space<hbm>>
    %dma_wait3A_816 = arith.constant 0 : i32
    %dma_wait3A_817 = arith.constant 0 : i32
    %dma_wait3A_818 = tpu.memref_slice %dma_wait3A_815[%dma_wait3A_816, %dma_wait3A_817] : memref<10240x16xf32, #tpu.memory_space<hbm>> -> memref<10240x16xf32, #tpu.memory_space<hbm>>
    %dma_wait3A_819 = tpu.memref_slice %arg13[%dma_wait3A_804] : memref<2x!tpu.dma_semaphore, #tpu.memory_space<semaphore_mem>> -> memref<1x!tpu.dma_semaphore, #tpu.memory_space<semaphore_mem>>
    %dma_wait3A_820 = tpu.memref_squeeze %dma_wait3A_819 : memref<1x!tpu.dma_semaphore, #tpu.memory_space<semaphore_mem>> -> memref<!tpu.dma_semaphore, #tpu.memory_space<semaphore_mem>>
    tpu.wait_indirect_dma semaphore(%dma_wait3A_820 : memref<!tpu.dma_semaphore, #tpu.memory_space<semaphore_mem>>) src(%dma_wait3A_818 : memref<10240x16xf32, #tpu.memory_space<hbm>>) dst(%dma_wait3A_808 : memref<128x16xf32, #tpu.memory_space<vmem>>)
    %dma_wait3A_821 = arith.constant 310 : i32
    %dma_wait3A_822 = arith.constant 0 : i32
    %dma_wait3A_823 = arith.constant 1 : i32
    %dma_wait3A_824 = arith.constant 4 : i32
    %dma_wait3A_825 = arith.constant 1 : i32
    %dma_wait3A_826 = arith.constant 0 : i32
    %dma_wait3A_827 = arith.constant 0 : i32
    %dma_wait3A_828 = tpu.memref_slice %arg10[%dma_wait3A_823, %dma_wait3A_824, %dma_wait3A_826, %dma_wait3A_827] : memref<2x6x128x16xf32, #tpu.memory_space<vmem>> -> memref<1x1x128x16xf32, #tpu.memory_space<vmem>>
    %dma_wait3A_829 = tpu.memref_squeeze %dma_wait3A_828 : memref<1x1x128x16xf32, #tpu.memory_space<vmem>> -> memref<128x16xf32, #tpu.memory_space<vmem>>
    %dma_wait3A_830 = arith.constant 0 : i32
    %dma_wait3A_831 = tpu.memref_slice %arg8[%dma_wait3A_821, %dma_wait3A_822, %dma_wait3A_830] : memref<312x2x128xi32, #tpu.memory_space<vmem>> -> memref<1x1x128xi32, #tpu.memory_space<vmem>>
    %dma_wait3A_832 = tpu.memref_squeeze %dma_wait3A_831 : memref<1x1x128xi32, #tpu.memory_space<vmem>> -> memref<128xi32, #tpu.memory_space<vmem>>
    %dma_wait3A_833 = arith.constant 0 : i32
    %dma_wait3A_834 = arith.constant 0 : i32
    %dma_wait3A_835 = tpu.memref_slice %arg6[%select_n3A, %dma_wait3A_833, %dma_wait3A_834] : memref<4x10240x16xf32, #tpu.memory_space<hbm>> -> memref<1x10240x16xf32, #tpu.memory_space<hbm>>
    %dma_wait3A_836 = tpu.memref_squeeze %dma_wait3A_835 : memref<1x10240x16xf32, #tpu.memory_space<hbm>> -> memref<10240x16xf32, #tpu.memory_space<hbm>>
    %dma_wait3A_837 = arith.constant 0 : i32
    %dma_wait3A_838 = arith.constant 0 : i32
    %dma_wait3A_839 = tpu.memref_slice %dma_wait3A_836[%dma_wait3A_837, %dma_wait3A_838] : memref<10240x16xf32, #tpu.memory_space<hbm>> -> memref<10240x16xf32, #tpu.memory_space<hbm>>
    %dma_wait3A_840 = tpu.memref_slice %arg13[%dma_wait3A_825] : memref<2x!tpu.dma_semaphore, #tpu.memory_space<semaphore_mem>> -> memref<1x!tpu.dma_semaphore, #tpu.memory_space<semaphore_mem>>
    %dma_wait3A_841 = tpu.memref_squeeze %dma_wait3A_840 : memref<1x!tpu.dma_semaphore, #tpu.memory_space<semaphore_mem>> -> memref<!tpu.dma_semaphore, #tpu.memory_space<semaphore_mem>>
    tpu.wait_indirect_dma semaphore(%dma_wait3A_841 : memref<!tpu.dma_semaphore, #tpu.memory_space<semaphore_mem>>) src(%dma_wait3A_839 : memref<10240x16xf32, #tpu.memory_space<hbm>>) dst(%dma_wait3A_829 : memref<128x16xf32, #tpu.memory_space<vmem>>)
    %dma_wait3A_842 = arith.constant 311 : i32
    %dma_wait3A_843 = arith.constant 0 : i32
    %dma_wait3A_844 = arith.constant 1 : i32
    %dma_wait3A_845 = arith.constant 5 : i32
    %dma_wait3A_846 = arith.constant 1 : i32
    %dma_wait3A_847 = arith.constant 0 : i32
    %dma_wait3A_848 = arith.constant 0 : i32
    %dma_wait3A_849 = tpu.memref_slice %arg10[%dma_wait3A_844, %dma_wait3A_845, %dma_wait3A_847, %dma_wait3A_848] : memref<2x6x128x16xf32, #tpu.memory_space<vmem>> -> memref<1x1x128x16xf32, #tpu.memory_space<vmem>>
    %dma_wait3A_850 = tpu.memref_squeeze %dma_wait3A_849 : memref<1x1x128x16xf32, #tpu.memory_space<vmem>> -> memref<128x16xf32, #tpu.memory_space<vmem>>
    %dma_wait3A_851 = arith.constant 0 : i32
    %dma_wait3A_852 = tpu.memref_slice %arg8[%dma_wait3A_842, %dma_wait3A_843, %dma_wait3A_851] : memref<312x2x128xi32, #tpu.memory_space<vmem>> -> memref<1x1x128xi32, #tpu.memory_space<vmem>>
    %dma_wait3A_853 = tpu.memref_squeeze %dma_wait3A_852 : memref<1x1x128xi32, #tpu.memory_space<vmem>> -> memref<128xi32, #tpu.memory_space<vmem>>
    %dma_wait3A_854 = arith.constant 0 : i32
    %dma_wait3A_855 = arith.constant 0 : i32
    %dma_wait3A_856 = tpu.memref_slice %arg6[%select_n3A, %dma_wait3A_854, %dma_wait3A_855] : memref<4x10240x16xf32, #tpu.memory_space<hbm>> -> memref<1x10240x16xf32, #tpu.memory_space<hbm>>
    %dma_wait3A_857 = tpu.memref_squeeze %dma_wait3A_856 : memref<1x10240x16xf32, #tpu.memory_space<hbm>> -> memref<10240x16xf32, #tpu.memory_space<hbm>>
    %dma_wait3A_858 = arith.constant 0 : i32
    %dma_wait3A_859 = arith.constant 0 : i32
    %dma_wait3A_860 = tpu.memref_slice %dma_wait3A_857[%dma_wait3A_858, %dma_wait3A_859] : memref<10240x16xf32, #tpu.memory_space<hbm>> -> memref<10240x16xf32, #tpu.memory_space<hbm>>
    %dma_wait3A_861 = tpu.memref_slice %arg13[%dma_wait3A_846] : memref<2x!tpu.dma_semaphore, #tpu.memory_space<semaphore_mem>> -> memref<1x!tpu.dma_semaphore, #tpu.memory_space<semaphore_mem>>
    %dma_wait3A_862 = tpu.memref_squeeze %dma_wait3A_861 : memref<1x!tpu.dma_semaphore, #tpu.memory_space<semaphore_mem>> -> memref<!tpu.dma_semaphore, #tpu.memory_space<semaphore_mem>>
    tpu.wait_indirect_dma semaphore(%dma_wait3A_862 : memref<!tpu.dma_semaphore, #tpu.memory_space<semaphore_mem>>) src(%dma_wait3A_860 : memref<10240x16xf32, #tpu.memory_space<hbm>>) dst(%dma_wait3A_850 : memref<128x16xf32, #tpu.memory_space<vmem>>)
    %dma_start3A_863 = arith.constant 1 : i32
    %dma_start3A_864 = arith.constant 0 : i32
    %dma_start3A_865 = arith.constant 306 : i32
    %dma_start3A_866 = arith.constant 1 : i32
    %dma_start3A_867 = arith.constant 1 : i32
    %dma_start3A_868 = arith.constant 0 : i32
    %dma_start3A_869 = arith.constant 0 : i32
    %dma_start3A_870 = tpu.memref_slice %arg10[%dma_start3A_863, %dma_start3A_864, %dma_start3A_868, %dma_start3A_869] : memref<2x6x128x16xf32, #tpu.memory_space<vmem>> -> memref<1x1x128x16xf32, #tpu.memory_space<vmem>>
    %dma_start3A_871 = tpu.memref_squeeze %dma_start3A_870 : memref<1x1x128x16xf32, #tpu.memory_space<vmem>> -> memref<128x16xf32, #tpu.memory_space<vmem>>
    %dma_start3A_872 = arith.constant 0 : i32
    %dma_start3A_873 = tpu.memref_slice %arg8[%dma_start3A_865, %dma_start3A_866, %dma_start3A_872] : memref<312x2x128xi32, #tpu.memory_space<vmem>> -> memref<1x1x128xi32, #tpu.memory_space<vmem>>
    %dma_start3A_874 = tpu.memref_squeeze %dma_start3A_873 : memref<1x1x128xi32, #tpu.memory_space<vmem>> -> memref<128xi32, #tpu.memory_space<vmem>>
    %dma_start3A_875 = arith.constant 0 : i32
    %dma_start3A_876 = arith.constant 0 : i32
    %dma_start3A_877 = tpu.memref_slice %arg12[%select_n3A_30, %dma_start3A_875, %dma_start3A_876] : memref<2x10240x16xf32, #tpu.memory_space<vmem_shared>> -> memref<1x10240x16xf32, #tpu.memory_space<vmem_shared>>
    %dma_start3A_878 = tpu.memref_squeeze %dma_start3A_877 : memref<1x10240x16xf32, #tpu.memory_space<vmem_shared>> -> memref<10240x16xf32, #tpu.memory_space<vmem_shared>>
    %dma_start3A_879 = arith.constant 0 : i32
    %dma_start3A_880 = arith.constant 0 : i32
    %dma_start3A_881 = tpu.memref_slice %dma_start3A_878[%dma_start3A_879, %dma_start3A_880] : memref<10240x16xf32, #tpu.memory_space<vmem_shared>> -> memref<10240x16xf32, #tpu.memory_space<vmem_shared>>
    %dma_start3A_882 = tpu.memref_slice %arg14[%dma_start3A_867] : memref<2x!tpu.dma_semaphore, #tpu.memory_space<semaphore_mem>> -> memref<1x!tpu.dma_semaphore, #tpu.memory_space<semaphore_mem>>
    %dma_start3A_883 = tpu.memref_squeeze %dma_start3A_882 : memref<1x!tpu.dma_semaphore, #tpu.memory_space<semaphore_mem>> -> memref<!tpu.dma_semaphore, #tpu.memory_space<semaphore_mem>>
    tpu.enqueue_indirect_dma source(%dma_start3A_871 : memref<128x16xf32, #tpu.memory_space<vmem>>) target(%dma_start3A_881 : memref<10240x16xf32, #tpu.memory_space<vmem_shared>>) offsets(%dma_start3A_874 : memref<128xi32, #tpu.memory_space<vmem>>) semaphore(%dma_start3A_883 : memref<!tpu.dma_semaphore, #tpu.memory_space<semaphore_mem>>) {add = true}
    %dma_start3A_884 = arith.constant 1 : i32
    %dma_start3A_885 = arith.constant 1 : i32
    %dma_start3A_886 = arith.constant 307 : i32
    %dma_start3A_887 = arith.constant 1 : i32
    %dma_start3A_888 = arith.constant 1 : i32
    %dma_start3A_889 = arith.constant 0 : i32
    %dma_start3A_890 = arith.constant 0 : i32
    %dma_start3A_891 = tpu.memref_slice %arg10[%dma_start3A_884, %dma_start3A_885, %dma_start3A_889, %dma_start3A_890] : memref<2x6x128x16xf32, #tpu.memory_space<vmem>> -> memref<1x1x128x16xf32, #tpu.memory_space<vmem>>
    %dma_start3A_892 = tpu.memref_squeeze %dma_start3A_891 : memref<1x1x128x16xf32, #tpu.memory_space<vmem>> -> memref<128x16xf32, #tpu.memory_space<vmem>>
    %dma_start3A_893 = arith.constant 0 : i32
    %dma_start3A_894 = tpu.memref_slice %arg8[%dma_start3A_886, %dma_start3A_887, %dma_start3A_893] : memref<312x2x128xi32, #tpu.memory_space<vmem>> -> memref<1x1x128xi32, #tpu.memory_space<vmem>>
    %dma_start3A_895 = tpu.memref_squeeze %dma_start3A_894 : memref<1x1x128xi32, #tpu.memory_space<vmem>> -> memref<128xi32, #tpu.memory_space<vmem>>
    %dma_start3A_896 = arith.constant 0 : i32
    %dma_start3A_897 = arith.constant 0 : i32
    %dma_start3A_898 = tpu.memref_slice %arg12[%select_n3A_30, %dma_start3A_896, %dma_start3A_897] : memref<2x10240x16xf32, #tpu.memory_space<vmem_shared>> -> memref<1x10240x16xf32, #tpu.memory_space<vmem_shared>>
    %dma_start3A_899 = tpu.memref_squeeze %dma_start3A_898 : memref<1x10240x16xf32, #tpu.memory_space<vmem_shared>> -> memref<10240x16xf32, #tpu.memory_space<vmem_shared>>
    %dma_start3A_900 = arith.constant 0 : i32
    %dma_start3A_901 = arith.constant 0 : i32
    %dma_start3A_902 = tpu.memref_slice %dma_start3A_899[%dma_start3A_900, %dma_start3A_901] : memref<10240x16xf32, #tpu.memory_space<vmem_shared>> -> memref<10240x16xf32, #tpu.memory_space<vmem_shared>>
    %dma_start3A_903 = tpu.memref_slice %arg14[%dma_start3A_888] : memref<2x!tpu.dma_semaphore, #tpu.memory_space<semaphore_mem>> -> memref<1x!tpu.dma_semaphore, #tpu.memory_space<semaphore_mem>>
    %dma_start3A_904 = tpu.memref_squeeze %dma_start3A_903 : memref<1x!tpu.dma_semaphore, #tpu.memory_space<semaphore_mem>> -> memref<!tpu.dma_semaphore, #tpu.memory_space<semaphore_mem>>
    tpu.enqueue_indirect_dma source(%dma_start3A_892 : memref<128x16xf32, #tpu.memory_space<vmem>>) target(%dma_start3A_902 : memref<10240x16xf32, #tpu.memory_space<vmem_shared>>) offsets(%dma_start3A_895 : memref<128xi32, #tpu.memory_space<vmem>>) semaphore(%dma_start3A_904 : memref<!tpu.dma_semaphore, #tpu.memory_space<semaphore_mem>>) {add = true}
    %dma_start3A_905 = arith.constant 1 : i32
    %dma_start3A_906 = arith.constant 2 : i32
    %dma_start3A_907 = arith.constant 308 : i32
    %dma_start3A_908 = arith.constant 1 : i32
    %dma_start3A_909 = arith.constant 1 : i32
    %dma_start3A_910 = arith.constant 0 : i32
    %dma_start3A_911 = arith.constant 0 : i32
    %dma_start3A_912 = tpu.memref_slice %arg10[%dma_start3A_905, %dma_start3A_906, %dma_start3A_910, %dma_start3A_911] : memref<2x6x128x16xf32, #tpu.memory_space<vmem>> -> memref<1x1x128x16xf32, #tpu.memory_space<vmem>>
    %dma_start3A_913 = tpu.memref_squeeze %dma_start3A_912 : memref<1x1x128x16xf32, #tpu.memory_space<vmem>> -> memref<128x16xf32, #tpu.memory_space<vmem>>
    %dma_start3A_914 = arith.constant 0 : i32
    %dma_start3A_915 = tpu.memref_slice %arg8[%dma_start3A_907, %dma_start3A_908, %dma_start3A_914] : memref<312x2x128xi32, #tpu.memory_space<vmem>> -> memref<1x1x128xi32, #tpu.memory_space<vmem>>
    %dma_start3A_916 = tpu.memref_squeeze %dma_start3A_915 : memref<1x1x128xi32, #tpu.memory_space<vmem>> -> memref<128xi32, #tpu.memory_space<vmem>>
    %dma_start3A_917 = arith.constant 0 : i32
    %dma_start3A_918 = arith.constant 0 : i32
    %dma_start3A_919 = tpu.memref_slice %arg12[%select_n3A_30, %dma_start3A_917, %dma_start3A_918] : memref<2x10240x16xf32, #tpu.memory_space<vmem_shared>> -> memref<1x10240x16xf32, #tpu.memory_space<vmem_shared>>
    %dma_start3A_920 = tpu.memref_squeeze %dma_start3A_919 : memref<1x10240x16xf32, #tpu.memory_space<vmem_shared>> -> memref<10240x16xf32, #tpu.memory_space<vmem_shared>>
    %dma_start3A_921 = arith.constant 0 : i32
    %dma_start3A_922 = arith.constant 0 : i32
    %dma_start3A_923 = tpu.memref_slice %dma_start3A_920[%dma_start3A_921, %dma_start3A_922] : memref<10240x16xf32, #tpu.memory_space<vmem_shared>> -> memref<10240x16xf32, #tpu.memory_space<vmem_shared>>
    %dma_start3A_924 = tpu.memref_slice %arg14[%dma_start3A_909] : memref<2x!tpu.dma_semaphore, #tpu.memory_space<semaphore_mem>> -> memref<1x!tpu.dma_semaphore, #tpu.memory_space<semaphore_mem>>
    %dma_start3A_925 = tpu.memref_squeeze %dma_start3A_924 : memref<1x!tpu.dma_semaphore, #tpu.memory_space<semaphore_mem>> -> memref<!tpu.dma_semaphore, #tpu.memory_space<semaphore_mem>>
    tpu.enqueue_indirect_dma source(%dma_start3A_913 : memref<128x16xf32, #tpu.memory_space<vmem>>) target(%dma_start3A_923 : memref<10240x16xf32, #tpu.memory_space<vmem_shared>>) offsets(%dma_start3A_916 : memref<128xi32, #tpu.memory_space<vmem>>) semaphore(%dma_start3A_925 : memref<!tpu.dma_semaphore, #tpu.memory_space<semaphore_mem>>) {add = true}
    %dma_start3A_926 = arith.constant 1 : i32
    %dma_start3A_927 = arith.constant 3 : i32
    %dma_start3A_928 = arith.constant 309 : i32
    %dma_start3A_929 = arith.constant 1 : i32
    %dma_start3A_930 = arith.constant 1 : i32
    %dma_start3A_931 = arith.constant 0 : i32
    %dma_start3A_932 = arith.constant 0 : i32
    %dma_start3A_933 = tpu.memref_slice %arg10[%dma_start3A_926, %dma_start3A_927, %dma_start3A_931, %dma_start3A_932] : memref<2x6x128x16xf32, #tpu.memory_space<vmem>> -> memref<1x1x128x16xf32, #tpu.memory_space<vmem>>
    %dma_start3A_934 = tpu.memref_squeeze %dma_start3A_933 : memref<1x1x128x16xf32, #tpu.memory_space<vmem>> -> memref<128x16xf32, #tpu.memory_space<vmem>>
    %dma_start3A_935 = arith.constant 0 : i32
    %dma_start3A_936 = tpu.memref_slice %arg8[%dma_start3A_928, %dma_start3A_929, %dma_start3A_935] : memref<312x2x128xi32, #tpu.memory_space<vmem>> -> memref<1x1x128xi32, #tpu.memory_space<vmem>>
    %dma_start3A_937 = tpu.memref_squeeze %dma_start3A_936 : memref<1x1x128xi32, #tpu.memory_space<vmem>> -> memref<128xi32, #tpu.memory_space<vmem>>
    %dma_start3A_938 = arith.constant 0 : i32
    %dma_start3A_939 = arith.constant 0 : i32
    %dma_start3A_940 = tpu.memref_slice %arg12[%select_n3A_30, %dma_start3A_938, %dma_start3A_939] : memref<2x10240x16xf32, #tpu.memory_space<vmem_shared>> -> memref<1x10240x16xf32, #tpu.memory_space<vmem_shared>>
    %dma_start3A_941 = tpu.memref_squeeze %dma_start3A_940 : memref<1x10240x16xf32, #tpu.memory_space<vmem_shared>> -> memref<10240x16xf32, #tpu.memory_space<vmem_shared>>
    %dma_start3A_942 = arith.constant 0 : i32
    %dma_start3A_943 = arith.constant 0 : i32
    %dma_start3A_944 = tpu.memref_slice %dma_start3A_941[%dma_start3A_942, %dma_start3A_943] : memref<10240x16xf32, #tpu.memory_space<vmem_shared>> -> memref<10240x16xf32, #tpu.memory_space<vmem_shared>>
    %dma_start3A_945 = tpu.memref_slice %arg14[%dma_start3A_930] : memref<2x!tpu.dma_semaphore, #tpu.memory_space<semaphore_mem>> -> memref<1x!tpu.dma_semaphore, #tpu.memory_space<semaphore_mem>>
    %dma_start3A_946 = tpu.memref_squeeze %dma_start3A_945 : memref<1x!tpu.dma_semaphore, #tpu.memory_space<semaphore_mem>> -> memref<!tpu.dma_semaphore, #tpu.memory_space<semaphore_mem>>
    tpu.enqueue_indirect_dma source(%dma_start3A_934 : memref<128x16xf32, #tpu.memory_space<vmem>>) target(%dma_start3A_944 : memref<10240x16xf32, #tpu.memory_space<vmem_shared>>) offsets(%dma_start3A_937 : memref<128xi32, #tpu.memory_space<vmem>>) semaphore(%dma_start3A_946 : memref<!tpu.dma_semaphore, #tpu.memory_space<semaphore_mem>>) {add = true}
    %dma_start3A_947 = arith.constant 1 : i32
    %dma_start3A_948 = arith.constant 4 : i32
    %dma_start3A_949 = arith.constant 310 : i32
    %dma_start3A_950 = arith.constant 1 : i32
    %dma_start3A_951 = arith.constant 1 : i32
    %dma_start3A_952 = arith.constant 0 : i32
    %dma_start3A_953 = arith.constant 0 : i32
    %dma_start3A_954 = tpu.memref_slice %arg10[%dma_start3A_947, %dma_start3A_948, %dma_start3A_952, %dma_start3A_953] : memref<2x6x128x16xf32, #tpu.memory_space<vmem>> -> memref<1x1x128x16xf32, #tpu.memory_space<vmem>>
    %dma_start3A_955 = tpu.memref_squeeze %dma_start3A_954 : memref<1x1x128x16xf32, #tpu.memory_space<vmem>> -> memref<128x16xf32, #tpu.memory_space<vmem>>
    %dma_start3A_956 = arith.constant 0 : i32
    %dma_start3A_957 = tpu.memref_slice %arg8[%dma_start3A_949, %dma_start3A_950, %dma_start3A_956] : memref<312x2x128xi32, #tpu.memory_space<vmem>> -> memref<1x1x128xi32, #tpu.memory_space<vmem>>
    %dma_start3A_958 = tpu.memref_squeeze %dma_start3A_957 : memref<1x1x128xi32, #tpu.memory_space<vmem>> -> memref<128xi32, #tpu.memory_space<vmem>>
    %dma_start3A_959 = arith.constant 0 : i32
    %dma_start3A_960 = arith.constant 0 : i32
    %dma_start3A_961 = tpu.memref_slice %arg12[%select_n3A_30, %dma_start3A_959, %dma_start3A_960] : memref<2x10240x16xf32, #tpu.memory_space<vmem_shared>> -> memref<1x10240x16xf32, #tpu.memory_space<vmem_shared>>
    %dma_start3A_962 = tpu.memref_squeeze %dma_start3A_961 : memref<1x10240x16xf32, #tpu.memory_space<vmem_shared>> -> memref<10240x16xf32, #tpu.memory_space<vmem_shared>>
    %dma_start3A_963 = arith.constant 0 : i32
    %dma_start3A_964 = arith.constant 0 : i32
    %dma_start3A_965 = tpu.memref_slice %dma_start3A_962[%dma_start3A_963, %dma_start3A_964] : memref<10240x16xf32, #tpu.memory_space<vmem_shared>> -> memref<10240x16xf32, #tpu.memory_space<vmem_shared>>
    %dma_start3A_966 = tpu.memref_slice %arg14[%dma_start3A_951] : memref<2x!tpu.dma_semaphore, #tpu.memory_space<semaphore_mem>> -> memref<1x!tpu.dma_semaphore, #tpu.memory_space<semaphore_mem>>
    %dma_start3A_967 = tpu.memref_squeeze %dma_start3A_966 : memref<1x!tpu.dma_semaphore, #tpu.memory_space<semaphore_mem>> -> memref<!tpu.dma_semaphore, #tpu.memory_space<semaphore_mem>>
    tpu.enqueue_indirect_dma source(%dma_start3A_955 : memref<128x16xf32, #tpu.memory_space<vmem>>) target(%dma_start3A_965 : memref<10240x16xf32, #tpu.memory_space<vmem_shared>>) offsets(%dma_start3A_958 : memref<128xi32, #tpu.memory_space<vmem>>) semaphore(%dma_start3A_967 : memref<!tpu.dma_semaphore, #tpu.memory_space<semaphore_mem>>) {add = true}
    %dma_start3A_968 = arith.constant 1 : i32
    %dma_start3A_969 = arith.constant 5 : i32
    %dma_start3A_970 = arith.constant 311 : i32
    %dma_start3A_971 = arith.constant 1 : i32
    %dma_start3A_972 = arith.constant 1 : i32
    %dma_start3A_973 = arith.constant 0 : i32
    %dma_start3A_974 = arith.constant 0 : i32
    %dma_start3A_975 = tpu.memref_slice %arg10[%dma_start3A_968, %dma_start3A_969, %dma_start3A_973, %dma_start3A_974] : memref<2x6x128x16xf32, #tpu.memory_space<vmem>> -> memref<1x1x128x16xf32, #tpu.memory_space<vmem>>
    %dma_start3A_976 = tpu.memref_squeeze %dma_start3A_975 : memref<1x1x128x16xf32, #tpu.memory_space<vmem>> -> memref<128x16xf32, #tpu.memory_space<vmem>>
    %dma_start3A_977 = arith.constant 0 : i32
    %dma_start3A_978 = tpu.memref_slice %arg8[%dma_start3A_970, %dma_start3A_971, %dma_start3A_977] : memref<312x2x128xi32, #tpu.memory_space<vmem>> -> memref<1x1x128xi32, #tpu.memory_space<vmem>>
    %dma_start3A_979 = tpu.memref_squeeze %dma_start3A_978 : memref<1x1x128xi32, #tpu.memory_space<vmem>> -> memref<128xi32, #tpu.memory_space<vmem>>
    %dma_start3A_980 = arith.constant 0 : i32
    %dma_start3A_981 = arith.constant 0 : i32
    %dma_start3A_982 = tpu.memref_slice %arg12[%select_n3A_30, %dma_start3A_980, %dma_start3A_981] : memref<2x10240x16xf32, #tpu.memory_space<vmem_shared>> -> memref<1x10240x16xf32, #tpu.memory_space<vmem_shared>>
    %dma_start3A_983 = tpu.memref_squeeze %dma_start3A_982 : memref<1x10240x16xf32, #tpu.memory_space<vmem_shared>> -> memref<10240x16xf32, #tpu.memory_space<vmem_shared>>
    %dma_start3A_984 = arith.constant 0 : i32
    %dma_start3A_985 = arith.constant 0 : i32
    %dma_start3A_986 = tpu.memref_slice %dma_start3A_983[%dma_start3A_984, %dma_start3A_985] : memref<10240x16xf32, #tpu.memory_space<vmem_shared>> -> memref<10240x16xf32, #tpu.memory_space<vmem_shared>>
    %dma_start3A_987 = tpu.memref_slice %arg14[%dma_start3A_972] : memref<2x!tpu.dma_semaphore, #tpu.memory_space<semaphore_mem>> -> memref<1x!tpu.dma_semaphore, #tpu.memory_space<semaphore_mem>>
    %dma_start3A_988 = tpu.memref_squeeze %dma_start3A_987 : memref<1x!tpu.dma_semaphore, #tpu.memory_space<semaphore_mem>> -> memref<!tpu.dma_semaphore, #tpu.memory_space<semaphore_mem>>
    tpu.enqueue_indirect_dma source(%dma_start3A_976 : memref<128x16xf32, #tpu.memory_space<vmem>>) target(%dma_start3A_986 : memref<10240x16xf32, #tpu.memory_space<vmem_shared>>) offsets(%dma_start3A_979 : memref<128xi32, #tpu.memory_space<vmem>>) semaphore(%dma_start3A_988 : memref<!tpu.dma_semaphore, #tpu.memory_space<semaphore_mem>>) {add = true}
    %dma_wait3A_989 = arith.constant 1 : i32
    %dma_wait3A_990 = arith.constant 0 : i32
    %dma_wait3A_991 = arith.constant 306 : i32
    %dma_wait3A_992 = arith.constant 1 : i32
    %dma_wait3A_993 = arith.constant 1 : i32
    %dma_wait3A_994 = arith.constant 0 : i32
    %dma_wait3A_995 = arith.constant 0 : i32
    %dma_wait3A_996 = tpu.memref_slice %arg10[%dma_wait3A_989, %dma_wait3A_990, %dma_wait3A_994, %dma_wait3A_995] : memref<2x6x128x16xf32, #tpu.memory_space<vmem>> -> memref<1x1x128x16xf32, #tpu.memory_space<vmem>>
    %dma_wait3A_997 = tpu.memref_squeeze %dma_wait3A_996 : memref<1x1x128x16xf32, #tpu.memory_space<vmem>> -> memref<128x16xf32, #tpu.memory_space<vmem>>
    %dma_wait3A_998 = arith.constant 0 : i32
    %dma_wait3A_999 = tpu.memref_slice %arg8[%dma_wait3A_991, %dma_wait3A_992, %dma_wait3A_998] : memref<312x2x128xi32, #tpu.memory_space<vmem>> -> memref<1x1x128xi32, #tpu.memory_space<vmem>>
    %dma_wait3A_1000 = tpu.memref_squeeze %dma_wait3A_999 : memref<1x1x128xi32, #tpu.memory_space<vmem>> -> memref<128xi32, #tpu.memory_space<vmem>>
    %dma_wait3A_1001 = arith.constant 0 : i32
    %dma_wait3A_1002 = arith.constant 0 : i32
    %dma_wait3A_1003 = tpu.memref_slice %arg12[%select_n3A_30, %dma_wait3A_1001, %dma_wait3A_1002] : memref<2x10240x16xf32, #tpu.memory_space<vmem_shared>> -> memref<1x10240x16xf32, #tpu.memory_space<vmem_shared>>
    %dma_wait3A_1004 = tpu.memref_squeeze %dma_wait3A_1003 : memref<1x10240x16xf32, #tpu.memory_space<vmem_shared>> -> memref<10240x16xf32, #tpu.memory_space<vmem_shared>>
    %dma_wait3A_1005 = arith.constant 0 : i32
    %dma_wait3A_1006 = arith.constant 0 : i32
    %dma_wait3A_1007 = tpu.memref_slice %dma_wait3A_1004[%dma_wait3A_1005, %dma_wait3A_1006] : memref<10240x16xf32, #tpu.memory_space<vmem_shared>> -> memref<10240x16xf32, #tpu.memory_space<vmem_shared>>
    %dma_wait3A_1008 = tpu.memref_slice %arg14[%dma_wait3A_993] : memref<2x!tpu.dma_semaphore, #tpu.memory_space<semaphore_mem>> -> memref<1x!tpu.dma_semaphore, #tpu.memory_space<semaphore_mem>>
    %dma_wait3A_1009 = tpu.memref_squeeze %dma_wait3A_1008 : memref<1x!tpu.dma_semaphore, #tpu.memory_space<semaphore_mem>> -> memref<!tpu.dma_semaphore, #tpu.memory_space<semaphore_mem>>
    tpu.wait_indirect_dma semaphore(%dma_wait3A_1009 : memref<!tpu.dma_semaphore, #tpu.memory_space<semaphore_mem>>) src(%dma_wait3A_997 : memref<128x16xf32, #tpu.memory_space<vmem>>) dst(%dma_wait3A_1007 : memref<10240x16xf32, #tpu.memory_space<vmem_shared>>)
    %dma_wait3A_1010 = arith.constant 1 : i32
    %dma_wait3A_1011 = arith.constant 1 : i32
    %dma_wait3A_1012 = arith.constant 307 : i32
    %dma_wait3A_1013 = arith.constant 1 : i32
    %dma_wait3A_1014 = arith.constant 1 : i32
    %dma_wait3A_1015 = arith.constant 0 : i32
    %dma_wait3A_1016 = arith.constant 0 : i32
    %dma_wait3A_1017 = tpu.memref_slice %arg10[%dma_wait3A_1010, %dma_wait3A_1011, %dma_wait3A_1015, %dma_wait3A_1016] : memref<2x6x128x16xf32, #tpu.memory_space<vmem>> -> memref<1x1x128x16xf32, #tpu.memory_space<vmem>>
    %dma_wait3A_1018 = tpu.memref_squeeze %dma_wait3A_1017 : memref<1x1x128x16xf32, #tpu.memory_space<vmem>> -> memref<128x16xf32, #tpu.memory_space<vmem>>
    %dma_wait3A_1019 = arith.constant 0 : i32
    %dma_wait3A_1020 = tpu.memref_slice %arg8[%dma_wait3A_1012, %dma_wait3A_1013, %dma_wait3A_1019] : memref<312x2x128xi32, #tpu.memory_space<vmem>> -> memref<1x1x128xi32, #tpu.memory_space<vmem>>
    %dma_wait3A_1021 = tpu.memref_squeeze %dma_wait3A_1020 : memref<1x1x128xi32, #tpu.memory_space<vmem>> -> memref<128xi32, #tpu.memory_space<vmem>>
    %dma_wait3A_1022 = arith.constant 0 : i32
    %dma_wait3A_1023 = arith.constant 0 : i32
    %dma_wait3A_1024 = tpu.memref_slice %arg12[%select_n3A_30, %dma_wait3A_1022, %dma_wait3A_1023] : memref<2x10240x16xf32, #tpu.memory_space<vmem_shared>> -> memref<1x10240x16xf32, #tpu.memory_space<vmem_shared>>
    %dma_wait3A_1025 = tpu.memref_squeeze %dma_wait3A_1024 : memref<1x10240x16xf32, #tpu.memory_space<vmem_shared>> -> memref<10240x16xf32, #tpu.memory_space<vmem_shared>>
    %dma_wait3A_1026 = arith.constant 0 : i32
    %dma_wait3A_1027 = arith.constant 0 : i32
    %dma_wait3A_1028 = tpu.memref_slice %dma_wait3A_1025[%dma_wait3A_1026, %dma_wait3A_1027] : memref<10240x16xf32, #tpu.memory_space<vmem_shared>> -> memref<10240x16xf32, #tpu.memory_space<vmem_shared>>
    %dma_wait3A_1029 = tpu.memref_slice %arg14[%dma_wait3A_1014] : memref<2x!tpu.dma_semaphore, #tpu.memory_space<semaphore_mem>> -> memref<1x!tpu.dma_semaphore, #tpu.memory_space<semaphore_mem>>
    %dma_wait3A_1030 = tpu.memref_squeeze %dma_wait3A_1029 : memref<1x!tpu.dma_semaphore, #tpu.memory_space<semaphore_mem>> -> memref<!tpu.dma_semaphore, #tpu.memory_space<semaphore_mem>>
    tpu.wait_indirect_dma semaphore(%dma_wait3A_1030 : memref<!tpu.dma_semaphore, #tpu.memory_space<semaphore_mem>>) src(%dma_wait3A_1018 : memref<128x16xf32, #tpu.memory_space<vmem>>) dst(%dma_wait3A_1028 : memref<10240x16xf32, #tpu.memory_space<vmem_shared>>)
    %dma_wait3A_1031 = arith.constant 1 : i32
    %dma_wait3A_1032 = arith.constant 2 : i32
    %dma_wait3A_1033 = arith.constant 308 : i32
    %dma_wait3A_1034 = arith.constant 1 : i32
    %dma_wait3A_1035 = arith.constant 1 : i32
    %dma_wait3A_1036 = arith.constant 0 : i32
    %dma_wait3A_1037 = arith.constant 0 : i32
    %dma_wait3A_1038 = tpu.memref_slice %arg10[%dma_wait3A_1031, %dma_wait3A_1032, %dma_wait3A_1036, %dma_wait3A_1037] : memref<2x6x128x16xf32, #tpu.memory_space<vmem>> -> memref<1x1x128x16xf32, #tpu.memory_space<vmem>>
    %dma_wait3A_1039 = tpu.memref_squeeze %dma_wait3A_1038 : memref<1x1x128x16xf32, #tpu.memory_space<vmem>> -> memref<128x16xf32, #tpu.memory_space<vmem>>
    %dma_wait3A_1040 = arith.constant 0 : i32
    %dma_wait3A_1041 = tpu.memref_slice %arg8[%dma_wait3A_1033, %dma_wait3A_1034, %dma_wait3A_1040] : memref<312x2x128xi32, #tpu.memory_space<vmem>> -> memref<1x1x128xi32, #tpu.memory_space<vmem>>
    %dma_wait3A_1042 = tpu.memref_squeeze %dma_wait3A_1041 : memref<1x1x128xi32, #tpu.memory_space<vmem>> -> memref<128xi32, #tpu.memory_space<vmem>>
    %dma_wait3A_1043 = arith.constant 0 : i32
    %dma_wait3A_1044 = arith.constant 0 : i32
    %dma_wait3A_1045 = tpu.memref_slice %arg12[%select_n3A_30, %dma_wait3A_1043, %dma_wait3A_1044] : memref<2x10240x16xf32, #tpu.memory_space<vmem_shared>> -> memref<1x10240x16xf32, #tpu.memory_space<vmem_shared>>
    %dma_wait3A_1046 = tpu.memref_squeeze %dma_wait3A_1045 : memref<1x10240x16xf32, #tpu.memory_space<vmem_shared>> -> memref<10240x16xf32, #tpu.memory_space<vmem_shared>>
    %dma_wait3A_1047 = arith.constant 0 : i32
    %dma_wait3A_1048 = arith.constant 0 : i32
    %dma_wait3A_1049 = tpu.memref_slice %dma_wait3A_1046[%dma_wait3A_1047, %dma_wait3A_1048] : memref<10240x16xf32, #tpu.memory_space<vmem_shared>> -> memref<10240x16xf32, #tpu.memory_space<vmem_shared>>
    %dma_wait3A_1050 = tpu.memref_slice %arg14[%dma_wait3A_1035] : memref<2x!tpu.dma_semaphore, #tpu.memory_space<semaphore_mem>> -> memref<1x!tpu.dma_semaphore, #tpu.memory_space<semaphore_mem>>
    %dma_wait3A_1051 = tpu.memref_squeeze %dma_wait3A_1050 : memref<1x!tpu.dma_semaphore, #tpu.memory_space<semaphore_mem>> -> memref<!tpu.dma_semaphore, #tpu.memory_space<semaphore_mem>>
    tpu.wait_indirect_dma semaphore(%dma_wait3A_1051 : memref<!tpu.dma_semaphore, #tpu.memory_space<semaphore_mem>>) src(%dma_wait3A_1039 : memref<128x16xf32, #tpu.memory_space<vmem>>) dst(%dma_wait3A_1049 : memref<10240x16xf32, #tpu.memory_space<vmem_shared>>)
    %dma_wait3A_1052 = arith.constant 1 : i32
    %dma_wait3A_1053 = arith.constant 3 : i32
    %dma_wait3A_1054 = arith.constant 309 : i32
    %dma_wait3A_1055 = arith.constant 1 : i32
    %dma_wait3A_1056 = arith.constant 1 : i32
    %dma_wait3A_1057 = arith.constant 0 : i32
    %dma_wait3A_1058 = arith.constant 0 : i32
    %dma_wait3A_1059 = tpu.memref_slice %arg10[%dma_wait3A_1052, %dma_wait3A_1053, %dma_wait3A_1057, %dma_wait3A_1058] : memref<2x6x128x16xf32, #tpu.memory_space<vmem>> -> memref<1x1x128x16xf32, #tpu.memory_space<vmem>>
    %dma_wait3A_1060 = tpu.memref_squeeze %dma_wait3A_1059 : memref<1x1x128x16xf32, #tpu.memory_space<vmem>> -> memref<128x16xf32, #tpu.memory_space<vmem>>
    %dma_wait3A_1061 = arith.constant 0 : i32
    %dma_wait3A_1062 = tpu.memref_slice %arg8[%dma_wait3A_1054, %dma_wait3A_1055, %dma_wait3A_1061] : memref<312x2x128xi32, #tpu.memory_space<vmem>> -> memref<1x1x128xi32, #tpu.memory_space<vmem>>
    %dma_wait3A_1063 = tpu.memref_squeeze %dma_wait3A_1062 : memref<1x1x128xi32, #tpu.memory_space<vmem>> -> memref<128xi32, #tpu.memory_space<vmem>>
    %dma_wait3A_1064 = arith.constant 0 : i32
    %dma_wait3A_1065 = arith.constant 0 : i32
    %dma_wait3A_1066 = tpu.memref_slice %arg12[%select_n3A_30, %dma_wait3A_1064, %dma_wait3A_1065] : memref<2x10240x16xf32, #tpu.memory_space<vmem_shared>> -> memref<1x10240x16xf32, #tpu.memory_space<vmem_shared>>
    %dma_wait3A_1067 = tpu.memref_squeeze %dma_wait3A_1066 : memref<1x10240x16xf32, #tpu.memory_space<vmem_shared>> -> memref<10240x16xf32, #tpu.memory_space<vmem_shared>>
    %dma_wait3A_1068 = arith.constant 0 : i32
    %dma_wait3A_1069 = arith.constant 0 : i32
    %dma_wait3A_1070 = tpu.memref_slice %dma_wait3A_1067[%dma_wait3A_1068, %dma_wait3A_1069] : memref<10240x16xf32, #tpu.memory_space<vmem_shared>> -> memref<10240x16xf32, #tpu.memory_space<vmem_shared>>
    %dma_wait3A_1071 = tpu.memref_slice %arg14[%dma_wait3A_1056] : memref<2x!tpu.dma_semaphore, #tpu.memory_space<semaphore_mem>> -> memref<1x!tpu.dma_semaphore, #tpu.memory_space<semaphore_mem>>
    %dma_wait3A_1072 = tpu.memref_squeeze %dma_wait3A_1071 : memref<1x!tpu.dma_semaphore, #tpu.memory_space<semaphore_mem>> -> memref<!tpu.dma_semaphore, #tpu.memory_space<semaphore_mem>>
    tpu.wait_indirect_dma semaphore(%dma_wait3A_1072 : memref<!tpu.dma_semaphore, #tpu.memory_space<semaphore_mem>>) src(%dma_wait3A_1060 : memref<128x16xf32, #tpu.memory_space<vmem>>) dst(%dma_wait3A_1070 : memref<10240x16xf32, #tpu.memory_space<vmem_shared>>)
    %dma_wait3A_1073 = arith.constant 1 : i32
    %dma_wait3A_1074 = arith.constant 4 : i32
    %dma_wait3A_1075 = arith.constant 310 : i32
    %dma_wait3A_1076 = arith.constant 1 : i32
    %dma_wait3A_1077 = arith.constant 1 : i32
    %dma_wait3A_1078 = arith.constant 0 : i32
    %dma_wait3A_1079 = arith.constant 0 : i32
    %dma_wait3A_1080 = tpu.memref_slice %arg10[%dma_wait3A_1073, %dma_wait3A_1074, %dma_wait3A_1078, %dma_wait3A_1079] : memref<2x6x128x16xf32, #tpu.memory_space<vmem>> -> memref<1x1x128x16xf32, #tpu.memory_space<vmem>>
    %dma_wait3A_1081 = tpu.memref_squeeze %dma_wait3A_1080 : memref<1x1x128x16xf32, #tpu.memory_space<vmem>> -> memref<128x16xf32, #tpu.memory_space<vmem>>
    %dma_wait3A_1082 = arith.constant 0 : i32
    %dma_wait3A_1083 = tpu.memref_slice %arg8[%dma_wait3A_1075, %dma_wait3A_1076, %dma_wait3A_1082] : memref<312x2x128xi32, #tpu.memory_space<vmem>> -> memref<1x1x128xi32, #tpu.memory_space<vmem>>
    %dma_wait3A_1084 = tpu.memref_squeeze %dma_wait3A_1083 : memref<1x1x128xi32, #tpu.memory_space<vmem>> -> memref<128xi32, #tpu.memory_space<vmem>>
    %dma_wait3A_1085 = arith.constant 0 : i32
    %dma_wait3A_1086 = arith.constant 0 : i32
    %dma_wait3A_1087 = tpu.memref_slice %arg12[%select_n3A_30, %dma_wait3A_1085, %dma_wait3A_1086] : memref<2x10240x16xf32, #tpu.memory_space<vmem_shared>> -> memref<1x10240x16xf32, #tpu.memory_space<vmem_shared>>
    %dma_wait3A_1088 = tpu.memref_squeeze %dma_wait3A_1087 : memref<1x10240x16xf32, #tpu.memory_space<vmem_shared>> -> memref<10240x16xf32, #tpu.memory_space<vmem_shared>>
    %dma_wait3A_1089 = arith.constant 0 : i32
    %dma_wait3A_1090 = arith.constant 0 : i32
    %dma_wait3A_1091 = tpu.memref_slice %dma_wait3A_1088[%dma_wait3A_1089, %dma_wait3A_1090] : memref<10240x16xf32, #tpu.memory_space<vmem_shared>> -> memref<10240x16xf32, #tpu.memory_space<vmem_shared>>
    %dma_wait3A_1092 = tpu.memref_slice %arg14[%dma_wait3A_1077] : memref<2x!tpu.dma_semaphore, #tpu.memory_space<semaphore_mem>> -> memref<1x!tpu.dma_semaphore, #tpu.memory_space<semaphore_mem>>
    %dma_wait3A_1093 = tpu.memref_squeeze %dma_wait3A_1092 : memref<1x!tpu.dma_semaphore, #tpu.memory_space<semaphore_mem>> -> memref<!tpu.dma_semaphore, #tpu.memory_space<semaphore_mem>>
    tpu.wait_indirect_dma semaphore(%dma_wait3A_1093 : memref<!tpu.dma_semaphore, #tpu.memory_space<semaphore_mem>>) src(%dma_wait3A_1081 : memref<128x16xf32, #tpu.memory_space<vmem>>) dst(%dma_wait3A_1091 : memref<10240x16xf32, #tpu.memory_space<vmem_shared>>)
    %dma_wait3A_1094 = arith.constant 1 : i32
    %dma_wait3A_1095 = arith.constant 5 : i32
    %dma_wait3A_1096 = arith.constant 311 : i32
    %dma_wait3A_1097 = arith.constant 1 : i32
    %dma_wait3A_1098 = arith.constant 1 : i32
    %dma_wait3A_1099 = arith.constant 0 : i32
    %dma_wait3A_1100 = arith.constant 0 : i32
    %dma_wait3A_1101 = tpu.memref_slice %arg10[%dma_wait3A_1094, %dma_wait3A_1095, %dma_wait3A_1099, %dma_wait3A_1100] : memref<2x6x128x16xf32, #tpu.memory_space<vmem>> -> memref<1x1x128x16xf32, #tpu.memory_space<vmem>>
    %dma_wait3A_1102 = tpu.memref_squeeze %dma_wait3A_1101 : memref<1x1x128x16xf32, #tpu.memory_space<vmem>> -> memref<128x16xf32, #tpu.memory_space<vmem>>
    %dma_wait3A_1103 = arith.constant 0 : i32
    %dma_wait3A_1104 = tpu.memref_slice %arg8[%dma_wait3A_1096, %dma_wait3A_1097, %dma_wait3A_1103] : memref<312x2x128xi32, #tpu.memory_space<vmem>> -> memref<1x1x128xi32, #tpu.memory_space<vmem>>
    %dma_wait3A_1105 = tpu.memref_squeeze %dma_wait3A_1104 : memref<1x1x128xi32, #tpu.memory_space<vmem>> -> memref<128xi32, #tpu.memory_space<vmem>>
    %dma_wait3A_1106 = arith.constant 0 : i32
    %dma_wait3A_1107 = arith.constant 0 : i32
    %dma_wait3A_1108 = tpu.memref_slice %arg12[%select_n3A_30, %dma_wait3A_1106, %dma_wait3A_1107] : memref<2x10240x16xf32, #tpu.memory_space<vmem_shared>> -> memref<1x10240x16xf32, #tpu.memory_space<vmem_shared>>
    %dma_wait3A_1109 = tpu.memref_squeeze %dma_wait3A_1108 : memref<1x10240x16xf32, #tpu.memory_space<vmem_shared>> -> memref<10240x16xf32, #tpu.memory_space<vmem_shared>>
    %dma_wait3A_1110 = arith.constant 0 : i32
    %dma_wait3A_1111 = arith.constant 0 : i32
    %dma_wait3A_1112 = tpu.memref_slice %dma_wait3A_1109[%dma_wait3A_1110, %dma_wait3A_1111] : memref<10240x16xf32, #tpu.memory_space<vmem_shared>> -> memref<10240x16xf32, #tpu.memory_space<vmem_shared>>
    %dma_wait3A_1113 = tpu.memref_slice %arg14[%dma_wait3A_1098] : memref<2x!tpu.dma_semaphore, #tpu.memory_space<semaphore_mem>> -> memref<1x!tpu.dma_semaphore, #tpu.memory_space<semaphore_mem>>
    %dma_wait3A_1114 = tpu.memref_squeeze %dma_wait3A_1113 : memref<1x!tpu.dma_semaphore, #tpu.memory_space<semaphore_mem>> -> memref<!tpu.dma_semaphore, #tpu.memory_space<semaphore_mem>>
    tpu.wait_indirect_dma semaphore(%dma_wait3A_1114 : memref<!tpu.dma_semaphore, #tpu.memory_space<semaphore_mem>>) src(%dma_wait3A_1102 : memref<128x16xf32, #tpu.memory_space<vmem>>) dst(%dma_wait3A_1112 : memref<10240x16xf32, #tpu.memory_space<vmem_shared>>)
    %jit3A_1115 = arith.constant 8 : i32
    %eq3A_1116 = arith.constant 0 : i32
    %eq3A_1117 = arith.cmpi eq, %jit3A_1115, %eq3A_1116 : i32
    %jit3A_1118 = arith.constant 1 : i32
    %select_n3A_1119 = arith.select %eq3A_1117, %jit3A_1118, %jit3A_1115 : i32
    %rem3A_1120 = arith.remsi %add3A, %select_n3A_1119 : i32
    %ne3A_1121 = arith.constant 0 : i32
    %ne3A_1122 = arith.cmpi ne, %rem3A_1120, %ne3A_1121 : i32
    %lt3A_1123 = arith.constant 0 : i32
    %lt3A_1124 = arith.cmpi slt, %rem3A_1120, %lt3A_1123 : i32
    %lt3A_1125 = arith.constant 0 : i32
    %lt3A_1126 = arith.cmpi slt, %select_n3A_1119, %lt3A_1125 : i32
    %ne3A_1127 = arith.xori %lt3A_1124, %lt3A_1126 : i1
    %and3A_1128 = arith.andi %ne3A_1127, %ne3A_1122 : i1
    %add3A_1129 = arith.addi %rem3A_1120, %select_n3A_1119 : i32
    %select_n3A_1130 = arith.select %and3A_1128, %add3A_1129, %rem3A_1120 : i32
    %eq3A_1131 = arith.constant 0 : i32
    %eq3A_1132 = arith.cmpi eq, %select_n3A_1130, %eq3A_1131 : i32
    %convert_element_type3A_1133 = arith.extui %eq3A_1132 : i1 to i32
    %cond3A_1134 = arith.constant 0 : i32
    %cond3A_1135 = arith.cmpi ne, %convert_element_type3A_1133, %cond3A_1134 : i32
    scf.if %cond3A_1135 {
      %dma_start3A_1141 = arith.constant 0 : i32
      %dma_start3A_1142 = arith.constant 0 : i32
      %dma_start3A_1143 = arith.constant 0 : i32
      %dma_start3A_1144 = arith.constant 0 : i32
      %dma_start3A_1145 = arith.constant 0 : i32
      %dma_start3A_1146 = arith.constant 0 : i32
      %dma_start3A_1147 = arith.constant 0 : i32
      %dma_start3A_1148 = tpu.memref_slice %arg10[%dma_start3A_1143, %dma_start3A_1144, %dma_start3A_1146, %dma_start3A_1147] : memref<2x6x128x16xf32, #tpu.memory_space<vmem>> -> memref<1x1x128x16xf32, #tpu.memory_space<vmem>>
      %dma_start3A_1149 = tpu.memref_squeeze %dma_start3A_1148 : memref<1x1x128x16xf32, #tpu.memory_space<vmem>> -> memref<128x16xf32, #tpu.memory_space<vmem>>
      %dma_start3A_1150 = arith.constant 0 : i32
      %dma_start3A_1151 = tpu.memref_slice %arg9[%dma_start3A_1141, %dma_start3A_1142, %dma_start3A_1150] : memref<4x2x128xi32, #tpu.memory_space<vmem>> -> memref<1x1x128xi32, #tpu.memory_space<vmem>>
      %dma_start3A_1152 = tpu.memref_squeeze %dma_start3A_1151 : memref<1x1x128xi32, #tpu.memory_space<vmem>> -> memref<128xi32, #tpu.memory_space<vmem>>
      %dma_start3A_1153 = arith.constant 0 : i32
      %dma_start3A_1154 = arith.constant 0 : i32
      %dma_start3A_1155 = tpu.memref_slice %arg6[%select_n3A, %dma_start3A_1153, %dma_start3A_1154] : memref<4x10240x16xf32, #tpu.memory_space<hbm>> -> memref<1x10240x16xf32, #tpu.memory_space<hbm>>
      %dma_start3A_1156 = tpu.memref_squeeze %dma_start3A_1155 : memref<1x10240x16xf32, #tpu.memory_space<hbm>> -> memref<10240x16xf32, #tpu.memory_space<hbm>>
      %dma_start3A_1157 = arith.constant 0 : i32
      %dma_start3A_1158 = arith.constant 0 : i32
      %dma_start3A_1159 = tpu.memref_slice %dma_start3A_1156[%dma_start3A_1157, %dma_start3A_1158] : memref<10240x16xf32, #tpu.memory_space<hbm>> -> memref<10240x16xf32, #tpu.memory_space<hbm>>
      %dma_start3A_1160 = tpu.memref_slice %arg13[%dma_start3A_1145] : memref<2x!tpu.dma_semaphore, #tpu.memory_space<semaphore_mem>> -> memref<1x!tpu.dma_semaphore, #tpu.memory_space<semaphore_mem>>
      %dma_start3A_1161 = tpu.memref_squeeze %dma_start3A_1160 : memref<1x!tpu.dma_semaphore, #tpu.memory_space<semaphore_mem>> -> memref<!tpu.dma_semaphore, #tpu.memory_space<semaphore_mem>>
      tpu.enqueue_indirect_dma source(%dma_start3A_1159 : memref<10240x16xf32, #tpu.memory_space<hbm>>) target(%dma_start3A_1149 : memref<128x16xf32, #tpu.memory_space<vmem>>) offsets(%dma_start3A_1152 : memref<128xi32, #tpu.memory_space<vmem>>) semaphore(%dma_start3A_1161 : memref<!tpu.dma_semaphore, #tpu.memory_space<semaphore_mem>>)
      %dma_wait3A_1162 = arith.constant 0 : i32
      %dma_wait3A_1163 = arith.constant 0 : i32
      %dma_wait3A_1164 = arith.constant 0 : i32
      %dma_wait3A_1165 = arith.constant 0 : i32
      %dma_wait3A_1166 = arith.constant 0 : i32
      %dma_wait3A_1167 = arith.constant 0 : i32
      %dma_wait3A_1168 = arith.constant 0 : i32
      %dma_wait3A_1169 = tpu.memref_slice %arg10[%dma_wait3A_1164, %dma_wait3A_1165, %dma_wait3A_1167, %dma_wait3A_1168] : memref<2x6x128x16xf32, #tpu.memory_space<vmem>> -> memref<1x1x128x16xf32, #tpu.memory_space<vmem>>
      %dma_wait3A_1170 = tpu.memref_squeeze %dma_wait3A_1169 : memref<1x1x128x16xf32, #tpu.memory_space<vmem>> -> memref<128x16xf32, #tpu.memory_space<vmem>>
      %dma_wait3A_1171 = arith.constant 0 : i32
      %dma_wait3A_1172 = tpu.memref_slice %arg9[%dma_wait3A_1162, %dma_wait3A_1163, %dma_wait3A_1171] : memref<4x2x128xi32, #tpu.memory_space<vmem>> -> memref<1x1x128xi32, #tpu.memory_space<vmem>>
      %dma_wait3A_1173 = tpu.memref_squeeze %dma_wait3A_1172 : memref<1x1x128xi32, #tpu.memory_space<vmem>> -> memref<128xi32, #tpu.memory_space<vmem>>
      %dma_wait3A_1174 = arith.constant 0 : i32
      %dma_wait3A_1175 = arith.constant 0 : i32
      %dma_wait3A_1176 = tpu.memref_slice %arg6[%select_n3A, %dma_wait3A_1174, %dma_wait3A_1175] : memref<4x10240x16xf32, #tpu.memory_space<hbm>> -> memref<1x10240x16xf32, #tpu.memory_space<hbm>>
      %dma_wait3A_1177 = tpu.memref_squeeze %dma_wait3A_1176 : memref<1x10240x16xf32, #tpu.memory_space<hbm>> -> memref<10240x16xf32, #tpu.memory_space<hbm>>
      %dma_wait3A_1178 = arith.constant 0 : i32
      %dma_wait3A_1179 = arith.constant 0 : i32
      %dma_wait3A_1180 = tpu.memref_slice %dma_wait3A_1177[%dma_wait3A_1178, %dma_wait3A_1179] : memref<10240x16xf32, #tpu.memory_space<hbm>> -> memref<10240x16xf32, #tpu.memory_space<hbm>>
      %dma_wait3A_1181 = tpu.memref_slice %arg13[%dma_wait3A_1166] : memref<2x!tpu.dma_semaphore, #tpu.memory_space<semaphore_mem>> -> memref<1x!tpu.dma_semaphore, #tpu.memory_space<semaphore_mem>>
      %dma_wait3A_1182 = tpu.memref_squeeze %dma_wait3A_1181 : memref<1x!tpu.dma_semaphore, #tpu.memory_space<semaphore_mem>> -> memref<!tpu.dma_semaphore, #tpu.memory_space<semaphore_mem>>
      tpu.wait_indirect_dma semaphore(%dma_wait3A_1182 : memref<!tpu.dma_semaphore, #tpu.memory_space<semaphore_mem>>) src(%dma_wait3A_1180 : memref<10240x16xf32, #tpu.memory_space<hbm>>) dst(%dma_wait3A_1170 : memref<128x16xf32, #tpu.memory_space<vmem>>)
      %run_scoped3A_1183 = arith.constant 0 : i32
      %run_scoped3A_1184 = arith.constant 0 : i32
      %run_scoped3A_1185 = arith.constant 0 : i32
      %run_scoped3A_1186 = arith.constant 1 : i32
      "tpu.region"() ({
        %run_scoped3A_1325 = tpu.sem_alloc : memref<!tpu.dma_semaphore, #tpu.memory_space<semaphore_mem>>
        %dma_start3A_1326 = arith.constant 0 : i32
        %dma_start3A_1327 = arith.constant 0 : i32
        %dma_start3A_1328 = tpu.memref_slice %arg10[%run_scoped3A_1183, %run_scoped3A_1184, %dma_start3A_1326, %dma_start3A_1327] : memref<2x6x128x16xf32, #tpu.memory_space<vmem>> -> memref<1x1x128x16xf32, #tpu.memory_space<vmem>>
        %dma_start3A_1329 = tpu.memref_squeeze %dma_start3A_1328 : memref<1x1x128x16xf32, #tpu.memory_space<vmem>> -> memref<128x16xf32, #tpu.memory_space<vmem>>
        %dma_start3A_1330 = arith.constant 0 : i32
        %dma_start3A_1331 = tpu.memref_slice %arg9[%run_scoped3A_1185, %run_scoped3A_1186, %dma_start3A_1330] : memref<4x2x128xi32, #tpu.memory_space<vmem>> -> memref<1x1x128xi32, #tpu.memory_space<vmem>>
        %dma_start3A_1332 = tpu.memref_squeeze %dma_start3A_1331 : memref<1x1x128xi32, #tpu.memory_space<vmem>> -> memref<128xi32, #tpu.memory_space<vmem>>
        %dma_start3A_1333 = arith.constant 0 : i32
        %dma_start3A_1334 = arith.constant 0 : i32
        %dma_start3A_1335 = tpu.memref_slice %arg12[%select_n3A_30, %dma_start3A_1333, %dma_start3A_1334] : memref<2x10240x16xf32, #tpu.memory_space<vmem_shared>> -> memref<1x10240x16xf32, #tpu.memory_space<vmem_shared>>
        %dma_start3A_1336 = tpu.memref_squeeze %dma_start3A_1335 : memref<1x10240x16xf32, #tpu.memory_space<vmem_shared>> -> memref<10240x16xf32, #tpu.memory_space<vmem_shared>>
        %dma_start3A_1337 = arith.constant 0 : i32
        %dma_start3A_1338 = arith.constant 0 : i32
        %dma_start3A_1339 = tpu.memref_slice %dma_start3A_1336[%dma_start3A_1337, %dma_start3A_1338] : memref<10240x16xf32, #tpu.memory_space<vmem_shared>> -> memref<10240x16xf32, #tpu.memory_space<vmem_shared>>
        tpu.enqueue_indirect_dma source(%dma_start3A_1329 : memref<128x16xf32, #tpu.memory_space<vmem>>) target(%dma_start3A_1339 : memref<10240x16xf32, #tpu.memory_space<vmem_shared>>) offsets(%dma_start3A_1332 : memref<128xi32, #tpu.memory_space<vmem>>) semaphore(%run_scoped3A_1325 : memref<!tpu.dma_semaphore, #tpu.memory_space<semaphore_mem>>) {add = true}
        %dma_wait3A_1340 = arith.constant 0 : i32
        %dma_wait3A_1341 = arith.constant 0 : i32
        %dma_wait3A_1342 = tpu.memref_slice %arg10[%run_scoped3A_1183, %run_scoped3A_1184, %dma_wait3A_1340, %dma_wait3A_1341] : memref<2x6x128x16xf32, #tpu.memory_space<vmem>> -> memref<1x1x128x16xf32, #tpu.memory_space<vmem>>
        %dma_wait3A_1343 = tpu.memref_squeeze %dma_wait3A_1342 : memref<1x1x128x16xf32, #tpu.memory_space<vmem>> -> memref<128x16xf32, #tpu.memory_space<vmem>>
        %dma_wait3A_1344 = arith.constant 0 : i32
        %dma_wait3A_1345 = tpu.memref_slice %arg9[%run_scoped3A_1185, %run_scoped3A_1186, %dma_wait3A_1344] : memref<4x2x128xi32, #tpu.memory_space<vmem>> -> memref<1x1x128xi32, #tpu.memory_space<vmem>>
        %dma_wait3A_1346 = tpu.memref_squeeze %dma_wait3A_1345 : memref<1x1x128xi32, #tpu.memory_space<vmem>> -> memref<128xi32, #tpu.memory_space<vmem>>
        %dma_wait3A_1347 = arith.constant 0 : i32
        %dma_wait3A_1348 = arith.constant 0 : i32
        %dma_wait3A_1349 = tpu.memref_slice %arg12[%select_n3A_30, %dma_wait3A_1347, %dma_wait3A_1348] : memref<2x10240x16xf32, #tpu.memory_space<vmem_shared>> -> memref<1x10240x16xf32, #tpu.memory_space<vmem_shared>>
        %dma_wait3A_1350 = tpu.memref_squeeze %dma_wait3A_1349 : memref<1x10240x16xf32, #tpu.memory_space<vmem_shared>> -> memref<10240x16xf32, #tpu.memory_space<vmem_shared>>
        %dma_wait3A_1351 = arith.constant 0 : i32
        %dma_wait3A_1352 = arith.constant 0 : i32
        %dma_wait3A_1353 = tpu.memref_slice %dma_wait3A_1350[%dma_wait3A_1351, %dma_wait3A_1352] : memref<10240x16xf32, #tpu.memory_space<vmem_shared>> -> memref<10240x16xf32, #tpu.memory_space<vmem_shared>>
        tpu.wait_indirect_dma semaphore(%run_scoped3A_1325 : memref<!tpu.dma_semaphore, #tpu.memory_space<semaphore_mem>>) src(%dma_wait3A_1343 : memref<128x16xf32, #tpu.memory_space<vmem>>) dst(%dma_wait3A_1353 : memref<10240x16xf32, #tpu.memory_space<vmem_shared>>)
        tpu.yield
      }) : () -> ()
      %dma_start3A_1187 = arith.constant 1 : i32
      %dma_start3A_1188 = arith.constant 0 : i32
      %dma_start3A_1189 = arith.constant 0 : i32
      %dma_start3A_1190 = arith.constant 0 : i32
      %dma_start3A_1191 = arith.constant 0 : i32
      %dma_start3A_1192 = arith.constant 0 : i32
      %dma_start3A_1193 = arith.constant 0 : i32
      %dma_start3A_1194 = tpu.memref_slice %arg10[%dma_start3A_1189, %dma_start3A_1190, %dma_start3A_1192, %dma_start3A_1193] : memref<2x6x128x16xf32, #tpu.memory_space<vmem>> -> memref<1x1x128x16xf32, #tpu.memory_space<vmem>>
      %dma_start3A_1195 = tpu.memref_squeeze %dma_start3A_1194 : memref<1x1x128x16xf32, #tpu.memory_space<vmem>> -> memref<128x16xf32, #tpu.memory_space<vmem>>
      %dma_start3A_1196 = arith.constant 0 : i32
      %dma_start3A_1197 = tpu.memref_slice %arg9[%dma_start3A_1187, %dma_start3A_1188, %dma_start3A_1196] : memref<4x2x128xi32, #tpu.memory_space<vmem>> -> memref<1x1x128xi32, #tpu.memory_space<vmem>>
      %dma_start3A_1198 = tpu.memref_squeeze %dma_start3A_1197 : memref<1x1x128xi32, #tpu.memory_space<vmem>> -> memref<128xi32, #tpu.memory_space<vmem>>
      %dma_start3A_1199 = arith.constant 0 : i32
      %dma_start3A_1200 = arith.constant 0 : i32
      %dma_start3A_1201 = tpu.memref_slice %arg6[%select_n3A, %dma_start3A_1199, %dma_start3A_1200] : memref<4x10240x16xf32, #tpu.memory_space<hbm>> -> memref<1x10240x16xf32, #tpu.memory_space<hbm>>
      %dma_start3A_1202 = tpu.memref_squeeze %dma_start3A_1201 : memref<1x10240x16xf32, #tpu.memory_space<hbm>> -> memref<10240x16xf32, #tpu.memory_space<hbm>>
      %dma_start3A_1203 = arith.constant 0 : i32
      %dma_start3A_1204 = arith.constant 0 : i32
      %dma_start3A_1205 = tpu.memref_slice %dma_start3A_1202[%dma_start3A_1203, %dma_start3A_1204] : memref<10240x16xf32, #tpu.memory_space<hbm>> -> memref<10240x16xf32, #tpu.memory_space<hbm>>
      %dma_start3A_1206 = tpu.memref_slice %arg13[%dma_start3A_1191] : memref<2x!tpu.dma_semaphore, #tpu.memory_space<semaphore_mem>> -> memref<1x!tpu.dma_semaphore, #tpu.memory_space<semaphore_mem>>
      %dma_start3A_1207 = tpu.memref_squeeze %dma_start3A_1206 : memref<1x!tpu.dma_semaphore, #tpu.memory_space<semaphore_mem>> -> memref<!tpu.dma_semaphore, #tpu.memory_space<semaphore_mem>>
      tpu.enqueue_indirect_dma source(%dma_start3A_1205 : memref<10240x16xf32, #tpu.memory_space<hbm>>) target(%dma_start3A_1195 : memref<128x16xf32, #tpu.memory_space<vmem>>) offsets(%dma_start3A_1198 : memref<128xi32, #tpu.memory_space<vmem>>) semaphore(%dma_start3A_1207 : memref<!tpu.dma_semaphore, #tpu.memory_space<semaphore_mem>>)
      %dma_wait3A_1208 = arith.constant 1 : i32
      %dma_wait3A_1209 = arith.constant 0 : i32
      %dma_wait3A_1210 = arith.constant 0 : i32
      %dma_wait3A_1211 = arith.constant 0 : i32
      %dma_wait3A_1212 = arith.constant 0 : i32
      %dma_wait3A_1213 = arith.constant 0 : i32
      %dma_wait3A_1214 = arith.constant 0 : i32
      %dma_wait3A_1215 = tpu.memref_slice %arg10[%dma_wait3A_1210, %dma_wait3A_1211, %dma_wait3A_1213, %dma_wait3A_1214] : memref<2x6x128x16xf32, #tpu.memory_space<vmem>> -> memref<1x1x128x16xf32, #tpu.memory_space<vmem>>
      %dma_wait3A_1216 = tpu.memref_squeeze %dma_wait3A_1215 : memref<1x1x128x16xf32, #tpu.memory_space<vmem>> -> memref<128x16xf32, #tpu.memory_space<vmem>>
      %dma_wait3A_1217 = arith.constant 0 : i32
      %dma_wait3A_1218 = tpu.memref_slice %arg9[%dma_wait3A_1208, %dma_wait3A_1209, %dma_wait3A_1217] : memref<4x2x128xi32, #tpu.memory_space<vmem>> -> memref<1x1x128xi32, #tpu.memory_space<vmem>>
      %dma_wait3A_1219 = tpu.memref_squeeze %dma_wait3A_1218 : memref<1x1x128xi32, #tpu.memory_space<vmem>> -> memref<128xi32, #tpu.memory_space<vmem>>
      %dma_wait3A_1220 = arith.constant 0 : i32
      %dma_wait3A_1221 = arith.constant 0 : i32
      %dma_wait3A_1222 = tpu.memref_slice %arg6[%select_n3A, %dma_wait3A_1220, %dma_wait3A_1221] : memref<4x10240x16xf32, #tpu.memory_space<hbm>> -> memref<1x10240x16xf32, #tpu.memory_space<hbm>>
      %dma_wait3A_1223 = tpu.memref_squeeze %dma_wait3A_1222 : memref<1x10240x16xf32, #tpu.memory_space<hbm>> -> memref<10240x16xf32, #tpu.memory_space<hbm>>
      %dma_wait3A_1224 = arith.constant 0 : i32
      %dma_wait3A_1225 = arith.constant 0 : i32
      %dma_wait3A_1226 = tpu.memref_slice %dma_wait3A_1223[%dma_wait3A_1224, %dma_wait3A_1225] : memref<10240x16xf32, #tpu.memory_space<hbm>> -> memref<10240x16xf32, #tpu.memory_space<hbm>>
      %dma_wait3A_1227 = tpu.memref_slice %arg13[%dma_wait3A_1212] : memref<2x!tpu.dma_semaphore, #tpu.memory_space<semaphore_mem>> -> memref<1x!tpu.dma_semaphore, #tpu.memory_space<semaphore_mem>>
      %dma_wait3A_1228 = tpu.memref_squeeze %dma_wait3A_1227 : memref<1x!tpu.dma_semaphore, #tpu.memory_space<semaphore_mem>> -> memref<!tpu.dma_semaphore, #tpu.memory_space<semaphore_mem>>
      tpu.wait_indirect_dma semaphore(%dma_wait3A_1228 : memref<!tpu.dma_semaphore, #tpu.memory_space<semaphore_mem>>) src(%dma_wait3A_1226 : memref<10240x16xf32, #tpu.memory_space<hbm>>) dst(%dma_wait3A_1216 : memref<128x16xf32, #tpu.memory_space<vmem>>)
      %run_scoped3A_1229 = arith.constant 0 : i32
      %run_scoped3A_1230 = arith.constant 0 : i32
      %run_scoped3A_1231 = arith.constant 1 : i32
      %run_scoped3A_1232 = arith.constant 1 : i32
      "tpu.region"() ({
        %run_scoped3A_1325 = tpu.sem_alloc : memref<!tpu.dma_semaphore, #tpu.memory_space<semaphore_mem>>
        %dma_start3A_1326 = arith.constant 0 : i32
        %dma_start3A_1327 = arith.constant 0 : i32
        %dma_start3A_1328 = tpu.memref_slice %arg10[%run_scoped3A_1229, %run_scoped3A_1230, %dma_start3A_1326, %dma_start3A_1327] : memref<2x6x128x16xf32, #tpu.memory_space<vmem>> -> memref<1x1x128x16xf32, #tpu.memory_space<vmem>>
        %dma_start3A_1329 = tpu.memref_squeeze %dma_start3A_1328 : memref<1x1x128x16xf32, #tpu.memory_space<vmem>> -> memref<128x16xf32, #tpu.memory_space<vmem>>
        %dma_start3A_1330 = arith.constant 0 : i32
        %dma_start3A_1331 = tpu.memref_slice %arg9[%run_scoped3A_1231, %run_scoped3A_1232, %dma_start3A_1330] : memref<4x2x128xi32, #tpu.memory_space<vmem>> -> memref<1x1x128xi32, #tpu.memory_space<vmem>>
        %dma_start3A_1332 = tpu.memref_squeeze %dma_start3A_1331 : memref<1x1x128xi32, #tpu.memory_space<vmem>> -> memref<128xi32, #tpu.memory_space<vmem>>
        %dma_start3A_1333 = arith.constant 0 : i32
        %dma_start3A_1334 = arith.constant 0 : i32
        %dma_start3A_1335 = tpu.memref_slice %arg12[%select_n3A_30, %dma_start3A_1333, %dma_start3A_1334] : memref<2x10240x16xf32, #tpu.memory_space<vmem_shared>> -> memref<1x10240x16xf32, #tpu.memory_space<vmem_shared>>
        %dma_start3A_1336 = tpu.memref_squeeze %dma_start3A_1335 : memref<1x10240x16xf32, #tpu.memory_space<vmem_shared>> -> memref<10240x16xf32, #tpu.memory_space<vmem_shared>>
        %dma_start3A_1337 = arith.constant 0 : i32
        %dma_start3A_1338 = arith.constant 0 : i32
        %dma_start3A_1339 = tpu.memref_slice %dma_start3A_1336[%dma_start3A_1337, %dma_start3A_1338] : memref<10240x16xf32, #tpu.memory_space<vmem_shared>> -> memref<10240x16xf32, #tpu.memory_space<vmem_shared>>
        tpu.enqueue_indirect_dma source(%dma_start3A_1329 : memref<128x16xf32, #tpu.memory_space<vmem>>) target(%dma_start3A_1339 : memref<10240x16xf32, #tpu.memory_space<vmem_shared>>) offsets(%dma_start3A_1332 : memref<128xi32, #tpu.memory_space<vmem>>) semaphore(%run_scoped3A_1325 : memref<!tpu.dma_semaphore, #tpu.memory_space<semaphore_mem>>) {add = true}
        %dma_wait3A_1340 = arith.constant 0 : i32
        %dma_wait3A_1341 = arith.constant 0 : i32
        %dma_wait3A_1342 = tpu.memref_slice %arg10[%run_scoped3A_1229, %run_scoped3A_1230, %dma_wait3A_1340, %dma_wait3A_1341] : memref<2x6x128x16xf32, #tpu.memory_space<vmem>> -> memref<1x1x128x16xf32, #tpu.memory_space<vmem>>
        %dma_wait3A_1343 = tpu.memref_squeeze %dma_wait3A_1342 : memref<1x1x128x16xf32, #tpu.memory_space<vmem>> -> memref<128x16xf32, #tpu.memory_space<vmem>>
        %dma_wait3A_1344 = arith.constant 0 : i32
        %dma_wait3A_1345 = tpu.memref_slice %arg9[%run_scoped3A_1231, %run_scoped3A_1232, %dma_wait3A_1344] : memref<4x2x128xi32, #tpu.memory_space<vmem>> -> memref<1x1x128xi32, #tpu.memory_space<vmem>>
        %dma_wait3A_1346 = tpu.memref_squeeze %dma_wait3A_1345 : memref<1x1x128xi32, #tpu.memory_space<vmem>> -> memref<128xi32, #tpu.memory_space<vmem>>
        %dma_wait3A_1347 = arith.constant 0 : i32
        %dma_wait3A_1348 = arith.constant 0 : i32
        %dma_wait3A_1349 = tpu.memref_slice %arg12[%select_n3A_30, %dma_wait3A_1347, %dma_wait3A_1348] : memref<2x10240x16xf32, #tpu.memory_space<vmem_shared>> -> memref<1x10240x16xf32, #tpu.memory_space<vmem_shared>>
        %dma_wait3A_1350 = tpu.memref_squeeze %dma_wait3A_1349 : memref<1x10240x16xf32, #tpu.memory_space<vmem_shared>> -> memref<10240x16xf32, #tpu.memory_space<vmem_shared>>
        %dma_wait3A_1351 = arith.constant 0 : i32
        %dma_wait3A_1352 = arith.constant 0 : i32
        %dma_wait3A_1353 = tpu.memref_slice %dma_wait3A_1350[%dma_wait3A_1351, %dma_wait3A_1352] : memref<10240x16xf32, #tpu.memory_space<vmem_shared>> -> memref<10240x16xf32, #tpu.memory_space<vmem_shared>>
        tpu.wait_indirect_dma semaphore(%run_scoped3A_1325 : memref<!tpu.dma_semaphore, #tpu.memory_space<semaphore_mem>>) src(%dma_wait3A_1343 : memref<128x16xf32, #tpu.memory_space<vmem>>) dst(%dma_wait3A_1353 : memref<10240x16xf32, #tpu.memory_space<vmem_shared>>)
        tpu.yield
      }) : () -> ()
      %dma_start3A_1233 = arith.constant 2 : i32
      %dma_start3A_1234 = arith.constant 0 : i32
      %dma_start3A_1235 = arith.constant 0 : i32
      %dma_start3A_1236 = arith.constant 0 : i32
      %dma_start3A_1237 = arith.constant 0 : i32
      %dma_start3A_1238 = arith.constant 0 : i32
      %dma_start3A_1239 = arith.constant 0 : i32
      %dma_start3A_1240 = tpu.memref_slice %arg10[%dma_start3A_1235, %dma_start3A_1236, %dma_start3A_1238, %dma_start3A_1239] : memref<2x6x128x16xf32, #tpu.memory_space<vmem>> -> memref<1x1x128x16xf32, #tpu.memory_space<vmem>>
      %dma_start3A_1241 = tpu.memref_squeeze %dma_start3A_1240 : memref<1x1x128x16xf32, #tpu.memory_space<vmem>> -> memref<128x16xf32, #tpu.memory_space<vmem>>
      %dma_start3A_1242 = arith.constant 0 : i32
      %dma_start3A_1243 = tpu.memref_slice %arg9[%dma_start3A_1233, %dma_start3A_1234, %dma_start3A_1242] : memref<4x2x128xi32, #tpu.memory_space<vmem>> -> memref<1x1x128xi32, #tpu.memory_space<vmem>>
      %dma_start3A_1244 = tpu.memref_squeeze %dma_start3A_1243 : memref<1x1x128xi32, #tpu.memory_space<vmem>> -> memref<128xi32, #tpu.memory_space<vmem>>
      %dma_start3A_1245 = arith.constant 0 : i32
      %dma_start3A_1246 = arith.constant 0 : i32
      %dma_start3A_1247 = tpu.memref_slice %arg6[%select_n3A, %dma_start3A_1245, %dma_start3A_1246] : memref<4x10240x16xf32, #tpu.memory_space<hbm>> -> memref<1x10240x16xf32, #tpu.memory_space<hbm>>
      %dma_start3A_1248 = tpu.memref_squeeze %dma_start3A_1247 : memref<1x10240x16xf32, #tpu.memory_space<hbm>> -> memref<10240x16xf32, #tpu.memory_space<hbm>>
      %dma_start3A_1249 = arith.constant 0 : i32
      %dma_start3A_1250 = arith.constant 0 : i32
      %dma_start3A_1251 = tpu.memref_slice %dma_start3A_1248[%dma_start3A_1249, %dma_start3A_1250] : memref<10240x16xf32, #tpu.memory_space<hbm>> -> memref<10240x16xf32, #tpu.memory_space<hbm>>
      %dma_start3A_1252 = tpu.memref_slice %arg13[%dma_start3A_1237] : memref<2x!tpu.dma_semaphore, #tpu.memory_space<semaphore_mem>> -> memref<1x!tpu.dma_semaphore, #tpu.memory_space<semaphore_mem>>
      %dma_start3A_1253 = tpu.memref_squeeze %dma_start3A_1252 : memref<1x!tpu.dma_semaphore, #tpu.memory_space<semaphore_mem>> -> memref<!tpu.dma_semaphore, #tpu.memory_space<semaphore_mem>>
      tpu.enqueue_indirect_dma source(%dma_start3A_1251 : memref<10240x16xf32, #tpu.memory_space<hbm>>) target(%dma_start3A_1241 : memref<128x16xf32, #tpu.memory_space<vmem>>) offsets(%dma_start3A_1244 : memref<128xi32, #tpu.memory_space<vmem>>) semaphore(%dma_start3A_1253 : memref<!tpu.dma_semaphore, #tpu.memory_space<semaphore_mem>>)
      %dma_wait3A_1254 = arith.constant 2 : i32
      %dma_wait3A_1255 = arith.constant 0 : i32
      %dma_wait3A_1256 = arith.constant 0 : i32
      %dma_wait3A_1257 = arith.constant 0 : i32
      %dma_wait3A_1258 = arith.constant 0 : i32
      %dma_wait3A_1259 = arith.constant 0 : i32
      %dma_wait3A_1260 = arith.constant 0 : i32
      %dma_wait3A_1261 = tpu.memref_slice %arg10[%dma_wait3A_1256, %dma_wait3A_1257, %dma_wait3A_1259, %dma_wait3A_1260] : memref<2x6x128x16xf32, #tpu.memory_space<vmem>> -> memref<1x1x128x16xf32, #tpu.memory_space<vmem>>
      %dma_wait3A_1262 = tpu.memref_squeeze %dma_wait3A_1261 : memref<1x1x128x16xf32, #tpu.memory_space<vmem>> -> memref<128x16xf32, #tpu.memory_space<vmem>>
      %dma_wait3A_1263 = arith.constant 0 : i32
      %dma_wait3A_1264 = tpu.memref_slice %arg9[%dma_wait3A_1254, %dma_wait3A_1255, %dma_wait3A_1263] : memref<4x2x128xi32, #tpu.memory_space<vmem>> -> memref<1x1x128xi32, #tpu.memory_space<vmem>>
      %dma_wait3A_1265 = tpu.memref_squeeze %dma_wait3A_1264 : memref<1x1x128xi32, #tpu.memory_space<vmem>> -> memref<128xi32, #tpu.memory_space<vmem>>
      %dma_wait3A_1266 = arith.constant 0 : i32
      %dma_wait3A_1267 = arith.constant 0 : i32
      %dma_wait3A_1268 = tpu.memref_slice %arg6[%select_n3A, %dma_wait3A_1266, %dma_wait3A_1267] : memref<4x10240x16xf32, #tpu.memory_space<hbm>> -> memref<1x10240x16xf32, #tpu.memory_space<hbm>>
      %dma_wait3A_1269 = tpu.memref_squeeze %dma_wait3A_1268 : memref<1x10240x16xf32, #tpu.memory_space<hbm>> -> memref<10240x16xf32, #tpu.memory_space<hbm>>
      %dma_wait3A_1270 = arith.constant 0 : i32
      %dma_wait3A_1271 = arith.constant 0 : i32
      %dma_wait3A_1272 = tpu.memref_slice %dma_wait3A_1269[%dma_wait3A_1270, %dma_wait3A_1271] : memref<10240x16xf32, #tpu.memory_space<hbm>> -> memref<10240x16xf32, #tpu.memory_space<hbm>>
      %dma_wait3A_1273 = tpu.memref_slice %arg13[%dma_wait3A_1258] : memref<2x!tpu.dma_semaphore, #tpu.memory_space<semaphore_mem>> -> memref<1x!tpu.dma_semaphore, #tpu.memory_space<semaphore_mem>>
      %dma_wait3A_1274 = tpu.memref_squeeze %dma_wait3A_1273 : memref<1x!tpu.dma_semaphore, #tpu.memory_space<semaphore_mem>> -> memref<!tpu.dma_semaphore, #tpu.memory_space<semaphore_mem>>
      tpu.wait_indirect_dma semaphore(%dma_wait3A_1274 : memref<!tpu.dma_semaphore, #tpu.memory_space<semaphore_mem>>) src(%dma_wait3A_1272 : memref<10240x16xf32, #tpu.memory_space<hbm>>) dst(%dma_wait3A_1262 : memref<128x16xf32, #tpu.memory_space<vmem>>)
      %run_scoped3A_1275 = arith.constant 0 : i32
      %run_scoped3A_1276 = arith.constant 0 : i32
      %run_scoped3A_1277 = arith.constant 2 : i32
      %run_scoped3A_1278 = arith.constant 1 : i32
      "tpu.region"() ({
        %run_scoped3A_1325 = tpu.sem_alloc : memref<!tpu.dma_semaphore, #tpu.memory_space<semaphore_mem>>
        %dma_start3A_1326 = arith.constant 0 : i32
        %dma_start3A_1327 = arith.constant 0 : i32
        %dma_start3A_1328 = tpu.memref_slice %arg10[%run_scoped3A_1275, %run_scoped3A_1276, %dma_start3A_1326, %dma_start3A_1327] : memref<2x6x128x16xf32, #tpu.memory_space<vmem>> -> memref<1x1x128x16xf32, #tpu.memory_space<vmem>>
        %dma_start3A_1329 = tpu.memref_squeeze %dma_start3A_1328 : memref<1x1x128x16xf32, #tpu.memory_space<vmem>> -> memref<128x16xf32, #tpu.memory_space<vmem>>
        %dma_start3A_1330 = arith.constant 0 : i32
        %dma_start3A_1331 = tpu.memref_slice %arg9[%run_scoped3A_1277, %run_scoped3A_1278, %dma_start3A_1330] : memref<4x2x128xi32, #tpu.memory_space<vmem>> -> memref<1x1x128xi32, #tpu.memory_space<vmem>>
        %dma_start3A_1332 = tpu.memref_squeeze %dma_start3A_1331 : memref<1x1x128xi32, #tpu.memory_space<vmem>> -> memref<128xi32, #tpu.memory_space<vmem>>
        %dma_start3A_1333 = arith.constant 0 : i32
        %dma_start3A_1334 = arith.constant 0 : i32
        %dma_start3A_1335 = tpu.memref_slice %arg12[%select_n3A_30, %dma_start3A_1333, %dma_start3A_1334] : memref<2x10240x16xf32, #tpu.memory_space<vmem_shared>> -> memref<1x10240x16xf32, #tpu.memory_space<vmem_shared>>
        %dma_start3A_1336 = tpu.memref_squeeze %dma_start3A_1335 : memref<1x10240x16xf32, #tpu.memory_space<vmem_shared>> -> memref<10240x16xf32, #tpu.memory_space<vmem_shared>>
        %dma_start3A_1337 = arith.constant 0 : i32
        %dma_start3A_1338 = arith.constant 0 : i32
        %dma_start3A_1339 = tpu.memref_slice %dma_start3A_1336[%dma_start3A_1337, %dma_start3A_1338] : memref<10240x16xf32, #tpu.memory_space<vmem_shared>> -> memref<10240x16xf32, #tpu.memory_space<vmem_shared>>
        tpu.enqueue_indirect_dma source(%dma_start3A_1329 : memref<128x16xf32, #tpu.memory_space<vmem>>) target(%dma_start3A_1339 : memref<10240x16xf32, #tpu.memory_space<vmem_shared>>) offsets(%dma_start3A_1332 : memref<128xi32, #tpu.memory_space<vmem>>) semaphore(%run_scoped3A_1325 : memref<!tpu.dma_semaphore, #tpu.memory_space<semaphore_mem>>) {add = true}
        %dma_wait3A_1340 = arith.constant 0 : i32
        %dma_wait3A_1341 = arith.constant 0 : i32
        %dma_wait3A_1342 = tpu.memref_slice %arg10[%run_scoped3A_1275, %run_scoped3A_1276, %dma_wait3A_1340, %dma_wait3A_1341] : memref<2x6x128x16xf32, #tpu.memory_space<vmem>> -> memref<1x1x128x16xf32, #tpu.memory_space<vmem>>
        %dma_wait3A_1343 = tpu.memref_squeeze %dma_wait3A_1342 : memref<1x1x128x16xf32, #tpu.memory_space<vmem>> -> memref<128x16xf32, #tpu.memory_space<vmem>>
        %dma_wait3A_1344 = arith.constant 0 : i32
        %dma_wait3A_1345 = tpu.memref_slice %arg9[%run_scoped3A_1277, %run_scoped3A_1278, %dma_wait3A_1344] : memref<4x2x128xi32, #tpu.memory_space<vmem>> -> memref<1x1x128xi32, #tpu.memory_space<vmem>>
        %dma_wait3A_1346 = tpu.memref_squeeze %dma_wait3A_1345 : memref<1x1x128xi32, #tpu.memory_space<vmem>> -> memref<128xi32, #tpu.memory_space<vmem>>
        %dma_wait3A_1347 = arith.constant 0 : i32
        %dma_wait3A_1348 = arith.constant 0 : i32
        %dma_wait3A_1349 = tpu.memref_slice %arg12[%select_n3A_30, %dma_wait3A_1347, %dma_wait3A_1348] : memref<2x10240x16xf32, #tpu.memory_space<vmem_shared>> -> memref<1x10240x16xf32, #tpu.memory_space<vmem_shared>>
        %dma_wait3A_1350 = tpu.memref_squeeze %dma_wait3A_1349 : memref<1x10240x16xf32, #tpu.memory_space<vmem_shared>> -> memref<10240x16xf32, #tpu.memory_space<vmem_shared>>
        %dma_wait3A_1351 = arith.constant 0 : i32
        %dma_wait3A_1352 = arith.constant 0 : i32
        %dma_wait3A_1353 = tpu.memref_slice %dma_wait3A_1350[%dma_wait3A_1351, %dma_wait3A_1352] : memref<10240x16xf32, #tpu.memory_space<vmem_shared>> -> memref<10240x16xf32, #tpu.memory_space<vmem_shared>>
        tpu.wait_indirect_dma semaphore(%run_scoped3A_1325 : memref<!tpu.dma_semaphore, #tpu.memory_space<semaphore_mem>>) src(%dma_wait3A_1343 : memref<128x16xf32, #tpu.memory_space<vmem>>) dst(%dma_wait3A_1353 : memref<10240x16xf32, #tpu.memory_space<vmem_shared>>)
        tpu.yield
      }) : () -> ()
      %dma_start3A_1279 = arith.constant 3 : i32
      %dma_start3A_1280 = arith.constant 0 : i32
      %dma_start3A_1281 = arith.constant 0 : i32
      %dma_start3A_1282 = arith.constant 0 : i32
      %dma_start3A_1283 = arith.constant 0 : i32
      %dma_start3A_1284 = arith.constant 0 : i32
      %dma_start3A_1285 = arith.constant 0 : i32
      %dma_start3A_1286 = tpu.memref_slice %arg10[%dma_start3A_1281, %dma_start3A_1282, %dma_start3A_1284, %dma_start3A_1285] : memref<2x6x128x16xf32, #tpu.memory_space<vmem>> -> memref<1x1x128x16xf32, #tpu.memory_space<vmem>>
      %dma_start3A_1287 = tpu.memref_squeeze %dma_start3A_1286 : memref<1x1x128x16xf32, #tpu.memory_space<vmem>> -> memref<128x16xf32, #tpu.memory_space<vmem>>
      %dma_start3A_1288 = arith.constant 0 : i32
      %dma_start3A_1289 = tpu.memref_slice %arg9[%dma_start3A_1279, %dma_start3A_1280, %dma_start3A_1288] : memref<4x2x128xi32, #tpu.memory_space<vmem>> -> memref<1x1x128xi32, #tpu.memory_space<vmem>>
      %dma_start3A_1290 = tpu.memref_squeeze %dma_start3A_1289 : memref<1x1x128xi32, #tpu.memory_space<vmem>> -> memref<128xi32, #tpu.memory_space<vmem>>
      %dma_start3A_1291 = arith.constant 0 : i32
      %dma_start3A_1292 = arith.constant 0 : i32
      %dma_start3A_1293 = tpu.memref_slice %arg6[%select_n3A, %dma_start3A_1291, %dma_start3A_1292] : memref<4x10240x16xf32, #tpu.memory_space<hbm>> -> memref<1x10240x16xf32, #tpu.memory_space<hbm>>
      %dma_start3A_1294 = tpu.memref_squeeze %dma_start3A_1293 : memref<1x10240x16xf32, #tpu.memory_space<hbm>> -> memref<10240x16xf32, #tpu.memory_space<hbm>>
      %dma_start3A_1295 = arith.constant 0 : i32
      %dma_start3A_1296 = arith.constant 0 : i32
      %dma_start3A_1297 = tpu.memref_slice %dma_start3A_1294[%dma_start3A_1295, %dma_start3A_1296] : memref<10240x16xf32, #tpu.memory_space<hbm>> -> memref<10240x16xf32, #tpu.memory_space<hbm>>
      %dma_start3A_1298 = tpu.memref_slice %arg13[%dma_start3A_1283] : memref<2x!tpu.dma_semaphore, #tpu.memory_space<semaphore_mem>> -> memref<1x!tpu.dma_semaphore, #tpu.memory_space<semaphore_mem>>
      %dma_start3A_1299 = tpu.memref_squeeze %dma_start3A_1298 : memref<1x!tpu.dma_semaphore, #tpu.memory_space<semaphore_mem>> -> memref<!tpu.dma_semaphore, #tpu.memory_space<semaphore_mem>>
      tpu.enqueue_indirect_dma source(%dma_start3A_1297 : memref<10240x16xf32, #tpu.memory_space<hbm>>) target(%dma_start3A_1287 : memref<128x16xf32, #tpu.memory_space<vmem>>) offsets(%dma_start3A_1290 : memref<128xi32, #tpu.memory_space<vmem>>) semaphore(%dma_start3A_1299 : memref<!tpu.dma_semaphore, #tpu.memory_space<semaphore_mem>>)
      %dma_wait3A_1300 = arith.constant 3 : i32
      %dma_wait3A_1301 = arith.constant 0 : i32
      %dma_wait3A_1302 = arith.constant 0 : i32
      %dma_wait3A_1303 = arith.constant 0 : i32
      %dma_wait3A_1304 = arith.constant 0 : i32
      %dma_wait3A_1305 = arith.constant 0 : i32
      %dma_wait3A_1306 = arith.constant 0 : i32
      %dma_wait3A_1307 = tpu.memref_slice %arg10[%dma_wait3A_1302, %dma_wait3A_1303, %dma_wait3A_1305, %dma_wait3A_1306] : memref<2x6x128x16xf32, #tpu.memory_space<vmem>> -> memref<1x1x128x16xf32, #tpu.memory_space<vmem>>
      %dma_wait3A_1308 = tpu.memref_squeeze %dma_wait3A_1307 : memref<1x1x128x16xf32, #tpu.memory_space<vmem>> -> memref<128x16xf32, #tpu.memory_space<vmem>>
      %dma_wait3A_1309 = arith.constant 0 : i32
      %dma_wait3A_1310 = tpu.memref_slice %arg9[%dma_wait3A_1300, %dma_wait3A_1301, %dma_wait3A_1309] : memref<4x2x128xi32, #tpu.memory_space<vmem>> -> memref<1x1x128xi32, #tpu.memory_space<vmem>>
      %dma_wait3A_1311 = tpu.memref_squeeze %dma_wait3A_1310 : memref<1x1x128xi32, #tpu.memory_space<vmem>> -> memref<128xi32, #tpu.memory_space<vmem>>
      %dma_wait3A_1312 = arith.constant 0 : i32
      %dma_wait3A_1313 = arith.constant 0 : i32
      %dma_wait3A_1314 = tpu.memref_slice %arg6[%select_n3A, %dma_wait3A_1312, %dma_wait3A_1313] : memref<4x10240x16xf32, #tpu.memory_space<hbm>> -> memref<1x10240x16xf32, #tpu.memory_space<hbm>>
      %dma_wait3A_1315 = tpu.memref_squeeze %dma_wait3A_1314 : memref<1x10240x16xf32, #tpu.memory_space<hbm>> -> memref<10240x16xf32, #tpu.memory_space<hbm>>
      %dma_wait3A_1316 = arith.constant 0 : i32
      %dma_wait3A_1317 = arith.constant 0 : i32
      %dma_wait3A_1318 = tpu.memref_slice %dma_wait3A_1315[%dma_wait3A_1316, %dma_wait3A_1317] : memref<10240x16xf32, #tpu.memory_space<hbm>> -> memref<10240x16xf32, #tpu.memory_space<hbm>>
      %dma_wait3A_1319 = tpu.memref_slice %arg13[%dma_wait3A_1304] : memref<2x!tpu.dma_semaphore, #tpu.memory_space<semaphore_mem>> -> memref<1x!tpu.dma_semaphore, #tpu.memory_space<semaphore_mem>>
      %dma_wait3A_1320 = tpu.memref_squeeze %dma_wait3A_1319 : memref<1x!tpu.dma_semaphore, #tpu.memory_space<semaphore_mem>> -> memref<!tpu.dma_semaphore, #tpu.memory_space<semaphore_mem>>
      tpu.wait_indirect_dma semaphore(%dma_wait3A_1320 : memref<!tpu.dma_semaphore, #tpu.memory_space<semaphore_mem>>) src(%dma_wait3A_1318 : memref<10240x16xf32, #tpu.memory_space<hbm>>) dst(%dma_wait3A_1308 : memref<128x16xf32, #tpu.memory_space<vmem>>)
      %run_scoped3A_1321 = arith.constant 0 : i32
      %run_scoped3A_1322 = arith.constant 0 : i32
      %run_scoped3A_1323 = arith.constant 3 : i32
      %run_scoped3A_1324 = arith.constant 1 : i32
      "tpu.region"() ({
        %run_scoped3A_1325 = tpu.sem_alloc : memref<!tpu.dma_semaphore, #tpu.memory_space<semaphore_mem>>
        %dma_start3A_1326 = arith.constant 0 : i32
        %dma_start3A_1327 = arith.constant 0 : i32
        %dma_start3A_1328 = tpu.memref_slice %arg10[%run_scoped3A_1321, %run_scoped3A_1322, %dma_start3A_1326, %dma_start3A_1327] : memref<2x6x128x16xf32, #tpu.memory_space<vmem>> -> memref<1x1x128x16xf32, #tpu.memory_space<vmem>>
        %dma_start3A_1329 = tpu.memref_squeeze %dma_start3A_1328 : memref<1x1x128x16xf32, #tpu.memory_space<vmem>> -> memref<128x16xf32, #tpu.memory_space<vmem>>
        %dma_start3A_1330 = arith.constant 0 : i32
        %dma_start3A_1331 = tpu.memref_slice %arg9[%run_scoped3A_1323, %run_scoped3A_1324, %dma_start3A_1330] : memref<4x2x128xi32, #tpu.memory_space<vmem>> -> memref<1x1x128xi32, #tpu.memory_space<vmem>>
        %dma_start3A_1332 = tpu.memref_squeeze %dma_start3A_1331 : memref<1x1x128xi32, #tpu.memory_space<vmem>> -> memref<128xi32, #tpu.memory_space<vmem>>
        %dma_start3A_1333 = arith.constant 0 : i32
        %dma_start3A_1334 = arith.constant 0 : i32
        %dma_start3A_1335 = tpu.memref_slice %arg12[%select_n3A_30, %dma_start3A_1333, %dma_start3A_1334] : memref<2x10240x16xf32, #tpu.memory_space<vmem_shared>> -> memref<1x10240x16xf32, #tpu.memory_space<vmem_shared>>
        %dma_start3A_1336 = tpu.memref_squeeze %dma_start3A_1335 : memref<1x10240x16xf32, #tpu.memory_space<vmem_shared>> -> memref<10240x16xf32, #tpu.memory_space<vmem_shared>>
        %dma_start3A_1337 = arith.constant 0 : i32
        %dma_start3A_1338 = arith.constant 0 : i32
        %dma_start3A_1339 = tpu.memref_slice %dma_start3A_1336[%dma_start3A_1337, %dma_start3A_1338] : memref<10240x16xf32, #tpu.memory_space<vmem_shared>> -> memref<10240x16xf32, #tpu.memory_space<vmem_shared>>
        tpu.enqueue_indirect_dma source(%dma_start3A_1329 : memref<128x16xf32, #tpu.memory_space<vmem>>) target(%dma_start3A_1339 : memref<10240x16xf32, #tpu.memory_space<vmem_shared>>) offsets(%dma_start3A_1332 : memref<128xi32, #tpu.memory_space<vmem>>) semaphore(%run_scoped3A_1325 : memref<!tpu.dma_semaphore, #tpu.memory_space<semaphore_mem>>) {add = true}
        %dma_wait3A_1340 = arith.constant 0 : i32
        %dma_wait3A_1341 = arith.constant 0 : i32
        %dma_wait3A_1342 = tpu.memref_slice %arg10[%run_scoped3A_1321, %run_scoped3A_1322, %dma_wait3A_1340, %dma_wait3A_1341] : memref<2x6x128x16xf32, #tpu.memory_space<vmem>> -> memref<1x1x128x16xf32, #tpu.memory_space<vmem>>
        %dma_wait3A_1343 = tpu.memref_squeeze %dma_wait3A_1342 : memref<1x1x128x16xf32, #tpu.memory_space<vmem>> -> memref<128x16xf32, #tpu.memory_space<vmem>>
        %dma_wait3A_1344 = arith.constant 0 : i32
        %dma_wait3A_1345 = tpu.memref_slice %arg9[%run_scoped3A_1323, %run_scoped3A_1324, %dma_wait3A_1344] : memref<4x2x128xi32, #tpu.memory_space<vmem>> -> memref<1x1x128xi32, #tpu.memory_space<vmem>>
        %dma_wait3A_1346 = tpu.memref_squeeze %dma_wait3A_1345 : memref<1x1x128xi32, #tpu.memory_space<vmem>> -> memref<128xi32, #tpu.memory_space<vmem>>
        %dma_wait3A_1347 = arith.constant 0 : i32
        %dma_wait3A_1348 = arith.constant 0 : i32
        %dma_wait3A_1349 = tpu.memref_slice %arg12[%select_n3A_30, %dma_wait3A_1347, %dma_wait3A_1348] : memref<2x10240x16xf32, #tpu.memory_space<vmem_shared>> -> memref<1x10240x16xf32, #tpu.memory_space<vmem_shared>>
        %dma_wait3A_1350 = tpu.memref_squeeze %dma_wait3A_1349 : memref<1x10240x16xf32, #tpu.memory_space<vmem_shared>> -> memref<10240x16xf32, #tpu.memory_space<vmem_shared>>
        %dma_wait3A_1351 = arith.constant 0 : i32
        %dma_wait3A_1352 = arith.constant 0 : i32
        %dma_wait3A_1353 = tpu.memref_slice %dma_wait3A_1350[%dma_wait3A_1351, %dma_wait3A_1352] : memref<10240x16xf32, #tpu.memory_space<vmem_shared>> -> memref<10240x16xf32, #tpu.memory_space<vmem_shared>>
        tpu.wait_indirect_dma semaphore(%run_scoped3A_1325 : memref<!tpu.dma_semaphore, #tpu.memory_space<semaphore_mem>>) src(%dma_wait3A_1343 : memref<128x16xf32, #tpu.memory_space<vmem>>) dst(%dma_wait3A_1353 : memref<10240x16xf32, #tpu.memory_space<vmem_shared>>)
        tpu.yield
      }) : () -> ()
    } else {
    }
    %barrier3A_1136 = arith.constant 0 : index
    tpu.barrier barrier_id(%barrier3A_1136)
    %run_scoped3A_1137 = arith.constant 0 : i32
    %run_scoped3A_1138 = arith.constant 0 : i32
    "tpu.region"() ({
      %run_scoped3A_1141 = tpu.sem_alloc : memref<!tpu.dma_semaphore, #tpu.memory_space<semaphore_mem>>
      %dma_start3A_1142 = arith.constant 0 : i32
      %dma_start3A_1143 = arith.constant 0 : i32
      %dma_start3A_1144 = arith.constant 0 : i32
      %dma_start3A_1145 = tpu.memref_slice %arg7[%arg0, %dma_start3A_1142, %dma_start3A_1143, %dma_start3A_1144] : memref<2x2x10240x16xf32, #tpu.memory_space<hbm>> -> memref<1x2x10240x16xf32, #tpu.memory_space<hbm>>
      %dma_start3A_1146 = tpu.memref_squeeze %dma_start3A_1145 : memref<1x2x10240x16xf32, #tpu.memory_space<hbm>> -> memref<2x10240x16xf32, #tpu.memory_space<hbm>>
      %dma_start3A_1147 = arith.constant 0 : i32
      %dma_start3A_1148 = arith.constant 0 : i32
      %dma_start3A_1149 = tpu.memref_slice %dma_start3A_1146[%run_scoped3A_1138, %dma_start3A_1147, %dma_start3A_1148] : memref<2x10240x16xf32, #tpu.memory_space<hbm>> -> memref<1x10240x16xf32, #tpu.memory_space<hbm>>
      %dma_start3A_1150 = tpu.memref_squeeze %dma_start3A_1149 : memref<1x10240x16xf32, #tpu.memory_space<hbm>> -> memref<10240x16xf32, #tpu.memory_space<hbm>>
      %dma_start3A_1151 = arith.constant 0 : i32
      %dma_start3A_1152 = tpu.memref_slice %dma_start3A_1150[%mul3A_55, %dma_start3A_1151] : memref<10240x16xf32, #tpu.memory_space<hbm>> -> memref<640x16xf32, #tpu.memory_space<hbm>>
      %dma_start3A_1153 = arith.constant 0 : i32
      %dma_start3A_1154 = arith.constant 0 : i32
      %dma_start3A_1155 = tpu.memref_slice %arg12[%run_scoped3A_1137, %dma_start3A_1153, %dma_start3A_1154] : memref<2x10240x16xf32, #tpu.memory_space<vmem_shared>> -> memref<1x10240x16xf32, #tpu.memory_space<vmem_shared>>
      %dma_start3A_1156 = tpu.memref_squeeze %dma_start3A_1155 : memref<1x10240x16xf32, #tpu.memory_space<vmem_shared>> -> memref<10240x16xf32, #tpu.memory_space<vmem_shared>>
      %dma_start3A_1157 = arith.constant 0 : i32
      %dma_start3A_1158 = tpu.memref_slice %dma_start3A_1156[%mul3A_55, %dma_start3A_1157] : memref<10240x16xf32, #tpu.memory_space<vmem_shared>> -> memref<640x16xf32, #tpu.memory_space<vmem_shared>>
      tpu.enqueue_dma source(%dma_start3A_1158 : memref<640x16xf32, #tpu.memory_space<vmem_shared>>) target(%dma_start3A_1152 : memref<640x16xf32, #tpu.memory_space<hbm>>) target_semaphore(%run_scoped3A_1141 : memref<!tpu.dma_semaphore, #tpu.memory_space<semaphore_mem>>)
      %dma_wait3A_1159 = arith.constant 0 : i32
      %dma_wait3A_1160 = arith.constant 0 : i32
      %dma_wait3A_1161 = arith.constant 0 : i32
      %dma_wait3A_1162 = tpu.memref_slice %arg7[%arg0, %dma_wait3A_1159, %dma_wait3A_1160, %dma_wait3A_1161] : memref<2x2x10240x16xf32, #tpu.memory_space<hbm>> -> memref<1x2x10240x16xf32, #tpu.memory_space<hbm>>
      %dma_wait3A_1163 = tpu.memref_squeeze %dma_wait3A_1162 : memref<1x2x10240x16xf32, #tpu.memory_space<hbm>> -> memref<2x10240x16xf32, #tpu.memory_space<hbm>>
      %dma_wait3A_1164 = arith.constant 0 : i32
      %dma_wait3A_1165 = arith.constant 0 : i32
      %dma_wait3A_1166 = tpu.memref_slice %dma_wait3A_1163[%run_scoped3A_1138, %dma_wait3A_1164, %dma_wait3A_1165] : memref<2x10240x16xf32, #tpu.memory_space<hbm>> -> memref<1x10240x16xf32, #tpu.memory_space<hbm>>
      %dma_wait3A_1167 = tpu.memref_squeeze %dma_wait3A_1166 : memref<1x10240x16xf32, #tpu.memory_space<hbm>> -> memref<10240x16xf32, #tpu.memory_space<hbm>>
      %dma_wait3A_1168 = arith.constant 0 : i32
      %dma_wait3A_1169 = tpu.memref_slice %dma_wait3A_1167[%mul3A_55, %dma_wait3A_1168] : memref<10240x16xf32, #tpu.memory_space<hbm>> -> memref<640x16xf32, #tpu.memory_space<hbm>>
      %dma_wait3A_1170 = arith.constant 0 : i32
      %dma_wait3A_1171 = arith.constant 0 : i32
      %dma_wait3A_1172 = tpu.memref_slice %arg12[%run_scoped3A_1137, %dma_wait3A_1170, %dma_wait3A_1171] : memref<2x10240x16xf32, #tpu.memory_space<vmem_shared>> -> memref<1x10240x16xf32, #tpu.memory_space<vmem_shared>>
      %dma_wait3A_1173 = tpu.memref_squeeze %dma_wait3A_1172 : memref<1x10240x16xf32, #tpu.memory_space<vmem_shared>> -> memref<10240x16xf32, #tpu.memory_space<vmem_shared>>
      %dma_wait3A_1174 = arith.constant 0 : i32
      %dma_wait3A_1175 = tpu.memref_slice %dma_wait3A_1173[%mul3A_55, %dma_wait3A_1174] : memref<10240x16xf32, #tpu.memory_space<vmem_shared>> -> memref<640x16xf32, #tpu.memory_space<vmem_shared>>
      tpu.wait_dma2 semaphore(%run_scoped3A_1141 : memref<!tpu.dma_semaphore, #tpu.memory_space<semaphore_mem>>) src(%dma_wait3A_1175 : memref<640x16xf32, #tpu.memory_space<vmem_shared>>) dst(%dma_wait3A_1169 : memref<640x16xf32, #tpu.memory_space<hbm>>)
      tpu.yield
    }) : () -> ()
    %run_scoped3A_1139 = arith.constant 1 : i32
    %run_scoped3A_1140 = arith.constant 1 : i32
    "tpu.region"() ({
      %run_scoped3A_1141 = tpu.sem_alloc : memref<!tpu.dma_semaphore, #tpu.memory_space<semaphore_mem>>
      %dma_start3A_1142 = arith.constant 0 : i32
      %dma_start3A_1143 = arith.constant 0 : i32
      %dma_start3A_1144 = arith.constant 0 : i32
      %dma_start3A_1145 = tpu.memref_slice %arg7[%arg0, %dma_start3A_1142, %dma_start3A_1143, %dma_start3A_1144] : memref<2x2x10240x16xf32, #tpu.memory_space<hbm>> -> memref<1x2x10240x16xf32, #tpu.memory_space<hbm>>
      %dma_start3A_1146 = tpu.memref_squeeze %dma_start3A_1145 : memref<1x2x10240x16xf32, #tpu.memory_space<hbm>> -> memref<2x10240x16xf32, #tpu.memory_space<hbm>>
      %dma_start3A_1147 = arith.constant 0 : i32
      %dma_start3A_1148 = arith.constant 0 : i32
      %dma_start3A_1149 = tpu.memref_slice %dma_start3A_1146[%run_scoped3A_1140, %dma_start3A_1147, %dma_start3A_1148] : memref<2x10240x16xf32, #tpu.memory_space<hbm>> -> memref<1x10240x16xf32, #tpu.memory_space<hbm>>
      %dma_start3A_1150 = tpu.memref_squeeze %dma_start3A_1149 : memref<1x10240x16xf32, #tpu.memory_space<hbm>> -> memref<10240x16xf32, #tpu.memory_space<hbm>>
      %dma_start3A_1151 = arith.constant 0 : i32
      %dma_start3A_1152 = tpu.memref_slice %dma_start3A_1150[%mul3A_55, %dma_start3A_1151] : memref<10240x16xf32, #tpu.memory_space<hbm>> -> memref<640x16xf32, #tpu.memory_space<hbm>>
      %dma_start3A_1153 = arith.constant 0 : i32
      %dma_start3A_1154 = arith.constant 0 : i32
      %dma_start3A_1155 = tpu.memref_slice %arg12[%run_scoped3A_1139, %dma_start3A_1153, %dma_start3A_1154] : memref<2x10240x16xf32, #tpu.memory_space<vmem_shared>> -> memref<1x10240x16xf32, #tpu.memory_space<vmem_shared>>
      %dma_start3A_1156 = tpu.memref_squeeze %dma_start3A_1155 : memref<1x10240x16xf32, #tpu.memory_space<vmem_shared>> -> memref<10240x16xf32, #tpu.memory_space<vmem_shared>>
      %dma_start3A_1157 = arith.constant 0 : i32
      %dma_start3A_1158 = tpu.memref_slice %dma_start3A_1156[%mul3A_55, %dma_start3A_1157] : memref<10240x16xf32, #tpu.memory_space<vmem_shared>> -> memref<640x16xf32, #tpu.memory_space<vmem_shared>>
      tpu.enqueue_dma source(%dma_start3A_1158 : memref<640x16xf32, #tpu.memory_space<vmem_shared>>) target(%dma_start3A_1152 : memref<640x16xf32, #tpu.memory_space<hbm>>) target_semaphore(%run_scoped3A_1141 : memref<!tpu.dma_semaphore, #tpu.memory_space<semaphore_mem>>)
      %dma_wait3A_1159 = arith.constant 0 : i32
      %dma_wait3A_1160 = arith.constant 0 : i32
      %dma_wait3A_1161 = arith.constant 0 : i32
      %dma_wait3A_1162 = tpu.memref_slice %arg7[%arg0, %dma_wait3A_1159, %dma_wait3A_1160, %dma_wait3A_1161] : memref<2x2x10240x16xf32, #tpu.memory_space<hbm>> -> memref<1x2x10240x16xf32, #tpu.memory_space<hbm>>
      %dma_wait3A_1163 = tpu.memref_squeeze %dma_wait3A_1162 : memref<1x2x10240x16xf32, #tpu.memory_space<hbm>> -> memref<2x10240x16xf32, #tpu.memory_space<hbm>>
      %dma_wait3A_1164 = arith.constant 0 : i32
      %dma_wait3A_1165 = arith.constant 0 : i32
      %dma_wait3A_1166 = tpu.memref_slice %dma_wait3A_1163[%run_scoped3A_1140, %dma_wait3A_1164, %dma_wait3A_1165] : memref<2x10240x16xf32, #tpu.memory_space<hbm>> -> memref<1x10240x16xf32, #tpu.memory_space<hbm>>
      %dma_wait3A_1167 = tpu.memref_squeeze %dma_wait3A_1166 : memref<1x10240x16xf32, #tpu.memory_space<hbm>> -> memref<10240x16xf32, #tpu.memory_space<hbm>>
      %dma_wait3A_1168 = arith.constant 0 : i32
      %dma_wait3A_1169 = tpu.memref_slice %dma_wait3A_1167[%mul3A_55, %dma_wait3A_1168] : memref<10240x16xf32, #tpu.memory_space<hbm>> -> memref<640x16xf32, #tpu.memory_space<hbm>>
      %dma_wait3A_1170 = arith.constant 0 : i32
      %dma_wait3A_1171 = arith.constant 0 : i32
      %dma_wait3A_1172 = tpu.memref_slice %arg12[%run_scoped3A_1139, %dma_wait3A_1170, %dma_wait3A_1171] : memref<2x10240x16xf32, #tpu.memory_space<vmem_shared>> -> memref<1x10240x16xf32, #tpu.memory_space<vmem_shared>>
      %dma_wait3A_1173 = tpu.memref_squeeze %dma_wait3A_1172 : memref<1x10240x16xf32, #tpu.memory_space<vmem_shared>> -> memref<10240x16xf32, #tpu.memory_space<vmem_shared>>
      %dma_wait3A_1174 = arith.constant 0 : i32
      %dma_wait3A_1175 = tpu.memref_slice %dma_wait3A_1173[%mul3A_55, %dma_wait3A_1174] : memref<10240x16xf32, #tpu.memory_space<vmem_shared>> -> memref<640x16xf32, #tpu.memory_space<vmem_shared>>
      tpu.wait_dma2 semaphore(%run_scoped3A_1141 : memref<!tpu.dma_semaphore, #tpu.memory_space<semaphore_mem>>) src(%dma_wait3A_1175 : memref<640x16xf32, #tpu.memory_space<vmem_shared>>) dst(%dma_wait3A_1169 : memref<640x16xf32, #tpu.memory_space<hbm>>)
      tpu.yield
    }) : () -> ()
    return
  }
}

module attributes {stable_mosaic.version = 14 : i64} {
  func.func @_tables_body(%arg0: i32, %arg1: memref<1250x1024xf32, #tpu.memory_space<vmem>>, %arg2: memref<1250x1024xf32, #tpu.memory_space<vmem>>, %arg3: memref<1x1024x128xf32, #tpu.memory_space<vmem>>, %arg4: memref<1x1280x128xf32, #tpu.memory_space<vmem>>) attributes {dimension_semantics = [#tpu.dimension_semantics<arbitrary>], iteration_bounds = array<i64: 4>, scalar_prefetch = 0 : i64, scratch_operands = 0 : i64, tpu.core_type = #tpu.core_type<tc>, window_params = [{pipeline_mode = #tpu.pipeline_mode<synchronous>, transform_indices = @transform_0, window_bounds = array<i64: 1250, 1024>}, {pipeline_mode = #tpu.pipeline_mode<synchronous>, transform_indices = @transform_1, window_bounds = array<i64: 1250, 1024>}, {transform_indices = @transform_2, window_bounds = array<i64: 1, 1024, 128>}, {transform_indices = @transform_3, window_bounds = array<i64: 1, 1280, 128>}]} {
    %iota3A = tpu.iota {dimensions = array<i32: 1>} : vector<1250x128xi32>
    %jit3A = arith.constant 16 : i32
    %eq3A = arith.constant 0 : i32
    %eq3A_0 = arith.cmpi eq, %jit3A, %eq3A : i32
    %jit3A_1 = arith.constant 1 : i32
    %select_n3A = arith.select %eq3A_0, %jit3A_1, %jit3A : i32
    %rem3A = vector.broadcast %select_n3A : i32 to vector<1250x128xi32>
    %rem3A_2 = arith.remsi %iota3A, %rem3A : vector<1250x128xi32>
    %ne3A = arith.constant 0 : i32
    %ne3A_3 = vector.broadcast %ne3A : i32 to vector<1250x128xi32>
    %ne3A_4 = arith.cmpi ne, %rem3A_2, %ne3A_3 : vector<1250x128xi32>
    %lt3A = arith.constant 0 : i32
    %lt3A_5 = vector.broadcast %lt3A : i32 to vector<1250x128xi32>
    %lt3A_6 = arith.cmpi slt, %rem3A_2, %lt3A_5 : vector<1250x128xi32>
    %lt3A_7 = arith.constant 0 : i32
    %lt3A_8 = arith.cmpi slt, %select_n3A, %lt3A_7 : i32
    %ne3A_9 = vector.broadcast %lt3A_8 : i1 to vector<1250x128xi1>
    %ne3A_10 = vector.broadcast %ne3A_9 : vector<1250x128xi1> to vector<1250x128xi1>
    %ne3A_11 = arith.xori %lt3A_6, %ne3A_10 : vector<1250x128xi1>
    %and3A = arith.andi %ne3A_11, %ne3A_4 : vector<1250x128xi1>
    %add3A = vector.broadcast %select_n3A : i32 to vector<1250x128xi32>
    %add3A_12 = arith.addi %rem3A_2, %add3A : vector<1250x128xi32>
    %select_n3A_13 = arith.select %and3A, %add3A_12, %rem3A_2 : vector<1250x128xi1>, vector<1250x128xi32>
    %eq3A_14 = arith.constant 8 : i32
    %eq3A_15 = vector.broadcast %eq3A_14 : i32 to vector<1250x128xi32>
    %eq3A_16 = arith.cmpi eq, %select_n3A_13, %eq3A_15 : vector<1250x128xi32>
    %jit3A_17 = arith.constant 1.000000e+00 : f32
    %jit3A_18 = arith.constant 0.000000e+00 : f32
    %broadcast_in_dim3A = vector.broadcast %jit3A_17 : f32 to vector<1250x128xf32>
    %broadcast_in_dim3A_19 = vector.broadcast %jit3A_18 : f32 to vector<1250x128xf32>
    %select_n3A_20 = arith.select %eq3A_16, %broadcast_in_dim3A, %broadcast_in_dim3A_19 : vector<1250x128xi1>, vector<1250x128xf32>
    %broadcast_in_dim3A_21 = arith.constant 0.000000e+00 : f32
    %broadcast_in_dim3A_22 = vector.broadcast %broadcast_in_dim3A_21 : f32 to vector<30x128xf32>
    %lt3A_23 = arith.constant 2 : i32
    %lt3A_24 = arith.cmpi slt, %arg0, %lt3A_23 : i32
    %convert_element_type3A = arith.extui %lt3A_24 : i1 to i32
    %cond3A = arith.constant 0 : i32
    %cond3A_25 = arith.cmpi ne, %convert_element_type3A, %cond3A : i32
    scf.if %cond3A_25 {
      %get3A = arith.constant 0 : index
      %get3A_30 = arith.constant 0 : index
      %get3A_31 = vector.load %arg1[%get3A, %get3A_30] : memref<1250x1024xf32, #tpu.memory_space<vmem>>, vector<1250x1024xf32>
      %get3A_32 = arith.constant 0 : index
      %get3A_33 = arith.constant 0 : index
      %get3A_34 = arith.constant 0 : index
      %get3A_35 = vector.load %arg3[%get3A_32, %get3A_33, %get3A_34] : memref<1x1024x128xf32, #tpu.memory_space<vmem>>, vector<1x1024x128xf32>
      %get3A_36 = vector.shape_cast %get3A_35 : vector<1x1024x128xf32> to vector<1024x128xf32>
      %dot_general3A = arith.constant dense<0.000000e+00> : vector<1250x128xf32>
      %dot_general3A_37 = tpu.matmul %get3A_31, %get3A_36, %dot_general3A {dimension_numbers = #tpu.dot_dimension_numbers<[1], [0], [0], [1], [0, 0, 1, 1], [], []>, transpose_lhs_hint = false} : vector<1250x1024xf32>, vector<1024x128xf32>, vector<1250x128xf32> -> vector<1250x128xf32>
      %add3A_38 = arith.addf %dot_general3A_37, %select_n3A_20 : vector<1250x128xf32>
      %concatenate3A = tpu.concatenate %add3A_38, %broadcast_in_dim3A_22 in 0 : vector<1250x128xf32>, vector<30x128xf32> -> vector<1280x128xf32>
      %swap3A = arith.constant 0 : index
      %swap3A_39 = arith.constant 0 : index
      %swap3A_40 = arith.constant 0 : index
      %swap3A_41 = vector.load %arg4[%swap3A, %swap3A_39, %swap3A_40] : memref<1x1280x128xf32, #tpu.memory_space<vmem>>, vector<1x1280x128xf32>
      %swap3A_42 = vector.shape_cast %swap3A_41 : vector<1x1280x128xf32> to vector<1280x128xf32>
      %swap3A_43 = vector.shape_cast %concatenate3A : vector<1280x128xf32> to vector<1x1280x128xf32>
      tpu.vector_store %arg4[%swap3A, %swap3A_39, %swap3A_40], %swap3A_43 {strides = array<i32>} : memref<1x1280x128xf32, #tpu.memory_space<vmem>>, vector<1x1280x128xf32>,
    } else {
    }
    %ge3A = arith.constant 2 : i32
    %ge3A_26 = arith.cmpi sge, %arg0, %ge3A : i32
    %convert_element_type3A_27 = arith.extui %ge3A_26 : i1 to i32
    %cond3A_28 = arith.constant 0 : i32
    %cond3A_29 = arith.cmpi ne, %convert_element_type3A_27, %cond3A_28 : i32
    scf.if %cond3A_29 {
      %get3A = arith.constant 0 : index
      %get3A_30 = arith.constant 0 : index
      %get3A_31 = vector.load %arg2[%get3A, %get3A_30] : memref<1250x1024xf32, #tpu.memory_space<vmem>>, vector<1250x1024xf32>
      %get3A_32 = arith.constant 0 : index
      %get3A_33 = arith.constant 0 : index
      %get3A_34 = arith.constant 0 : index
      %get3A_35 = vector.load %arg3[%get3A_32, %get3A_33, %get3A_34] : memref<1x1024x128xf32, #tpu.memory_space<vmem>>, vector<1x1024x128xf32>
      %get3A_36 = vector.shape_cast %get3A_35 : vector<1x1024x128xf32> to vector<1024x128xf32>
      %dot_general3A = arith.constant dense<0.000000e+00> : vector<1250x128xf32>
      %dot_general3A_37 = tpu.matmul %get3A_31, %get3A_36, %dot_general3A {dimension_numbers = #tpu.dot_dimension_numbers<[1], [0], [0], [1], [0, 0, 1, 1], [], []>, transpose_lhs_hint = false} : vector<1250x1024xf32>, vector<1024x128xf32>, vector<1250x128xf32> -> vector<1250x128xf32>
      %add3A_38 = arith.addf %dot_general3A_37, %select_n3A_20 : vector<1250x128xf32>
      %concatenate3A = tpu.concatenate %add3A_38, %broadcast_in_dim3A_22 in 0 : vector<1250x128xf32>, vector<30x128xf32> -> vector<1280x128xf32>
      %swap3A = arith.constant 0 : index
      %swap3A_39 = arith.constant 0 : index
      %swap3A_40 = arith.constant 0 : index
      %swap3A_41 = vector.load %arg4[%swap3A, %swap3A_39, %swap3A_40] : memref<1x1280x128xf32, #tpu.memory_space<vmem>>, vector<1x1280x128xf32>
      %swap3A_42 = vector.shape_cast %swap3A_41 : vector<1x1280x128xf32> to vector<1280x128xf32>
      %swap3A_43 = vector.shape_cast %concatenate3A : vector<1280x128xf32> to vector<1x1280x128xf32>
      tpu.vector_store %arg4[%swap3A, %swap3A_39, %swap3A_40], %swap3A_43 {strides = array<i32>} : memref<1x1280x128xf32, #tpu.memory_space<vmem>>, vector<1x1280x128xf32>,
    } else {
    }
    return
  }
  func.func @transform_0(%arg0: i32) -> (i32, i32) {
    %c0_i32 = arith.constant 0 : i32
    %c0_i32_0 = arith.constant 0 : i32
    %c0_i32_1 = arith.constant 0 : i32
    return %c0_i32, %c0_i32_0 : i32, i32
  }
  func.func @transform_1(%arg0: i32) -> (i32, i32) {
    %c0_i32 = arith.constant 0 : i32
    %c0_i32_0 = arith.constant 0 : i32
    %c0_i32_1 = arith.constant 0 : i32
    return %c0_i32, %c0_i32_0 : i32, i32
  }
  func.func @transform_2(%arg0: i32) -> (i32, i32, i32) {
    %c0_i32 = arith.constant 0 : i32
    %c0_i32_0 = arith.constant 0 : i32
    %c0_i32_1 = arith.constant 0 : i32
    return %arg0, %c0_i32, %c0_i32_0 : i32, i32, i32
  }
  func.func @transform_3(%arg0: i32) -> (i32, i32, i32) {
    %c0_i32 = arith.constant 0 : i32
    %c0_i32_0 = arith.constant 0 : i32
    %c0_i32_1 = arith.constant 0 : i32
    return %arg0, %c0_i32, %c0_i32_0 : i32, i32, i32
  }
}

module attributes {stable_mosaic.version = 14 : i64} {
  func.func @_combine_body(%arg0: i32, %arg1: memref<2x1x160x128xf32, #tpu.memory_space<vmem>>, %arg2: memref<2x1x160x128xf32, #tpu.memory_space<vmem>>, %arg3: memref<160x1024xf32, #tpu.memory_space<vmem>>, %arg4: memref<160x1024xf32, #tpu.memory_space<vmem>>, %arg5: memref<4x128x8xf32, #tpu.memory_space<vmem>>, %arg6: memref<2x16x128xf32, #tpu.memory_space<vmem>>, %arg7: memref<2x2x128x1024xf32, #tpu.memory_space<vmem>>, %arg8: memref<4x8xf32, #tpu.memory_space<vmem>>, %arg9: memref<2x128xf32, #tpu.memory_space<vmem>>, %arg10: memref<160x1024xf32, #tpu.memory_space<vmem>>, %arg11: memref<160x1024xf32, #tpu.memory_space<vmem>>) attributes {dimension_semantics = [#tpu.dimension_semantics<arbitrary>], iteration_bounds = array<i64: 8>, scalar_prefetch = 0 : i64, scratch_operands = 0 : i64, tpu.core_type = #tpu.core_type<tc>, window_params = [{transform_indices = @transform_0, window_bounds = array<i64: 2, 1, 160, 128>}, {transform_indices = @transform_1, window_bounds = array<i64: 2, 1, 160, 128>}, {transform_indices = @transform_2, window_bounds = array<i64: 160, 1024>}, {transform_indices = @transform_3, window_bounds = array<i64: 160, 1024>}, {pipeline_mode = #tpu.pipeline_mode<synchronous>, transform_indices = @transform_4, window_bounds = array<i64: 4, 128, 8>}, {pipeline_mode = #tpu.pipeline_mode<synchronous>, transform_indices = @transform_5, window_bounds = array<i64: 2, 16, 128>}, {pipeline_mode = #tpu.pipeline_mode<synchronous>, transform_indices = @transform_6, window_bounds = array<i64: 2, 2, 128, 1024>}, {pipeline_mode = #tpu.pipeline_mode<synchronous>, transform_indices = @transform_7, window_bounds = array<i64: 4, 8>}, {pipeline_mode = #tpu.pipeline_mode<synchronous>, transform_indices = @transform_8, window_bounds = array<i64: 2, 128>}, {transform_indices = @transform_9, window_bounds = array<i64: 160, 1024>}, {transform_indices = @transform_10, window_bounds = array<i64: 160, 1024>}]} {
    %iota3A = tpu.iota {dimensions = array<i32: 0>} : vector<128x128xi32>
    %iota3A_0 = tpu.iota {dimensions = array<i32: 1>} : vector<128x128xi32>
    %jit3A = arith.constant 16 : i32
    %div3A = vector.broadcast %jit3A : i32 to vector<128x128xi32>
    %div3A_1 = arith.divsi %iota3A_0, %div3A : vector<128x128xi32>
    %sign3A = arith.constant 0 : i32
    %sign3A_2 = vector.broadcast %sign3A : i32 to vector<128x128xi32>
    %sign3A_3 = arith.cmpi sgt, %iota3A_0, %sign3A_2 : vector<128x128xi32>
    %sign3A_4 = arith.extui %sign3A_3 : vector<128x128xi1> to vector<128x128xi32>
    %sign3A_5 = arith.constant 0 : i32
    %sign3A_6 = vector.broadcast %sign3A_5 : i32 to vector<128x128xi32>
    %sign3A_7 = arith.cmpi slt, %iota3A_0, %sign3A_6 : vector<128x128xi32>
    %sign3A_8 = arith.extui %sign3A_7 : vector<128x128xi1> to vector<128x128xi32>
    %sign3A_9 = arith.subi %sign3A_4, %sign3A_8 : vector<128x128xi32>
    %sign3A_10 = arith.constant 0 : i32
    %sign3A_11 = arith.cmpi sgt, %jit3A, %sign3A_10 : i32
    %sign3A_12 = arith.extui %sign3A_11 : i1 to i32
    %sign3A_13 = arith.constant 0 : i32
    %sign3A_14 = arith.cmpi slt, %jit3A, %sign3A_13 : i32
    %sign3A_15 = arith.extui %sign3A_14 : i1 to i32
    %sign3A_16 = arith.subi %sign3A_12, %sign3A_15 : i32
    %ne3A = vector.broadcast %sign3A_16 : i32 to vector<128x128xi32>
    %ne3A_17 = arith.cmpi ne, %sign3A_9, %ne3A : vector<128x128xi32>
    %rem3A = vector.broadcast %jit3A : i32 to vector<128x128xi32>
    %rem3A_18 = arith.remsi %iota3A_0, %rem3A : vector<128x128xi32>
    %ne3A_19 = arith.constant 0 : i32
    %ne3A_20 = vector.broadcast %ne3A_19 : i32 to vector<128x128xi32>
    %ne3A_21 = arith.cmpi ne, %rem3A_18, %ne3A_20 : vector<128x128xi32>
    %and3A = arith.andi %ne3A_17, %ne3A_21 : vector<128x128xi1>
    %sub3A = arith.constant 1 : i32
    %sub3A_22 = vector.broadcast %sub3A : i32 to vector<128x128xi32>
    %sub3A_23 = arith.subi %div3A_1, %sub3A_22 : vector<128x128xi32>
    %select_n3A = arith.select %and3A, %sub3A_23, %div3A_1 : vector<128x128xi1>, vector<128x128xi32>
    %mul3A = arith.constant 16 : i32
    %mul3A_24 = vector.broadcast %mul3A : i32 to vector<128x128xi32>
    %mul3A_25 = arith.muli %select_n3A, %mul3A_24 : vector<128x128xi32>
    %add3A = arith.constant 8 : i32
    %add3A_26 = vector.broadcast %add3A : i32 to vector<128x128xi32>
    %add3A_27 = arith.addi %mul3A_25, %add3A_26 : vector<128x128xi32>
    %eq3A = arith.cmpi eq, %iota3A, %add3A_27 : vector<128x128xi32>
    %jit3A_28 = arith.constant 1.000000e+00 : f32
    %jit3A_29 = arith.constant 0.000000e+00 : f32
    %broadcast_in_dim3A = vector.broadcast %jit3A_28 : f32 to vector<128x128xf32>
    %broadcast_in_dim3A_30 = vector.broadcast %jit3A_29 : f32 to vector<128x128xf32>
    %select_n3A_31 = arith.select %eq3A, %broadcast_in_dim3A, %broadcast_in_dim3A_30 : vector<128x128xi1>, vector<128x128xf32>
    %get3A = arith.constant 0 : index
    %get3A_32 = arith.constant 0 : index
    %get3A_33 = vector.load %arg3[%get3A, %get3A_32] : memref<160x1024xf32, #tpu.memory_space<vmem>>, vector<160x1024xf32>
    %get3A_34 = arith.constant 0 : index
    %get3A_35 = arith.constant 0 : index
    %get3A_36 = arith.constant 0 : index
    %get3A_37 = vector.load %arg6[%get3A_34, %get3A_35, %get3A_36] : memref<2x16x128xf32, #tpu.memory_space<vmem>>, vector<1x16x128xf32>
    %get3A_38 = vector.shape_cast %get3A_37 : vector<1x16x128xf32> to vector<16x128xf32>
    %get3A_39 = arith.constant 0 : index
    %get3A_40 = arith.constant 0 : index
    %get3A_41 = arith.constant 0 : index
    %get3A_42 = arith.constant 0 : index
    %get3A_43 = vector.load %arg1[%get3A_39, %get3A_40, %get3A_41, %get3A_42] : memref<2x1x160x128xf32, #tpu.memory_space<vmem>>, vector<1x1x160x128xf32>
    %get3A_44 = vector.shape_cast %get3A_43 : vector<1x1x160x128xf32> to vector<160x128xf32>
    %dot_general3A = arith.constant dense<0.000000e+00> : vector<160x128xf32>
    %dot_general3A_45 = tpu.matmul %get3A_44, %select_n3A_31, %dot_general3A {dimension_numbers = #tpu.dot_dimension_numbers<[1], [0], [0], [1], [0, 0, 1, 1], [], []>, transpose_lhs_hint = false} : vector<160x128xf32>, vector<128x128xf32>, vector<160x128xf32> -> vector<160x128xf32>
    %max3A = arith.constant 1.000000e+00 : f32
    %max3A_46 = vector.broadcast %max3A : f32 to vector<160x128xf32>
    %max3A_47 = arith.maximumf %dot_general3A_45, %max3A_46 : vector<160x128xf32>
    %div3A_48 = arith.divf %get3A_44, %max3A_47 : vector<160x128xf32>
    %get3A_49 = arith.constant 0 : index
    %get3A_50 = arith.constant 0 : index
    %get3A_51 = arith.constant 0 : index
    %get3A_52 = arith.constant 0 : index
    %get3A_53 = vector.load %arg7[%get3A_49, %get3A_50, %get3A_51, %get3A_52] : memref<2x2x128x1024xf32, #tpu.memory_space<vmem>>, vector<1x1x128x1024xf32>
    %get3A_54 = vector.shape_cast %get3A_53 : vector<1x1x128x1024xf32> to vector<128x1024xf32>
    %dot_general3A_55 = arith.constant dense<0.000000e+00> : vector<160x1024xf32>
    %dot_general3A_56 = tpu.matmul %div3A_48, %get3A_54, %dot_general3A_55 {dimension_numbers = #tpu.dot_dimension_numbers<[1], [0], [0], [1], [0, 0, 1, 1], [], []>, transpose_lhs_hint = false} : vector<160x128xf32>, vector<128x1024xf32>, vector<160x1024xf32> -> vector<160x1024xf32>
    %get3A_57 = arith.constant 1 : index
    %get3A_58 = arith.constant 0 : index
    %get3A_59 = arith.constant 0 : index
    %get3A_60 = arith.constant 0 : index
    %get3A_61 = vector.load %arg1[%get3A_57, %get3A_58, %get3A_59, %get3A_60] : memref<2x1x160x128xf32, #tpu.memory_space<vmem>>, vector<1x1x160x128xf32>
    %get3A_62 = vector.shape_cast %get3A_61 : vector<1x1x160x128xf32> to vector<160x128xf32>
    %dot_general3A_63 = arith.constant dense<0.000000e+00> : vector<160x128xf32>
    %dot_general3A_64 = tpu.matmul %get3A_62, %select_n3A_31, %dot_general3A_63 {dimension_numbers = #tpu.dot_dimension_numbers<[1], [0], [0], [1], [0, 0, 1, 1], [], []>, transpose_lhs_hint = false} : vector<160x128xf32>, vector<128x128xf32>, vector<160x128xf32> -> vector<160x128xf32>
    %max3A_65 = arith.constant 1.000000e+00 : f32
    %max3A_66 = vector.broadcast %max3A_65 : f32 to vector<160x128xf32>
    %max3A_67 = arith.maximumf %dot_general3A_64, %max3A_66 : vector<160x128xf32>
    %div3A_68 = arith.divf %get3A_62, %max3A_67 : vector<160x128xf32>
    %get3A_69 = arith.constant 0 : index
    %get3A_70 = arith.constant 1 : index
    %get3A_71 = arith.constant 0 : index
    %get3A_72 = arith.constant 0 : index
    %get3A_73 = vector.load %arg7[%get3A_69, %get3A_70, %get3A_71, %get3A_72] : memref<2x2x128x1024xf32, #tpu.memory_space<vmem>>, vector<1x1x128x1024xf32>
    %get3A_74 = vector.shape_cast %get3A_73 : vector<1x1x128x1024xf32> to vector<128x1024xf32>
    %dot_general3A_75 = arith.constant dense<0.000000e+00> : vector<160x1024xf32>
    %dot_general3A_76 = tpu.matmul %div3A_68, %get3A_74, %dot_general3A_75 {dimension_numbers = #tpu.dot_dimension_numbers<[1], [0], [0], [1], [0, 0, 1, 1], [], []>, transpose_lhs_hint = false} : vector<160x128xf32>, vector<128x1024xf32>, vector<160x1024xf32> -> vector<160x1024xf32>
    %add3A_77 = arith.addf %dot_general3A_56, %dot_general3A_76 : vector<160x1024xf32>
    %get3A_78 = arith.constant 0 : index
    %get3A_79 = arith.constant 0 : index
    %get3A_80 = arith.constant 0 : index
    %get3A_81 = vector.load %arg5[%get3A_78, %get3A_79, %get3A_80] : memref<4x128x8xf32, #tpu.memory_space<vmem>>, vector<1x128x8xf32>
    %get3A_82 = vector.shape_cast %get3A_81 : vector<1x128x8xf32> to vector<128x8xf32>
    %slice3A = vector.extract_strided_slice %get3A_38 {offsets = [0, 0], sizes = [8, 128], strides = [1, 1]} : vector<16x128xf32> to vector<8x128xf32>
    %dot_general3A_83 = arith.constant dense<0.000000e+00> : vector<128x128xf32>
    %dot_general3A_84 = tpu.matmul %get3A_82, %slice3A, %dot_general3A_83 {dimension_numbers = #tpu.dot_dimension_numbers<[1], [0], [0], [1], [0, 0, 1, 1], [], []>, transpose_lhs_hint = false} : vector<128x8xf32>, vector<8x128xf32>, vector<128x128xf32> -> vector<128x128xf32>
    %get3A_85 = arith.constant 2 : index
    %get3A_86 = arith.constant 0 : index
    %get3A_87 = arith.constant 0 : index
    %get3A_88 = vector.load %arg5[%get3A_85, %get3A_86, %get3A_87] : memref<4x128x8xf32, #tpu.memory_space<vmem>>, vector<1x128x8xf32>
    %get3A_89 = vector.shape_cast %get3A_88 : vector<1x128x8xf32> to vector<128x8xf32>
    %slice3A_90 = vector.extract_strided_slice %get3A_38 {offsets = [8, 0], sizes = [8, 128], strides = [1, 1]} : vector<16x128xf32> to vector<8x128xf32>
    %dot_general3A_91 = arith.constant dense<0.000000e+00> : vector<128x128xf32>
    %dot_general3A_92 = tpu.matmul %get3A_89, %slice3A_90, %dot_general3A_91 {dimension_numbers = #tpu.dot_dimension_numbers<[1], [0], [0], [1], [0, 0, 1, 1], [], []>, transpose_lhs_hint = false} : vector<128x8xf32>, vector<8x128xf32>, vector<128x128xf32> -> vector<128x128xf32>
    %add3A_93 = arith.addf %dot_general3A_84, %dot_general3A_92 : vector<128x128xf32>
    %slice3A_94 = vector.extract_strided_slice %get3A_33 {offsets = [0, 0], sizes = [160, 128], strides = [1, 1]} : vector<160x1024xf32> to vector<160x128xf32>
    %dot_general3A_95 = arith.constant dense<0.000000e+00> : vector<160x128xf32>
    %dot_general3A_96 = tpu.matmul %slice3A_94, %add3A_93, %dot_general3A_95 {dimension_numbers = #tpu.dot_dimension_numbers<[1], [0], [0], [1], [0, 0, 1, 1], [], []>, transpose_lhs_hint = false} : vector<160x128xf32>, vector<128x128xf32>, vector<160x128xf32> -> vector<160x128xf32>
    %slice3A_97 = vector.extract_strided_slice %get3A_33 {offsets = [0, 128], sizes = [160, 128], strides = [1, 1]} : vector<160x1024xf32> to vector<160x128xf32>
    %dot_general3A_98 = arith.constant dense<0.000000e+00> : vector<160x128xf32>
    %dot_general3A_99 = tpu.matmul %slice3A_97, %add3A_93, %dot_general3A_98 {dimension_numbers = #tpu.dot_dimension_numbers<[1], [0], [0], [1], [0, 0, 1, 1], [], []>, transpose_lhs_hint = false} : vector<160x128xf32>, vector<128x128xf32>, vector<160x128xf32> -> vector<160x128xf32>
    %slice3A_100 = vector.extract_strided_slice %get3A_33 {offsets = [0, 256], sizes = [160, 128], strides = [1, 1]} : vector<160x1024xf32> to vector<160x128xf32>
    %dot_general3A_101 = arith.constant dense<0.000000e+00> : vector<160x128xf32>
    %dot_general3A_102 = tpu.matmul %slice3A_100, %add3A_93, %dot_general3A_101 {dimension_numbers = #tpu.dot_dimension_numbers<[1], [0], [0], [1], [0, 0, 1, 1], [], []>, transpose_lhs_hint = false} : vector<160x128xf32>, vector<128x128xf32>, vector<160x128xf32> -> vector<160x128xf32>
    %slice3A_103 = vector.extract_strided_slice %get3A_33 {offsets = [0, 384], sizes = [160, 128], strides = [1, 1]} : vector<160x1024xf32> to vector<160x128xf32>
    %dot_general3A_104 = arith.constant dense<0.000000e+00> : vector<160x128xf32>
    %dot_general3A_105 = tpu.matmul %slice3A_103, %add3A_93, %dot_general3A_104 {dimension_numbers = #tpu.dot_dimension_numbers<[1], [0], [0], [1], [0, 0, 1, 1], [], []>, transpose_lhs_hint = false} : vector<160x128xf32>, vector<128x128xf32>, vector<160x128xf32> -> vector<160x128xf32>
    %slice3A_106 = vector.extract_strided_slice %get3A_33 {offsets = [0, 512], sizes = [160, 128], strides = [1, 1]} : vector<160x1024xf32> to vector<160x128xf32>
    %dot_general3A_107 = arith.constant dense<0.000000e+00> : vector<160x128xf32>
    %dot_general3A_108 = tpu.matmul %slice3A_106, %add3A_93, %dot_general3A_107 {dimension_numbers = #tpu.dot_dimension_numbers<[1], [0], [0], [1], [0, 0, 1, 1], [], []>, transpose_lhs_hint = false} : vector<160x128xf32>, vector<128x128xf32>, vector<160x128xf32> -> vector<160x128xf32>
    %slice3A_109 = vector.extract_strided_slice %get3A_33 {offsets = [0, 640], sizes = [160, 128], strides = [1, 1]} : vector<160x1024xf32> to vector<160x128xf32>
    %dot_general3A_110 = arith.constant dense<0.000000e+00> : vector<160x128xf32>
    %dot_general3A_111 = tpu.matmul %slice3A_109, %add3A_93, %dot_general3A_110 {dimension_numbers = #tpu.dot_dimension_numbers<[1], [0], [0], [1], [0, 0, 1, 1], [], []>, transpose_lhs_hint = false} : vector<160x128xf32>, vector<128x128xf32>, vector<160x128xf32> -> vector<160x128xf32>
    %slice3A_112 = vector.extract_strided_slice %get3A_33 {offsets = [0, 768], sizes = [160, 128], strides = [1, 1]} : vector<160x1024xf32> to vector<160x128xf32>
    %dot_general3A_113 = arith.constant dense<0.000000e+00> : vector<160x128xf32>
    %dot_general3A_114 = tpu.matmul %slice3A_112, %add3A_93, %dot_general3A_113 {dimension_numbers = #tpu.dot_dimension_numbers<[1], [0], [0], [1], [0, 0, 1, 1], [], []>, transpose_lhs_hint = false} : vector<160x128xf32>, vector<128x128xf32>, vector<160x128xf32> -> vector<160x128xf32>
    %slice3A_115 = vector.extract_strided_slice %get3A_33 {offsets = [0, 896], sizes = [160, 128], strides = [1, 1]} : vector<160x1024xf32> to vector<160x128xf32>
    %dot_general3A_116 = arith.constant dense<0.000000e+00> : vector<160x128xf32>
    %dot_general3A_117 = tpu.matmul %slice3A_115, %add3A_93, %dot_general3A_116 {dimension_numbers = #tpu.dot_dimension_numbers<[1], [0], [0], [1], [0, 0, 1, 1], [], []>, transpose_lhs_hint = false} : vector<160x128xf32>, vector<128x128xf32>, vector<160x128xf32> -> vector<160x128xf32>
    %concatenate3A = tpu.concatenate %dot_general3A_96, %dot_general3A_99, %dot_general3A_102, %dot_general3A_105, %dot_general3A_108, %dot_general3A_111, %dot_general3A_114, %dot_general3A_117 in 1 : vector<160x128xf32>, vector<160x128xf32>, vector<160x128xf32>, vector<160x128xf32>, vector<160x128xf32>, vector<160x128xf32>, vector<160x128xf32>, vector<160x128xf32> -> vector<160x1024xf32>
    %get3A_118 = arith.constant 0 : index
    %get3A_119 = arith.constant 0 : index
    %get3A_120 = vector.load %arg8[%get3A_118, %get3A_119] : memref<4x8xf32, #tpu.memory_space<vmem>>, vector<1x8xf32>
    %slice3A_121 = vector.extract_strided_slice %get3A_38 {offsets = [0, 0], sizes = [8, 128], strides = [1, 1]} : vector<16x128xf32> to vector<8x128xf32>
    %dot_general3A_122 = arith.constant dense<0.000000e+00> : vector<1x128xf32>
    %dot_general3A_123 = tpu.matmul %get3A_120, %slice3A_121, %dot_general3A_122 {dimension_numbers = #tpu.dot_dimension_numbers<[1], [0], [0], [1], [0, 0, 1, 1], [], []>, transpose_lhs_hint = false} : vector<1x8xf32>, vector<8x128xf32>, vector<1x128xf32> -> vector<1x128xf32>
    %get3A_124 = arith.constant 2 : index
    %get3A_125 = arith.constant 0 : index
    %get3A_126 = vector.load %arg8[%get3A_124, %get3A_125] : memref<4x8xf32, #tpu.memory_space<vmem>>, vector<1x8xf32>
    %slice3A_127 = vector.extract_strided_slice %get3A_38 {offsets = [8, 0], sizes = [8, 128], strides = [1, 1]} : vector<16x128xf32> to vector<8x128xf32>
    %dot_general3A_128 = arith.constant dense<0.000000e+00> : vector<1x128xf32>
    %dot_general3A_129 = tpu.matmul %get3A_126, %slice3A_127, %dot_general3A_128 {dimension_numbers = #tpu.dot_dimension_numbers<[1], [0], [0], [1], [0, 0, 1, 1], [], []>, transpose_lhs_hint = false} : vector<1x8xf32>, vector<8x128xf32>, vector<1x128xf32> -> vector<1x128xf32>
    %add3A_130 = arith.addf %dot_general3A_123, %dot_general3A_129 : vector<1x128xf32>
    %get3A_131 = arith.constant 0 : index
    %get3A_132 = arith.constant 0 : index
    %get3A_133 = vector.load %arg9[%get3A_131, %get3A_132] : memref<2x128xf32, #tpu.memory_space<vmem>>, vector<1x128xf32>
    %add3A_134 = arith.addf %add3A_130, %get3A_133 : vector<1x128xf32>
    %concatenate3A_135 = tpu.concatenate %add3A_134, %add3A_134, %add3A_134, %add3A_134, %add3A_134, %add3A_134, %add3A_134, %add3A_134 in 1 : vector<1x128xf32>, vector<1x128xf32>, vector<1x128xf32>, vector<1x128xf32>, vector<1x128xf32>, vector<1x128xf32>, vector<1x128xf32>, vector<1x128xf32> -> vector<1x1024xf32>
    %add3A_136 = arith.addf %add3A_77, %concatenate3A : vector<160x1024xf32>
    %add3A_137 = vector.broadcast %concatenate3A_135 : vector<1x1024xf32> to vector<160x1024xf32>
    %add3A_138 = arith.addf %add3A_136, %add3A_137 : vector<160x1024xf32>
    %swap3A = arith.constant 0 : index
    %swap3A_139 = arith.constant 0 : index
    %swap3A_140 = vector.load %arg10[%swap3A, %swap3A_139] : memref<160x1024xf32, #tpu.memory_space<vmem>>, vector<160x1024xf32>
    tpu.vector_store %arg10[%swap3A, %swap3A_139], %add3A_138 {strides = array<i32>} : memref<160x1024xf32, #tpu.memory_space<vmem>>, vector<160x1024xf32>,
    %get3A_141 = arith.constant 0 : index
    %get3A_142 = arith.constant 0 : index
    %get3A_143 = vector.load %arg4[%get3A_141, %get3A_142] : memref<160x1024xf32, #tpu.memory_space<vmem>>, vector<160x1024xf32>
    %get3A_144 = arith.constant 1 : index
    %get3A_145 = arith.constant 0 : index
    %get3A_146 = arith.constant 0 : index
    %get3A_147 = vector.load %arg6[%get3A_144, %get3A_145, %get3A_146] : memref<2x16x128xf32, #tpu.memory_space<vmem>>, vector<1x16x128xf32>
    %get3A_148 = vector.shape_cast %get3A_147 : vector<1x16x128xf32> to vector<16x128xf32>
    %get3A_149 = arith.constant 0 : index
    %get3A_150 = arith.constant 0 : index
    %get3A_151 = arith.constant 0 : index
    %get3A_152 = arith.constant 0 : index
    %get3A_153 = vector.load %arg2[%get3A_149, %get3A_150, %get3A_151, %get3A_152] : memref<2x1x160x128xf32, #tpu.memory_space<vmem>>, vector<1x1x160x128xf32>
    %get3A_154 = vector.shape_cast %get3A_153 : vector<1x1x160x128xf32> to vector<160x128xf32>
    %dot_general3A_155 = arith.constant dense<0.000000e+00> : vector<160x128xf32>
    %dot_general3A_156 = tpu.matmul %get3A_154, %select_n3A_31, %dot_general3A_155 {dimension_numbers = #tpu.dot_dimension_numbers<[1], [0], [0], [1], [0, 0, 1, 1], [], []>, transpose_lhs_hint = false} : vector<160x128xf32>, vector<128x128xf32>, vector<160x128xf32> -> vector<160x128xf32>
    %max3A_157 = arith.constant 1.000000e+00 : f32
    %max3A_158 = vector.broadcast %max3A_157 : f32 to vector<160x128xf32>
    %max3A_159 = arith.maximumf %dot_general3A_156, %max3A_158 : vector<160x128xf32>
    %div3A_160 = arith.divf %get3A_154, %max3A_159 : vector<160x128xf32>
    %get3A_161 = arith.constant 1 : index
    %get3A_162 = arith.constant 0 : index
    %get3A_163 = arith.constant 0 : index
    %get3A_164 = arith.constant 0 : index
    %get3A_165 = vector.load %arg7[%get3A_161, %get3A_162, %get3A_163, %get3A_164] : memref<2x2x128x1024xf32, #tpu.memory_space<vmem>>, vector<1x1x128x1024xf32>
    %get3A_166 = vector.shape_cast %get3A_165 : vector<1x1x128x1024xf32> to vector<128x1024xf32>
    %dot_general3A_167 = arith.constant dense<0.000000e+00> : vector<160x1024xf32>
    %dot_general3A_168 = tpu.matmul %div3A_160, %get3A_166, %dot_general3A_167 {dimension_numbers = #tpu.dot_dimension_numbers<[1], [0], [0], [1], [0, 0, 1, 1], [], []>, transpose_lhs_hint = false} : vector<160x128xf32>, vector<128x1024xf32>, vector<160x1024xf32> -> vector<160x1024xf32>
    %get3A_169 = arith.constant 1 : index
    %get3A_170 = arith.constant 0 : index
    %get3A_171 = arith.constant 0 : index
    %get3A_172 = arith.constant 0 : index
    %get3A_173 = vector.load %arg2[%get3A_169, %get3A_170, %get3A_171, %get3A_172] : memref<2x1x160x128xf32, #tpu.memory_space<vmem>>, vector<1x1x160x128xf32>
    %get3A_174 = vector.shape_cast %get3A_173 : vector<1x1x160x128xf32> to vector<160x128xf32>
    %dot_general3A_175 = arith.constant dense<0.000000e+00> : vector<160x128xf32>
    %dot_general3A_176 = tpu.matmul %get3A_174, %select_n3A_31, %dot_general3A_175 {dimension_numbers = #tpu.dot_dimension_numbers<[1], [0], [0], [1], [0, 0, 1, 1], [], []>, transpose_lhs_hint = false} : vector<160x128xf32>, vector<128x128xf32>, vector<160x128xf32> -> vector<160x128xf32>
    %max3A_177 = arith.constant 1.000000e+00 : f32
    %max3A_178 = vector.broadcast %max3A_177 : f32 to vector<160x128xf32>
    %max3A_179 = arith.maximumf %dot_general3A_176, %max3A_178 : vector<160x128xf32>
    %div3A_180 = arith.divf %get3A_174, %max3A_179 : vector<160x128xf32>
    %get3A_181 = arith.constant 1 : index
    %get3A_182 = arith.constant 1 : index
    %get3A_183 = arith.constant 0 : index
    %get3A_184 = arith.constant 0 : index
    %get3A_185 = vector.load %arg7[%get3A_181, %get3A_182, %get3A_183, %get3A_184] : memref<2x2x128x1024xf32, #tpu.memory_space<vmem>>, vector<1x1x128x1024xf32>
    %get3A_186 = vector.shape_cast %get3A_185 : vector<1x1x128x1024xf32> to vector<128x1024xf32>
    %dot_general3A_187 = arith.constant dense<0.000000e+00> : vector<160x1024xf32>
    %dot_general3A_188 = tpu.matmul %div3A_180, %get3A_186, %dot_general3A_187 {dimension_numbers = #tpu.dot_dimension_numbers<[1], [0], [0], [1], [0, 0, 1, 1], [], []>, transpose_lhs_hint = false} : vector<160x128xf32>, vector<128x1024xf32>, vector<160x1024xf32> -> vector<160x1024xf32>
    %add3A_189 = arith.addf %dot_general3A_168, %dot_general3A_188 : vector<160x1024xf32>
    %get3A_190 = arith.constant 1 : index
    %get3A_191 = arith.constant 0 : index
    %get3A_192 = arith.constant 0 : index
    %get3A_193 = vector.load %arg5[%get3A_190, %get3A_191, %get3A_192] : memref<4x128x8xf32, #tpu.memory_space<vmem>>, vector<1x128x8xf32>
    %get3A_194 = vector.shape_cast %get3A_193 : vector<1x128x8xf32> to vector<128x8xf32>
    %slice3A_195 = vector.extract_strided_slice %get3A_148 {offsets = [0, 0], sizes = [8, 128], strides = [1, 1]} : vector<16x128xf32> to vector<8x128xf32>
    %dot_general3A_196 = arith.constant dense<0.000000e+00> : vector<128x128xf32>
    %dot_general3A_197 = tpu.matmul %get3A_194, %slice3A_195, %dot_general3A_196 {dimension_numbers = #tpu.dot_dimension_numbers<[1], [0], [0], [1], [0, 0, 1, 1], [], []>, transpose_lhs_hint = false} : vector<128x8xf32>, vector<8x128xf32>, vector<128x128xf32> -> vector<128x128xf32>
    %get3A_198 = arith.constant 3 : index
    %get3A_199 = arith.constant 0 : index
    %get3A_200 = arith.constant 0 : index
    %get3A_201 = vector.load %arg5[%get3A_198, %get3A_199, %get3A_200] : memref<4x128x8xf32, #tpu.memory_space<vmem>>, vector<1x128x8xf32>
    %get3A_202 = vector.shape_cast %get3A_201 : vector<1x128x8xf32> to vector<128x8xf32>
    %slice3A_203 = vector.extract_strided_slice %get3A_148 {offsets = [8, 0], sizes = [8, 128], strides = [1, 1]} : vector<16x128xf32> to vector<8x128xf32>
    %dot_general3A_204 = arith.constant dense<0.000000e+00> : vector<128x128xf32>
    %dot_general3A_205 = tpu.matmul %get3A_202, %slice3A_203, %dot_general3A_204 {dimension_numbers = #tpu.dot_dimension_numbers<[1], [0], [0], [1], [0, 0, 1, 1], [], []>, transpose_lhs_hint = false} : vector<128x8xf32>, vector<8x128xf32>, vector<128x128xf32> -> vector<128x128xf32>
    %add3A_206 = arith.addf %dot_general3A_197, %dot_general3A_205 : vector<128x128xf32>
    %slice3A_207 = vector.extract_strided_slice %get3A_143 {offsets = [0, 0], sizes = [160, 128], strides = [1, 1]} : vector<160x1024xf32> to vector<160x128xf32>
    %dot_general3A_208 = arith.constant dense<0.000000e+00> : vector<160x128xf32>
    %dot_general3A_209 = tpu.matmul %slice3A_207, %add3A_206, %dot_general3A_208 {dimension_numbers = #tpu.dot_dimension_numbers<[1], [0], [0], [1], [0, 0, 1, 1], [], []>, transpose_lhs_hint = false} : vector<160x128xf32>, vector<128x128xf32>, vector<160x128xf32> -> vector<160x128xf32>
    %slice3A_210 = vector.extract_strided_slice %get3A_143 {offsets = [0, 128], sizes = [160, 128], strides = [1, 1]} : vector<160x1024xf32> to vector<160x128xf32>
    %dot_general3A_211 = arith.constant dense<0.000000e+00> : vector<160x128xf32>
    %dot_general3A_212 = tpu.matmul %slice3A_210, %add3A_206, %dot_general3A_211 {dimension_numbers = #tpu.dot_dimension_numbers<[1], [0], [0], [1], [0, 0, 1, 1], [], []>, transpose_lhs_hint = false} : vector<160x128xf32>, vector<128x128xf32>, vector<160x128xf32> -> vector<160x128xf32>
    %slice3A_213 = vector.extract_strided_slice %get3A_143 {offsets = [0, 256], sizes = [160, 128], strides = [1, 1]} : vector<160x1024xf32> to vector<160x128xf32>
    %dot_general3A_214 = arith.constant dense<0.000000e+00> : vector<160x128xf32>
    %dot_general3A_215 = tpu.matmul %slice3A_213, %add3A_206, %dot_general3A_214 {dimension_numbers = #tpu.dot_dimension_numbers<[1], [0], [0], [1], [0, 0, 1, 1], [], []>, transpose_lhs_hint = false} : vector<160x128xf32>, vector<128x128xf32>, vector<160x128xf32> -> vector<160x128xf32>
    %slice3A_216 = vector.extract_strided_slice %get3A_143 {offsets = [0, 384], sizes = [160, 128], strides = [1, 1]} : vector<160x1024xf32> to vector<160x128xf32>
    %dot_general3A_217 = arith.constant dense<0.000000e+00> : vector<160x128xf32>
    %dot_general3A_218 = tpu.matmul %slice3A_216, %add3A_206, %dot_general3A_217 {dimension_numbers = #tpu.dot_dimension_numbers<[1], [0], [0], [1], [0, 0, 1, 1], [], []>, transpose_lhs_hint = false} : vector<160x128xf32>, vector<128x128xf32>, vector<160x128xf32> -> vector<160x128xf32>
    %slice3A_219 = vector.extract_strided_slice %get3A_143 {offsets = [0, 512], sizes = [160, 128], strides = [1, 1]} : vector<160x1024xf32> to vector<160x128xf32>
    %dot_general3A_220 = arith.constant dense<0.000000e+00> : vector<160x128xf32>
    %dot_general3A_221 = tpu.matmul %slice3A_219, %add3A_206, %dot_general3A_220 {dimension_numbers = #tpu.dot_dimension_numbers<[1], [0], [0], [1], [0, 0, 1, 1], [], []>, transpose_lhs_hint = false} : vector<160x128xf32>, vector<128x128xf32>, vector<160x128xf32> -> vector<160x128xf32>
    %slice3A_222 = vector.extract_strided_slice %get3A_143 {offsets = [0, 640], sizes = [160, 128], strides = [1, 1]} : vector<160x1024xf32> to vector<160x128xf32>
    %dot_general3A_223 = arith.constant dense<0.000000e+00> : vector<160x128xf32>
    %dot_general3A_224 = tpu.matmul %slice3A_222, %add3A_206, %dot_general3A_223 {dimension_numbers = #tpu.dot_dimension_numbers<[1], [0], [0], [1], [0, 0, 1, 1], [], []>, transpose_lhs_hint = false} : vector<160x128xf32>, vector<128x128xf32>, vector<160x128xf32> -> vector<160x128xf32>
    %slice3A_225 = vector.extract_strided_slice %get3A_143 {offsets = [0, 768], sizes = [160, 128], strides = [1, 1]} : vector<160x1024xf32> to vector<160x128xf32>
    %dot_general3A_226 = arith.constant dense<0.000000e+00> : vector<160x128xf32>
    %dot_general3A_227 = tpu.matmul %slice3A_225, %add3A_206, %dot_general3A_226 {dimension_numbers = #tpu.dot_dimension_numbers<[1], [0], [0], [1], [0, 0, 1, 1], [], []>, transpose_lhs_hint = false} : vector<160x128xf32>, vector<128x128xf32>, vector<160x128xf32> -> vector<160x128xf32>
    %slice3A_228 = vector.extract_strided_slice %get3A_143 {offsets = [0, 896], sizes = [160, 128], strides = [1, 1]} : vector<160x1024xf32> to vector<160x128xf32>
    %dot_general3A_229 = arith.constant dense<0.000000e+00> : vector<160x128xf32>
    %dot_general3A_230 = tpu.matmul %slice3A_228, %add3A_206, %dot_general3A_229 {dimension_numbers = #tpu.dot_dimension_numbers<[1], [0], [0], [1], [0, 0, 1, 1], [], []>, transpose_lhs_hint = false} : vector<160x128xf32>, vector<128x128xf32>, vector<160x128xf32> -> vector<160x128xf32>
    %concatenate3A_231 = tpu.concatenate %dot_general3A_209, %dot_general3A_212, %dot_general3A_215, %dot_general3A_218, %dot_general3A_221, %dot_general3A_224, %dot_general3A_227, %dot_general3A_230 in 1 : vector<160x128xf32>, vector<160x128xf32>, vector<160x128xf32>, vector<160x128xf32>, vector<160x128xf32>, vector<160x128xf32>, vector<160x128xf32>, vector<160x128xf32> -> vector<160x1024xf32>
    %get3A_232 = arith.constant 1 : index
    %get3A_233 = arith.constant 0 : index
    %get3A_234 = vector.load %arg8[%get3A_232, %get3A_233] : memref<4x8xf32, #tpu.memory_space<vmem>>, vector<1x8xf32>
    %slice3A_235 = vector.extract_strided_slice %get3A_148 {offsets = [0, 0], sizes = [8, 128], strides = [1, 1]} : vector<16x128xf32> to vector<8x128xf32>
    %dot_general3A_236 = arith.constant dense<0.000000e+00> : vector<1x128xf32>
    %dot_general3A_237 = tpu.matmul %get3A_234, %slice3A_235, %dot_general3A_236 {dimension_numbers = #tpu.dot_dimension_numbers<[1], [0], [0], [1], [0, 0, 1, 1], [], []>, transpose_lhs_hint = false} : vector<1x8xf32>, vector<8x128xf32>, vector<1x128xf32> -> vector<1x128xf32>
    %get3A_238 = arith.constant 3 : index
    %get3A_239 = arith.constant 0 : index
    %get3A_240 = vector.load %arg8[%get3A_238, %get3A_239] : memref<4x8xf32, #tpu.memory_space<vmem>>, vector<1x8xf32>
    %slice3A_241 = vector.extract_strided_slice %get3A_148 {offsets = [8, 0], sizes = [8, 128], strides = [1, 1]} : vector<16x128xf32> to vector<8x128xf32>
    %dot_general3A_242 = arith.constant dense<0.000000e+00> : vector<1x128xf32>
    %dot_general3A_243 = tpu.matmul %get3A_240, %slice3A_241, %dot_general3A_242 {dimension_numbers = #tpu.dot_dimension_numbers<[1], [0], [0], [1], [0, 0, 1, 1], [], []>, transpose_lhs_hint = false} : vector<1x8xf32>, vector<8x128xf32>, vector<1x128xf32> -> vector<1x128xf32>
    %add3A_244 = arith.addf %dot_general3A_237, %dot_general3A_243 : vector<1x128xf32>
    %get3A_245 = arith.constant 1 : index
    %get3A_246 = arith.constant 0 : index
    %get3A_247 = vector.load %arg9[%get3A_245, %get3A_246] : memref<2x128xf32, #tpu.memory_space<vmem>>, vector<1x128xf32>
    %add3A_248 = arith.addf %add3A_244, %get3A_247 : vector<1x128xf32>
    %concatenate3A_249 = tpu.concatenate %add3A_248, %add3A_248, %add3A_248, %add3A_248, %add3A_248, %add3A_248, %add3A_248, %add3A_248 in 1 : vector<1x128xf32>, vector<1x128xf32>, vector<1x128xf32>, vector<1x128xf32>, vector<1x128xf32>, vector<1x128xf32>, vector<1x128xf32>, vector<1x128xf32> -> vector<1x1024xf32>
    %add3A_250 = arith.addf %add3A_189, %concatenate3A_231 : vector<160x1024xf32>
    %add3A_251 = vector.broadcast %concatenate3A_249 : vector<1x1024xf32> to vector<160x1024xf32>
    %add3A_252 = arith.addf %add3A_250, %add3A_251 : vector<160x1024xf32>
    %swap3A_253 = arith.constant 0 : index
    %swap3A_254 = arith.constant 0 : index
    %swap3A_255 = vector.load %arg11[%swap3A_253, %swap3A_254] : memref<160x1024xf32, #tpu.memory_space<vmem>>, vector<160x1024xf32>
    tpu.vector_store %arg11[%swap3A_253, %swap3A_254], %add3A_252 {strides = array<i32>} : memref<160x1024xf32, #tpu.memory_space<vmem>>, vector<160x1024xf32>,
    return
  }
  func.func @transform_0(%arg0: i32) -> (i32, i32, i32, i32) {
    %c0_i32 = arith.constant 0 : i32
    %c0_i32_0 = arith.constant 0 : i32
    %c0_i32_1 = arith.constant 0 : i32
    %c0_i32_2 = arith.constant 0 : i32
    return %c0_i32, %c0_i32_0, %arg0, %c0_i32_1 : i32, i32, i32, i32
  }
  func.func @transform_1(%arg0: i32) -> (i32, i32, i32, i32) {
    %c0_i32 = arith.constant 0 : i32
    %c1_i32 = arith.constant 1 : i32
    %c0_i32_0 = arith.constant 0 : i32
    %c0_i32_1 = arith.constant 0 : i32
    return %c0_i32, %c1_i32, %arg0, %c0_i32_0 : i32, i32, i32, i32
  }
  func.func @transform_2(%arg0: i32) -> (i32, i32) {
    %c0_i32 = arith.constant 0 : i32
    %c0_i32_0 = arith.constant 0 : i32
    return %arg0, %c0_i32 : i32, i32
  }
  func.func @transform_3(%arg0: i32) -> (i32, i32) {
    %c0_i32 = arith.constant 0 : i32
    %c0_i32_0 = arith.constant 0 : i32
    return %arg0, %c0_i32 : i32, i32
  }
  func.func @transform_4(%arg0: i32) -> (i32, i32, i32) {
    %c0_i32 = arith.constant 0 : i32
    %c0_i32_0 = arith.constant 0 : i32
    %c0_i32_1 = arith.constant 0 : i32
    %c0_i32_2 = arith.constant 0 : i32
    return %c0_i32, %c0_i32_0, %c0_i32_1 : i32, i32, i32
  }
  func.func @transform_5(%arg0: i32) -> (i32, i32, i32) {
    %c0_i32 = arith.constant 0 : i32
    %c0_i32_0 = arith.constant 0 : i32
    %c0_i32_1 = arith.constant 0 : i32
    %c0_i32_2 = arith.constant 0 : i32
    return %c0_i32, %c0_i32_0, %c0_i32_1 : i32, i32, i32
  }
  func.func @transform_6(%arg0: i32) -> (i32, i32, i32, i32) {
    %c0_i32 = arith.constant 0 : i32
    %c0_i32_0 = arith.constant 0 : i32
    %c0_i32_1 = arith.constant 0 : i32
    %c0_i32_2 = arith.constant 0 : i32
    %c0_i32_3 = arith.constant 0 : i32
    return %c0_i32, %c0_i32_0, %c0_i32_1, %c0_i32_2 : i32, i32, i32, i32
  }
  func.func @transform_7(%arg0: i32) -> (i32, i32) {
    %c0_i32 = arith.constant 0 : i32
    %c0_i32_0 = arith.constant 0 : i32
    %c0_i32_1 = arith.constant 0 : i32
    return %c0_i32, %c0_i32_0 : i32, i32
  }
  func.func @transform_8(%arg0: i32) -> (i32, i32) {
    %c0_i32 = arith.constant 0 : i32
    %c0_i32_0 = arith.constant 0 : i32
    %c0_i32_1 = arith.constant 0 : i32
    return %c0_i32, %c0_i32_0 : i32, i32
  }
  func.func @transform_9(%arg0: i32) -> (i32, i32) {
    %c0_i32 = arith.constant 0 : i32
    %c0_i32_0 = arith.constant 0 : i32
    return %arg0, %c0_i32 : i32, i32
  }
  func.func @transform_10(%arg0: i32) -> (i32, i32) {
    %c0_i32 = arith.constant 0 : i32
    %c0_i32_0 = arith.constant 0 : i32
    return %arg0, %c0_i32 : i32, i32
  }
}

</mosaic_0001>

<sc_bundles>
// kernel: kernel.5.cloned.1.call-start
scs
__scs_entry_jumppad:
0x0: {  	(pc) =	sbr.rel $0x88, $3  }
0x1: {  	(tag) =	ssettag $0x0;
	lr =	simm.s32 $0x1  }
0x2: {  	[smem:$0x3F8B] =	sst lr;
	_ =	strace $0xD0000000  }
0x3: {  	_ = 	snop  }
0x4: {  	_ = 	snop  }
0x5: {  	_ = 	snop  }
0x6: {  	_ = 	snop  }
0x7: {  	_ = 	snop  }
__scs_overlays_trampoline_lowered:
0x8: {  	[smem:$0x3F9A] =	sst s0  }
0x9: {  	[smem:$0x3F9B] =	sst s1  }
0xa: {  	[smem:$0x3F9C] =	sst s2  }
0xb: {  	[smem:$0x3F9D] =	sst s3  }
0xc: {  	[smem:$0x3F9E] =	sst s4  }
0xd: {  	[smem:$0x3F9F] =	sst s5  }
0xe: {  	[smem:$0x3FA0] =	sst s6  }
0xf: {  	[smem:$0x3FA1] =	sst s7  }
0x10: {  	[smem:$0x3FA2] =	sst s8  }
0x11: {  	[smem:$0x3FA3] =	sst s9;
	s0 =	simm.s32 @!p0 $0x0  }
0x12: {  	s1 =	sld [smem:$0x3F89];
	s0 =	simm.s32 @p0 $0x1  }
0x13: {  	[smem:$0x3FA4] =	sst s0;
	s0 =	simm.s32 @!p1 $0x0  }
0x14: {  	s2 =	sld [smem:$0x3F88];
	s0 =	simm.s32 @p1 $0x1  }
0x15: {  	[smem:$0x3FA5] =	sst s0;
	s0 =	simm.s32 @!p2 $0x0  }
0x16: {  	s3 =	sld [smem:$0x3FDB];
	s0 =	simm.s32 @p2 $0x1  }
0x17: {  	s4 =	simm.s32 $0x1BF5;
	[smem:$0x3FA7] =	sst s0  }
0x18: {  	s0 =	sld [smem:$0x3F8A];
	_ =	swait.ge [sflag:s4], $0x0  }
0x19: {  	s7 =	sld [smem:$0x3F8B]  }
0x1a: {  	s8 =	sadd.s32 $0xFFFFE003, lr  }
0x1b: {  	s9 =	sadd.s32 $0xFFFFFEF7, lr;
	s5 =	simm.s32 $0xFFFFFFFF;
	p2 =	slt.u32 s8, $0xFFFFF086  }
0x1c: {  	p1 =	slt.u32 s9, $0xF7A;
	s5 =	simm.s32 @!p2 $0x0  }
0x1d: {  	s5 =	simm.s32 @p1 $0x1;
	p0 =	seq.s32 s7, s2  }
0x1e: {  	s7 =	smul.u32 @!p0 $0xF7A, s2;
	p2 =	seq.s32 @!p0 s5, $0x0  }
0x1f: {  	s9 =	smul.u32 $0xF7A, s1;
	s8 =	simm.s32 @!p0 $0x1BF5;
	p2 =	por !p2, p0  }
0x20: {  	[sflag:s8] =	ssyncset.s32 @!p0 $0xFFFFF086;
	s6 =	sadd.s32 @!p0 s3, s7;
	s7 =	simm.s32 @!p0 $0x108  }
0x21: {  	s3 =	sadd.s32 s3, s9;
	s6 =	sadd.s32 @!p0 $0x88, s6;
	s7 =	simm.s32 @p2 $0x1082  }
0x22: {  	[simem:s7], [sflag:s8] =	dma.local @!p0 [hbm:s6], $0xF7A  }
0x23: {  	s9 =	sor.u32 $0xD0000000, s2;
	s6 =	simm.s32 $0x108;
	_ =	swait.ge @!p0 [sflag:s8], $0x0  }
0x24: {  	s3 =	sadd.s32 $0x88, s3;
	s6 =	simm.s32 @!p1 $0x1082;
	[sflag:s4] =	ssyncset.s32 $0xFFFFF086  }
0x25: {  	[simem:s6], [sflag:s4] =	dma.local [hbm:s3], $0xF7A  }
0x26: {  	[smem:$0x3F8B] =	sst s1;
	(tag) =	ssettag s2;
	_ =	strace s9  }
0x27: {  	s1 =	sld [smem:$0x3F9B]  }
0x28: {  	s2 =	sld [smem:$0x3F9C]  }
0x29: {  	s4 =	sld [smem:$0x3F9E]  }
0x2a: {  	p0 =	seq.s32 s5, $0x0;
	s5 =	sld [smem:$0x3F9F]  }
0x2b: {  	s6 =	sld [smem:$0x3FA0]  }
0x2c: {  	s7 =	sld [smem:$0x3FA1]  }
0x2d: {  	s3 =	simm.s32 $0x108;
	s8 =	sld [smem:$0x3FA2]  }
0x2e: {  	s3 =	simm.s32 @!p0 $0x1082;
	s9 =	sld [smem:$0x3FA3]  }
0x2f: {  	lr =	sadd.s32 s0, s3;
	s0 =	sld [smem:$0x3F9A]  }
0x30: {  	s3 =	sld [smem:$0x3F9D]  }
0x31: {  	[smem:$0x3FA6] =	sst s10  }
0x32: {  	s10 =	sld [smem:$0x3FA4];
	_ =	sdelay $0x3  }
0x33: {  	p0 =	seq.s32 s10, $0x1;
	s10 =	sld [smem:$0x3FA6];
	_ =	sdelay $0x3  }
0x34: {  	[smem:$0x3FA6] =	sst s10  }
0x35: {  	s10 =	sld [smem:$0x3FA5];
	_ =	sdelay $0x3  }
0x36: {  	p1 =	seq.s32 s10, $0x1;
	s10 =	sld [smem:$0x3FA6];
	_ =	sdelay $0x3  }
0x37: {  	[smem:$0x3FA6] =	sst s10  }
0x38: {  	s10 =	sld [smem:$0x3FA7]  }
0x39: {  	_ = 	snop;
	(pc) =	sbr.ind lr, $3  }
0x3a: {  	_ = 	snop  }
0x3b: {  	_ = 	snop  }
0x3c: {  	p2 =	seq.s32 s10, $0x1;
	s10 =	sld [smem:$0x3FA6]  }
0x3d: {  	_ =	shalt  }
0x3e: {  	_ =	shalt  }
0x3f: {  	_ =	shalt  }
0x40: {  	_ =	shalt  }
0x41: {  	_ =	shalt  }
0x42: {  	_ =	shalt  }
0x43: {  	_ =	shalt  }
0x44: {  	_ =	shalt  }
0x45: {  	_ =	shalt  }
0x46: {  	_ =	shalt  }
0x47: {  	_ =	shalt  }
0x48: {  	_ =	shalt  }
0x49: {  	_ =	shalt  }
0x4a: {  	_ =	shalt  }
0x4b: {  	_ =	shalt  }
0x4c: {  	_ =	shalt  }
0x4d: {  	_ =	shalt  }
0x4e: {  	_ =	shalt  }
0x4f: {  	_ =	shalt  }
0x50: {  	_ =	shalt  }
0x51: {  	_ =	shalt  }
0x52: {  	_ =	shalt  }
0x53: {  	_ =	shalt  }
0x54: {  	_ =	shalt  }
0x55: {  	_ =	shalt  }
0x56: {  	_ =	shalt  }
0x57: {  	_ =	shalt  }
0x58: {  	_ =	shalt  }
0x59: {  	_ =	shalt  }
0x5a: {  	_ =	shalt  }
0x5b: {  	_ =	shalt  }
0x5c: {  	_ =	shalt  }
0x5d: {  	_ =	shalt  }
0x5e: {  	_ =	shalt  }
0x5f: {  	_ =	shalt  }
0x60: {  	_ =	shalt  }
0x61: {  	_ =	shalt  }
0x62: {  	_ =	shalt  }
0x63: {  	_ =	shalt  }
0x64: {  	_ =	shalt  }
0x65: {  	_ =	shalt  }
0x66: {  	_ =	shalt  }
0x67: {  	_ =	shalt  }
0x68: {  	_ =	shalt  }
0x69: {  	_ =	shalt  }
0x6a: {  	_ =	shalt  }
0x6b: {  	_ =	shalt  }
0x6c: {  	_ =	shalt  }
0x6d: {  	_ =	shalt  }
0x6e: {  	_ =	shalt  }
0x6f: {  	_ =	shalt  }
0x70: {  	_ =	shalt  }
0x71: {  	_ =	shalt  }
0x72: {  	_ =	shalt  }
0x73: {  	_ =	shalt  }
0x74: {  	_ =	shalt  }
0x75: {  	_ =	shalt  }
0x76: {  	_ =	shalt  }
0x77: {  	_ =	shalt  }
0x78: {  	_ =	shalt  }
0x79: {  	_ =	shalt  }
0x7a: {  	_ =	shalt  }
0x7b: {  	_ =	shalt  }
0x7c: {  	_ =	shalt  }
0x7d: {  	_ =	shalt  }
0x7e: {  	_ =	shalt  }
0x7f: {  	_ =	shalt  }
0x80: {  	_ =	shalt  }
0x81: {  	_ =	shalt  }
0x82: {  	_ =	shalt  }
0x83: {  	_ =	shalt  }
0x84: {  	_ =	shalt  }
0x85: {  	_ =	shalt  }
0x86: {  	_ =	shalt  }
0x87: {  	_ =	shalt  }
.Lfunc_end0:
.L_simem_size_0:
called_computation_lowered:
.L_overlay_start_0:
0x88: {  	s2 =	sld [smem:$0x3FD9]  }
0x89: {  	s3 =	sld [smem:$0x3FFE];
	_ =	sdelay $0x1  }
0x8a: {  	s1 =	srdreg.scid  }
0x8b: {  	s0 =	sand.u32 $0x1, s1  }
0x8c: {  	s15 =	sshll.u32 s0, $0xA;
	s2 =	sadd.s32 s3, s2  }
0x8d: {  	s2 =	sadd.s32 s2, s15  }
0x8e: {  	[smem:$0x3FB2] =	sst s2  }
0x8f: {  	_ = 	snop  }
0x90: {  	s2 =	sld [smem:$0x3FC7]  }
0x91: {  	s16 =	sld [smem:$0x3FD0]  }
0x92: {  	s4 =	sld [smem:$0x3FC6]  }
0x93: {  	s5 =	sld [smem:$0x3FC5]  }
0x94: {  	s7 =	simm.s32 $0xA;
	s8 =	simm.s32 $0x10;
	s6 =	sld [smem:$0x3FC4]  }
0x95: {  	[smem:s8], [sflag:s7] =	dma.local [hbm:s16], $0x1  }
0x96: {  	_ =	swait.eq [sflag:s7], $0x1  }
0x97: {  	[sflag:s7] =	ssyncset.done $0x0  }
0x98: {  	s17 =	sld [smem:$0x10];
	[sflag:s7] =	ssyncadd.s32 $0xFFFFFFFF  }
0x99: {  	s18 =	sld [smem:$0x11];
	(tm) =	ssettm $0x1  }
0x9a: {  	s19 =	sld [smem:$0x3FFB];
	_ =	sdelay $0x3  }
0x9b: {  	_ =	strace s19  }
0x9c: {  	s8 =	sld [smem:$0x3FFC];
	_ =	sdelay $0x3  }
0x9d: {  	_ =	strace s8  }
0x9e: {  	s8 =	sld [smem:$0x3FFD];
	_ =	sdelay $0x3  }
0x9f: {  	_ =	strace s8  }
0xa0: {  	_ =	strace $0x8FFFFFFF  }
0xa1: {  	s20 =	sld [smem:$0x3FDB];
	_ =	sdelay $0x1  }
0xa2: {  	s9 =	simm.s32 $_scs_section_size  }
0xa3: {  	s10 =	simm.s32 $_size__tile_overlayer_lowered;
	s11 =	simm.s32 $_tile_overlayer_lowered  }
0xa4: {  	s23 =	simm.s32 $0x1BFF;
	s22 =	sshll.u32 s11, $0x1;
	s8 =	sadd.s32 s9, s20  }
0xa5: {  	s12 =	simm.s32 $0x0;
	s21 =	sshll.u32 s10, $0x1;
	s10 =	sadd.s32 s22, s8  }
0xa6: {  	[timem:s12], [sflag:s23] =	dma.local [hbm:s10], s21  }
0xa7: {  	_ =	swait.ge [sflag:s23], s21  }
0xa8: {  	s9 =	ssub.s32 $0x0, s21;
	[sflag:s23] =	ssyncset.done $0x0  }
0xa9: {  	[sflag:s23] =	ssyncadd.s32 s9;
	_ =	sdelay $0x1  }
0xaa: {  	s24 =	simm.s32 $0x1B8B  }
0xab: {  	_ =	swait.ge [sflag:s24], $0x1  }
0xac: {  	[sflag:s24] =	ssyncset.done $0x0  }
0xad: {  	s25 =	simm.s32 $0x1B8E;
	[sflag:s24] =	ssyncadd.s32 $0xFFFFFFFF  }
0xae: {  	s26 =	simm.s32 $execute0_lowered;
	[smem:$0x3FD2] =	sst s25  }
0xaf: {  	s9 =	sshll.u32 s26, $0x1;
	_ =	strace $0x80000046;
	[dreg:$0x1] =	wrdreg $0xFFFFFFFF  }
0xb0: {  	s28 =	simm.s32 $_size_execute0_lowered;
	s8 =	sadd.s32 s8, s9;
	[dreg:$0x0] =	wrdreg $0x0  }
0xb1: {  	s9 =	sshll.u32 s28, $0x1;
	[dreg:$0x2] =	wrdreg s8  }
0xb2: {  	[dreg:$0x3] =	wrdreg s9  }
0xb3: {  	[dreg:$0x4] =	wrdreg $0xC0  }
0xb4: {  	_ =	task [dreg:s12], $0x5FFFF  }
0xb5: {  	[dreg:$0x1] =	wrdreg $0xFFFFFFFF  }
0xb6: {  	[dreg:$0x0] =	wrdreg $0x60  }
0xb7: {  	[dreg:$0x2] =	wrdreg s2  }
0xb8: {  	[dreg:$0x3] =	wrdreg s4  }
0xb9: {  	[dreg:$0x4] =	wrdreg s5  }
0xba: {  	[dreg:$0x5] =	wrdreg s6  }
0xbb: {  	[dreg:$0x6] =	wrdreg s18  }
0xbc: {  	[dreg:$0x7] =	wrdreg s17  }
0xbd: {  	[dreg:$0x8] =	wrdreg $0x1A4000  }
0xbe: {  	[dreg:$0x9] =	wrdreg $0x9  }
0xbf: {  	_ =	task.clear_ibuf [dreg:s12], $0xAFFFF;
	_ =	strace $0x90000046  }
0xc0: {  	s29 =	simm.s32 $0x9;
	_ =	strace $0x80000048  }
0xc1: {  	_ =	swait.ge [sflag:s29], $0x1  }
0xc2: {  	[sflag:s29] =	ssyncadd.s32 $0xFFFFFFFF  }
0xc3: {  	_ =	strace $0x90000048  }
0xc4: {  	_ =	sfence  }
0xc5: {  	s30 =	sld [smem:$0x0];
	_ =	sdelay $0x2  }
0xc6: {  	s31 =	sshll.u32 s1, $0xD;
	s1 =	sshrl.u32 s1, $0x2  }
0xc7: {  	s3 =	sand.u32 $0x4000, s31;
	s1 =	sadd.s32 s1, s30  }
0xc8: {  	s0 =	sor.u32 s3, s0;
	s1 =	sshll.u32 s1, $0x11  }
0xc9: {  	s0 =	sor.u32 s1, s0  }
0xca: {  	s0 =	sadd.s32 $0x8F2B, s0  }
0xcb: {  	[sflag:s0] =	ssyncadd.remote.s32 $0x1  }
0xcc: {  	_ =	sfence.sel $0xFFFF  }
0xcd: {  	[dreg:$0x0] =	wrdreg $0xFFFFFFFF;
	(pc) =	sbr.abs _section_cstart, $3  }
0xce: {  	[dreg:$0x1] =	wrdreg $0xFFFFFFFF  }
0xcf: {  	_ =	task.clear_ibuf [dreg:s12], $0x2FFFF;
	_ =	strace $0x9FFFFFFF  }
0xd0: {  	(tm) =	ssettm $0x7FFFFFFF  }
0xd1: {  	_ =	shalt  }
tec
execute0_lowered:
.L_overlay_start_1:
0x0: {  	(tag) =	ssettag $0x1  }
0x1: {  	s14 =	rddreg [dreg:$0x0]  }
0x2: {  	s15 =	rddreg [dreg:$0x1]  }
0x3: {  	s21 =	rddreg [dreg:$0x2]  }
0x4: {  	s22 =	rddreg [dreg:$0x3]  }
0x5: {  	s0 =	rddreg [dreg:$0x4]  }
0x6: {  	s1 =	rddreg [dreg:$0x5]  }
0x7: {  	s2 =	rddreg [dreg:$0x6]  }
0x8: {  	s3 =	srdreg.scid;
	s4 =	simm.s32 $0x0;
	s8 =	stileid.u32  }
0x9: {  	s19 =	simm.s32 $0x1;
	s28 =	simm.s32 $0x5;
	s30 =	simm.s32 $0x80  }
0xa: {  	s31 =	simm.s32 $0x13C00;
	s29 =	simm.s32 $0x15400;
	s3 =	sand.u32 $0x1, s3  }
0xb: {  	[smem:$0x7FF] =	sst s4;
	s5 =	sand.u32 $0x7, s8;
	s18 =	sadd.s32 $0x28000, s2  }
0xc: {  	s20 =	sshll.u32 s3, $0x4;
	_ =	strace $0x80000047;
	s6 =	ssub.s32 $0x2, s3  }
0xd: {  	p0 =	sne.s32 s5, $0x0;
	s3 =	smul.u32 $0xA000, s3;
	s4 =	sor.u32 s8, s20  }
0xe: {  	s7 =	sshrl.u32 s6, $0x1;
	s8 =	smul.u32 $0x2800, s8;
	p1 =	seq.s32 s4, $0x0  }
0xf: {  	s6 =	ssub.s32 s6, s7;
	s7 =	simm.s32 $0x1;
	s4 =	sshrl.u32 s4, $0x3  }
0x10: {  	s1 =	sadd.s32 s1, s3;
	s3 =	simm.s32 $0x18400;
	s9 =	sadd.s32 $0x800, s8  }
0x11: {  	p1 =	por !p0, !p1;
	s23 =	sadd.s32 $0x1000, s8;
	s10 =	sadd.s32 s9, s2  }
0x12: {  	s11 =	sadd.s32 $0x1800, s8;
	s13 =	sadd.s32 s23, s2;
	[dreg:$0x8] =	wrdreg s10  }
0x13: {  	s16 =	sadd.s32 $0x2000, s8;
	s24 =	sadd.s32 s11, s2;
	[dreg:$0x9] =	wrdreg s13  }
0x14: {  	p1 =	por !p1, !p1;
	s25 =	sadd.s32 s16, s2;
	[dreg:$0xa] =	wrdreg s24  }
0x15: {  	s9 =	sadd.s32 s9, s18;
	s11 =	sadd.s32 s11, s18;
	[dreg:$0xb] =	wrdreg s25  }
0x16: {  	s7 =	simm.s32 @!p1 $0x0;
	[dreg:$0xc] =	wrdreg s9;
	s10 =	sadd.s32 s23, s18  }
0x17: {  	[dreg:$0xe] =	wrdreg s11;
	s23 =	sshrl.u32 s8, $0x3;
	s9 =	simm.s32 $0x4  }
0x18: {  	s4 =	ssub.s32 s4, s7;
	s7 =	sadd.s32 s8, s2;
	[dreg:$0xd] =	wrdreg s10  }
0x19: {  	s20 =	sadd.s32 s23, s1;
	s23 =	simm.s32 $0x16400;
	s10 =	simm.s32 $0x0  }
0x1a: {  	s12 =	smul.u32 $0x28000, s4;
	s26 =	sand.u32 $0x1, s4;
	p2 =	seq.s32 s4, $0x0  }
0x1b: {  	p3 =	seq.s32 s4, $0x1;
	p4 =	seq.s32 s4, $0x2;
	p5 =	seq.s32 s4, $0x3  }
0x1c: {  	p1 =	seq.s32 s26, $0x1;
	s1 =	simm.s32 @!p2 $0x0;
	p6 =	seq.s32 @p3 s5, $0x0  }
0x1d: {  	s12 =	sshrl.u32 s12, $0x3;
	s1 =	simm.s32 @p2 $0x1;
	p2 =	seq.s32 s5, $0x0  }
0x1e: {  	p6 =	por !p3, !p6;
	s13 =	sadd.s32 s0, s12;
	s0 =	simm.s32 $0x28000  }
0x1f: {  	s12 =	sadd.s32 s16, s18;
	s16 =	smul.u32 $0x2700, s5;
	s18 =	sadd.s32 s8, s18  }
0x20: {  	[smem:$0x7FA] =	sst s1;
	s1 =	simm.s32 @!p2 $0x0;
	s8 =	simm.s32 $0x2  }
0x21: {  	s0 =	simm.s32 @!p1 $0x0;
	[dreg:$0xf] =	wrdreg s12;
	p1 =	sgt.s32 s4, $0x1  }
0x22: {  	s1 =	simm.s32 @p2 $0x1;
	p2 =	sne.s32 @p5 s5, $0x0;
	s4 =	simm.s32 $0x17400  }
0x23: {  	s5 =	simm.s32 $0x19400;
	s17 =	sadd.s32 s0, s2;
	s24 =	sadd.s32 s22, s16  }
0x24: {  	s25 =	sadd.s32 s21, s16;
	[smem:$0x7FB] =	sst s1;
	s26 =	sadd.s32 s15, s16  }
0x25: {  	s0 =	sadd.s32 s14, s16;
	p2 =	por !p5, p2;
	[dreg:$0x10] =	wrdreg s24  }
0x26: {  	s1 =	simm.s32 $0x14C00;
	s2 =	simm.s32 $0x16C00;
	[dreg:$0x11] =	wrdreg s25  }
0x27: {  	s21 =	simm.s32 $0x17C00;
	[dreg:$0x13] =	wrdreg s0;
	s0 =	simm.s32 @!p6 $0x0  }
0x28: {  	s22 =	simm.s32 $0x18C00;
	[dreg:$0x12] =	wrdreg s26;
	s0 =	simm.s32 @p6 $0x1  }
0x29: {  	s25 =	smax.u32 s6, $0x1;
	[smem:$0x7FC] =	sst s0;
	s0 =	simm.s32 @!p2 $0x0  }
0x2a: {  	s26 =	simm.s32 $0x19C00;
	s24 =	simm.s32 $0x15C00;
	s0 =	simm.s32 @p2 $0x1  }
0x2b: {  	v0 =	vimm.f32 $0.0e+00;
	s6 =	simm.s32 $0x3;
	[smem:$0x7FD] =	sst s0;
	s0 =	simm.s32 $0x14400  }
.LBB2_1:
0x2c: {  	s11 =	simm.s32 $0x40;
	s12 =	simm.s32 $0x0  }
.LBB2_2:
0x2d: {  	p2 =	sne.s32 s11, $0x1FC0;
	[tilespmem:s12+$0x19C00] =	vst v0;
	s12 =	smov.u32 s11;
	s11 =	sadd.s32 $0x40, s11  }
.Ltmp0:
0x2e: {  	(pc) =	sbr.rel @p2 .LBB2_2-.Ltmp0, $2  }
0x2f: {  	_ =	sdelay $0x2  }
0x30: {  	s12 =	sshra.s32 s12, $0x2  }
0x31: {  	[tilespmem:s12+$0x19C00] =	vst v0  }
0x32: {  	[spmem:s7] =	stream.linear.scatter [tilespmem:s26], [sflag:$0x5], $0x800, $0x38;
	[tilespmem:$0x1F400] =	vst v63  }
0x33: {  	_ =	swait.ge [sflag:s28], $0x800  }
0x34: {  	[sflag:s28] =	ssyncset.done $0x0  }
0x35: {  	s11 =	rddreg [dreg:$0x8];
	[sflag:s28] =	ssyncadd.s32 $0xFFFFF800  }
0x36: {  	[spmem:s11] =	stream.linear.scatter [tilespmem:s26], [sflag:$0x5], $0x800, $0x38;
	[tilespmem:$0x1F400] =	vst v63  }
0x37: {  	_ =	swait.ge [sflag:s28], $0x800  }
0x38: {  	[sflag:s28] =	ssyncset.done $0x0  }
0x39: {  	s14 =	rddreg [dreg:$0x9];
	[sflag:s28] =	ssyncadd.s32 $0xFFFFF800  }
0x3a: {  	[spmem:s14] =	stream.linear.scatter [tilespmem:s26], [sflag:$0x5], $0x800, $0x38;
	[tilespmem:$0x1F400] =	vst v63  }
0x3b: {  	_ =	swait.ge [sflag:s28], $0x800  }
0x3c: {  	[sflag:s28] =	ssyncset.done $0x0  }
0x3d: {  	s15 =	rddreg [dreg:$0xa];
	[sflag:s28] =	ssyncadd.s32 $0xFFFFF800  }
0x3e: {  	[spmem:s15] =	stream.linear.scatter [tilespmem:s26], [sflag:$0x5], $0x800, $0x38;
	[tilespmem:$0x1F400] =	vst v63  }
0x3f: {  	_ =	swait.ge [sflag:s28], $0x800  }
0x40: {  	[sflag:s28] =	ssyncset.done $0x0  }
0x41: {  	s16 =	rddreg [dreg:$0xb];
	[sflag:s28] =	ssyncadd.s32 $0xFFFFF800  }
0x42: {  	[spmem:s16] =	stream.linear.scatter [tilespmem:s26], [sflag:$0x5], $0x800, $0x38;
	[tilespmem:$0x1F400] =	vst v63  }
0x43: {  	_ =	swait.ge [sflag:s28], $0x800  }
0x44: {  	[sflag:s28] =	ssyncset.done $0x0  }
0x45: {  	[sflag:s28] =	ssyncadd.s32 $0xFFFFF800  }
0x46: {  	[spmem:s18] =	stream.linear.scatter [tilespmem:s26], [sflag:$0x5], $0x800, $0x38;
	[tilespmem:$0x1F400] =	vst v63  }
0x47: {  	_ =	swait.ge [sflag:s28], $0x800  }
0x48: {  	[sflag:s28] =	ssyncset.done $0x0  }
0x49: {  	s12 =	rddreg [dreg:$0xc];
	[sflag:s28] =	ssyncadd.s32 $0xFFFFF800  }
0x4a: {  	[spmem:s12] =	stream.linear.scatter [tilespmem:s26], [sflag:$0x5], $0x800, $0x38;
	[tilespmem:$0x1F400] =	vst v63  }
0x4b: {  	_ =	swait.ge [sflag:s28], $0x800  }
0x4c: {  	[sflag:s28] =	ssyncset.done $0x0  }
0x4d: {  	s14 =	rddreg [dreg:$0xd];
	[sflag:s28] =	ssyncadd.s32 $0xFFFFF800  }
0x4e: {  	[spmem:s14] =	stream.linear.scatter [tilespmem:s26], [sflag:$0x5], $0x800, $0x38;
	[tilespmem:$0x1F400] =	vst v63  }
0x4f: {  	_ =	swait.ge [sflag:s28], $0x800  }
0x50: {  	[sflag:s28] =	ssyncset.done $0x0  }
0x51: {  	s15 =	rddreg [dreg:$0xe];
	[sflag:s28] =	ssyncadd.s32 $0xFFFFF800  }
0x52: {  	[spmem:s15] =	stream.linear.scatter [tilespmem:s26], [sflag:$0x5], $0x800, $0x38;
	[tilespmem:$0x1F400] =	vst v63  }
0x53: {  	_ =	swait.ge [sflag:s28], $0x800  }
0x54: {  	[sflag:s28] =	ssyncset.done $0x0  }
0x55: {  	s16 =	rddreg [dreg:$0xf];
	[sflag:s28] =	ssyncadd.s32 $0xFFFFF800  }
0x56: {  	[spmem:s16] =	stream.linear.scatter [tilespmem:s26], [sflag:$0x5], $0x800, $0x38;
	[tilespmem:$0x1F400] =	vst v63  }
.Ltmp1:
0x57: {  	_ =	swait.ge [sflag:s28], $0x800;
	(pc) =	sbr.rel @p1 .LBB2_6-.Ltmp1, $3  }
0x58: {  	[sflag:s28] =	ssyncset.done $0x0  }
0x59: {  	[sflag:s28] =	ssyncadd.s32 $0xFFFFF800  }
0x5a: {  	[bflag:$0x0] =	sbarrier.arrive $0xFFFF;
	_ =	sdelay $0x1  }
0x5b: {  	s11 =	sld [smem:$0x7FA];
	_ =	sdelay $0x2  }
0x5c: {  	p2 =	seq.s32 s11, $0x1  }
.Ltmp2:
0x5d: {  	_ = 	snop;
	(pc) =	sbr.rel @p2 .LBB2_8-.Ltmp2, $1  }
0x5e: {  	_ =	sdelay $0x3  }
0x5f: {  	s11 =	simm.s32 @p3 $0x0;
	s12 =	rddreg [dreg:$0x12]  }
0x60: {  	[tilespmem:s11], [sflag:$0x5] =	stream.linear.gather @p3 [hbm4b:s12+s11], $0x13800, $0x38;
	[tilespmem:$0x1F400] =	vst v63  }
0x61: {  	s11 =	simm.s32 @p3 $0x5  }
0x62: {  	_ =	swait.ge @p3 [sflag:s11], $0x13800  }
0x63: {  	s16 =	sld [smem:$0x7FC];
	_ =	sdelay $0x2  }
0x64: {  	p2 =	seq.s32 s16, $0x1  }
.Ltmp3:
0x65: {  	_ = 	snop;
	(pc) =	sbr.rel @p2 .LBB2_11-.Ltmp3, $4  }
0x66: {  	_ = 	snop  }
0x67: {  	[sflag:s11] =	ssyncset.done @p3 $0x0  }
0x68: {  	[sflag:s11] =	ssyncadd.s32 @p3 $0xFFFEC800  }
0x69: {  	s11 =	rddreg [dreg:$0x1]  }
.LBB2_10:
0x6a: {  	s11 =	sadd.s32 $0x13800, s11;
	s12 =	simm.s32 $0x0;
	s14 =	simm.s32 $0x13800  }
0x6b: {  	[tilespmem:s14], [sflag:$0x5] =	stream.linear.gather [hbm4b:s11+s12], $0x400, $0x38;
	[tilespmem:$0x1F400] =	vst v63  }
0x6c: {  	_ =	swait.ge [sflag:s28], $0x400  }
0x6d: {  	[sflag:s28] =	ssyncset.done $0x0  }
0x6e: {  	[sflag:s28] =	ssyncadd.s32 $0xFFFFFC00  }
.LBB2_11:
0x6f: {  	s11 =	simm.s32 $0x0  }
0x70: {  	[tilespmem:s31], [sflag:$0x1] =	stream.indirect.gather [hbm4b:s13+s30], $0x10, s11, s30, $0xb8;
	[tilespmem:$0x1F400] =	vst v63  }
0x71: {  	s15 =	simm.s32 $0x100  }
0x72: {  	[tilespmem:s0], [sflag:$0x1] =	stream.indirect.gather [hbm4b:s13+s30], $0x10, s15, s30, $0xb8;
	[tilespmem:$0x1F400] =	vst v63  }
0x73: {  	s16 =	simm.s32 $0x200  }
0x74: {  	[tilespmem:s1], [sflag:$0x1] =	stream.indirect.gather [hbm4b:s13+s30], $0x10, s16, s30, $0xb8;
	[tilespmem:$0x1F400] =	vst v63  }
0x75: {  	s12 =	simm.s32 $0x300  }
0x76: {  	[tilespmem:s29], [sflag:$0x1] =	stream.indirect.gather [hbm4b:s13+s30], $0x10, s12, s30, $0xb8;
	[tilespmem:$0x1F400] =	vst v63  }
0x77: {  	s14 =	simm.s32 $0x400  }
0x78: {  	[tilespmem:s24], [sflag:$0x1] =	stream.indirect.gather [hbm4b:s13+s30], $0x10, s14, s30, $0xb8;
	[tilespmem:$0x1F400] =	vst v63  }
0x79: {  	s15 =	simm.s32 $0x500  }
0x7a: {  	[tilespmem:s23], [sflag:$0x1] =	stream.indirect.gather [hbm4b:s13+s30], $0x10, s15, s30, $0xb8;
	[tilespmem:$0x1F400] =	vst v63  }
0x7b: {  	s16 =	simm.s32 $0x600  }
0x7c: {  	[tilespmem:s2], [sflag:$0x2] =	stream.indirect.gather [hbm4b:s13+s30], $0x10, s16, s30, $0xb8;
	[tilespmem:$0x1F400] =	vst v63  }
0x7d: {  	s12 =	simm.s32 $0x700  }
0x7e: {  	[tilespmem:s4], [sflag:$0x2] =	stream.indirect.gather [hbm4b:s13+s30], $0x10, s12, s30, $0xb8;
	[tilespmem:$0x1F400] =	vst v63  }
0x7f: {  	s14 =	simm.s32 $0x800  }
0x80: {  	[tilespmem:s21], [sflag:$0x2] =	stream.indirect.gather [hbm4b:s13+s30], $0x10, s14, s30, $0xb8;
	[tilespmem:$0x1F400] =	vst v63  }
0x81: {  	s15 =	simm.s32 $0x900  }
0x82: {  	[tilespmem:s3], [sflag:$0x2] =	stream.indirect.gather [hbm4b:s13+s30], $0x10, s15, s30, $0xb8;
	[tilespmem:$0x1F400] =	vst v63  }
0x83: {  	s16 =	simm.s32 $0xA00  }
0x84: {  	[tilespmem:s22], [sflag:$0x2] =	stream.indirect.gather [hbm4b:s13+s30], $0x10, s16, s30, $0xb8;
	[tilespmem:$0x1F400] =	vst v63  }
0x85: {  	s12 =	simm.s32 $0xB00  }
0x86: {  	[tilespmem:s5], [sflag:$0x2] =	stream.indirect.gather [hbm4b:s13+s30], $0x10, s12, s30, $0xb8;
	[tilespmem:$0x1F400] =	vst v63  }
0x87: {  	_ =	swait.ge [sflag:s19], $0x800  }
0x88: {  	[sflag:s19] =	ssyncset.done $0x0  }
0x89: {  	[sflag:s19] =	ssyncadd.s32 $0xFFFFF800  }
0x8a: {  	_ =	swait.ge [sflag:s19], $0x800  }
0x8b: {  	[sflag:s19] =	ssyncset.done $0x0  }
0x8c: {  	[sflag:s19] =	ssyncadd.s32 $0xFFFFF800  }
0x8d: {  	_ =	swait.ge [sflag:s19], $0x800  }
0x8e: {  	[sflag:s19] =	ssyncset.done $0x0  }
0x8f: {  	[sflag:s19] =	ssyncadd.s32 $0xFFFFF800  }
0x90: {  	_ =	swait.ge [sflag:s19], $0x800  }
0x91: {  	[sflag:s19] =	ssyncset.done $0x0  }
0x92: {  	[sflag:s19] =	ssyncadd.s32 $0xFFFFF800  }
0x93: {  	_ =	swait.ge [sflag:s19], $0x800  }
0x94: {  	[sflag:s19] =	ssyncset.done $0x0  }
0x95: {  	[sflag:s19] =	ssyncadd.s32 $0xFFFFF800  }
0x96: {  	_ =	swait.ge [sflag:s19], $0x800  }
0x97: {  	[sflag:s19] =	ssyncset.done $0x0  }
0x98: {  	s14 =	simm.s32 $0x80;
	[sflag:s19] =	ssyncadd.s32 $0xFFFFF800  }
0x99: {  	[spmem:s17] =	stream.indirect.scatter.add.f32 [tilespmem:s31], [sflag:$0x3], $0x10, s14, s30, $0xb8;
	[tilespmem:$0x1F400] =	vst v63  }
0x9a: {  	s15 =	simm.s32 $0x180  }
0x9b: {  	[spmem:s17] =	stream.indirect.scatter.add.f32 [tilespmem:s0], [sflag:$0x3], $0x10, s15, s30, $0xb8;
	[tilespmem:$0x1F400] =	vst v63  }
0x9c: {  	s16 =	simm.s32 $0x280  }
0x9d: {  	[spmem:s17] =	stream.indirect.scatter.add.f32 [tilespmem:s1], [sflag:$0x3], $0x10, s16, s30, $0xb8;
	[tilespmem:$0x1F400] =	vst v63  }
0x9e: {  	s12 =	simm.s32 $0x380  }
0x9f: {  	[spmem:s17] =	stream.indirect.scatter.add.f32 [tilespmem:s29], [sflag:$0x3], $0x10, s12, s30, $0xb8;
	[tilespmem:$0x1F400] =	vst v63  }
0xa0: {  	s14 =	simm.s32 $0x480  }
0xa1: {  	[spmem:s17] =	stream.indirect.scatter.add.f32 [tilespmem:s24], [sflag:$0x3], $0x10, s14, s30, $0xb8;
	[tilespmem:$0x1F400] =	vst v63  }
0xa2: {  	s15 =	simm.s32 $0x580  }
0xa3: {  	[spmem:s17] =	stream.indirect.scatter.add.f32 [tilespmem:s23], [sflag:$0x3], $0x10, s15, s30, $0xb8;
	[tilespmem:$0x1F400] =	vst v63  }
0xa4: {  	_ =	swait.ge [sflag:s6], $0x800  }
0xa5: {  	[sflag:s6] =	ssyncset.done $0x0  }
0xa6: {  	[sflag:s6] =	ssyncadd.s32 $0xFFFFF800  }
0xa7: {  	_ =	swait.ge [sflag:s6], $0x800  }
0xa8: {  	[sflag:s6] =	ssyncset.done $0x0  }
0xa9: {  	[sflag:s6] =	ssyncadd.s32 $0xFFFFF800  }
0xaa: {  	_ =	swait.ge [sflag:s6], $0x800  }
0xab: {  	[sflag:s6] =	ssyncset.done $0x0  }
0xac: {  	[sflag:s6] =	ssyncadd.s32 $0xFFFFF800  }
0xad: {  	_ =	swait.ge [sflag:s6], $0x800  }
0xae: {  	[sflag:s6] =	ssyncset.done $0x0  }
0xaf: {  	[sflag:s6] =	ssyncadd.s32 $0xFFFFF800  }
0xb0: {  	_ =	swait.ge [sflag:s6], $0x800  }
0xb1: {  	[sflag:s6] =	ssyncset.done $0x0  }
0xb2: {  	[sflag:s6] =	ssyncadd.s32 $0xFFFFF800  }
0xb3: {  	_ =	swait.ge [sflag:s6], $0x800  }
0xb4: {  	[sflag:s6] =	ssyncset.done $0x0  }
0xb5: {  	s16 =	simm.s32 $0xC00;
	[sflag:s6] =	ssyncadd.s32 $0xFFFFF800  }
0xb6: {  	[tilespmem:s31], [sflag:$0x1] =	stream.indirect.gather [hbm4b:s13+s30], $0x10, s16, s30, $0xb8;
	[tilespmem:$0x1F400] =	vst v63  }
0xb7: {  	s12 =	simm.s32 $0xD00  }
0xb8: {  	[tilespmem:s0], [sflag:$0x1] =	stream.indirect.gather [hbm4b:s13+s30], $0x10, s12, s30, $0xb8;
	[tilespmem:$0x1F400] =	vst v63  }
0xb9: {  	s14 =	simm.s32 $0xE00  }
0xba: {  	[tilespmem:s1], [sflag:$0x1] =	stream.indirect.gather [hbm4b:s13+s30], $0x10, s14, s30, $0xb8;
	[tilespmem:$0x1F400] =	vst v63  }
0xbb: {  	s15 =	simm.s32 $0xF00  }
0xbc: {  	[tilespmem:s29], [sflag:$0x1] =	stream.indirect.gather [hbm4b:s13+s30], $0x10, s15, s30, $0xb8;
	[tilespmem:$0x1F400] =	vst v63  }
0xbd: {  	s16 =	simm.s32 $0x1000  }
0xbe: {  	[tilespmem:s24], [sflag:$0x1] =	stream.indirect.gather [hbm4b:s13+s30], $0x10, s16, s30, $0xb8;
	[tilespmem:$0x1F400] =	vst v63  }
0xbf: {  	s12 =	simm.s32 $0x1100  }
0xc0: {  	[tilespmem:s23], [sflag:$0x1] =	stream.indirect.gather [hbm4b:s13+s30], $0x10, s12, s30, $0xb8;
	[tilespmem:$0x1F400] =	vst v63  }
0xc1: {  	_ =	swait.ge [sflag:s8], $0x800  }
0xc2: {  	[sflag:s8] =	ssyncset.done $0x0  }
0xc3: {  	[sflag:s8] =	ssyncadd.s32 $0xFFFFF800  }
0xc4: {  	_ =	swait.ge [sflag:s8], $0x800  }
0xc5: {  	[sflag:s8] =	ssyncset.done $0x0  }
0xc6: {  	[sflag:s8] =	ssyncadd.s32 $0xFFFFF800  }
0xc7: {  	_ =	swait.ge [sflag:s8], $0x800  }
0xc8: {  	[sflag:s8] =	ssyncset.done $0x0  }
0xc9: {  	[sflag:s8] =	ssyncadd.s32 $0xFFFFF800  }
0xca: {  	_ =	swait.ge [sflag:s8], $0x800  }
0xcb: {  	[sflag:s8] =	ssyncset.done $0x0  }
0xcc: {  	[sflag:s8] =	ssyncadd.s32 $0xFFFFF800  }
0xcd: {  	_ =	swait.ge [sflag:s8], $0x800  }
0xce: {  	[sflag:s8] =	ssyncset.done $0x0  }
0xcf: {  	[sflag:s8] =	ssyncadd.s32 $0xFFFFF800  }
0xd0: {  	_ =	swait.ge [sflag:s8], $0x800  }
0xd1: {  	[sflag:s8] =	ssyncset.done $0x0  }
0xd2: {  	s14 =	simm.s32 $0x680;
	[sflag:s8] =	ssyncadd.s32 $0xFFFFF800  }
0xd3: {  	[spmem:s17] =	stream.indirect.scatter.add.f32 [tilespmem:s2], [sflag:$0x4], $0x10, s14, s30, $0xb8;
	[tilespmem:$0x1F400] =	vst v63  }
0xd4: {  	s15 =	simm.s32 $0x780  }
0xd5: {  	[spmem:s17] =	stream.indirect.scatter.add.f32 [tilespmem:s4], [sflag:$0x4], $0x10, s15, s30, $0xb8;
	[tilespmem:$0x1F400] =	vst v63  }
0xd6: {  	s16 =	simm.s32 $0x880  }
0xd7: {  	[spmem:s17] =	stream.indirect.scatter.add.f32 [tilespmem:s21], [sflag:$0x4], $0x10, s16, s30, $0xb8;
	[tilespmem:$0x1F400] =	vst v63  }
0xd8: {  	s12 =	simm.s32 $0x980  }
0xd9: {  	[spmem:s17] =	stream.indirect.scatter.add.f32 [tilespmem:s3], [sflag:$0x4], $0x10, s12, s30, $0xb8;
	[tilespmem:$0x1F400] =	vst v63  }
0xda: {  	s14 =	simm.s32 $0xA80  }
0xdb: {  	[spmem:s17] =	stream.indirect.scatter.add.f32 [tilespmem:s22], [sflag:$0x4], $0x10, s14, s30, $0xb8;
	[tilespmem:$0x1F400] =	vst v63  }
0xdc: {  	s15 =	simm.s32 $0xB80  }
0xdd: {  	[spmem:s17] =	stream.indirect.scatter.add.f32 [tilespmem:s5], [sflag:$0x4], $0x10, s15, s30, $0xb8;
	[tilespmem:$0x1F400] =	vst v63  }
0xde: {  	_ =	swait.ge [sflag:s9], $0x800  }
0xdf: {  	[sflag:s9] =	ssyncset.done $0x0  }
0xe0: {  	[sflag:s9] =	ssyncadd.s32 $0xFFFFF800  }
0xe1: {  	_ =	swait.ge [sflag:s9], $0x800  }
0xe2: {  	[sflag:s9] =	ssyncset.done $0x0  }
0xe3: {  	[sflag:s9] =	ssyncadd.s32 $0xFFFFF800  }
0xe4: {  	_ =	swait.ge [sflag:s9], $0x800  }
0xe5: {  	[sflag:s9] =	ssyncset.done $0x0  }
0xe6: {  	[sflag:s9] =	ssyncadd.s32 $0xFFFFF800  }
0xe7: {  	_ =	swait.ge [sflag:s9], $0x800  }
0xe8: {  	[sflag:s9] =	ssyncset.done $0x0  }
0xe9: {  	[sflag:s9] =	ssyncadd.s32 $0xFFFFF800  }
0xea: {  	_ =	swait.ge [sflag:s9], $0x800  }
0xeb: {  	[sflag:s9] =	ssyncset.done $0x0  }
0xec: {  	[sflag:s9] =	ssyncadd.s32 $0xFFFFF800  }
0xed: {  	_ =	swait.ge [sflag:s9], $0x800  }
0xee: {  	[sflag:s9] =	ssyncset.done $0x0  }
0xef: {  	s16 =	simm.s32 $0x1200;
	[sflag:s9] =	ssyncadd.s32 $0xFFFFF800  }
0xf0: {  	[tilespmem:s2], [sflag:$0x2] =	stream.indirect.gather [hbm4b:s13+s30], $0x10, s16, s30, $0xb8;
	[tilespmem:$0x1F400] =	vst v63  }
0xf1: {  	s12 =	simm.s32 $0x1300  }
0xf2: {  	[tilespmem:s4], [sflag:$0x2] =	stream.indirect.gather [hbm4b:s13+s30], $0x10, s12, s30, $0xb8;
	[tilespmem:$0x1F400] =	vst v63  }
0xf3: {  	s14 =	simm.s32 $0x1400  }
0xf4: {  	[tilespmem:s21], [sflag:$0x2] =	stream.indirect.gather [hbm4b:s13+s30], $0x10, s14, s30, $0xb8;
	[tilespmem:$0x1F400] =	vst v63  }
0xf5: {  	s15 =	simm.s32 $0x1500  }
0xf6: {  	[tilespmem:s3], [sflag:$0x2] =	stream.indirect.gather [hbm4b:s13+s30], $0x10, s15, s30, $0xb8;
	[tilespmem:$0x1F400] =	vst v63  }
0xf7: {  	s11 =	simm.s32 $0x3000;
	s16 =	simm.s32 $0x1600;
	s12 =	simm.s32 $0x1700  }
0xf8: {  	[tilespmem:s22], [sflag:$0x2] =	stream.indirect.gather [hbm4b:s13+s30], $0x10, s16, s30, $0xb8;
	[tilespmem:$0x1F400] =	vst v63  }
.LBB2_12:
0xf9: {  	[tilespmem:s5], [sflag:$0x2] =	stream.indirect.gather [hbm4b:s13+s30], $0x10, s12, s30, $0xb8;
	[tilespmem:$0x1F400] =	vst v63  }
0xfa: {  	s12 =	smov.u32 s11  }
0xfb: {  	p6 =	sne.s32 s11, $0x48000;
	s11 =	sadd.s32 $0x3000, s11;
	_ =	swait.ge [sflag:s19], $0x800  }
0xfc: {  	[sflag:s19] =	ssyncset.done $0x0  }
0xfd: {  	[sflag:s19] =	ssyncadd.s32 $0xFFFFF800  }
0xfe: {  	_ =	swait.ge [sflag:s19], $0x800  }
0xff: {  	[sflag:s19] =	ssyncset.done $0x0  }
0x100: {  	[sflag:s19] =	ssyncadd.s32 $0xFFFFF800  }
0x101: {  	_ =	swait.ge [sflag:s19], $0x800  }
0x102: {  	[sflag:s19] =	ssyncset.done $0x0  }
0x103: {  	[sflag:s19] =	ssyncadd.s32 $0xFFFFF800  }
0x104: {  	_ =	swait.ge [sflag:s19], $0x800  }
0x105: {  	[sflag:s19] =	ssyncset.done $0x0  }
0x106: {  	[sflag:s19] =	ssyncadd.s32 $0xFFFFF800  }
0x107: {  	_ =	swait.ge [sflag:s19], $0x800  }
0x108: {  	[sflag:s19] =	ssyncset.done $0x0  }
0x109: {  	[sflag:s19] =	ssyncadd.s32 $0xFFFFF800  }
0x10a: {  	_ =	swait.ge [sflag:s19], $0x800  }
0x10b: {  	s12 =	sshra.s32 s12, $0x2;
	[sflag:s19] =	ssyncset.done $0x0  }
0x10c: {  	s14 =	sadd.s32 $0x80, s12;
	[sflag:s19] =	ssyncadd.s32 $0xFFFFF800  }
0x10d: {  	[spmem:s17] =	stream.indirect.scatter.add.f32 [tilespmem:s31], [sflag:$0x3], $0x10, s14, s30, $0xb8;
	[tilespmem:$0x1F400] =	vst v63  }
0x10e: {  	s14 =	sadd.s32 $0x180, s12  }
0x10f: {  	[spmem:s17] =	stream.indirect.scatter.add.f32 [tilespmem:s0], [sflag:$0x3], $0x10, s14, s30, $0xb8;
	[tilespmem:$0x1F400] =	vst v63  }
0x110: {  	s14 =	sadd.s32 $0x280, s12  }
0x111: {  	[spmem:s17] =	stream.indirect.scatter.add.f32 [tilespmem:s1], [sflag:$0x3], $0x10, s14, s30, $0xb8;
	[tilespmem:$0x1F400] =	vst v63  }
0x112: {  	s14 =	sadd.s32 $0x380, s12  }
0x113: {  	[spmem:s17] =	stream.indirect.scatter.add.f32 [tilespmem:s29], [sflag:$0x3], $0x10, s14, s30, $0xb8;
	[tilespmem:$0x1F400] =	vst v63  }
0x114: {  	s14 =	sadd.s32 $0x480, s12  }
0x115: {  	[spmem:s17] =	stream.indirect.scatter.add.f32 [tilespmem:s24], [sflag:$0x3], $0x10, s14, s30, $0xb8;
	[tilespmem:$0x1F400] =	vst v63  }
0x116: {  	s14 =	sadd.s32 $0x580, s12  }
0x117: {  	[spmem:s17] =	stream.indirect.scatter.add.f32 [tilespmem:s23], [sflag:$0x3], $0x10, s14, s30, $0xb8;
	[tilespmem:$0x1F400] =	vst v63  }
0x118: {  	_ =	swait.ge [sflag:s6], $0x800  }
0x119: {  	[sflag:s6] =	ssyncset.done $0x0  }
0x11a: {  	[sflag:s6] =	ssyncadd.s32 $0xFFFFF800  }
0x11b: {  	_ =	swait.ge [sflag:s6], $0x800  }
0x11c: {  	[sflag:s6] =	ssyncset.done $0x0  }
0x11d: {  	[sflag:s6] =	ssyncadd.s32 $0xFFFFF800  }
0x11e: {  	_ =	swait.ge [sflag:s6], $0x800  }
0x11f: {  	[sflag:s6] =	ssyncset.done $0x0  }
0x120: {  	[sflag:s6] =	ssyncadd.s32 $0xFFFFF800  }
0x121: {  	_ =	swait.ge [sflag:s6], $0x800  }
0x122: {  	[sflag:s6] =	ssyncset.done $0x0  }
0x123: {  	[sflag:s6] =	ssyncadd.s32 $0xFFFFF800  }
0x124: {  	_ =	swait.ge [sflag:s6], $0x800  }
0x125: {  	[sflag:s6] =	ssyncset.done $0x0  }
0x126: {  	[sflag:s6] =	ssyncadd.s32 $0xFFFFF800  }
0x127: {  	_ =	swait.ge [sflag:s6], $0x800  }
0x128: {  	[sflag:s6] =	ssyncset.done $0x0  }
0x129: {  	s14 =	sadd.s32 $0xC00, s12;
	[sflag:s6] =	ssyncadd.s32 $0xFFFFF800  }
0x12a: {  	[tilespmem:s31], [sflag:$0x1] =	stream.indirect.gather [hbm4b:s13+s30], $0x10, s14, s30, $0xb8;
	[tilespmem:$0x1F400] =	vst v63  }
0x12b: {  	s14 =	sadd.s32 $0xD00, s12  }
0x12c: {  	[tilespmem:s0], [sflag:$0x1] =	stream.indirect.gather [hbm4b:s13+s30], $0x10, s14, s30, $0xb8;
	[tilespmem:$0x1F400] =	vst v63  }
0x12d: {  	s14 =	sadd.s32 $0xE00, s12  }
0x12e: {  	[tilespmem:s1], [sflag:$0x1] =	stream.indirect.gather [hbm4b:s13+s30], $0x10, s14, s30, $0xb8;
	[tilespmem:$0x1F400] =	vst v63  }
0x12f: {  	s14 =	sadd.s32 $0xF00, s12  }
0x130: {  	[tilespmem:s29], [sflag:$0x1] =	stream.indirect.gather [hbm4b:s13+s30], $0x10, s14, s30, $0xb8;
	[tilespmem:$0x1F400] =	vst v63  }
0x131: {  	s14 =	sadd.s32 $0x1000, s12  }
0x132: {  	[tilespmem:s24], [sflag:$0x1] =	stream.indirect.gather [hbm4b:s13+s30], $0x10, s14, s30, $0xb8;
	[tilespmem:$0x1F400] =	vst v63  }
0x133: {  	s14 =	sadd.s32 $0x1100, s12  }
0x134: {  	[tilespmem:s23], [sflag:$0x1] =	stream.indirect.gather [hbm4b:s13+s30], $0x10, s14, s30, $0xb8;
	[tilespmem:$0x1F400] =	vst v63  }
0x135: {  	_ =	swait.ge [sflag:s8], $0x800  }
0x136: {  	[sflag:s8] =	ssyncset.done $0x0  }
0x137: {  	[sflag:s8] =	ssyncadd.s32 $0xFFFFF800  }
0x138: {  	_ =	swait.ge [sflag:s8], $0x800  }
0x139: {  	[sflag:s8] =	ssyncset.done $0x0  }
0x13a: {  	[sflag:s8] =	ssyncadd.s32 $0xFFFFF800  }
0x13b: {  	_ =	swait.ge [sflag:s8], $0x800  }
0x13c: {  	[sflag:s8] =	ssyncset.done $0x0  }
0x13d: {  	[sflag:s8] =	ssyncadd.s32 $0xFFFFF800  }
0x13e: {  	_ =	swait.ge [sflag:s8], $0x800  }
0x13f: {  	[sflag:s8] =	ssyncset.done $0x0  }
0x140: {  	[sflag:s8] =	ssyncadd.s32 $0xFFFFF800  }
0x141: {  	_ =	swait.ge [sflag:s8], $0x800  }
0x142: {  	[sflag:s8] =	ssyncset.done $0x0  }
0x143: {  	[sflag:s8] =	ssyncadd.s32 $0xFFFFF800  }
0x144: {  	_ =	swait.ge [sflag:s8], $0x800  }
0x145: {  	[sflag:s8] =	ssyncset.done $0x0  }
0x146: {  	s14 =	sadd.s32 $0x680, s12;
	[sflag:s8] =	ssyncadd.s32 $0xFFFFF800  }
0x147: {  	[spmem:s17] =	stream.indirect.scatter.add.f32 [tilespmem:s2], [sflag:$0x4], $0x10, s14, s30, $0xb8;
	[tilespmem:$0x1F400] =	vst v63  }
0x148: {  	s14 =	sadd.s32 $0x780, s12  }
0x149: {  	[spmem:s17] =	stream.indirect.scatter.add.f32 [tilespmem:s4], [sflag:$0x4], $0x10, s14, s30, $0xb8;
	[tilespmem:$0x1F400] =	vst v63  }
0x14a: {  	s14 =	sadd.s32 $0x880, s12  }
0x14b: {  	[spmem:s17] =	stream.indirect.scatter.add.f32 [tilespmem:s21], [sflag:$0x4], $0x10, s14, s30, $0xb8;
	[tilespmem:$0x1F400] =	vst v63  }
0x14c: {  	s14 =	sadd.s32 $0x980, s12  }
0x14d: {  	[spmem:s17] =	stream.indirect.scatter.add.f32 [tilespmem:s3], [sflag:$0x4], $0x10, s14, s30, $0xb8;
	[tilespmem:$0x1F400] =	vst v63  }
0x14e: {  	s14 =	sadd.s32 $0xA80, s12  }
0x14f: {  	[spmem:s17] =	stream.indirect.scatter.add.f32 [tilespmem:s22], [sflag:$0x4], $0x10, s14, s30, $0xb8;
	[tilespmem:$0x1F400] =	vst v63  }
0x150: {  	s14 =	sadd.s32 $0xB80, s12  }
0x151: {  	[spmem:s17] =	stream.indirect.scatter.add.f32 [tilespmem:s5], [sflag:$0x4], $0x10, s14, s30, $0xb8;
	[tilespmem:$0x1F400] =	vst v63  }
0x152: {  	_ =	swait.ge [sflag:s9], $0x800  }
0x153: {  	[sflag:s9] =	ssyncset.done $0x0  }
0x154: {  	[sflag:s9] =	ssyncadd.s32 $0xFFFFF800  }
0x155: {  	_ =	swait.ge [sflag:s9], $0x800  }
0x156: {  	[sflag:s9] =	ssyncset.done $0x0  }
0x157: {  	[sflag:s9] =	ssyncadd.s32 $0xFFFFF800  }
0x158: {  	_ =	swait.ge [sflag:s9], $0x800  }
0x159: {  	[sflag:s9] =	ssyncset.done $0x0  }
0x15a: {  	[sflag:s9] =	ssyncadd.s32 $0xFFFFF800  }
0x15b: {  	_ =	swait.ge [sflag:s9], $0x800  }
0x15c: {  	[sflag:s9] =	ssyncset.done $0x0  }
0x15d: {  	[sflag:s9] =	ssyncadd.s32 $0xFFFFF800  }
0x15e: {  	_ =	swait.ge [sflag:s9], $0x800  }
0x15f: {  	[sflag:s9] =	ssyncset.done $0x0  }
0x160: {  	[sflag:s9] =	ssyncadd.s32 $0xFFFFF800  }
0x161: {  	_ =	swait.ge [sflag:s9], $0x800  }
0x162: {  	[sflag:s9] =	ssyncset.done $0x0  }
0x163: {  	s14 =	sadd.s32 $0x1200, s12;
	[sflag:s9] =	ssyncadd.s32 $0xFFFFF800  }
0x164: {  	[tilespmem:s2], [sflag:$0x2] =	stream.indirect.gather [hbm4b:s13+s30], $0x10, s14, s30, $0xb8;
	[tilespmem:$0x1F400] =	vst v63  }
0x165: {  	s14 =	sadd.s32 $0x1300, s12  }
0x166: {  	[tilespmem:s4], [sflag:$0x2] =	stream.indirect.gather [hbm4b:s13+s30], $0x10, s14, s30, $0xb8;
	[tilespmem:$0x1F400] =	vst v63  }
0x167: {  	s14 =	sadd.s32 $0x1400, s12  }
0x168: {  	[tilespmem:s21], [sflag:$0x2] =	stream.indirect.gather [hbm4b:s13+s30], $0x10, s14, s30, $0xb8;
	[tilespmem:$0x1F400] =	vst v63  }
.Ltmp4:
0x169: {  	s14 =	sadd.s32 $0x1500, s12;
	(pc) =	sbr.rel @p6 .LBB2_12-.Ltmp4, $4  }
0x16a: {  	[tilespmem:s3], [sflag:$0x2] =	stream.indirect.gather [hbm4b:s13+s30], $0x10, s14, s30, $0xb8;
	[tilespmem:$0x1F400] =	vst v63  }
0x16b: {  	s14 =	sadd.s32 $0x1600, s12  }
0x16c: {  	[tilespmem:s22], [sflag:$0x2] =	stream.indirect.gather [hbm4b:s13+s30], $0x10, s14, s30, $0xb8;
	[tilespmem:$0x1F400] =	vst v63  }
0x16d: {  	s12 =	sadd.s32 $0x1700, s12  }
0x16e: {  	[tilespmem:s5], [sflag:$0x2] =	stream.indirect.gather [hbm4b:s13+s30], $0x10, s12, s30, $0xb8;
	[tilespmem:$0x1F400] =	vst v63  }
0x16f: {  	_ =	swait.ge [sflag:s19], $0x800  }
0x170: {  	[sflag:s19] =	ssyncset.done $0x0  }
0x171: {  	[sflag:s19] =	ssyncadd.s32 $0xFFFFF800  }
0x172: {  	_ =	swait.ge [sflag:s19], $0x800  }
0x173: {  	[sflag:s19] =	ssyncset.done $0x0  }
0x174: {  	[sflag:s19] =	ssyncadd.s32 $0xFFFFF800  }
0x175: {  	_ =	swait.ge [sflag:s19], $0x800  }
0x176: {  	[sflag:s19] =	ssyncset.done $0x0  }
0x177: {  	[sflag:s19] =	ssyncadd.s32 $0xFFFFF800  }
0x178: {  	_ =	swait.ge [sflag:s19], $0x800  }
0x179: {  	[sflag:s19] =	ssyncset.done $0x0  }
0x17a: {  	[sflag:s19] =	ssyncadd.s32 $0xFFFFF800  }
0x17b: {  	_ =	swait.ge [sflag:s19], $0x800  }
0x17c: {  	[sflag:s19] =	ssyncset.done $0x0  }
0x17d: {  	[sflag:s19] =	ssyncadd.s32 $0xFFFFF800  }
0x17e: {  	_ =	swait.ge [sflag:s19], $0x800  }
0x17f: {  	[sflag:s19] =	ssyncset.done $0x0  }
0x180: {  	s11 =	simm.s32 $0x12C80;
	[sflag:s19] =	ssyncadd.s32 $0xFFFFF800  }
0x181: {  	[spmem:s17] =	stream.indirect.scatter.add.f32 [tilespmem:s31], [sflag:$0x3], $0x10, s11, s30, $0xb8;
	[tilespmem:$0x1F400] =	vst v63  }
0x182: {  	s14 =	simm.s32 $0x12D80  }
0x183: {  	[spmem:s17] =	stream.indirect.scatter.add.f32 [tilespmem:s0], [sflag:$0x3], $0x10, s14, s30, $0xb8;
	[tilespmem:$0x1F400] =	vst v63  }
0x184: {  	s15 =	simm.s32 $0x12E80  }
0x185: {  	[spmem:s17] =	stream.indirect.scatter.add.f32 [tilespmem:s1], [sflag:$0x3], $0x10, s15, s30, $0xb8;
	[tilespmem:$0x1F400] =	vst v63  }
0x186: {  	s16 =	simm.s32 $0x12F80  }
0x187: {  	[spmem:s17] =	stream.indirect.scatter.add.f32 [tilespmem:s29], [sflag:$0x3], $0x10, s16, s30, $0xb8;
	[tilespmem:$0x1F400] =	vst v63  }
0x188: {  	s12 =	simm.s32 $0x13080  }
0x189: {  	[spmem:s17] =	stream.indirect.scatter.add.f32 [tilespmem:s24], [sflag:$0x3], $0x10, s12, s30, $0xb8;
	[tilespmem:$0x1F400] =	vst v63  }
0x18a: {  	s14 =	simm.s32 $0x13180  }
0x18b: {  	[spmem:s17] =	stream.indirect.scatter.add.f32 [tilespmem:s23], [sflag:$0x3], $0x10, s14, s30, $0xb8;
	[tilespmem:$0x1F400] =	vst v63  }
0x18c: {  	_ =	swait.ge [sflag:s6], $0x800  }
0x18d: {  	[sflag:s6] =	ssyncset.done $0x0  }
0x18e: {  	[sflag:s6] =	ssyncadd.s32 $0xFFFFF800  }
0x18f: {  	_ =	swait.ge [sflag:s6], $0x800  }
0x190: {  	[sflag:s6] =	ssyncset.done $0x0  }
0x191: {  	[sflag:s6] =	ssyncadd.s32 $0xFFFFF800  }
0x192: {  	_ =	swait.ge [sflag:s6], $0x800  }
0x193: {  	[sflag:s6] =	ssyncset.done $0x0  }
0x194: {  	[sflag:s6] =	ssyncadd.s32 $0xFFFFF800  }
0x195: {  	_ =	swait.ge [sflag:s6], $0x800  }
0x196: {  	[sflag:s6] =	ssyncset.done $0x0  }
0x197: {  	[sflag:s6] =	ssyncadd.s32 $0xFFFFF800  }
0x198: {  	_ =	swait.ge [sflag:s6], $0x800  }
0x199: {  	[sflag:s6] =	ssyncset.done $0x0  }
0x19a: {  	[sflag:s6] =	ssyncadd.s32 $0xFFFFF800  }
0x19b: {  	_ =	swait.ge [sflag:s6], $0x800  }
0x19c: {  	[sflag:s6] =	ssyncset.done $0x0  }
0x19d: {  	[sflag:s6] =	ssyncadd.s32 $0xFFFFF800  }
0x19e: {  	_ =	swait.ge [sflag:s8], $0x800  }
0x19f: {  	[sflag:s8] =	ssyncset.done $0x0  }
0x1a0: {  	[sflag:s8] =	ssyncadd.s32 $0xFFFFF800  }
0x1a1: {  	_ =	swait.ge [sflag:s8], $0x800  }
0x1a2: {  	[sflag:s8] =	ssyncset.done $0x0  }
0x1a3: {  	[sflag:s8] =	ssyncadd.s32 $0xFFFFF800  }
0x1a4: {  	_ =	swait.ge [sflag:s8], $0x800  }
0x1a5: {  	[sflag:s8] =	ssyncset.done $0x0  }
0x1a6: {  	[sflag:s8] =	ssyncadd.s32 $0xFFFFF800  }
0x1a7: {  	_ =	swait.ge [sflag:s8], $0x800  }
0x1a8: {  	[sflag:s8] =	ssyncset.done $0x0  }
0x1a9: {  	[sflag:s8] =	ssyncadd.s32 $0xFFFFF800  }
0x1aa: {  	_ =	swait.ge [sflag:s8], $0x800  }
0x1ab: {  	[sflag:s8] =	ssyncset.done $0x0  }
0x1ac: {  	[sflag:s8] =	ssyncadd.s32 $0xFFFFF800  }
0x1ad: {  	_ =	swait.ge [sflag:s8], $0x800  }
0x1ae: {  	[sflag:s8] =	ssyncset.done $0x0  }
0x1af: {  	s15 =	simm.s32 $0x13280;
	[sflag:s8] =	ssyncadd.s32 $0xFFFFF800  }
0x1b0: {  	[spmem:s17] =	stream.indirect.scatter.add.f32 [tilespmem:s2], [sflag:$0x4], $0x10, s15, s30, $0xb8;
	[tilespmem:$0x1F400] =	vst v63  }
0x1b1: {  	s16 =	simm.s32 $0x13380  }
0x1b2: {  	[spmem:s17] =	stream.indirect.scatter.add.f32 [tilespmem:s4], [sflag:$0x4], $0x10, s16, s30, $0xb8;
	[tilespmem:$0x1F400] =	vst v63  }
0x1b3: {  	s12 =	simm.s32 $0x13480  }
0x1b4: {  	[spmem:s17] =	stream.indirect.scatter.add.f32 [tilespmem:s21], [sflag:$0x4], $0x10, s12, s30, $0xb8;
	[tilespmem:$0x1F400] =	vst v63  }
0x1b5: {  	s14 =	simm.s32 $0x13580  }
0x1b6: {  	[spmem:s17] =	stream.indirect.scatter.add.f32 [tilespmem:s3], [sflag:$0x4], $0x10, s14, s30, $0xb8;
	[tilespmem:$0x1F400] =	vst v63  }
0x1b7: {  	s15 =	simm.s32 $0x13680  }
0x1b8: {  	[spmem:s17] =	stream.indirect.scatter.add.f32 [tilespmem:s22], [sflag:$0x4], $0x10, s15, s30, $0xb8;
	[tilespmem:$0x1F400] =	vst v63  }
0x1b9: {  	s16 =	simm.s32 $0x13780  }
0x1ba: {  	[spmem:s17] =	stream.indirect.scatter.add.f32 [tilespmem:s5], [sflag:$0x4], $0x10, s16, s30, $0xb8;
	[tilespmem:$0x1F400] =	vst v63  }
0x1bb: {  	_ =	swait.ge [sflag:s9], $0x800  }
0x1bc: {  	[sflag:s9] =	ssyncset.done $0x0  }
0x1bd: {  	[sflag:s9] =	ssyncadd.s32 $0xFFFFF800  }
0x1be: {  	_ =	swait.ge [sflag:s9], $0x800  }
0x1bf: {  	[sflag:s9] =	ssyncset.done $0x0  }
0x1c0: {  	[sflag:s9] =	ssyncadd.s32 $0xFFFFF800  }
0x1c1: {  	_ =	swait.ge [sflag:s9], $0x800  }
0x1c2: {  	[sflag:s9] =	ssyncset.done $0x0  }
0x1c3: {  	[sflag:s9] =	ssyncadd.s32 $0xFFFFF800  }
0x1c4: {  	_ =	swait.ge [sflag:s9], $0x800  }
0x1c5: {  	[sflag:s9] =	ssyncset.done $0x0  }
0x1c6: {  	[sflag:s9] =	ssyncadd.s32 $0xFFFFF800  }
0x1c7: {  	_ =	swait.ge [sflag:s9], $0x800  }
0x1c8: {  	[sflag:s9] =	ssyncset.done $0x0  }
0x1c9: {  	[sflag:s9] =	ssyncadd.s32 $0xFFFFF800  }
0x1ca: {  	_ =	swait.ge [sflag:s9], $0x800  }
0x1cb: {  	s11 =	simm.s32 @!p0 $0x80;
	[sflag:s9] =	ssyncset.done $0x0  }
0x1cc: {  	s12 =	simm.s32 @!p0 $0x13800;
	s14 =	simm.s32 @!p0 $0x13C00;
	[sflag:s9] =	ssyncadd.s32 $0xFFFFF800  }
0x1cd: {  	[tilespmem:s14], [sflag:$0x1] =	stream.indirect.gather @!p0 [hbm4b:s13+s11], $0x10, s12, s11, $0xb8;
	[tilespmem:$0x1F400] =	vst v63  }
0x1ce: {  	s12 =	simm.s32 @!p0 $0x1  }
0x1cf: {  	_ =	swait.ge @!p0 [sflag:s12], $0x800  }
0x1d0: {  	[sflag:s12] =	ssyncset.done @!p0 $0x0  }
0x1d1: {  	s15 =	simm.s32 @!p0 $0x13880;
	[sflag:s12] =	ssyncadd.s32 @!p0 $0xFFFFF800  }
0x1d2: {  	[spmem:s17] =	stream.indirect.scatter.add.f32 @!p0 [tilespmem:s14], [sflag:$0x5], $0x10, s15, s11, $0xb8;
	[tilespmem:$0x1F400] =	vst v63  }
0x1d3: {  	s15 =	simm.s32 @!p0 $0x5  }
0x1d4: {  	_ =	swait.ge @!p0 [sflag:s15], $0x800  }
0x1d5: {  	[sflag:s15] =	ssyncset.done @!p0 $0x0  }
0x1d6: {  	s16 =	simm.s32 @!p0 $0x13900;
	[sflag:s15] =	ssyncadd.s32 @!p0 $0xFFFFF800  }
0x1d7: {  	[tilespmem:s14], [sflag:$0x1] =	stream.indirect.gather @!p0 [hbm4b:s13+s11], $0x10, s16, s11, $0xb8;
	[tilespmem:$0x1F400] =	vst v63  }
0x1d8: {  	_ =	swait.ge @!p0 [sflag:s12], $0x800  }
0x1d9: {  	[sflag:s12] =	ssyncset.done @!p0 $0x0  }
0x1da: {  	s16 =	simm.s32 @!p0 $0x13980;
	[sflag:s12] =	ssyncadd.s32 @!p0 $0xFFFFF800  }
0x1db: {  	[spmem:s17] =	stream.indirect.scatter.add.f32 @!p0 [tilespmem:s14], [sflag:$0x5], $0x10, s16, s11, $0xb8;
	[tilespmem:$0x1F400] =	vst v63  }
0x1dc: {  	_ =	swait.ge @!p0 [sflag:s15], $0x800  }
0x1dd: {  	[sflag:s15] =	ssyncset.done @!p0 $0x0  }
0x1de: {  	s16 =	simm.s32 @!p0 $0x13A00;
	[sflag:s15] =	ssyncadd.s32 @!p0 $0xFFFFF800  }
0x1df: {  	[tilespmem:s14], [sflag:$0x1] =	stream.indirect.gather @!p0 [hbm4b:s13+s11], $0x10, s16, s11, $0xb8;
	[tilespmem:$0x1F400] =	vst v63  }
0x1e0: {  	_ =	swait.ge @!p0 [sflag:s12], $0x800  }
0x1e1: {  	[sflag:s12] =	ssyncset.done @!p0 $0x0  }
0x1e2: {  	s16 =	simm.s32 @!p0 $0x13A80;
	[sflag:s12] =	ssyncadd.s32 @!p0 $0xFFFFF800  }
0x1e3: {  	[spmem:s17] =	stream.indirect.scatter.add.f32 @!p0 [tilespmem:s14], [sflag:$0x5], $0x10, s16, s11, $0xb8;
	[tilespmem:$0x1F400] =	vst v63  }
0x1e4: {  	_ =	swait.ge @!p0 [sflag:s15], $0x800  }
0x1e5: {  	[sflag:s15] =	ssyncset.done @!p0 $0x0  }
0x1e6: {  	s16 =	simm.s32 @!p0 $0x13B00;
	[sflag:s15] =	ssyncadd.s32 @!p0 $0xFFFFF800  }
0x1e7: {  	[tilespmem:s14], [sflag:$0x1] =	stream.indirect.gather @!p0 [hbm4b:s13+s11], $0x10, s16, s11, $0xb8;
	[tilespmem:$0x1F400] =	vst v63  }
0x1e8: {  	_ =	swait.ge @!p0 [sflag:s12], $0x800  }
0x1e9: {  	[sflag:s12] =	ssyncset.done @!p0 $0x0  }
0x1ea: {  	[sflag:s12] =	ssyncadd.s32 @!p0 $0xFFFFF800;
	s12 =	simm.s32 @!p0 $0x13B80  }
0x1eb: {  	[spmem:s17] =	stream.indirect.scatter.add.f32 @!p0 [tilespmem:s14], [sflag:$0x5], $0x10, s12, s11, $0xb8;
	[tilespmem:$0x1F400] =	vst v63  }
0x1ec: {  	_ =	swait.ge @!p0 [sflag:s15], $0x800  }
0x1ed: {  	s12 =	stileid.u32;
	[sflag:s15] =	ssyncset.done @!p0 $0x0  }
0x1ee: {  	s11 =	sshll.u32 s12, $0x6;
	[sflag:s15] =	ssyncadd.s32 @!p0 $0xFFFFF800  }
0x1ef: {  	s14 =	sshrl.u32 s7, $0x3;
	s11 =	sor.u32 $0x1C05, s11;
	[bflag:$0x0] =	sbarrier.arrive $0xFFFF  }
0x1f0: {  	[hbm:s20], [sflag:s11] =	dma.local [spmem:s14], $0x500  }
0x1f1: {  	s10 =	sadd.s32 $0x1, s10;
	_ =	swait.ge [sflag:s28], $0x500  }
0x1f2: {  	p2 =	sne.s32 s10, s25;
	[sflag:s28] =	ssyncset.done $0x0  }
0x1f3: {  	s16 =	sshrl.u32 s18, $0x3;
	s15 =	sadd.s32 $0x5000, s20;
	[sflag:s28] =	ssyncadd.s32 $0xFFFFFB00  }
0x1f4: {  	[hbm:s15], [sflag:s11] =	dma.local [spmem:s16], $0x500  }
.Ltmp5:
0x1f5: {  	_ = 	snop;
	(pc) =	sbr.rel @p2 .LBB2_1-.Ltmp5, $4  }
.Ltmp6:
0x1f6: {  	_ = 	snop;
	(pc) =	sbr.rel @!p2 .LBB2_14-.Ltmp6, $4  }
0x1f7: {  	_ =	swait.ge [sflag:s28], $0x500  }
0x1f8: {  	[sflag:s28] =	ssyncset.done $0x0  }
0x1f9: {  	[sflag:s28] =	ssyncadd.s32 $0xFFFFFB00  }
0x1fa: {  	_ = 	snop  }
.LBB2_6:
.Ltmp7:
0x1fb: {  	(pc) =	sbr.rel @p4 .LBB2_9-.Ltmp7, $1  }
0x1fc: {  	_ =	sdelay $0x3  }
0x1fd: {  	s11 =	simm.s32 @p5 $0x0;
	s12 =	rddreg [dreg:$0x10]  }
0x1fe: {  	[tilespmem:s11], [sflag:$0x5] =	stream.linear.gather @p5 [hbm4b:s12+s11], $0x13800, $0x38;
	[tilespmem:$0x1F400] =	vst v63  }
0x1ff: {  	s11 =	simm.s32 @p5 $0x5  }
0x200: {  	_ =	swait.ge @p5 [sflag:s11], $0x13800  }
0x201: {  	s16 =	sld [smem:$0x7FD];
	_ =	sdelay $0x2  }
0x202: {  	p2 =	seq.s32 s16, $0x1  }
.Ltmp8:
0x203: {  	_ = 	snop;
	(pc) =	sbr.rel @p2 .LBB2_11-.Ltmp8, $4  }
.Ltmp9:
0x204: {  	_ = 	snop;
	(pc) =	sbr.rel @!p2 .LBB2_10-.Ltmp9, $4  }
0x205: {  	[sflag:s11] =	ssyncset.done @p5 $0x0  }
0x206: {  	[sflag:s11] =	ssyncadd.s32 @p5 $0xFFFEC800  }
0x207: {  	s11 =	rddreg [dreg:$0x3]  }
0x208: {  	_ = 	snop  }
.LBB2_8:
0x209: {  	s11 =	simm.s32 $0x0;
	s12 =	rddreg [dreg:$0x13]  }
0x20a: {  	[tilespmem:s11], [sflag:$0x5] =	stream.linear.gather [hbm4b:s12+s11], $0x13800, $0x38;
	[tilespmem:$0x1F400] =	vst v63  }
0x20b: {  	_ =	swait.ge [sflag:s28], $0x13800  }
0x20c: {  	s16 =	sld [smem:$0x7FB];
	_ =	sdelay $0x2  }
0x20d: {  	p2 =	seq.s32 s16, $0x1  }
.Ltmp10:
0x20e: {  	_ = 	snop;
	(pc) =	sbr.rel @!p2 .LBB2_11-.Ltmp10, $4  }
.Ltmp11:
0x20f: {  	_ = 	snop;
	(pc) =	sbr.rel @p2 .LBB2_10-.Ltmp11, $4  }
0x210: {  	[sflag:s28] =	ssyncset.done $0x0  }
0x211: {  	[sflag:s28] =	ssyncadd.s32 $0xFFFEC800  }
0x212: {  	s11 =	rddreg [dreg:$0x0]  }
0x213: {  	_ = 	snop  }
.LBB2_9:
0x214: {  	s11 =	simm.s32 $0x0;
	s12 =	rddreg [dreg:$0x11]  }
0x215: {  	[tilespmem:s11], [sflag:$0x5] =	stream.linear.gather [hbm4b:s12+s11], $0x13800, $0x38;
	[tilespmem:$0x1F400] =	vst v63  }
0x216: {  	_ =	swait.ge [sflag:s28], $0x13800  }
0x217: {  	s16 =	sld [smem:$0x7FB];
	_ =	sdelay $0x2  }
0x218: {  	p2 =	seq.s32 s16, $0x1  }
.Ltmp12:
0x219: {  	_ = 	snop;
	(pc) =	sbr.rel @!p2 .LBB2_11-.Ltmp12, $4  }
.Ltmp13:
0x21a: {  	_ = 	snop;
	(pc) =	sbr.rel @p2 .LBB2_10-.Ltmp13, $4  }
0x21b: {  	[sflag:s28] =	ssyncset.done $0x0  }
0x21c: {  	[sflag:s28] =	ssyncadd.s32 $0xFFFEC800  }
0x21d: {  	s11 =	rddreg [dreg:$0x2]  }
0x21e: {  	_ = 	snop  }
.LBB2_14:
0x21f: {  	_ =	sfence.sel $0x180000  }
0x220: {  	[bflag:$0x0] =	sbarrier.arrive $0xFFFF  }
0x221: {  	_ =	strace $0x90000047  }
0x222: {  	s0 =	stileid.u32;
	[bflag:$0x2] =	sbarrier.arrive $0xFFFF  }
0x223: {  	p0 =	sne.s32 s0, $0x0;
	s0 =	rddreg [dreg:$0x7]  }
0x224: {  	s0 =	sadd.s32 @!p0 $0x100000, s0  }
0x225: {  	[sflag:s0] =	ssyncadd.tile.s32 @!p0 $0x1;
	_ =	shalt  }
.Lfunc_end2:
_tile_overlayer_lowered:
.L_overlay_start_2:
0x226: {  	(tag) =	ssettag $0x2  }
0x227: {  	s0 =	rddreg [dreg:$0x0];
	s2 =	stileid.u32  }
0x228: {  	s1 =	rddreg [dreg:$0x1];
	p0 =	sne.s32 s2, $0x0  }
0x229: {  	s3 =	rddreg [dreg:$0x2];
	[bflag:$0x3] =	sbarrier.arrive $0xFFFF;
	s2 =	simm.s32 @!p0 $0x1C05  }
0x22a: {  	[timem:s3], [sflag:s2] =	dma.local @!p0 [hbm:s0], s1  }
0x22b: {  	s0 =	simm.s32 @!p0 $0x5  }
0x22c: {  	_ =	swait.ge @!p0 [sflag:s0], s1  }
0x22d: {  	s1 =	ssub.s32 @!p0 $0x0, s1;
	[sflag:s0] =	ssyncset.done @!p0 $0x0  }
0x22e: {  	[sflag:s0] =	ssyncadd.s32 @!p0 s1  }
0x22f: {  	[bflag:$0x3] =	sbarrier.arrive $0xFFFF  }
0x230: {  	_ =	shalt  }

</sc_bundles>
